<compile_context>
chip_gen: v7x
topology: tpu7x:2x2x1
jax: 0.10.2.dev20260603
libtpu: 0.0.44.dev20260713+nightly
codegen_flags: <defaults>
</compile_context>

<pallas_src>
import jax
import jax.numpy as jnp
from jax.experimental import pallas as pl
from jax.experimental.pallas import tpu as pltpu
from jax.experimental.pallas import tpu_sc as plsc

_B = 16
_N = 4096
_ENC_IN = 128
_D = 128
_HALF = _D // 2
_PATCH_LEN = 128
_NP = 32
_Q = 64
_NB = 4096
_NC = _N // _NB
_SCL = 16
_SCN = 2048

_TRANS_LHS = (((0,), (0,)), ((), ()))


_CH = 512


def _fused_body(x4t_ref, qm_row_ref, r_row_ref, t_row_ref, v_row_ref,
                m_row_ref, vw_ref, tt_ref,
                obs_ref, pinc_ref, vinc_ref):
    f32 = jnp.float32
    bf16 = jnp.bfloat16
    sub = jax.lax.broadcasted_iota(jnp.int32, (8, _CH), 0)

    for c in range(_NB // _CH):
        sl = pl.ds(c * _CH, _CH)

        val = jax.lax.dot_general(x4t_ref[0, :, sl], vw_ref[...], _TRANS_LHS,
                                  preferred_element_type=f32)
        obs_ref[0, sl, 0:_HALF] = val

        d8q = jnp.broadcast_to(qm_row_ref[0, :, sl], (8, _CH)) - sub
        d8r = jnp.broadcast_to(r_row_ref[0, :, sl], (8, _CH)) - sub
        parts = [(d8q == 8 * k).astype(f32) for k in range(_Q // 8)]
        parts += [(d8r == 8 * k).astype(f32) for k in range(_Q // 8)]
        oht = jnp.concatenate(parts, axis=0).astype(bf16)
        og = jax.lax.dot_general(oht, tt_ref[...], _TRANS_LHS,
                                 preferred_element_type=f32).astype(bf16)
        p = og[:, 0:_D] * og[:, _D:2 * _D]
        time_feat = p[:, 0:_HALF] + p[:, _HALF:_D]
        obs_ref[0, sl, _HALF:_D] = time_feat.astype(f32)

        m8 = jnp.broadcast_to(m_row_ref[0, :, sl].astype(f32), (8, _CH))
        d8v = jnp.broadcast_to(v_row_ref[0, :, sl], (8, _CH)) - sub
        d8p = jnp.broadcast_to(t_row_ref[0, :, sl] // _PATCH_LEN,
                               (8, _CH)) - sub
        for k in range(_ENC_IN // 8):
            vinc_ref[0, 8 * k:8 * (k + 1), sl] = jnp.where(
                d8v == 8 * k, m8, 0.0)
        for k in range(_NP // 8):
            pinc_ref[0, 8 * k:8 * (k + 1), sl] = jnp.where(
                d8p == 8 * k, m8, 0.0)


def kernel(x_flattened, time_indices_flattened, variable_indices_flattened,
           observation_mask_flattened, W_val, b_val, W_time, b_time,
           variable_hyperedge_embedding, patch_hyperedge_embedding):
    f32 = jnp.float32
    bf16 = jnp.bfloat16
    t_i = time_indices_flattened
    m_i = observation_mask_flattened

    qm_row = jnp.where(m_i != 0, t_i >> 6, -1).reshape(_B, 1, _N)
    r_row = (t_i & (_Q - 1)).reshape(_B, 1, _N)
    xm = x_flattened * m_i.astype(f32)
    xh = xm.astype(bf16)
    xl = (xm - xh.astype(f32)).astype(bf16)
    x4t = jnp.stack([xh, xh, xl, m_i.astype(bf16)], axis=1)

    t_row = t_i.reshape(_B, 1, _N)
    v_row = variable_indices_flattened.reshape(_B, 1, _N)
    m_row = m_i.reshape(_B, 1, _N)

    wh = W_val.astype(bf16)
    wl = (W_val - wh.astype(f32)).astype(bf16)
    vw4 = jnp.concatenate([wh, wl, wh, b_val.astype(bf16)[None]], axis=0)

    w_t = W_time[0]
    steps = jnp.arange(_Q, dtype=f32)[:, None]
    a_tab = (_Q * steps) * w_t[None, :]
    b_tab = steps * w_t[None, :] + b_time[None, :]
    qt = jnp.concatenate([jnp.sin(a_tab), jnp.cos(a_tab)], axis=1)
    rt = jnp.concatenate([jnp.cos(b_tab), jnp.sin(b_tab)], axis=1)
    zz = jnp.zeros((_Q, _D), f32)
    t_big = jnp.block([[qt, zz], [zz, rt]]).astype(bf16)

    row_spec = pl.BlockSpec((1, 1, _NB), lambda b, c: (b, 0, c))
    small = lambda shape: pl.BlockSpec(shape, lambda b, c: (0,) * len(shape))

    out_types = (
        jax.ShapeDtypeStruct((_B, _N, _D), f32),
        jax.ShapeDtypeStruct((_B, _NP, _N), f32),
        jax.ShapeDtypeStruct((_B, _ENC_IN, _N), f32),
    )
    out_specs = (
        pl.BlockSpec((1, _NB, _D), lambda b, c: (b, c, 0)),
        pl.BlockSpec((1, _NP, _NB), lambda b, c: (b, 0, c)),
        pl.BlockSpec((1, _ENC_IN, _NB), lambda b, c: (b, 0, c)),
    )
    in_specs = [
        pl.BlockSpec((1, 4, _NB), lambda b, c: (b, 0, c)),
        row_spec, row_spec, row_spec, row_spec, row_spec,
        small((4, _HALF)), small((_D, 2 * _D)),
    ]

    obs, pinc, vinc = pl.pallas_call(
        _fused_body,
        grid=(_B, _NC),
        in_specs=in_specs,
        out_specs=out_specs,
        out_shape=out_types,
        compiler_params=pltpu.CompilerParams(
            dimension_semantics=("arbitrary", "arbitrary")),
    )(x4t, qm_row, r_row, t_row, v_row, m_row,
      vw4, t_big)

    @pl.kernel(
        out_type=(jax.ShapeDtypeStruct((_B, _ENC_IN, _D), f32),
                  jax.ShapeDtypeStruct((_B, _NP, _D), f32)),
        mesh=plsc.ScalarSubcoreMesh(axis_name="c", num_cores=2),
        scratch_types=[pltpu.SemaphoreType.DMA])
    def _hyper_sc(vtab_hbm, ptab_hbm, vh_hbm, ph_hbm, sem):
        core = jax.lax.axis_index("c")
        handles = []
        for i in range(_B // 2):
            b = core * (_B // 2) + i
            handles.append(pltpu.async_copy(vtab_hbm, vh_hbm.at[b], sem))
            handles.append(pltpu.async_copy(ptab_hbm, ph_hbm.at[b], sem))
        for h in handles:
            h.wait()

    vh, ph = _hyper_sc(variable_hyperedge_embedding,
                       patch_hyperedge_embedding)

    return obs, ph, vh, pinc, vinc

# --- scband reference (transcript-rebuilt; emitter-appended) ---
"""Pipeline reference for scband-hypeformer-encoder-46660524703801 (READ-ONLY COPY).

The authoritative reference and input builder live on the scoring server;
editing this copy changes nothing except your own understanding.
"""

import jax, jax.numpy as jnp
import numpy as np
import math

B = 16
N_OBS = 4096
ENC_IN = 128
TOTAL_LEN = 4096
D_MODEL = 128
PATCH_LEN = 128
N_PATCHES = math.ceil(TOTAL_LEN / PATCH_LEN)


def setup_inputs(seed: int = 0) -> dict:
    key = jax.random.key(seed)
    ks = jax.random.split(key, 10)
    x_flattened = jax.random.normal(ks[0], (B, N_OBS), dtype=jnp.float32)
    time_indices_flattened = jax.random.randint(ks[1], (B, N_OBS), 0, TOTAL_LEN, dtype=jnp.int32)
    variable_indices_flattened = jax.random.randint(ks[2], (B, N_OBS), 0, ENC_IN, dtype=jnp.int32)
    observation_mask_flattened = jax.random.randint(ks[3], (B, N_OBS), 0, 2, dtype=jnp.int32)
    half = D_MODEL // 2
    # nn.Linear(1, d_model//2): weight [out,1] -> stored here as [1,out], bias [out]
    W_val = jax.random.normal(ks[4], (1, half), dtype=jnp.float32)
    b_val = jax.random.normal(ks[5], (half,), dtype=jnp.float32) * 0.01
    W_time = jax.random.normal(ks[6], (1, half), dtype=jnp.float32)
    b_time = jax.random.normal(ks[7], (half,), dtype=jnp.float32) * 0.01
    variable_hyperedge_embedding = jax.random.normal(ks[8], (ENC_IN, D_MODEL), dtype=jnp.float32)
    patch_hyperedge_embedding = jax.random.normal(ks[9], (N_PATCHES, D_MODEL), dtype=jnp.float32)
    return {
        "x_flattened": x_flattened,
        "time_indices_flattened": time_indices_flattened,
        "variable_indices_flattened": variable_indices_flattened,
        "observation_mask_flattened": observation_mask_flattened,
        "W_val": W_val, "b_val": b_val,
        "W_time": W_time, "b_time": b_time,
        "variable_hyperedge_embedding": variable_hyperedge_embedding,
        "patch_hyperedge_embedding": patch_hyperedge_embedding,
    }


def reference(x_flattened, time_indices_flattened, variable_indices_flattened,
              observation_mask_flattened, W_val, b_val, W_time, b_time,
              variable_hyperedge_embedding, patch_hyperedge_embedding):
    mask_f = observation_mask_flattened.astype(jnp.float32)
    # node features
    t_f = time_indices_flattened.astype(jnp.float32)[..., None]  # [B, N, 1]
    time_feat = jnp.sin(t_f @ W_time + b_time)                    # [B, N, D/2]
    value_feat = x_flattened[..., None] @ W_val + b_val           # [B, N, D/2]
    observation_nodes = jnp.concatenate([value_feat, time_feat], axis=-1)
    observation_nodes = observation_nodes * mask_f[..., None]
    # hyperedge embeddings: full-table gather, repeated over batch
    var_rows = jnp.take(variable_hyperedge_embedding, jnp.arange(ENC_IN), axis=0)
    variable_hyperedges = jnp.broadcast_to(var_rows[None], (B, ENC_IN, D_MODEL))
    patch_rows = jnp.take(patch_hyperedge_embedding, jnp.arange(N_PATCHES), axis=0)
    patch_hyperedges = jnp.broadcast_to(patch_rows[None], (B, N_PATCHES, D_MODEL))
    # incidence matrices (one-hot scatter + transpose)
    var_oh = jax.nn.one_hot(variable_indices_flattened, ENC_IN, dtype=jnp.float32)  # [B, N, V]
    variable_incidence_matrix = jnp.transpose(var_oh, (0, 2, 1)) * mask_f[:, None, :]
    patch_indices = time_indices_flattened // PATCH_LEN
    patch_oh = jax.nn.one_hot(patch_indices, N_PATCHES, dtype=jnp.float32)          # [B, N, P]
    patch_incidence_matrix = jnp.transpose(patch_oh, (0, 2, 1)) * mask_f[:, None, :]
    return (observation_nodes, patch_hyperedges, variable_hyperedges,
            patch_incidence_matrix, variable_incidence_matrix)

if __name__ == "__main__":
    import jax
    _d = setup_inputs()
    print(jax.jit(kernel)(*tuple(_d.values())))

</pallas_src>

<mosaic_0001>
#map = affine_map<(d0) -> (0, 0)>
#map1 = affine_map<(d0) -> (0, 0, 0)>
module attributes {stable_mosaic.version = 14 : i64} {
  func.func @_hyper_sc(%arg0: i32, %arg1: memref<128x128xf32, #tpu.memory_space<hbm>>, %arg2: memref<32x128xf32, #tpu.memory_space<hbm>>, %arg3: memref<16x128x128xf32, #tpu.memory_space<hbm>>, %arg4: memref<16x32x128xf32, #tpu.memory_space<hbm>>, %arg5: memref<!tpu.dma_semaphore, #tpu.memory_space<semaphore_mem>>) attributes {dimension_semantics = [#tpu.dimension_semantics<core_parallel>], iteration_bounds = array<i64: 2>, scalar_prefetch = 0 : i64, scratch_operands = 1 : i64, tpu.core_type = #tpu.core_type<sc_scalar_subcore>, window_params = [{transform_indices = #map}, {transform_indices = #map}, {transform_indices = #map1}, {transform_indices = #map1}]} {
    %mul3A = arith.constant 8 : i32
    %mul3A_0 = arith.muli %arg0, %mul3A : i32
    %add3A = arith.constant 0 : i32
    %add3A_1 = arith.addi %mul3A_0, %add3A : i32
    %dma_start3A = arith.constant 0 : i32
    %dma_start3A_2 = arith.constant 0 : i32
    %dma_start3A_3 = tpu.memref_slice %arg3[%add3A_1, %dma_start3A, %dma_start3A_2] : memref<16x128x128xf32, #tpu.memory_space<hbm>> -> memref<1x128x128xf32, #tpu.memory_space<hbm>>
    %dma_start3A_4 = tpu.memref_squeeze %dma_start3A_3 : memref<1x128x128xf32, #tpu.memory_space<hbm>> -> memref<128x128xf32, #tpu.memory_space<hbm>>
    tpu.enqueue_dma source(%arg1 : memref<128x128xf32, #tpu.memory_space<hbm>>) target(%dma_start3A_4 : memref<128x128xf32, #tpu.memory_space<hbm>>) target_semaphore(%arg5 : memref<!tpu.dma_semaphore, #tpu.memory_space<semaphore_mem>>)
    %dma_start3A_5 = arith.constant 0 : i32
    %dma_start3A_6 = arith.constant 0 : i32
    %dma_start3A_7 = tpu.memref_slice %arg4[%add3A_1, %dma_start3A_5, %dma_start3A_6] : memref<16x32x128xf32, #tpu.memory_space<hbm>> -> memref<1x32x128xf32, #tpu.memory_space<hbm>>
    %dma_start3A_8 = tpu.memref_squeeze %dma_start3A_7 : memref<1x32x128xf32, #tpu.memory_space<hbm>> -> memref<32x128xf32, #tpu.memory_space<hbm>>
    tpu.enqueue_dma source(%arg2 : memref<32x128xf32, #tpu.memory_space<hbm>>) target(%dma_start3A_8 : memref<32x128xf32, #tpu.memory_space<hbm>>) target_semaphore(%arg5 : memref<!tpu.dma_semaphore, #tpu.memory_space<semaphore_mem>>)
    %mul3A_9 = arith.constant 8 : i32
    %mul3A_10 = arith.muli %arg0, %mul3A_9 : i32
    %add3A_11 = arith.constant 1 : i32
    %add3A_12 = arith.addi %mul3A_10, %add3A_11 : i32
    %dma_start3A_13 = arith.constant 0 : i32
    %dma_start3A_14 = arith.constant 0 : i32
    %dma_start3A_15 = tpu.memref_slice %arg3[%add3A_12, %dma_start3A_13, %dma_start3A_14] : memref<16x128x128xf32, #tpu.memory_space<hbm>> -> memref<1x128x128xf32, #tpu.memory_space<hbm>>
    %dma_start3A_16 = tpu.memref_squeeze %dma_start3A_15 : memref<1x128x128xf32, #tpu.memory_space<hbm>> -> memref<128x128xf32, #tpu.memory_space<hbm>>
    tpu.enqueue_dma source(%arg1 : memref<128x128xf32, #tpu.memory_space<hbm>>) target(%dma_start3A_16 : memref<128x128xf32, #tpu.memory_space<hbm>>) target_semaphore(%arg5 : memref<!tpu.dma_semaphore, #tpu.memory_space<semaphore_mem>>)
    %dma_start3A_17 = arith.constant 0 : i32
    %dma_start3A_18 = arith.constant 0 : i32
    %dma_start3A_19 = tpu.memref_slice %arg4[%add3A_12, %dma_start3A_17, %dma_start3A_18] : memref<16x32x128xf32, #tpu.memory_space<hbm>> -> memref<1x32x128xf32, #tpu.memory_space<hbm>>
    %dma_start3A_20 = tpu.memref_squeeze %dma_start3A_19 : memref<1x32x128xf32, #tpu.memory_space<hbm>> -> memref<32x128xf32, #tpu.memory_space<hbm>>
    tpu.enqueue_dma source(%arg2 : memref<32x128xf32, #tpu.memory_space<hbm>>) target(%dma_start3A_20 : memref<32x128xf32, #tpu.memory_space<hbm>>) target_semaphore(%arg5 : memref<!tpu.dma_semaphore, #tpu.memory_space<semaphore_mem>>)
    %mul3A_21 = arith.constant 8 : i32
    %mul3A_22 = arith.muli %arg0, %mul3A_21 : i32
    %add3A_23 = arith.constant 2 : i32
    %add3A_24 = arith.addi %mul3A_22, %add3A_23 : i32
    %dma_start3A_25 = arith.constant 0 : i32
    %dma_start3A_26 = arith.constant 0 : i32
    %dma_start3A_27 = tpu.memref_slice %arg3[%add3A_24, %dma_start3A_25, %dma_start3A_26] : memref<16x128x128xf32, #tpu.memory_space<hbm>> -> memref<1x128x128xf32, #tpu.memory_space<hbm>>
    %dma_start3A_28 = tpu.memref_squeeze %dma_start3A_27 : memref<1x128x128xf32, #tpu.memory_space<hbm>> -> memref<128x128xf32, #tpu.memory_space<hbm>>
    tpu.enqueue_dma source(%arg1 : memref<128x128xf32, #tpu.memory_space<hbm>>) target(%dma_start3A_28 : memref<128x128xf32, #tpu.memory_space<hbm>>) target_semaphore(%arg5 : memref<!tpu.dma_semaphore, #tpu.memory_space<semaphore_mem>>)
    %dma_start3A_29 = arith.constant 0 : i32
    %dma_start3A_30 = arith.constant 0 : i32
    %dma_start3A_31 = tpu.memref_slice %arg4[%add3A_24, %dma_start3A_29, %dma_start3A_30] : memref<16x32x128xf32, #tpu.memory_space<hbm>> -> memref<1x32x128xf32, #tpu.memory_space<hbm>>
    %dma_start3A_32 = tpu.memref_squeeze %dma_start3A_31 : memref<1x32x128xf32, #tpu.memory_space<hbm>> -> memref<32x128xf32, #tpu.memory_space<hbm>>
    tpu.enqueue_dma source(%arg2 : memref<32x128xf32, #tpu.memory_space<hbm>>) target(%dma_start3A_32 : memref<32x128xf32, #tpu.memory_space<hbm>>) target_semaphore(%arg5 : memref<!tpu.dma_semaphore, #tpu.memory_space<semaphore_mem>>)
    %mul3A_33 = arith.constant 8 : i32
    %mul3A_34 = arith.muli %arg0, %mul3A_33 : i32
    %add3A_35 = arith.constant 3 : i32
    %add3A_36 = arith.addi %mul3A_34, %add3A_35 : i32
    %dma_start3A_37 = arith.constant 0 : i32
    %dma_start3A_38 = arith.constant 0 : i32
    %dma_start3A_39 = tpu.memref_slice %arg3[%add3A_36, %dma_start3A_37, %dma_start3A_38] : memref<16x128x128xf32, #tpu.memory_space<hbm>> -> memref<1x128x128xf32, #tpu.memory_space<hbm>>
    %dma_start3A_40 = tpu.memref_squeeze %dma_start3A_39 : memref<1x128x128xf32, #tpu.memory_space<hbm>> -> memref<128x128xf32, #tpu.memory_space<hbm>>
    tpu.enqueue_dma source(%arg1 : memref<128x128xf32, #tpu.memory_space<hbm>>) target(%dma_start3A_40 : memref<128x128xf32, #tpu.memory_space<hbm>>) target_semaphore(%arg5 : memref<!tpu.dma_semaphore, #tpu.memory_space<semaphore_mem>>)
    %dma_start3A_41 = arith.constant 0 : i32
    %dma_start3A_42 = arith.constant 0 : i32
    %dma_start3A_43 = tpu.memref_slice %arg4[%add3A_36, %dma_start3A_41, %dma_start3A_42] : memref<16x32x128xf32, #tpu.memory_space<hbm>> -> memref<1x32x128xf32, #tpu.memory_space<hbm>>
    %dma_start3A_44 = tpu.memref_squeeze %dma_start3A_43 : memref<1x32x128xf32, #tpu.memory_space<hbm>> -> memref<32x128xf32, #tpu.memory_space<hbm>>
    tpu.enqueue_dma source(%arg2 : memref<32x128xf32, #tpu.memory_space<hbm>>) target(%dma_start3A_44 : memref<32x128xf32, #tpu.memory_space<hbm>>) target_semaphore(%arg5 : memref<!tpu.dma_semaphore, #tpu.memory_space<semaphore_mem>>)
    %mul3A_45 = arith.constant 8 : i32
    %mul3A_46 = arith.muli %arg0, %mul3A_45 : i32
    %add3A_47 = arith.constant 4 : i32
    %add3A_48 = arith.addi %mul3A_46, %add3A_47 : i32
    %dma_start3A_49 = arith.constant 0 : i32
    %dma_start3A_50 = arith.constant 0 : i32
    %dma_start3A_51 = tpu.memref_slice %arg3[%add3A_48, %dma_start3A_49, %dma_start3A_50] : memref<16x128x128xf32, #tpu.memory_space<hbm>> -> memref<1x128x128xf32, #tpu.memory_space<hbm>>
    %dma_start3A_52 = tpu.memref_squeeze %dma_start3A_51 : memref<1x128x128xf32, #tpu.memory_space<hbm>> -> memref<128x128xf32, #tpu.memory_space<hbm>>
    tpu.enqueue_dma source(%arg1 : memref<128x128xf32, #tpu.memory_space<hbm>>) target(%dma_start3A_52 : memref<128x128xf32, #tpu.memory_space<hbm>>) target_semaphore(%arg5 : memref<!tpu.dma_semaphore, #tpu.memory_space<semaphore_mem>>)
    %dma_start3A_53 = arith.constant 0 : i32
    %dma_start3A_54 = arith.constant 0 : i32
    %dma_start3A_55 = tpu.memref_slice %arg4[%add3A_48, %dma_start3A_53, %dma_start3A_54] : memref<16x32x128xf32, #tpu.memory_space<hbm>> -> memref<1x32x128xf32, #tpu.memory_space<hbm>>
    %dma_start3A_56 = tpu.memref_squeeze %dma_start3A_55 : memref<1x32x128xf32, #tpu.memory_space<hbm>> -> memref<32x128xf32, #tpu.memory_space<hbm>>
    tpu.enqueue_dma source(%arg2 : memref<32x128xf32, #tpu.memory_space<hbm>>) target(%dma_start3A_56 : memref<32x128xf32, #tpu.memory_space<hbm>>) target_semaphore(%arg5 : memref<!tpu.dma_semaphore, #tpu.memory_space<semaphore_mem>>)
    %mul3A_57 = arith.constant 8 : i32
    %mul3A_58 = arith.muli %arg0, %mul3A_57 : i32
    %add3A_59 = arith.constant 5 : i32
    %add3A_60 = arith.addi %mul3A_58, %add3A_59 : i32
    %dma_start3A_61 = arith.constant 0 : i32
    %dma_start3A_62 = arith.constant 0 : i32
    %dma_start3A_63 = tpu.memref_slice %arg3[%add3A_60, %dma_start3A_61, %dma_start3A_62] : memref<16x128x128xf32, #tpu.memory_space<hbm>> -> memref<1x128x128xf32, #tpu.memory_space<hbm>>
    %dma_start3A_64 = tpu.memref_squeeze %dma_start3A_63 : memref<1x128x128xf32, #tpu.memory_space<hbm>> -> memref<128x128xf32, #tpu.memory_space<hbm>>
    tpu.enqueue_dma source(%arg1 : memref<128x128xf32, #tpu.memory_space<hbm>>) target(%dma_start3A_64 : memref<128x128xf32, #tpu.memory_space<hbm>>) target_semaphore(%arg5 : memref<!tpu.dma_semaphore, #tpu.memory_space<semaphore_mem>>)
    %dma_start3A_65 = arith.constant 0 : i32
    %dma_start3A_66 = arith.constant 0 : i32
    %dma_start3A_67 = tpu.memref_slice %arg4[%add3A_60, %dma_start3A_65, %dma_start3A_66] : memref<16x32x128xf32, #tpu.memory_space<hbm>> -> memref<1x32x128xf32, #tpu.memory_space<hbm>>
    %dma_start3A_68 = tpu.memref_squeeze %dma_start3A_67 : memref<1x32x128xf32, #tpu.memory_space<hbm>> -> memref<32x128xf32, #tpu.memory_space<hbm>>
    tpu.enqueue_dma source(%arg2 : memref<32x128xf32, #tpu.memory_space<hbm>>) target(%dma_start3A_68 : memref<32x128xf32, #tpu.memory_space<hbm>>) target_semaphore(%arg5 : memref<!tpu.dma_semaphore, #tpu.memory_space<semaphore_mem>>)
    %mul3A_69 = arith.constant 8 : i32
    %mul3A_70 = arith.muli %arg0, %mul3A_69 : i32
    %add3A_71 = arith.constant 6 : i32
    %add3A_72 = arith.addi %mul3A_70, %add3A_71 : i32
    %dma_start3A_73 = arith.constant 0 : i32
    %dma_start3A_74 = arith.constant 0 : i32
    %dma_start3A_75 = tpu.memref_slice %arg3[%add3A_72, %dma_start3A_73, %dma_start3A_74] : memref<16x128x128xf32, #tpu.memory_space<hbm>> -> memref<1x128x128xf32, #tpu.memory_space<hbm>>
    %dma_start3A_76 = tpu.memref_squeeze %dma_start3A_75 : memref<1x128x128xf32, #tpu.memory_space<hbm>> -> memref<128x128xf32, #tpu.memory_space<hbm>>
    tpu.enqueue_dma source(%arg1 : memref<128x128xf32, #tpu.memory_space<hbm>>) target(%dma_start3A_76 : memref<128x128xf32, #tpu.memory_space<hbm>>) target_semaphore(%arg5 : memref<!tpu.dma_semaphore, #tpu.memory_space<semaphore_mem>>)
    %dma_start3A_77 = arith.constant 0 : i32
    %dma_start3A_78 = arith.constant 0 : i32
    %dma_start3A_79 = tpu.memref_slice %arg4[%add3A_72, %dma_start3A_77, %dma_start3A_78] : memref<16x32x128xf32, #tpu.memory_space<hbm>> -> memref<1x32x128xf32, #tpu.memory_space<hbm>>
    %dma_start3A_80 = tpu.memref_squeeze %dma_start3A_79 : memref<1x32x128xf32, #tpu.memory_space<hbm>> -> memref<32x128xf32, #tpu.memory_space<hbm>>
    tpu.enqueue_dma source(%arg2 : memref<32x128xf32, #tpu.memory_space<hbm>>) target(%dma_start3A_80 : memref<32x128xf32, #tpu.memory_space<hbm>>) target_semaphore(%arg5 : memref<!tpu.dma_semaphore, #tpu.memory_space<semaphore_mem>>)
    %mul3A_81 = arith.constant 8 : i32
    %mul3A_82 = arith.muli %arg0, %mul3A_81 : i32
    %add3A_83 = arith.constant 7 : i32
    %add3A_84 = arith.addi %mul3A_82, %add3A_83 : i32
    %dma_start3A_85 = arith.constant 0 : i32
    %dma_start3A_86 = arith.constant 0 : i32
    %dma_start3A_87 = tpu.memref_slice %arg3[%add3A_84, %dma_start3A_85, %dma_start3A_86] : memref<16x128x128xf32, #tpu.memory_space<hbm>> -> memref<1x128x128xf32, #tpu.memory_space<hbm>>
    %dma_start3A_88 = tpu.memref_squeeze %dma_start3A_87 : memref<1x128x128xf32, #tpu.memory_space<hbm>> -> memref<128x128xf32, #tpu.memory_space<hbm>>
    tpu.enqueue_dma source(%arg1 : memref<128x128xf32, #tpu.memory_space<hbm>>) target(%dma_start3A_88 : memref<128x128xf32, #tpu.memory_space<hbm>>) target_semaphore(%arg5 : memref<!tpu.dma_semaphore, #tpu.memory_space<semaphore_mem>>)
    %dma_start3A_89 = arith.constant 0 : i32
    %dma_start3A_90 = arith.constant 0 : i32
    %dma_start3A_91 = tpu.memref_slice %arg4[%add3A_84, %dma_start3A_89, %dma_start3A_90] : memref<16x32x128xf32, #tpu.memory_space<hbm>> -> memref<1x32x128xf32, #tpu.memory_space<hbm>>
    %dma_start3A_92 = tpu.memref_squeeze %dma_start3A_91 : memref<1x32x128xf32, #tpu.memory_space<hbm>> -> memref<32x128xf32, #tpu.memory_space<hbm>>
    tpu.enqueue_dma source(%arg2 : memref<32x128xf32, #tpu.memory_space<hbm>>) target(%dma_start3A_92 : memref<32x128xf32, #tpu.memory_space<hbm>>) target_semaphore(%arg5 : memref<!tpu.dma_semaphore, #tpu.memory_space<semaphore_mem>>)
    %dma_wait3A = arith.constant 0 : i32
    %dma_wait3A_93 = arith.constant 0 : i32
    %dma_wait3A_94 = tpu.memref_slice %arg3[%add3A_1, %dma_wait3A, %dma_wait3A_93] : memref<16x128x128xf32, #tpu.memory_space<hbm>> -> memref<1x128x128xf32, #tpu.memory_space<hbm>>
    %dma_wait3A_95 = tpu.memref_squeeze %dma_wait3A_94 : memref<1x128x128xf32, #tpu.memory_space<hbm>> -> memref<128x128xf32, #tpu.memory_space<hbm>>
    tpu.wait_dma2 semaphore(%arg5 : memref<!tpu.dma_semaphore, #tpu.memory_space<semaphore_mem>>) src(%arg1 : memref<128x128xf32, #tpu.memory_space<hbm>>) dst(%dma_wait3A_95 : memref<128x128xf32, #tpu.memory_space<hbm>>)
    %dma_wait3A_96 = arith.constant 0 : i32
    %dma_wait3A_97 = arith.constant 0 : i32
    %dma_wait3A_98 = tpu.memref_slice %arg4[%add3A_1, %dma_wait3A_96, %dma_wait3A_97] : memref<16x32x128xf32, #tpu.memory_space<hbm>> -> memref<1x32x128xf32, #tpu.memory_space<hbm>>
    %dma_wait3A_99 = tpu.memref_squeeze %dma_wait3A_98 : memref<1x32x128xf32, #tpu.memory_space<hbm>> -> memref<32x128xf32, #tpu.memory_space<hbm>>
    tpu.wait_dma2 semaphore(%arg5 : memref<!tpu.dma_semaphore, #tpu.memory_space<semaphore_mem>>) src(%arg2 : memref<32x128xf32, #tpu.memory_space<hbm>>) dst(%dma_wait3A_99 : memref<32x128xf32, #tpu.memory_space<hbm>>)
    %dma_wait3A_100 = arith.constant 0 : i32
    %dma_wait3A_101 = arith.constant 0 : i32
    %dma_wait3A_102 = tpu.memref_slice %arg3[%add3A_12, %dma_wait3A_100, %dma_wait3A_101] : memref<16x128x128xf32, #tpu.memory_space<hbm>> -> memref<1x128x128xf32, #tpu.memory_space<hbm>>
    %dma_wait3A_103 = tpu.memref_squeeze %dma_wait3A_102 : memref<1x128x128xf32, #tpu.memory_space<hbm>> -> memref<128x128xf32, #tpu.memory_space<hbm>>
    tpu.wait_dma2 semaphore(%arg5 : memref<!tpu.dma_semaphore, #tpu.memory_space<semaphore_mem>>) src(%arg1 : memref<128x128xf32, #tpu.memory_space<hbm>>) dst(%dma_wait3A_103 : memref<128x128xf32, #tpu.memory_space<hbm>>)
    %dma_wait3A_104 = arith.constant 0 : i32
    %dma_wait3A_105 = arith.constant 0 : i32
    %dma_wait3A_106 = tpu.memref_slice %arg4[%add3A_12, %dma_wait3A_104, %dma_wait3A_105] : memref<16x32x128xf32, #tpu.memory_space<hbm>> -> memref<1x32x128xf32, #tpu.memory_space<hbm>>
    %dma_wait3A_107 = tpu.memref_squeeze %dma_wait3A_106 : memref<1x32x128xf32, #tpu.memory_space<hbm>> -> memref<32x128xf32, #tpu.memory_space<hbm>>
    tpu.wait_dma2 semaphore(%arg5 : memref<!tpu.dma_semaphore, #tpu.memory_space<semaphore_mem>>) src(%arg2 : memref<32x128xf32, #tpu.memory_space<hbm>>) dst(%dma_wait3A_107 : memref<32x128xf32, #tpu.memory_space<hbm>>)
    %dma_wait3A_108 = arith.constant 0 : i32
    %dma_wait3A_109 = arith.constant 0 : i32
    %dma_wait3A_110 = tpu.memref_slice %arg3[%add3A_24, %dma_wait3A_108, %dma_wait3A_109] : memref<16x128x128xf32, #tpu.memory_space<hbm>> -> memref<1x128x128xf32, #tpu.memory_space<hbm>>
    %dma_wait3A_111 = tpu.memref_squeeze %dma_wait3A_110 : memref<1x128x128xf32, #tpu.memory_space<hbm>> -> memref<128x128xf32, #tpu.memory_space<hbm>>
    tpu.wait_dma2 semaphore(%arg5 : memref<!tpu.dma_semaphore, #tpu.memory_space<semaphore_mem>>) src(%arg1 : memref<128x128xf32, #tpu.memory_space<hbm>>) dst(%dma_wait3A_111 : memref<128x128xf32, #tpu.memory_space<hbm>>)
    %dma_wait3A_112 = arith.constant 0 : i32
    %dma_wait3A_113 = arith.constant 0 : i32
    %dma_wait3A_114 = tpu.memref_slice %arg4[%add3A_24, %dma_wait3A_112, %dma_wait3A_113] : memref<16x32x128xf32, #tpu.memory_space<hbm>> -> memref<1x32x128xf32, #tpu.memory_space<hbm>>
    %dma_wait3A_115 = tpu.memref_squeeze %dma_wait3A_114 : memref<1x32x128xf32, #tpu.memory_space<hbm>> -> memref<32x128xf32, #tpu.memory_space<hbm>>
    tpu.wait_dma2 semaphore(%arg5 : memref<!tpu.dma_semaphore, #tpu.memory_space<semaphore_mem>>) src(%arg2 : memref<32x128xf32, #tpu.memory_space<hbm>>) dst(%dma_wait3A_115 : memref<32x128xf32, #tpu.memory_space<hbm>>)
    %dma_wait3A_116 = arith.constant 0 : i32
    %dma_wait3A_117 = arith.constant 0 : i32
    %dma_wait3A_118 = tpu.memref_slice %arg3[%add3A_36, %dma_wait3A_116, %dma_wait3A_117] : memref<16x128x128xf32, #tpu.memory_space<hbm>> -> memref<1x128x128xf32, #tpu.memory_space<hbm>>
    %dma_wait3A_119 = tpu.memref_squeeze %dma_wait3A_118 : memref<1x128x128xf32, #tpu.memory_space<hbm>> -> memref<128x128xf32, #tpu.memory_space<hbm>>
    tpu.wait_dma2 semaphore(%arg5 : memref<!tpu.dma_semaphore, #tpu.memory_space<semaphore_mem>>) src(%arg1 : memref<128x128xf32, #tpu.memory_space<hbm>>) dst(%dma_wait3A_119 : memref<128x128xf32, #tpu.memory_space<hbm>>)
    %dma_wait3A_120 = arith.constant 0 : i32
    %dma_wait3A_121 = arith.constant 0 : i32
    %dma_wait3A_122 = tpu.memref_slice %arg4[%add3A_36, %dma_wait3A_120, %dma_wait3A_121] : memref<16x32x128xf32, #tpu.memory_space<hbm>> -> memref<1x32x128xf32, #tpu.memory_space<hbm>>
    %dma_wait3A_123 = tpu.memref_squeeze %dma_wait3A_122 : memref<1x32x128xf32, #tpu.memory_space<hbm>> -> memref<32x128xf32, #tpu.memory_space<hbm>>
    tpu.wait_dma2 semaphore(%arg5 : memref<!tpu.dma_semaphore, #tpu.memory_space<semaphore_mem>>) src(%arg2 : memref<32x128xf32, #tpu.memory_space<hbm>>) dst(%dma_wait3A_123 : memref<32x128xf32, #tpu.memory_space<hbm>>)
    %dma_wait3A_124 = arith.constant 0 : i32
    %dma_wait3A_125 = arith.constant 0 : i32
    %dma_wait3A_126 = tpu.memref_slice %arg3[%add3A_48, %dma_wait3A_124, %dma_wait3A_125] : memref<16x128x128xf32, #tpu.memory_space<hbm>> -> memref<1x128x128xf32, #tpu.memory_space<hbm>>
    %dma_wait3A_127 = tpu.memref_squeeze %dma_wait3A_126 : memref<1x128x128xf32, #tpu.memory_space<hbm>> -> memref<128x128xf32, #tpu.memory_space<hbm>>
    tpu.wait_dma2 semaphore(%arg5 : memref<!tpu.dma_semaphore, #tpu.memory_space<semaphore_mem>>) src(%arg1 : memref<128x128xf32, #tpu.memory_space<hbm>>) dst(%dma_wait3A_127 : memref<128x128xf32, #tpu.memory_space<hbm>>)
    %dma_wait3A_128 = arith.constant 0 : i32
    %dma_wait3A_129 = arith.constant 0 : i32
    %dma_wait3A_130 = tpu.memref_slice %arg4[%add3A_48, %dma_wait3A_128, %dma_wait3A_129] : memref<16x32x128xf32, #tpu.memory_space<hbm>> -> memref<1x32x128xf32, #tpu.memory_space<hbm>>
    %dma_wait3A_131 = tpu.memref_squeeze %dma_wait3A_130 : memref<1x32x128xf32, #tpu.memory_space<hbm>> -> memref<32x128xf32, #tpu.memory_space<hbm>>
    tpu.wait_dma2 semaphore(%arg5 : memref<!tpu.dma_semaphore, #tpu.memory_space<semaphore_mem>>) src(%arg2 : memref<32x128xf32, #tpu.memory_space<hbm>>) dst(%dma_wait3A_131 : memref<32x128xf32, #tpu.memory_space<hbm>>)
    %dma_wait3A_132 = arith.constant 0 : i32
    %dma_wait3A_133 = arith.constant 0 : i32
    %dma_wait3A_134 = tpu.memref_slice %arg3[%add3A_60, %dma_wait3A_132, %dma_wait3A_133] : memref<16x128x128xf32, #tpu.memory_space<hbm>> -> memref<1x128x128xf32, #tpu.memory_space<hbm>>
    %dma_wait3A_135 = tpu.memref_squeeze %dma_wait3A_134 : memref<1x128x128xf32, #tpu.memory_space<hbm>> -> memref<128x128xf32, #tpu.memory_space<hbm>>
    tpu.wait_dma2 semaphore(%arg5 : memref<!tpu.dma_semaphore, #tpu.memory_space<semaphore_mem>>) src(%arg1 : memref<128x128xf32, #tpu.memory_space<hbm>>) dst(%dma_wait3A_135 : memref<128x128xf32, #tpu.memory_space<hbm>>)
    %dma_wait3A_136 = arith.constant 0 : i32
    %dma_wait3A_137 = arith.constant 0 : i32
    %dma_wait3A_138 = tpu.memref_slice %arg4[%add3A_60, %dma_wait3A_136, %dma_wait3A_137] : memref<16x32x128xf32, #tpu.memory_space<hbm>> -> memref<1x32x128xf32, #tpu.memory_space<hbm>>
    %dma_wait3A_139 = tpu.memref_squeeze %dma_wait3A_138 : memref<1x32x128xf32, #tpu.memory_space<hbm>> -> memref<32x128xf32, #tpu.memory_space<hbm>>
    tpu.wait_dma2 semaphore(%arg5 : memref<!tpu.dma_semaphore, #tpu.memory_space<semaphore_mem>>) src(%arg2 : memref<32x128xf32, #tpu.memory_space<hbm>>) dst(%dma_wait3A_139 : memref<32x128xf32, #tpu.memory_space<hbm>>)
    %dma_wait3A_140 = arith.constant 0 : i32
    %dma_wait3A_141 = arith.constant 0 : i32
    %dma_wait3A_142 = tpu.memref_slice %arg3[%add3A_72, %dma_wait3A_140, %dma_wait3A_141] : memref<16x128x128xf32, #tpu.memory_space<hbm>> -> memref<1x128x128xf32, #tpu.memory_space<hbm>>
    %dma_wait3A_143 = tpu.memref_squeeze %dma_wait3A_142 : memref<1x128x128xf32, #tpu.memory_space<hbm>> -> memref<128x128xf32, #tpu.memory_space<hbm>>
    tpu.wait_dma2 semaphore(%arg5 : memref<!tpu.dma_semaphore, #tpu.memory_space<semaphore_mem>>) src(%arg1 : memref<128x128xf32, #tpu.memory_space<hbm>>) dst(%dma_wait3A_143 : memref<128x128xf32, #tpu.memory_space<hbm>>)
    %dma_wait3A_144 = arith.constant 0 : i32
    %dma_wait3A_145 = arith.constant 0 : i32
    %dma_wait3A_146 = tpu.memref_slice %arg4[%add3A_72, %dma_wait3A_144, %dma_wait3A_145] : memref<16x32x128xf32, #tpu.memory_space<hbm>> -> memref<1x32x128xf32, #tpu.memory_space<hbm>>
    %dma_wait3A_147 = tpu.memref_squeeze %dma_wait3A_146 : memref<1x32x128xf32, #tpu.memory_space<hbm>> -> memref<32x128xf32, #tpu.memory_space<hbm>>
    tpu.wait_dma2 semaphore(%arg5 : memref<!tpu.dma_semaphore, #tpu.memory_space<semaphore_mem>>) src(%arg2 : memref<32x128xf32, #tpu.memory_space<hbm>>) dst(%dma_wait3A_147 : memref<32x128xf32, #tpu.memory_space<hbm>>)
    %dma_wait3A_148 = arith.constant 0 : i32
    %dma_wait3A_149 = arith.constant 0 : i32
    %dma_wait3A_150 = tpu.memref_slice %arg3[%add3A_84, %dma_wait3A_148, %dma_wait3A_149] : memref<16x128x128xf32, #tpu.memory_space<hbm>> -> memref<1x128x128xf32, #tpu.memory_space<hbm>>
    %dma_wait3A_151 = tpu.memref_squeeze %dma_wait3A_150 : memref<1x128x128xf32, #tpu.memory_space<hbm>> -> memref<128x128xf32, #tpu.memory_space<hbm>>
    tpu.wait_dma2 semaphore(%arg5 : memref<!tpu.dma_semaphore, #tpu.memory_space<semaphore_mem>>) src(%arg1 : memref<128x128xf32, #tpu.memory_space<hbm>>) dst(%dma_wait3A_151 : memref<128x128xf32, #tpu.memory_space<hbm>>)
    %dma_wait3A_152 = arith.constant 0 : i32
    %dma_wait3A_153 = arith.constant 0 : i32
    %dma_wait3A_154 = tpu.memref_slice %arg4[%add3A_84, %dma_wait3A_152, %dma_wait3A_153] : memref<16x32x128xf32, #tpu.memory_space<hbm>> -> memref<1x32x128xf32, #tpu.memory_space<hbm>>
    %dma_wait3A_155 = tpu.memref_squeeze %dma_wait3A_154 : memref<1x32x128xf32, #tpu.memory_space<hbm>> -> memref<32x128xf32, #tpu.memory_space<hbm>>
    tpu.wait_dma2 semaphore(%arg5 : memref<!tpu.dma_semaphore, #tpu.memory_space<semaphore_mem>>) src(%arg2 : memref<32x128xf32, #tpu.memory_space<hbm>>) dst(%dma_wait3A_155 : memref<32x128xf32, #tpu.memory_space<hbm>>)
    return
  }
}

module attributes {stable_mosaic.version = 14 : i64} {
  func.func @_fused_body(%arg0: i32, %arg1: i32, %arg2: memref<1x4x4096xbf16, #tpu.memory_space<vmem>>, %arg3: memref<1x1x4096xi32, #tpu.memory_space<vmem>>, %arg4: memref<1x1x4096xi32, #tpu.memory_space<vmem>>, %arg5: memref<1x1x4096xi32, #tpu.memory_space<vmem>>, %arg6: memref<1x1x4096xi32, #tpu.memory_space<vmem>>, %arg7: memref<1x1x4096xi32, #tpu.memory_space<vmem>>, %arg8: memref<4x64xbf16, #tpu.memory_space<vmem>>, %arg9: memref<128x256xbf16, #tpu.memory_space<vmem>>, %arg10: memref<1x4096x128xf32, #tpu.memory_space<vmem>>, %arg11: memref<1x32x4096xf32, #tpu.memory_space<vmem>>, %arg12: memref<1x128x4096xf32, #tpu.memory_space<vmem>>) attributes {dimension_semantics = [#tpu.dimension_semantics<arbitrary>, #tpu.dimension_semantics<arbitrary>], iteration_bounds = array<i64: 16, 1>, scalar_prefetch = 0 : i64, scratch_operands = 0 : i64, tpu.core_type = #tpu.core_type<tc>, window_params = [{transform_indices = @transform_0, window_bounds = array<i64: 1, 4, 4096>}, {transform_indices = @transform_1, window_bounds = array<i64: 1, 1, 4096>}, {transform_indices = @transform_2, window_bounds = array<i64: 1, 1, 4096>}, {transform_indices = @transform_3, window_bounds = array<i64: 1, 1, 4096>}, {transform_indices = @transform_4, window_bounds = array<i64: 1, 1, 4096>}, {transform_indices = @transform_5, window_bounds = array<i64: 1, 1, 4096>}, {pipeline_mode = #tpu.pipeline_mode<synchronous>, transform_indices = @transform_6, window_bounds = array<i64: 4, 64>}, {pipeline_mode = #tpu.pipeline_mode<synchronous>, transform_indices = @transform_7, window_bounds = array<i64: 128, 256>}, {transform_indices = @transform_8, window_bounds = array<i64: 1, 4096, 128>}, {transform_indices = @transform_9, window_bounds = array<i64: 1, 32, 4096>}, {transform_indices = @transform_10, window_bounds = array<i64: 1, 128, 4096>}]} {
    %iota3A = tpu.iota {dimensions = array<i32: 0>} : vector<8x512xi32>
    %get3A = arith.constant 0 : index
    %get3A_0 = arith.constant 0 : index
    %get3A_1 = arith.constant 0 : index
    %get3A_2 = vector.load %arg2[%get3A, %get3A_0, %get3A_1] : memref<1x4x4096xbf16, #tpu.memory_space<vmem>>, vector<1x4x512xbf16>
    %get3A_3 = vector.shape_cast %get3A_2 : vector<1x4x512xbf16> to vector<4x512xbf16>
    %get3A_4 = arith.constant 0 : index
    %get3A_5 = arith.constant 0 : index
    %get3A_6 = vector.load %arg8[%get3A_4, %get3A_5] : memref<4x64xbf16, #tpu.memory_space<vmem>>, vector<4x64xbf16>
    %dot_general3A = arith.constant dense<0.000000e+00> : vector<512x64xf32>
    %dot_general3A_7 = tpu.matmul %get3A_3, %get3A_6, %dot_general3A {dimension_numbers = #tpu.dot_dimension_numbers<[0], [0], [1], [1], [0, 1, 1, 1], [], []>, transpose_lhs_hint = false} : vector<4x512xbf16>, vector<4x64xbf16>, vector<512x64xf32> -> vector<512x64xf32>
    %swap3A = arith.constant 0 : index
    %swap3A_8 = arith.constant 0 : index
    %swap3A_9 = arith.constant 0 : index
    %swap3A_10 = vector.load %arg10[%swap3A, %swap3A_8, %swap3A_9] : memref<1x4096x128xf32, #tpu.memory_space<vmem>>, vector<1x512x64xf32>
    %swap3A_11 = vector.shape_cast %swap3A_10 : vector<1x512x64xf32> to vector<512x64xf32>
    %swap3A_12 = vector.shape_cast %dot_general3A_7 : vector<512x64xf32> to vector<1x512x64xf32>
    tpu.vector_store %arg10[%swap3A, %swap3A_8, %swap3A_9], %swap3A_12 {strides = array<i32>} : memref<1x4096x128xf32, #tpu.memory_space<vmem>>, vector<1x512x64xf32>,
    %get3A_13 = arith.constant 0 : index
    %get3A_14 = arith.constant 0 : index
    %get3A_15 = arith.constant 0 : index
    %get3A_16 = vector.load %arg3[%get3A_13, %get3A_14, %get3A_15] : memref<1x1x4096xi32, #tpu.memory_space<vmem>>, vector<1x1x512xi32>
    %get3A_17 = vector.shape_cast %get3A_16 : vector<1x1x512xi32> to vector<1x512xi32>
    %broadcast_in_dim3A = vector.shape_cast %get3A_17 : vector<1x512xi32> to vector<1x512xi32>
    %broadcast_in_dim3A_18 = vector.broadcast %broadcast_in_dim3A : vector<1x512xi32> to vector<8x512xi32>
    %sub3A = arith.subi %broadcast_in_dim3A_18, %iota3A : vector<8x512xi32>
    %get3A_19 = arith.constant 0 : index
    %get3A_20 = arith.constant 0 : index
    %get3A_21 = arith.constant 0 : index
    %get3A_22 = vector.load %arg4[%get3A_19, %get3A_20, %get3A_21] : memref<1x1x4096xi32, #tpu.memory_space<vmem>>, vector<1x1x512xi32>
    %get3A_23 = vector.shape_cast %get3A_22 : vector<1x1x512xi32> to vector<1x512xi32>
    %broadcast_in_dim3A_24 = vector.shape_cast %get3A_23 : vector<1x512xi32> to vector<1x512xi32>
    %broadcast_in_dim3A_25 = vector.broadcast %broadcast_in_dim3A_24 : vector<1x512xi32> to vector<8x512xi32>
    %sub3A_26 = arith.subi %broadcast_in_dim3A_25, %iota3A : vector<8x512xi32>
    %eq3A = arith.constant 0 : i32
    %eq3A_27 = vector.broadcast %eq3A : i32 to vector<8x512xi32>
    %eq3A_28 = arith.cmpi eq, %sub3A, %eq3A_27 : vector<8x512xi32>
    %convert_element_type3A = arith.extui %eq3A_28 : vector<8x512xi1> to vector<8x512xi32>
    %convert_element_type3A_29 = arith.sitofp %convert_element_type3A : vector<8x512xi32> to vector<8x512xf32>
    %eq3A_30 = arith.constant 8 : i32
    %eq3A_31 = vector.broadcast %eq3A_30 : i32 to vector<8x512xi32>
    %eq3A_32 = arith.cmpi eq, %sub3A, %eq3A_31 : vector<8x512xi32>
    %convert_element_type3A_33 = arith.extui %eq3A_32 : vector<8x512xi1> to vector<8x512xi32>
    %convert_element_type3A_34 = arith.sitofp %convert_element_type3A_33 : vector<8x512xi32> to vector<8x512xf32>
    %eq3A_35 = arith.constant 16 : i32
    %eq3A_36 = vector.broadcast %eq3A_35 : i32 to vector<8x512xi32>
    %eq3A_37 = arith.cmpi eq, %sub3A, %eq3A_36 : vector<8x512xi32>
    %convert_element_type3A_38 = arith.extui %eq3A_37 : vector<8x512xi1> to vector<8x512xi32>
    %convert_element_type3A_39 = arith.sitofp %convert_element_type3A_38 : vector<8x512xi32> to vector<8x512xf32>
    %eq3A_40 = arith.constant 24 : i32
    %eq3A_41 = vector.broadcast %eq3A_40 : i32 to vector<8x512xi32>
    %eq3A_42 = arith.cmpi eq, %sub3A, %eq3A_41 : vector<8x512xi32>
    %convert_element_type3A_43 = arith.extui %eq3A_42 : vector<8x512xi1> to vector<8x512xi32>
    %convert_element_type3A_44 = arith.sitofp %convert_element_type3A_43 : vector<8x512xi32> to vector<8x512xf32>
    %eq3A_45 = arith.constant 32 : i32
    %eq3A_46 = vector.broadcast %eq3A_45 : i32 to vector<8x512xi32>
    %eq3A_47 = arith.cmpi eq, %sub3A, %eq3A_46 : vector<8x512xi32>
    %convert_element_type3A_48 = arith.extui %eq3A_47 : vector<8x512xi1> to vector<8x512xi32>
    %convert_element_type3A_49 = arith.sitofp %convert_element_type3A_48 : vector<8x512xi32> to vector<8x512xf32>
    %eq3A_50 = arith.constant 40 : i32
    %eq3A_51 = vector.broadcast %eq3A_50 : i32 to vector<8x512xi32>
    %eq3A_52 = arith.cmpi eq, %sub3A, %eq3A_51 : vector<8x512xi32>
    %convert_element_type3A_53 = arith.extui %eq3A_52 : vector<8x512xi1> to vector<8x512xi32>
    %convert_element_type3A_54 = arith.sitofp %convert_element_type3A_53 : vector<8x512xi32> to vector<8x512xf32>
    %eq3A_55 = arith.constant 48 : i32
    %eq3A_56 = vector.broadcast %eq3A_55 : i32 to vector<8x512xi32>
    %eq3A_57 = arith.cmpi eq, %sub3A, %eq3A_56 : vector<8x512xi32>
    %convert_element_type3A_58 = arith.extui %eq3A_57 : vector<8x512xi1> to vector<8x512xi32>
    %convert_element_type3A_59 = arith.sitofp %convert_element_type3A_58 : vector<8x512xi32> to vector<8x512xf32>
    %eq3A_60 = arith.constant 56 : i32
    %eq3A_61 = vector.broadcast %eq3A_60 : i32 to vector<8x512xi32>
    %eq3A_62 = arith.cmpi eq, %sub3A, %eq3A_61 : vector<8x512xi32>
    %convert_element_type3A_63 = arith.extui %eq3A_62 : vector<8x512xi1> to vector<8x512xi32>
    %convert_element_type3A_64 = arith.sitofp %convert_element_type3A_63 : vector<8x512xi32> to vector<8x512xf32>
    %eq3A_65 = arith.constant 0 : i32
    %eq3A_66 = vector.broadcast %eq3A_65 : i32 to vector<8x512xi32>
    %eq3A_67 = arith.cmpi eq, %sub3A_26, %eq3A_66 : vector<8x512xi32>
    %convert_element_type3A_68 = arith.extui %eq3A_67 : vector<8x512xi1> to vector<8x512xi32>
    %convert_element_type3A_69 = arith.sitofp %convert_element_type3A_68 : vector<8x512xi32> to vector<8x512xf32>
    %eq3A_70 = arith.constant 8 : i32
    %eq3A_71 = vector.broadcast %eq3A_70 : i32 to vector<8x512xi32>
    %eq3A_72 = arith.cmpi eq, %sub3A_26, %eq3A_71 : vector<8x512xi32>
    %convert_element_type3A_73 = arith.extui %eq3A_72 : vector<8x512xi1> to vector<8x512xi32>
    %convert_element_type3A_74 = arith.sitofp %convert_element_type3A_73 : vector<8x512xi32> to vector<8x512xf32>
    %eq3A_75 = arith.constant 16 : i32
    %eq3A_76 = vector.broadcast %eq3A_75 : i32 to vector<8x512xi32>
    %eq3A_77 = arith.cmpi eq, %sub3A_26, %eq3A_76 : vector<8x512xi32>
    %convert_element_type3A_78 = arith.extui %eq3A_77 : vector<8x512xi1> to vector<8x512xi32>
    %convert_element_type3A_79 = arith.sitofp %convert_element_type3A_78 : vector<8x512xi32> to vector<8x512xf32>
    %eq3A_80 = arith.constant 24 : i32
    %eq3A_81 = vector.broadcast %eq3A_80 : i32 to vector<8x512xi32>
    %eq3A_82 = arith.cmpi eq, %sub3A_26, %eq3A_81 : vector<8x512xi32>
    %convert_element_type3A_83 = arith.extui %eq3A_82 : vector<8x512xi1> to vector<8x512xi32>
    %convert_element_type3A_84 = arith.sitofp %convert_element_type3A_83 : vector<8x512xi32> to vector<8x512xf32>
    %eq3A_85 = arith.constant 32 : i32
    %eq3A_86 = vector.broadcast %eq3A_85 : i32 to vector<8x512xi32>
    %eq3A_87 = arith.cmpi eq, %sub3A_26, %eq3A_86 : vector<8x512xi32>
    %convert_element_type3A_88 = arith.extui %eq3A_87 : vector<8x512xi1> to vector<8x512xi32>
    %convert_element_type3A_89 = arith.sitofp %convert_element_type3A_88 : vector<8x512xi32> to vector<8x512xf32>
    %eq3A_90 = arith.constant 40 : i32
    %eq3A_91 = vector.broadcast %eq3A_90 : i32 to vector<8x512xi32>
    %eq3A_92 = arith.cmpi eq, %sub3A_26, %eq3A_91 : vector<8x512xi32>
    %convert_element_type3A_93 = arith.extui %eq3A_92 : vector<8x512xi1> to vector<8x512xi32>
    %convert_element_type3A_94 = arith.sitofp %convert_element_type3A_93 : vector<8x512xi32> to vector<8x512xf32>
    %eq3A_95 = arith.constant 48 : i32
    %eq3A_96 = vector.broadcast %eq3A_95 : i32 to vector<8x512xi32>
    %eq3A_97 = arith.cmpi eq, %sub3A_26, %eq3A_96 : vector<8x512xi32>
    %convert_element_type3A_98 = arith.extui %eq3A_97 : vector<8x512xi1> to vector<8x512xi32>
    %convert_element_type3A_99 = arith.sitofp %convert_element_type3A_98 : vector<8x512xi32> to vector<8x512xf32>
    %eq3A_100 = arith.constant 56 : i32
    %eq3A_101 = vector.broadcast %eq3A_100 : i32 to vector<8x512xi32>
    %eq3A_102 = arith.cmpi eq, %sub3A_26, %eq3A_101 : vector<8x512xi32>
    %convert_element_type3A_103 = arith.extui %eq3A_102 : vector<8x512xi1> to vector<8x512xi32>
    %convert_element_type3A_104 = arith.sitofp %convert_element_type3A_103 : vector<8x512xi32> to vector<8x512xf32>
    %concatenate3A = tpu.concatenate %convert_element_type3A_29, %convert_element_type3A_34, %convert_element_type3A_39, %convert_element_type3A_44, %convert_element_type3A_49, %convert_element_type3A_54, %convert_element_type3A_59, %convert_element_type3A_64, %convert_element_type3A_69, %convert_element_type3A_74, %convert_element_type3A_79, %convert_element_type3A_84, %convert_element_type3A_89, %convert_element_type3A_94, %convert_element_type3A_99, %convert_element_type3A_104 in 0 : vector<8x512xf32>, vector<8x512xf32>, vector<8x512xf32>, vector<8x512xf32>, vector<8x512xf32>, vector<8x512xf32>, vector<8x512xf32>, vector<8x512xf32>, vector<8x512xf32>, vector<8x512xf32>, vector<8x512xf32>, vector<8x512xf32>, vector<8x512xf32>, vector<8x512xf32>, vector<8x512xf32>, vector<8x512xf32> -> vector<128x512xf32>
    %convert_element_type3A_105 = arith.truncf %concatenate3A : vector<128x512xf32> to vector<128x512xbf16>
    %get3A_106 = arith.constant 0 : index
    %get3A_107 = arith.constant 0 : index
    %get3A_108 = vector.load %arg9[%get3A_106, %get3A_107] : memref<128x256xbf16, #tpu.memory_space<vmem>>, vector<128x256xbf16>
    %dot_general3A_109 = arith.constant dense<0.000000e+00> : vector<512x256xf32>
    %dot_general3A_110 = tpu.matmul %convert_element_type3A_105, %get3A_108, %dot_general3A_109 {dimension_numbers = #tpu.dot_dimension_numbers<[0], [0], [1], [1], [0, 1, 1, 1], [], []>, transpose_lhs_hint = false} : vector<128x512xbf16>, vector<128x256xbf16>, vector<512x256xf32> -> vector<512x256xf32>
    %convert_element_type3A_111 = arith.truncf %dot_general3A_110 : vector<512x256xf32> to vector<512x256xbf16>
    %slice3A = vector.extract_strided_slice %convert_element_type3A_111 {offsets = [0, 0], sizes = [512, 128], strides = [1, 1]} : vector<512x256xbf16> to vector<512x128xbf16>
    %slice3A_112 = vector.extract_strided_slice %convert_element_type3A_111 {offsets = [0, 128], sizes = [512, 128], strides = [1, 1]} : vector<512x256xbf16> to vector<512x128xbf16>
    %mul3A = arith.mulf %slice3A, %slice3A_112 : vector<512x128xbf16>
    %slice3A_113 = vector.extract_strided_slice %mul3A {offsets = [0, 0], sizes = [512, 64], strides = [1, 1]} : vector<512x128xbf16> to vector<512x64xbf16>
    %slice3A_114 = vector.extract_strided_slice %mul3A {offsets = [0, 64], sizes = [512, 64], strides = [1, 1]} : vector<512x128xbf16> to vector<512x64xbf16>
    %add3A = arith.addf %slice3A_113, %slice3A_114 : vector<512x64xbf16>
    %convert_element_type3A_115 = arith.extf %add3A : vector<512x64xbf16> to vector<512x64xf32>
    %swap3A_116 = arith.constant 0 : index
    %swap3A_117 = arith.constant 0 : index
    %swap3A_118 = arith.constant 64 : index
    %swap3A_119 = vector.load %arg10[%swap3A_116, %swap3A_117, %swap3A_118] : memref<1x4096x128xf32, #tpu.memory_space<vmem>>, vector<1x512x64xf32>
    %swap3A_120 = vector.shape_cast %swap3A_119 : vector<1x512x64xf32> to vector<512x64xf32>
    %swap3A_121 = vector.shape_cast %convert_element_type3A_115 : vector<512x64xf32> to vector<1x512x64xf32>
    tpu.vector_store %arg10[%swap3A_116, %swap3A_117, %swap3A_118], %swap3A_121 {strides = array<i32>} : memref<1x4096x128xf32, #tpu.memory_space<vmem>>, vector<1x512x64xf32>,
    %get3A_122 = arith.constant 0 : index
    %get3A_123 = arith.constant 0 : index
    %get3A_124 = arith.constant 0 : index
    %get3A_125 = vector.load %arg7[%get3A_122, %get3A_123, %get3A_124] : memref<1x1x4096xi32, #tpu.memory_space<vmem>>, vector<1x1x512xi32>
    %get3A_126 = vector.shape_cast %get3A_125 : vector<1x1x512xi32> to vector<1x512xi32>
    %convert_element_type3A_127 = arith.sitofp %get3A_126 : vector<1x512xi32> to vector<1x512xf32>
    %broadcast_in_dim3A_128 = vector.shape_cast %convert_element_type3A_127 : vector<1x512xf32> to vector<1x512xf32>
    %broadcast_in_dim3A_129 = vector.broadcast %broadcast_in_dim3A_128 : vector<1x512xf32> to vector<8x512xf32>
    %get3A_130 = arith.constant 0 : index
    %get3A_131 = arith.constant 0 : index
    %get3A_132 = arith.constant 0 : index
    %get3A_133 = vector.load %arg6[%get3A_130, %get3A_131, %get3A_132] : memref<1x1x4096xi32, #tpu.memory_space<vmem>>, vector<1x1x512xi32>
    %get3A_134 = vector.shape_cast %get3A_133 : vector<1x1x512xi32> to vector<1x512xi32>
    %broadcast_in_dim3A_135 = vector.shape_cast %get3A_134 : vector<1x512xi32> to vector<1x512xi32>
    %broadcast_in_dim3A_136 = vector.broadcast %broadcast_in_dim3A_135 : vector<1x512xi32> to vector<8x512xi32>
    %sub3A_137 = arith.subi %broadcast_in_dim3A_136, %iota3A : vector<8x512xi32>
    %get3A_138 = arith.constant 0 : index
    %get3A_139 = arith.constant 0 : index
    %get3A_140 = arith.constant 0 : index
    %get3A_141 = vector.load %arg5[%get3A_138, %get3A_139, %get3A_140] : memref<1x1x4096xi32, #tpu.memory_space<vmem>>, vector<1x1x512xi32>
    %get3A_142 = vector.shape_cast %get3A_141 : vector<1x1x512xi32> to vector<1x512xi32>
    %jit3A = arith.constant 128 : i32
    %div3A = vector.broadcast %jit3A : i32 to vector<1x512xi32>
    %div3A_143 = arith.divsi %get3A_142, %div3A : vector<1x512xi32>
    %sign3A = arith.constant 0 : i32
    %sign3A_144 = vector.broadcast %sign3A : i32 to vector<1x512xi32>
    %sign3A_145 = arith.cmpi sgt, %get3A_142, %sign3A_144 : vector<1x512xi32>
    %sign3A_146 = arith.extui %sign3A_145 : vector<1x512xi1> to vector<1x512xi32>
    %sign3A_147 = arith.constant 0 : i32
    %sign3A_148 = vector.broadcast %sign3A_147 : i32 to vector<1x512xi32>
    %sign3A_149 = arith.cmpi slt, %get3A_142, %sign3A_148 : vector<1x512xi32>
    %sign3A_150 = arith.extui %sign3A_149 : vector<1x512xi1> to vector<1x512xi32>
    %sign3A_151 = arith.subi %sign3A_146, %sign3A_150 : vector<1x512xi32>
    %sign3A_152 = arith.constant 0 : i32
    %sign3A_153 = arith.cmpi sgt, %jit3A, %sign3A_152 : i32
    %sign3A_154 = arith.extui %sign3A_153 : i1 to i32
    %sign3A_155 = arith.constant 0 : i32
    %sign3A_156 = arith.cmpi slt, %jit3A, %sign3A_155 : i32
    %sign3A_157 = arith.extui %sign3A_156 : i1 to i32
    %sign3A_158 = arith.subi %sign3A_154, %sign3A_157 : i32
    %ne3A = vector.broadcast %sign3A_158 : i32 to vector<1x512xi32>
    %ne3A_159 = arith.cmpi ne, %sign3A_151, %ne3A : vector<1x512xi32>
    %rem3A = vector.broadcast %jit3A : i32 to vector<1x512xi32>
    %rem3A_160 = arith.remsi %get3A_142, %rem3A : vector<1x512xi32>
    %ne3A_161 = arith.constant 0 : i32
    %ne3A_162 = vector.broadcast %ne3A_161 : i32 to vector<1x512xi32>
    %ne3A_163 = arith.cmpi ne, %rem3A_160, %ne3A_162 : vector<1x512xi32>
    %and3A = arith.andi %ne3A_159, %ne3A_163 : vector<1x512xi1>
    %sub3A_164 = arith.constant 1 : i32
    %sub3A_165 = vector.broadcast %sub3A_164 : i32 to vector<1x512xi32>
    %sub3A_166 = arith.subi %div3A_143, %sub3A_165 : vector<1x512xi32>
    %select_n3A = arith.select %and3A, %sub3A_166, %div3A_143 : vector<1x512xi1>, vector<1x512xi32>
    %broadcast_in_dim3A_167 = vector.shape_cast %select_n3A : vector<1x512xi32> to vector<1x512xi32>
    %broadcast_in_dim3A_168 = vector.broadcast %broadcast_in_dim3A_167 : vector<1x512xi32> to vector<8x512xi32>
    %sub3A_169 = arith.subi %broadcast_in_dim3A_168, %iota3A : vector<8x512xi32>
    %eq3A_170 = arith.constant 0 : i32
    %eq3A_171 = vector.broadcast %eq3A_170 : i32 to vector<8x512xi32>
    %eq3A_172 = arith.cmpi eq, %sub3A_137, %eq3A_171 : vector<8x512xi32>
    %jit3A_173 = arith.constant 0.000000e+00 : f32
    %broadcast_in_dim3A_174 = vector.broadcast %jit3A_173 : f32 to vector<8x512xf32>
    %select_n3A_175 = arith.select %eq3A_172, %broadcast_in_dim3A_129, %broadcast_in_dim3A_174 : vector<8x512xi1>, vector<8x512xf32>
    %swap3A_176 = arith.constant 0 : index
    %swap3A_177 = arith.constant 0 : index
    %swap3A_178 = arith.constant 0 : index
    %swap3A_179 = vector.load %arg12[%swap3A_176, %swap3A_177, %swap3A_178] : memref<1x128x4096xf32, #tpu.memory_space<vmem>>, vector<1x8x512xf32>
    %swap3A_180 = vector.shape_cast %swap3A_179 : vector<1x8x512xf32> to vector<8x512xf32>
    %swap3A_181 = vector.shape_cast %select_n3A_175 : vector<8x512xf32> to vector<1x8x512xf32>
    tpu.vector_store %arg12[%swap3A_176, %swap3A_177, %swap3A_178], %swap3A_181 {strides = array<i32>} : memref<1x128x4096xf32, #tpu.memory_space<vmem>>, vector<1x8x512xf32>,
    %eq3A_182 = arith.constant 8 : i32
    %eq3A_183 = vector.broadcast %eq3A_182 : i32 to vector<8x512xi32>
    %eq3A_184 = arith.cmpi eq, %sub3A_137, %eq3A_183 : vector<8x512xi32>
    %jit3A_185 = arith.constant 0.000000e+00 : f32
    %broadcast_in_dim3A_186 = vector.broadcast %jit3A_185 : f32 to vector<8x512xf32>
    %select_n3A_187 = arith.select %eq3A_184, %broadcast_in_dim3A_129, %broadcast_in_dim3A_186 : vector<8x512xi1>, vector<8x512xf32>
    %swap3A_188 = arith.constant 0 : index
    %swap3A_189 = arith.constant 8 : index
    %swap3A_190 = arith.constant 0 : index
    %swap3A_191 = vector.load %arg12[%swap3A_188, %swap3A_189, %swap3A_190] : memref<1x128x4096xf32, #tpu.memory_space<vmem>>, vector<1x8x512xf32>
    %swap3A_192 = vector.shape_cast %swap3A_191 : vector<1x8x512xf32> to vector<8x512xf32>
    %swap3A_193 = vector.shape_cast %select_n3A_187 : vector<8x512xf32> to vector<1x8x512xf32>
    tpu.vector_store %arg12[%swap3A_188, %swap3A_189, %swap3A_190], %swap3A_193 {strides = array<i32>} : memref<1x128x4096xf32, #tpu.memory_space<vmem>>, vector<1x8x512xf32>,
    %eq3A_194 = arith.constant 16 : i32
    %eq3A_195 = vector.broadcast %eq3A_194 : i32 to vector<8x512xi32>
    %eq3A_196 = arith.cmpi eq, %sub3A_137, %eq3A_195 : vector<8x512xi32>
    %jit3A_197 = arith.constant 0.000000e+00 : f32
    %broadcast_in_dim3A_198 = vector.broadcast %jit3A_197 : f32 to vector<8x512xf32>
    %select_n3A_199 = arith.select %eq3A_196, %broadcast_in_dim3A_129, %broadcast_in_dim3A_198 : vector<8x512xi1>, vector<8x512xf32>
    %swap3A_200 = arith.constant 0 : index
    %swap3A_201 = arith.constant 16 : index
    %swap3A_202 = arith.constant 0 : index
    %swap3A_203 = vector.load %arg12[%swap3A_200, %swap3A_201, %swap3A_202] : memref<1x128x4096xf32, #tpu.memory_space<vmem>>, vector<1x8x512xf32>
    %swap3A_204 = vector.shape_cast %swap3A_203 : vector<1x8x512xf32> to vector<8x512xf32>
    %swap3A_205 = vector.shape_cast %select_n3A_199 : vector<8x512xf32> to vector<1x8x512xf32>
    tpu.vector_store %arg12[%swap3A_200, %swap3A_201, %swap3A_202], %swap3A_205 {strides = array<i32>} : memref<1x128x4096xf32, #tpu.memory_space<vmem>>, vector<1x8x512xf32>,
    %eq3A_206 = arith.constant 24 : i32
    %eq3A_207 = vector.broadcast %eq3A_206 : i32 to vector<8x512xi32>
    %eq3A_208 = arith.cmpi eq, %sub3A_137, %eq3A_207 : vector<8x512xi32>
    %jit3A_209 = arith.constant 0.000000e+00 : f32
    %broadcast_in_dim3A_210 = vector.broadcast %jit3A_209 : f32 to vector<8x512xf32>
    %select_n3A_211 = arith.select %eq3A_208, %broadcast_in_dim3A_129, %broadcast_in_dim3A_210 : vector<8x512xi1>, vector<8x512xf32>
    %swap3A_212 = arith.constant 0 : index
    %swap3A_213 = arith.constant 24 : index
    %swap3A_214 = arith.constant 0 : index
    %swap3A_215 = vector.load %arg12[%swap3A_212, %swap3A_213, %swap3A_214] : memref<1x128x4096xf32, #tpu.memory_space<vmem>>, vector<1x8x512xf32>
    %swap3A_216 = vector.shape_cast %swap3A_215 : vector<1x8x512xf32> to vector<8x512xf32>
    %swap3A_217 = vector.shape_cast %select_n3A_211 : vector<8x512xf32> to vector<1x8x512xf32>
    tpu.vector_store %arg12[%swap3A_212, %swap3A_213, %swap3A_214], %swap3A_217 {strides = array<i32>} : memref<1x128x4096xf32, #tpu.memory_space<vmem>>, vector<1x8x512xf32>,
    %eq3A_218 = arith.constant 32 : i32
    %eq3A_219 = vector.broadcast %eq3A_218 : i32 to vector<8x512xi32>
    %eq3A_220 = arith.cmpi eq, %sub3A_137, %eq3A_219 : vector<8x512xi32>
    %jit3A_221 = arith.constant 0.000000e+00 : f32
    %broadcast_in_dim3A_222 = vector.broadcast %jit3A_221 : f32 to vector<8x512xf32>
    %select_n3A_223 = arith.select %eq3A_220, %broadcast_in_dim3A_129, %broadcast_in_dim3A_222 : vector<8x512xi1>, vector<8x512xf32>
    %swap3A_224 = arith.constant 0 : index
    %swap3A_225 = arith.constant 32 : index
    %swap3A_226 = arith.constant 0 : index
    %swap3A_227 = vector.load %arg12[%swap3A_224, %swap3A_225, %swap3A_226] : memref<1x128x4096xf32, #tpu.memory_space<vmem>>, vector<1x8x512xf32>
    %swap3A_228 = vector.shape_cast %swap3A_227 : vector<1x8x512xf32> to vector<8x512xf32>
    %swap3A_229 = vector.shape_cast %select_n3A_223 : vector<8x512xf32> to vector<1x8x512xf32>
    tpu.vector_store %arg12[%swap3A_224, %swap3A_225, %swap3A_226], %swap3A_229 {strides = array<i32>} : memref<1x128x4096xf32, #tpu.memory_space<vmem>>, vector<1x8x512xf32>,
    %eq3A_230 = arith.constant 40 : i32
    %eq3A_231 = vector.broadcast %eq3A_230 : i32 to vector<8x512xi32>
    %eq3A_232 = arith.cmpi eq, %sub3A_137, %eq3A_231 : vector<8x512xi32>
    %jit3A_233 = arith.constant 0.000000e+00 : f32
    %broadcast_in_dim3A_234 = vector.broadcast %jit3A_233 : f32 to vector<8x512xf32>
    %select_n3A_235 = arith.select %eq3A_232, %broadcast_in_dim3A_129, %broadcast_in_dim3A_234 : vector<8x512xi1>, vector<8x512xf32>
    %swap3A_236 = arith.constant 0 : index
    %swap3A_237 = arith.constant 40 : index
    %swap3A_238 = arith.constant 0 : index
    %swap3A_239 = vector.load %arg12[%swap3A_236, %swap3A_237, %swap3A_238] : memref<1x128x4096xf32, #tpu.memory_space<vmem>>, vector<1x8x512xf32>
    %swap3A_240 = vector.shape_cast %swap3A_239 : vector<1x8x512xf32> to vector<8x512xf32>
    %swap3A_241 = vector.shape_cast %select_n3A_235 : vector<8x512xf32> to vector<1x8x512xf32>
    tpu.vector_store %arg12[%swap3A_236, %swap3A_237, %swap3A_238], %swap3A_241 {strides = array<i32>} : memref<1x128x4096xf32, #tpu.memory_space<vmem>>, vector<1x8x512xf32>,
    %eq3A_242 = arith.constant 48 : i32
    %eq3A_243 = vector.broadcast %eq3A_242 : i32 to vector<8x512xi32>
    %eq3A_244 = arith.cmpi eq, %sub3A_137, %eq3A_243 : vector<8x512xi32>
    %jit3A_245 = arith.constant 0.000000e+00 : f32
    %broadcast_in_dim3A_246 = vector.broadcast %jit3A_245 : f32 to vector<8x512xf32>
    %select_n3A_247 = arith.select %eq3A_244, %broadcast_in_dim3A_129, %broadcast_in_dim3A_246 : vector<8x512xi1>, vector<8x512xf32>
    %swap3A_248 = arith.constant 0 : index
    %swap3A_249 = arith.constant 48 : index
    %swap3A_250 = arith.constant 0 : index
    %swap3A_251 = vector.load %arg12[%swap3A_248, %swap3A_249, %swap3A_250] : memref<1x128x4096xf32, #tpu.memory_space<vmem>>, vector<1x8x512xf32>
    %swap3A_252 = vector.shape_cast %swap3A_251 : vector<1x8x512xf32> to vector<8x512xf32>
    %swap3A_253 = vector.shape_cast %select_n3A_247 : vector<8x512xf32> to vector<1x8x512xf32>
    tpu.vector_store %arg12[%swap3A_248, %swap3A_249, %swap3A_250], %swap3A_253 {strides = array<i32>} : memref<1x128x4096xf32, #tpu.memory_space<vmem>>, vector<1x8x512xf32>,
    %eq3A_254 = arith.constant 56 : i32
    %eq3A_255 = vector.broadcast %eq3A_254 : i32 to vector<8x512xi32>
    %eq3A_256 = arith.cmpi eq, %sub3A_137, %eq3A_255 : vector<8x512xi32>
    %jit3A_257 = arith.constant 0.000000e+00 : f32
    %broadcast_in_dim3A_258 = vector.broadcast %jit3A_257 : f32 to vector<8x512xf32>
    %select_n3A_259 = arith.select %eq3A_256, %broadcast_in_dim3A_129, %broadcast_in_dim3A_258 : vector<8x512xi1>, vector<8x512xf32>
    %swap3A_260 = arith.constant 0 : index
    %swap3A_261 = arith.constant 56 : index
    %swap3A_262 = arith.constant 0 : index
    %swap3A_263 = vector.load %arg12[%swap3A_260, %swap3A_261, %swap3A_262] : memref<1x128x4096xf32, #tpu.memory_space<vmem>>, vector<1x8x512xf32>
    %swap3A_264 = vector.shape_cast %swap3A_263 : vector<1x8x512xf32> to vector<8x512xf32>
    %swap3A_265 = vector.shape_cast %select_n3A_259 : vector<8x512xf32> to vector<1x8x512xf32>
    tpu.vector_store %arg12[%swap3A_260, %swap3A_261, %swap3A_262], %swap3A_265 {strides = array<i32>} : memref<1x128x4096xf32, #tpu.memory_space<vmem>>, vector<1x8x512xf32>,
    %eq3A_266 = arith.constant 64 : i32
    %eq3A_267 = vector.broadcast %eq3A_266 : i32 to vector<8x512xi32>
    %eq3A_268 = arith.cmpi eq, %sub3A_137, %eq3A_267 : vector<8x512xi32>
    %jit3A_269 = arith.constant 0.000000e+00 : f32
    %broadcast_in_dim3A_270 = vector.broadcast %jit3A_269 : f32 to vector<8x512xf32>
    %select_n3A_271 = arith.select %eq3A_268, %broadcast_in_dim3A_129, %broadcast_in_dim3A_270 : vector<8x512xi1>, vector<8x512xf32>
    %swap3A_272 = arith.constant 0 : index
    %swap3A_273 = arith.constant 64 : index
    %swap3A_274 = arith.constant 0 : index
    %swap3A_275 = vector.load %arg12[%swap3A_272, %swap3A_273, %swap3A_274] : memref<1x128x4096xf32, #tpu.memory_space<vmem>>, vector<1x8x512xf32>
    %swap3A_276 = vector.shape_cast %swap3A_275 : vector<1x8x512xf32> to vector<8x512xf32>
    %swap3A_277 = vector.shape_cast %select_n3A_271 : vector<8x512xf32> to vector<1x8x512xf32>
    tpu.vector_store %arg12[%swap3A_272, %swap3A_273, %swap3A_274], %swap3A_277 {strides = array<i32>} : memref<1x128x4096xf32, #tpu.memory_space<vmem>>, vector<1x8x512xf32>,
    %eq3A_278 = arith.constant 72 : i32
    %eq3A_279 = vector.broadcast %eq3A_278 : i32 to vector<8x512xi32>
    %eq3A_280 = arith.cmpi eq, %sub3A_137, %eq3A_279 : vector<8x512xi32>
    %jit3A_281 = arith.constant 0.000000e+00 : f32
    %broadcast_in_dim3A_282 = vector.broadcast %jit3A_281 : f32 to vector<8x512xf32>
    %select_n3A_283 = arith.select %eq3A_280, %broadcast_in_dim3A_129, %broadcast_in_dim3A_282 : vector<8x512xi1>, vector<8x512xf32>
    %swap3A_284 = arith.constant 0 : index
    %swap3A_285 = arith.constant 72 : index
    %swap3A_286 = arith.constant 0 : index
    %swap3A_287 = vector.load %arg12[%swap3A_284, %swap3A_285, %swap3A_286] : memref<1x128x4096xf32, #tpu.memory_space<vmem>>, vector<1x8x512xf32>
    %swap3A_288 = vector.shape_cast %swap3A_287 : vector<1x8x512xf32> to vector<8x512xf32>
    %swap3A_289 = vector.shape_cast %select_n3A_283 : vector<8x512xf32> to vector<1x8x512xf32>
    tpu.vector_store %arg12[%swap3A_284, %swap3A_285, %swap3A_286], %swap3A_289 {strides = array<i32>} : memref<1x128x4096xf32, #tpu.memory_space<vmem>>, vector<1x8x512xf32>,
    %eq3A_290 = arith.constant 80 : i32
    %eq3A_291 = vector.broadcast %eq3A_290 : i32 to vector<8x512xi32>
    %eq3A_292 = arith.cmpi eq, %sub3A_137, %eq3A_291 : vector<8x512xi32>
    %jit3A_293 = arith.constant 0.000000e+00 : f32
    %broadcast_in_dim3A_294 = vector.broadcast %jit3A_293 : f32 to vector<8x512xf32>
    %select_n3A_295 = arith.select %eq3A_292, %broadcast_in_dim3A_129, %broadcast_in_dim3A_294 : vector<8x512xi1>, vector<8x512xf32>
    %swap3A_296 = arith.constant 0 : index
    %swap3A_297 = arith.constant 80 : index
    %swap3A_298 = arith.constant 0 : index
    %swap3A_299 = vector.load %arg12[%swap3A_296, %swap3A_297, %swap3A_298] : memref<1x128x4096xf32, #tpu.memory_space<vmem>>, vector<1x8x512xf32>
    %swap3A_300 = vector.shape_cast %swap3A_299 : vector<1x8x512xf32> to vector<8x512xf32>
    %swap3A_301 = vector.shape_cast %select_n3A_295 : vector<8x512xf32> to vector<1x8x512xf32>
    tpu.vector_store %arg12[%swap3A_296, %swap3A_297, %swap3A_298], %swap3A_301 {strides = array<i32>} : memref<1x128x4096xf32, #tpu.memory_space<vmem>>, vector<1x8x512xf32>,
    %eq3A_302 = arith.constant 88 : i32
    %eq3A_303 = vector.broadcast %eq3A_302 : i32 to vector<8x512xi32>
    %eq3A_304 = arith.cmpi eq, %sub3A_137, %eq3A_303 : vector<8x512xi32>
    %jit3A_305 = arith.constant 0.000000e+00 : f32
    %broadcast_in_dim3A_306 = vector.broadcast %jit3A_305 : f32 to vector<8x512xf32>
    %select_n3A_307 = arith.select %eq3A_304, %broadcast_in_dim3A_129, %broadcast_in_dim3A_306 : vector<8x512xi1>, vector<8x512xf32>
    %swap3A_308 = arith.constant 0 : index
    %swap3A_309 = arith.constant 88 : index
    %swap3A_310 = arith.constant 0 : index
    %swap3A_311 = vector.load %arg12[%swap3A_308, %swap3A_309, %swap3A_310] : memref<1x128x4096xf32, #tpu.memory_space<vmem>>, vector<1x8x512xf32>
    %swap3A_312 = vector.shape_cast %swap3A_311 : vector<1x8x512xf32> to vector<8x512xf32>
    %swap3A_313 = vector.shape_cast %select_n3A_307 : vector<8x512xf32> to vector<1x8x512xf32>
    tpu.vector_store %arg12[%swap3A_308, %swap3A_309, %swap3A_310], %swap3A_313 {strides = array<i32>} : memref<1x128x4096xf32, #tpu.memory_space<vmem>>, vector<1x8x512xf32>,
    %eq3A_314 = arith.constant 96 : i32
    %eq3A_315 = vector.broadcast %eq3A_314 : i32 to vector<8x512xi32>
    %eq3A_316 = arith.cmpi eq, %sub3A_137, %eq3A_315 : vector<8x512xi32>
    %jit3A_317 = arith.constant 0.000000e+00 : f32
    %broadcast_in_dim3A_318 = vector.broadcast %jit3A_317 : f32 to vector<8x512xf32>
    %select_n3A_319 = arith.select %eq3A_316, %broadcast_in_dim3A_129, %broadcast_in_dim3A_318 : vector<8x512xi1>, vector<8x512xf32>
    %swap3A_320 = arith.constant 0 : index
    %swap3A_321 = arith.constant 96 : index
    %swap3A_322 = arith.constant 0 : index
    %swap3A_323 = vector.load %arg12[%swap3A_320, %swap3A_321, %swap3A_322] : memref<1x128x4096xf32, #tpu.memory_space<vmem>>, vector<1x8x512xf32>
    %swap3A_324 = vector.shape_cast %swap3A_323 : vector<1x8x512xf32> to vector<8x512xf32>
    %swap3A_325 = vector.shape_cast %select_n3A_319 : vector<8x512xf32> to vector<1x8x512xf32>
    tpu.vector_store %arg12[%swap3A_320, %swap3A_321, %swap3A_322], %swap3A_325 {strides = array<i32>} : memref<1x128x4096xf32, #tpu.memory_space<vmem>>, vector<1x8x512xf32>,
    %eq3A_326 = arith.constant 104 : i32
    %eq3A_327 = vector.broadcast %eq3A_326 : i32 to vector<8x512xi32>
    %eq3A_328 = arith.cmpi eq, %sub3A_137, %eq3A_327 : vector<8x512xi32>
    %jit3A_329 = arith.constant 0.000000e+00 : f32
    %broadcast_in_dim3A_330 = vector.broadcast %jit3A_329 : f32 to vector<8x512xf32>
    %select_n3A_331 = arith.select %eq3A_328, %broadcast_in_dim3A_129, %broadcast_in_dim3A_330 : vector<8x512xi1>, vector<8x512xf32>
    %swap3A_332 = arith.constant 0 : index
    %swap3A_333 = arith.constant 104 : index
    %swap3A_334 = arith.constant 0 : index
    %swap3A_335 = vector.load %arg12[%swap3A_332, %swap3A_333, %swap3A_334] : memref<1x128x4096xf32, #tpu.memory_space<vmem>>, vector<1x8x512xf32>
    %swap3A_336 = vector.shape_cast %swap3A_335 : vector<1x8x512xf32> to vector<8x512xf32>
    %swap3A_337 = vector.shape_cast %select_n3A_331 : vector<8x512xf32> to vector<1x8x512xf32>
    tpu.vector_store %arg12[%swap3A_332, %swap3A_333, %swap3A_334], %swap3A_337 {strides = array<i32>} : memref<1x128x4096xf32, #tpu.memory_space<vmem>>, vector<1x8x512xf32>,
    %eq3A_338 = arith.constant 112 : i32
    %eq3A_339 = vector.broadcast %eq3A_338 : i32 to vector<8x512xi32>
    %eq3A_340 = arith.cmpi eq, %sub3A_137, %eq3A_339 : vector<8x512xi32>
    %jit3A_341 = arith.constant 0.000000e+00 : f32
    %broadcast_in_dim3A_342 = vector.broadcast %jit3A_341 : f32 to vector<8x512xf32>
    %select_n3A_343 = arith.select %eq3A_340, %broadcast_in_dim3A_129, %broadcast_in_dim3A_342 : vector<8x512xi1>, vector<8x512xf32>
    %swap3A_344 = arith.constant 0 : index
    %swap3A_345 = arith.constant 112 : index
    %swap3A_346 = arith.constant 0 : index
    %swap3A_347 = vector.load %arg12[%swap3A_344, %swap3A_345, %swap3A_346] : memref<1x128x4096xf32, #tpu.memory_space<vmem>>, vector<1x8x512xf32>
    %swap3A_348 = vector.shape_cast %swap3A_347 : vector<1x8x512xf32> to vector<8x512xf32>
    %swap3A_349 = vector.shape_cast %select_n3A_343 : vector<8x512xf32> to vector<1x8x512xf32>
    tpu.vector_store %arg12[%swap3A_344, %swap3A_345, %swap3A_346], %swap3A_349 {strides = array<i32>} : memref<1x128x4096xf32, #tpu.memory_space<vmem>>, vector<1x8x512xf32>,
    %eq3A_350 = arith.constant 120 : i32
    %eq3A_351 = vector.broadcast %eq3A_350 : i32 to vector<8x512xi32>
    %eq3A_352 = arith.cmpi eq, %sub3A_137, %eq3A_351 : vector<8x512xi32>
    %jit3A_353 = arith.constant 0.000000e+00 : f32
    %broadcast_in_dim3A_354 = vector.broadcast %jit3A_353 : f32 to vector<8x512xf32>
    %select_n3A_355 = arith.select %eq3A_352, %broadcast_in_dim3A_129, %broadcast_in_dim3A_354 : vector<8x512xi1>, vector<8x512xf32>
    %swap3A_356 = arith.constant 0 : index
    %swap3A_357 = arith.constant 120 : index
    %swap3A_358 = arith.constant 0 : index
    %swap3A_359 = vector.load %arg12[%swap3A_356, %swap3A_357, %swap3A_358] : memref<1x128x4096xf32, #tpu.memory_space<vmem>>, vector<1x8x512xf32>
    %swap3A_360 = vector.shape_cast %swap3A_359 : vector<1x8x512xf32> to vector<8x512xf32>
    %swap3A_361 = vector.shape_cast %select_n3A_355 : vector<8x512xf32> to vector<1x8x512xf32>
    tpu.vector_store %arg12[%swap3A_356, %swap3A_357, %swap3A_358], %swap3A_361 {strides = array<i32>} : memref<1x128x4096xf32, #tpu.memory_space<vmem>>, vector<1x8x512xf32>,
    %eq3A_362 = arith.constant 0 : i32
    %eq3A_363 = vector.broadcast %eq3A_362 : i32 to vector<8x512xi32>
    %eq3A_364 = arith.cmpi eq, %sub3A_169, %eq3A_363 : vector<8x512xi32>
    %jit3A_365 = arith.constant 0.000000e+00 : f32
    %broadcast_in_dim3A_366 = vector.broadcast %jit3A_365 : f32 to vector<8x512xf32>
    %select_n3A_367 = arith.select %eq3A_364, %broadcast_in_dim3A_129, %broadcast_in_dim3A_366 : vector<8x512xi1>, vector<8x512xf32>
    %swap3A_368 = arith.constant 0 : index
    %swap3A_369 = arith.constant 0 : index
    %swap3A_370 = arith.constant 0 : index
    %swap3A_371 = vector.load %arg11[%swap3A_368, %swap3A_369, %swap3A_370] : memref<1x32x4096xf32, #tpu.memory_space<vmem>>, vector<1x8x512xf32>
    %swap3A_372 = vector.shape_cast %swap3A_371 : vector<1x8x512xf32> to vector<8x512xf32>
    %swap3A_373 = vector.shape_cast %select_n3A_367 : vector<8x512xf32> to vector<1x8x512xf32>
    tpu.vector_store %arg11[%swap3A_368, %swap3A_369, %swap3A_370], %swap3A_373 {strides = array<i32>} : memref<1x32x4096xf32, #tpu.memory_space<vmem>>, vector<1x8x512xf32>,
    %eq3A_374 = arith.constant 8 : i32
    %eq3A_375 = vector.broadcast %eq3A_374 : i32 to vector<8x512xi32>
    %eq3A_376 = arith.cmpi eq, %sub3A_169, %eq3A_375 : vector<8x512xi32>
    %jit3A_377 = arith.constant 0.000000e+00 : f32
    %broadcast_in_dim3A_378 = vector.broadcast %jit3A_377 : f32 to vector<8x512xf32>
    %select_n3A_379 = arith.select %eq3A_376, %broadcast_in_dim3A_129, %broadcast_in_dim3A_378 : vector<8x512xi1>, vector<8x512xf32>
    %swap3A_380 = arith.constant 0 : index
    %swap3A_381 = arith.constant 8 : index
    %swap3A_382 = arith.constant 0 : index
    %swap3A_383 = vector.load %arg11[%swap3A_380, %swap3A_381, %swap3A_382] : memref<1x32x4096xf32, #tpu.memory_space<vmem>>, vector<1x8x512xf32>
    %swap3A_384 = vector.shape_cast %swap3A_383 : vector<1x8x512xf32> to vector<8x512xf32>
    %swap3A_385 = vector.shape_cast %select_n3A_379 : vector<8x512xf32> to vector<1x8x512xf32>
    tpu.vector_store %arg11[%swap3A_380, %swap3A_381, %swap3A_382], %swap3A_385 {strides = array<i32>} : memref<1x32x4096xf32, #tpu.memory_space<vmem>>, vector<1x8x512xf32>,
    %eq3A_386 = arith.constant 16 : i32
    %eq3A_387 = vector.broadcast %eq3A_386 : i32 to vector<8x512xi32>
    %eq3A_388 = arith.cmpi eq, %sub3A_169, %eq3A_387 : vector<8x512xi32>
    %jit3A_389 = arith.constant 0.000000e+00 : f32
    %broadcast_in_dim3A_390 = vector.broadcast %jit3A_389 : f32 to vector<8x512xf32>
    %select_n3A_391 = arith.select %eq3A_388, %broadcast_in_dim3A_129, %broadcast_in_dim3A_390 : vector<8x512xi1>, vector<8x512xf32>
    %swap3A_392 = arith.constant 0 : index
    %swap3A_393 = arith.constant 16 : index
    %swap3A_394 = arith.constant 0 : index
    %swap3A_395 = vector.load %arg11[%swap3A_392, %swap3A_393, %swap3A_394] : memref<1x32x4096xf32, #tpu.memory_space<vmem>>, vector<1x8x512xf32>
    %swap3A_396 = vector.shape_cast %swap3A_395 : vector<1x8x512xf32> to vector<8x512xf32>
    %swap3A_397 = vector.shape_cast %select_n3A_391 : vector<8x512xf32> to vector<1x8x512xf32>
    tpu.vector_store %arg11[%swap3A_392, %swap3A_393, %swap3A_394], %swap3A_397 {strides = array<i32>} : memref<1x32x4096xf32, #tpu.memory_space<vmem>>, vector<1x8x512xf32>,
    %eq3A_398 = arith.constant 24 : i32
    %eq3A_399 = vector.broadcast %eq3A_398 : i32 to vector<8x512xi32>
    %eq3A_400 = arith.cmpi eq, %sub3A_169, %eq3A_399 : vector<8x512xi32>
    %jit3A_401 = arith.constant 0.000000e+00 : f32
    %broadcast_in_dim3A_402 = vector.broadcast %jit3A_401 : f32 to vector<8x512xf32>
    %select_n3A_403 = arith.select %eq3A_400, %broadcast_in_dim3A_129, %broadcast_in_dim3A_402 : vector<8x512xi1>, vector<8x512xf32>
    %swap3A_404 = arith.constant 0 : index
    %swap3A_405 = arith.constant 24 : index
    %swap3A_406 = arith.constant 0 : index
    %swap3A_407 = vector.load %arg11[%swap3A_404, %swap3A_405, %swap3A_406] : memref<1x32x4096xf32, #tpu.memory_space<vmem>>, vector<1x8x512xf32>
    %swap3A_408 = vector.shape_cast %swap3A_407 : vector<1x8x512xf32> to vector<8x512xf32>
    %swap3A_409 = vector.shape_cast %select_n3A_403 : vector<8x512xf32> to vector<1x8x512xf32>
    tpu.vector_store %arg11[%swap3A_404, %swap3A_405, %swap3A_406], %swap3A_409 {strides = array<i32>} : memref<1x32x4096xf32, #tpu.memory_space<vmem>>, vector<1x8x512xf32>,
    %get3A_410 = arith.constant 0 : index
    %get3A_411 = arith.constant 0 : index
    %get3A_412 = arith.constant 512 : index
    %get3A_413 = vector.load %arg2[%get3A_410, %get3A_411, %get3A_412] : memref<1x4x4096xbf16, #tpu.memory_space<vmem>>, vector<1x4x512xbf16>
    %get3A_414 = vector.shape_cast %get3A_413 : vector<1x4x512xbf16> to vector<4x512xbf16>
    %get3A_415 = arith.constant 0 : index
    %get3A_416 = arith.constant 0 : index
    %get3A_417 = vector.load %arg8[%get3A_415, %get3A_416] : memref<4x64xbf16, #tpu.memory_space<vmem>>, vector<4x64xbf16>
    %dot_general3A_418 = arith.constant dense<0.000000e+00> : vector<512x64xf32>
    %dot_general3A_419 = tpu.matmul %get3A_414, %get3A_417, %dot_general3A_418 {dimension_numbers = #tpu.dot_dimension_numbers<[0], [0], [1], [1], [0, 1, 1, 1], [], []>, transpose_lhs_hint = false} : vector<4x512xbf16>, vector<4x64xbf16>, vector<512x64xf32> -> vector<512x64xf32>
    %swap3A_420 = arith.constant 0 : index
    %swap3A_421 = arith.constant 512 : index
    %swap3A_422 = arith.constant 0 : index
    %swap3A_423 = vector.load %arg10[%swap3A_420, %swap3A_421, %swap3A_422] : memref<1x4096x128xf32, #tpu.memory_space<vmem>>, vector<1x512x64xf32>
    %swap3A_424 = vector.shape_cast %swap3A_423 : vector<1x512x64xf32> to vector<512x64xf32>
    %swap3A_425 = vector.shape_cast %dot_general3A_419 : vector<512x64xf32> to vector<1x512x64xf32>
    tpu.vector_store %arg10[%swap3A_420, %swap3A_421, %swap3A_422], %swap3A_425 {strides = array<i32>} : memref<1x4096x128xf32, #tpu.memory_space<vmem>>, vector<1x512x64xf32>,
    %get3A_426 = arith.constant 0 : index
    %get3A_427 = arith.constant 0 : index
    %get3A_428 = arith.constant 512 : index
    %get3A_429 = vector.load %arg3[%get3A_426, %get3A_427, %get3A_428] : memref<1x1x4096xi32, #tpu.memory_space<vmem>>, vector<1x1x512xi32>
    %get3A_430 = vector.shape_cast %get3A_429 : vector<1x1x512xi32> to vector<1x512xi32>
    %broadcast_in_dim3A_431 = vector.shape_cast %get3A_430 : vector<1x512xi32> to vector<1x512xi32>
    %broadcast_in_dim3A_432 = vector.broadcast %broadcast_in_dim3A_431 : vector<1x512xi32> to vector<8x512xi32>
    %sub3A_433 = arith.subi %broadcast_in_dim3A_432, %iota3A : vector<8x512xi32>
    %get3A_434 = arith.constant 0 : index
    %get3A_435 = arith.constant 0 : index
    %get3A_436 = arith.constant 512 : index
    %get3A_437 = vector.load %arg4[%get3A_434, %get3A_435, %get3A_436] : memref<1x1x4096xi32, #tpu.memory_space<vmem>>, vector<1x1x512xi32>
    %get3A_438 = vector.shape_cast %get3A_437 : vector<1x1x512xi32> to vector<1x512xi32>
    %broadcast_in_dim3A_439 = vector.shape_cast %get3A_438 : vector<1x512xi32> to vector<1x512xi32>
    %broadcast_in_dim3A_440 = vector.broadcast %broadcast_in_dim3A_439 : vector<1x512xi32> to vector<8x512xi32>
    %sub3A_441 = arith.subi %broadcast_in_dim3A_440, %iota3A : vector<8x512xi32>
    %eq3A_442 = arith.constant 0 : i32
    %eq3A_443 = vector.broadcast %eq3A_442 : i32 to vector<8x512xi32>
    %eq3A_444 = arith.cmpi eq, %sub3A_433, %eq3A_443 : vector<8x512xi32>
    %convert_element_type3A_445 = arith.extui %eq3A_444 : vector<8x512xi1> to vector<8x512xi32>
    %convert_element_type3A_446 = arith.sitofp %convert_element_type3A_445 : vector<8x512xi32> to vector<8x512xf32>
    %eq3A_447 = arith.constant 8 : i32
    %eq3A_448 = vector.broadcast %eq3A_447 : i32 to vector<8x512xi32>
    %eq3A_449 = arith.cmpi eq, %sub3A_433, %eq3A_448 : vector<8x512xi32>
    %convert_element_type3A_450 = arith.extui %eq3A_449 : vector<8x512xi1> to vector<8x512xi32>
    %convert_element_type3A_451 = arith.sitofp %convert_element_type3A_450 : vector<8x512xi32> to vector<8x512xf32>
    %eq3A_452 = arith.constant 16 : i32
    %eq3A_453 = vector.broadcast %eq3A_452 : i32 to vector<8x512xi32>
    %eq3A_454 = arith.cmpi eq, %sub3A_433, %eq3A_453 : vector<8x512xi32>
    %convert_element_type3A_455 = arith.extui %eq3A_454 : vector<8x512xi1> to vector<8x512xi32>
    %convert_element_type3A_456 = arith.sitofp %convert_element_type3A_455 : vector<8x512xi32> to vector<8x512xf32>
    %eq3A_457 = arith.constant 24 : i32
    %eq3A_458 = vector.broadcast %eq3A_457 : i32 to vector<8x512xi32>
    %eq3A_459 = arith.cmpi eq, %sub3A_433, %eq3A_458 : vector<8x512xi32>
    %convert_element_type3A_460 = arith.extui %eq3A_459 : vector<8x512xi1> to vector<8x512xi32>
    %convert_element_type3A_461 = arith.sitofp %convert_element_type3A_460 : vector<8x512xi32> to vector<8x512xf32>
    %eq3A_462 = arith.constant 32 : i32
    %eq3A_463 = vector.broadcast %eq3A_462 : i32 to vector<8x512xi32>
    %eq3A_464 = arith.cmpi eq, %sub3A_433, %eq3A_463 : vector<8x512xi32>
    %convert_element_type3A_465 = arith.extui %eq3A_464 : vector<8x512xi1> to vector<8x512xi32>
    %convert_element_type3A_466 = arith.sitofp %convert_element_type3A_465 : vector<8x512xi32> to vector<8x512xf32>
    %eq3A_467 = arith.constant 40 : i32
    %eq3A_468 = vector.broadcast %eq3A_467 : i32 to vector<8x512xi32>
    %eq3A_469 = arith.cmpi eq, %sub3A_433, %eq3A_468 : vector<8x512xi32>
    %convert_element_type3A_470 = arith.extui %eq3A_469 : vector<8x512xi1> to vector<8x512xi32>
    %convert_element_type3A_471 = arith.sitofp %convert_element_type3A_470 : vector<8x512xi32> to vector<8x512xf32>
    %eq3A_472 = arith.constant 48 : i32
    %eq3A_473 = vector.broadcast %eq3A_472 : i32 to vector<8x512xi32>
    %eq3A_474 = arith.cmpi eq, %sub3A_433, %eq3A_473 : vector<8x512xi32>
    %convert_element_type3A_475 = arith.extui %eq3A_474 : vector<8x512xi1> to vector<8x512xi32>
    %convert_element_type3A_476 = arith.sitofp %convert_element_type3A_475 : vector<8x512xi32> to vector<8x512xf32>
    %eq3A_477 = arith.constant 56 : i32
    %eq3A_478 = vector.broadcast %eq3A_477 : i32 to vector<8x512xi32>
    %eq3A_479 = arith.cmpi eq, %sub3A_433, %eq3A_478 : vector<8x512xi32>
    %convert_element_type3A_480 = arith.extui %eq3A_479 : vector<8x512xi1> to vector<8x512xi32>
    %convert_element_type3A_481 = arith.sitofp %convert_element_type3A_480 : vector<8x512xi32> to vector<8x512xf32>
    %eq3A_482 = arith.constant 0 : i32
    %eq3A_483 = vector.broadcast %eq3A_482 : i32 to vector<8x512xi32>
    %eq3A_484 = arith.cmpi eq, %sub3A_441, %eq3A_483 : vector<8x512xi32>
    %convert_element_type3A_485 = arith.extui %eq3A_484 : vector<8x512xi1> to vector<8x512xi32>
    %convert_element_type3A_486 = arith.sitofp %convert_element_type3A_485 : vector<8x512xi32> to vector<8x512xf32>
    %eq3A_487 = arith.constant 8 : i32
    %eq3A_488 = vector.broadcast %eq3A_487 : i32 to vector<8x512xi32>
    %eq3A_489 = arith.cmpi eq, %sub3A_441, %eq3A_488 : vector<8x512xi32>
    %convert_element_type3A_490 = arith.extui %eq3A_489 : vector<8x512xi1> to vector<8x512xi32>
    %convert_element_type3A_491 = arith.sitofp %convert_element_type3A_490 : vector<8x512xi32> to vector<8x512xf32>
    %eq3A_492 = arith.constant 16 : i32
    %eq3A_493 = vector.broadcast %eq3A_492 : i32 to vector<8x512xi32>
    %eq3A_494 = arith.cmpi eq, %sub3A_441, %eq3A_493 : vector<8x512xi32>
    %convert_element_type3A_495 = arith.extui %eq3A_494 : vector<8x512xi1> to vector<8x512xi32>
    %convert_element_type3A_496 = arith.sitofp %convert_element_type3A_495 : vector<8x512xi32> to vector<8x512xf32>
    %eq3A_497 = arith.constant 24 : i32
    %eq3A_498 = vector.broadcast %eq3A_497 : i32 to vector<8x512xi32>
    %eq3A_499 = arith.cmpi eq, %sub3A_441, %eq3A_498 : vector<8x512xi32>
    %convert_element_type3A_500 = arith.extui %eq3A_499 : vector<8x512xi1> to vector<8x512xi32>
    %convert_element_type3A_501 = arith.sitofp %convert_element_type3A_500 : vector<8x512xi32> to vector<8x512xf32>
    %eq3A_502 = arith.constant 32 : i32
    %eq3A_503 = vector.broadcast %eq3A_502 : i32 to vector<8x512xi32>
    %eq3A_504 = arith.cmpi eq, %sub3A_441, %eq3A_503 : vector<8x512xi32>
    %convert_element_type3A_505 = arith.extui %eq3A_504 : vector<8x512xi1> to vector<8x512xi32>
    %convert_element_type3A_506 = arith.sitofp %convert_element_type3A_505 : vector<8x512xi32> to vector<8x512xf32>
    %eq3A_507 = arith.constant 40 : i32
    %eq3A_508 = vector.broadcast %eq3A_507 : i32 to vector<8x512xi32>
    %eq3A_509 = arith.cmpi eq, %sub3A_441, %eq3A_508 : vector<8x512xi32>
    %convert_element_type3A_510 = arith.extui %eq3A_509 : vector<8x512xi1> to vector<8x512xi32>
    %convert_element_type3A_511 = arith.sitofp %convert_element_type3A_510 : vector<8x512xi32> to vector<8x512xf32>
    %eq3A_512 = arith.constant 48 : i32
    %eq3A_513 = vector.broadcast %eq3A_512 : i32 to vector<8x512xi32>
    %eq3A_514 = arith.cmpi eq, %sub3A_441, %eq3A_513 : vector<8x512xi32>
    %convert_element_type3A_515 = arith.extui %eq3A_514 : vector<8x512xi1> to vector<8x512xi32>
    %convert_element_type3A_516 = arith.sitofp %convert_element_type3A_515 : vector<8x512xi32> to vector<8x512xf32>
    %eq3A_517 = arith.constant 56 : i32
    %eq3A_518 = vector.broadcast %eq3A_517 : i32 to vector<8x512xi32>
    %eq3A_519 = arith.cmpi eq, %sub3A_441, %eq3A_518 : vector<8x512xi32>
    %convert_element_type3A_520 = arith.extui %eq3A_519 : vector<8x512xi1> to vector<8x512xi32>
    %convert_element_type3A_521 = arith.sitofp %convert_element_type3A_520 : vector<8x512xi32> to vector<8x512xf32>
    %concatenate3A_522 = tpu.concatenate %convert_element_type3A_446, %convert_element_type3A_451, %convert_element_type3A_456, %convert_element_type3A_461, %convert_element_type3A_466, %convert_element_type3A_471, %convert_element_type3A_476, %convert_element_type3A_481, %convert_element_type3A_486, %convert_element_type3A_491, %convert_element_type3A_496, %convert_element_type3A_501, %convert_element_type3A_506, %convert_element_type3A_511, %convert_element_type3A_516, %convert_element_type3A_521 in 0 : vector<8x512xf32>, vector<8x512xf32>, vector<8x512xf32>, vector<8x512xf32>, vector<8x512xf32>, vector<8x512xf32>, vector<8x512xf32>, vector<8x512xf32>, vector<8x512xf32>, vector<8x512xf32>, vector<8x512xf32>, vector<8x512xf32>, vector<8x512xf32>, vector<8x512xf32>, vector<8x512xf32>, vector<8x512xf32> -> vector<128x512xf32>
    %convert_element_type3A_523 = arith.truncf %concatenate3A_522 : vector<128x512xf32> to vector<128x512xbf16>
    %get3A_524 = arith.constant 0 : index
    %get3A_525 = arith.constant 0 : index
    %get3A_526 = vector.load %arg9[%get3A_524, %get3A_525] : memref<128x256xbf16, #tpu.memory_space<vmem>>, vector<128x256xbf16>
    %dot_general3A_527 = arith.constant dense<0.000000e+00> : vector<512x256xf32>
    %dot_general3A_528 = tpu.matmul %convert_element_type3A_523, %get3A_526, %dot_general3A_527 {dimension_numbers = #tpu.dot_dimension_numbers<[0], [0], [1], [1], [0, 1, 1, 1], [], []>, transpose_lhs_hint = false} : vector<128x512xbf16>, vector<128x256xbf16>, vector<512x256xf32> -> vector<512x256xf32>
    %convert_element_type3A_529 = arith.truncf %dot_general3A_528 : vector<512x256xf32> to vector<512x256xbf16>
    %slice3A_530 = vector.extract_strided_slice %convert_element_type3A_529 {offsets = [0, 0], sizes = [512, 128], strides = [1, 1]} : vector<512x256xbf16> to vector<512x128xbf16>
    %slice3A_531 = vector.extract_strided_slice %convert_element_type3A_529 {offsets = [0, 128], sizes = [512, 128], strides = [1, 1]} : vector<512x256xbf16> to vector<512x128xbf16>
    %mul3A_532 = arith.mulf %slice3A_530, %slice3A_531 : vector<512x128xbf16>
    %slice3A_533 = vector.extract_strided_slice %mul3A_532 {offsets = [0, 0], sizes = [512, 64], strides = [1, 1]} : vector<512x128xbf16> to vector<512x64xbf16>
    %slice3A_534 = vector.extract_strided_slice %mul3A_532 {offsets = [0, 64], sizes = [512, 64], strides = [1, 1]} : vector<512x128xbf16> to vector<512x64xbf16>
    %add3A_535 = arith.addf %slice3A_533, %slice3A_534 : vector<512x64xbf16>
    %convert_element_type3A_536 = arith.extf %add3A_535 : vector<512x64xbf16> to vector<512x64xf32>
    %swap3A_537 = arith.constant 0 : index
    %swap3A_538 = arith.constant 512 : index
    %swap3A_539 = arith.constant 64 : index
    %swap3A_540 = vector.load %arg10[%swap3A_537, %swap3A_538, %swap3A_539] : memref<1x4096x128xf32, #tpu.memory_space<vmem>>, vector<1x512x64xf32>
    %swap3A_541 = vector.shape_cast %swap3A_540 : vector<1x512x64xf32> to vector<512x64xf32>
    %swap3A_542 = vector.shape_cast %convert_element_type3A_536 : vector<512x64xf32> to vector<1x512x64xf32>
    tpu.vector_store %arg10[%swap3A_537, %swap3A_538, %swap3A_539], %swap3A_542 {strides = array<i32>} : memref<1x4096x128xf32, #tpu.memory_space<vmem>>, vector<1x512x64xf32>,
    %get3A_543 = arith.constant 0 : index
    %get3A_544 = arith.constant 0 : index
    %get3A_545 = arith.constant 512 : index
    %get3A_546 = vector.load %arg7[%get3A_543, %get3A_544, %get3A_545] : memref<1x1x4096xi32, #tpu.memory_space<vmem>>, vector<1x1x512xi32>
    %get3A_547 = vector.shape_cast %get3A_546 : vector<1x1x512xi32> to vector<1x512xi32>
    %convert_element_type3A_548 = arith.sitofp %get3A_547 : vector<1x512xi32> to vector<1x512xf32>
    %broadcast_in_dim3A_549 = vector.shape_cast %convert_element_type3A_548 : vector<1x512xf32> to vector<1x512xf32>
    %broadcast_in_dim3A_550 = vector.broadcast %broadcast_in_dim3A_549 : vector<1x512xf32> to vector<8x512xf32>
    %get3A_551 = arith.constant 0 : index
    %get3A_552 = arith.constant 0 : index
    %get3A_553 = arith.constant 512 : index
    %get3A_554 = vector.load %arg6[%get3A_551, %get3A_552, %get3A_553] : memref<1x1x4096xi32, #tpu.memory_space<vmem>>, vector<1x1x512xi32>
    %get3A_555 = vector.shape_cast %get3A_554 : vector<1x1x512xi32> to vector<1x512xi32>
    %broadcast_in_dim3A_556 = vector.shape_cast %get3A_555 : vector<1x512xi32> to vector<1x512xi32>
    %broadcast_in_dim3A_557 = vector.broadcast %broadcast_in_dim3A_556 : vector<1x512xi32> to vector<8x512xi32>
    %sub3A_558 = arith.subi %broadcast_in_dim3A_557, %iota3A : vector<8x512xi32>
    %get3A_559 = arith.constant 0 : index
    %get3A_560 = arith.constant 0 : index
    %get3A_561 = arith.constant 512 : index
    %get3A_562 = vector.load %arg5[%get3A_559, %get3A_560, %get3A_561] : memref<1x1x4096xi32, #tpu.memory_space<vmem>>, vector<1x1x512xi32>
    %get3A_563 = vector.shape_cast %get3A_562 : vector<1x1x512xi32> to vector<1x512xi32>
    %jit3A_564 = arith.constant 128 : i32
    %div3A_565 = vector.broadcast %jit3A_564 : i32 to vector<1x512xi32>
    %div3A_566 = arith.divsi %get3A_563, %div3A_565 : vector<1x512xi32>
    %sign3A_567 = arith.constant 0 : i32
    %sign3A_568 = vector.broadcast %sign3A_567 : i32 to vector<1x512xi32>
    %sign3A_569 = arith.cmpi sgt, %get3A_563, %sign3A_568 : vector<1x512xi32>
    %sign3A_570 = arith.extui %sign3A_569 : vector<1x512xi1> to vector<1x512xi32>
    %sign3A_571 = arith.constant 0 : i32
    %sign3A_572 = vector.broadcast %sign3A_571 : i32 to vector<1x512xi32>
    %sign3A_573 = arith.cmpi slt, %get3A_563, %sign3A_572 : vector<1x512xi32>
    %sign3A_574 = arith.extui %sign3A_573 : vector<1x512xi1> to vector<1x512xi32>
    %sign3A_575 = arith.subi %sign3A_570, %sign3A_574 : vector<1x512xi32>
    %sign3A_576 = arith.constant 0 : i32
    %sign3A_577 = arith.cmpi sgt, %jit3A_564, %sign3A_576 : i32
    %sign3A_578 = arith.extui %sign3A_577 : i1 to i32
    %sign3A_579 = arith.constant 0 : i32
    %sign3A_580 = arith.cmpi slt, %jit3A_564, %sign3A_579 : i32
    %sign3A_581 = arith.extui %sign3A_580 : i1 to i32
    %sign3A_582 = arith.subi %sign3A_578, %sign3A_581 : i32
    %ne3A_583 = vector.broadcast %sign3A_582 : i32 to vector<1x512xi32>
    %ne3A_584 = arith.cmpi ne, %sign3A_575, %ne3A_583 : vector<1x512xi32>
    %rem3A_585 = vector.broadcast %jit3A_564 : i32 to vector<1x512xi32>
    %rem3A_586 = arith.remsi %get3A_563, %rem3A_585 : vector<1x512xi32>
    %ne3A_587 = arith.constant 0 : i32
    %ne3A_588 = vector.broadcast %ne3A_587 : i32 to vector<1x512xi32>
    %ne3A_589 = arith.cmpi ne, %rem3A_586, %ne3A_588 : vector<1x512xi32>
    %and3A_590 = arith.andi %ne3A_584, %ne3A_589 : vector<1x512xi1>
    %sub3A_591 = arith.constant 1 : i32
    %sub3A_592 = vector.broadcast %sub3A_591 : i32 to vector<1x512xi32>
    %sub3A_593 = arith.subi %div3A_566, %sub3A_592 : vector<1x512xi32>
    %select_n3A_594 = arith.select %and3A_590, %sub3A_593, %div3A_566 : vector<1x512xi1>, vector<1x512xi32>
    %broadcast_in_dim3A_595 = vector.shape_cast %select_n3A_594 : vector<1x512xi32> to vector<1x512xi32>
    %broadcast_in_dim3A_596 = vector.broadcast %broadcast_in_dim3A_595 : vector<1x512xi32> to vector<8x512xi32>
    %sub3A_597 = arith.subi %broadcast_in_dim3A_596, %iota3A : vector<8x512xi32>
    %eq3A_598 = arith.constant 0 : i32
    %eq3A_599 = vector.broadcast %eq3A_598 : i32 to vector<8x512xi32>
    %eq3A_600 = arith.cmpi eq, %sub3A_558, %eq3A_599 : vector<8x512xi32>
    %jit3A_601 = arith.constant 0.000000e+00 : f32
    %broadcast_in_dim3A_602 = vector.broadcast %jit3A_601 : f32 to vector<8x512xf32>
    %select_n3A_603 = arith.select %eq3A_600, %broadcast_in_dim3A_550, %broadcast_in_dim3A_602 : vector<8x512xi1>, vector<8x512xf32>
    %swap3A_604 = arith.constant 0 : index
    %swap3A_605 = arith.constant 0 : index
    %swap3A_606 = arith.constant 512 : index
    %swap3A_607 = vector.load %arg12[%swap3A_604, %swap3A_605, %swap3A_606] : memref<1x128x4096xf32, #tpu.memory_space<vmem>>, vector<1x8x512xf32>
    %swap3A_608 = vector.shape_cast %swap3A_607 : vector<1x8x512xf32> to vector<8x512xf32>
    %swap3A_609 = vector.shape_cast %select_n3A_603 : vector<8x512xf32> to vector<1x8x512xf32>
    tpu.vector_store %arg12[%swap3A_604, %swap3A_605, %swap3A_606], %swap3A_609 {strides = array<i32>} : memref<1x128x4096xf32, #tpu.memory_space<vmem>>, vector<1x8x512xf32>,
    %eq3A_610 = arith.constant 8 : i32
    %eq3A_611 = vector.broadcast %eq3A_610 : i32 to vector<8x512xi32>
    %eq3A_612 = arith.cmpi eq, %sub3A_558, %eq3A_611 : vector<8x512xi32>
    %jit3A_613 = arith.constant 0.000000e+00 : f32
    %broadcast_in_dim3A_614 = vector.broadcast %jit3A_613 : f32 to vector<8x512xf32>
    %select_n3A_615 = arith.select %eq3A_612, %broadcast_in_dim3A_550, %broadcast_in_dim3A_614 : vector<8x512xi1>, vector<8x512xf32>
    %swap3A_616 = arith.constant 0 : index
    %swap3A_617 = arith.constant 8 : index
    %swap3A_618 = arith.constant 512 : index
    %swap3A_619 = vector.load %arg12[%swap3A_616, %swap3A_617, %swap3A_618] : memref<1x128x4096xf32, #tpu.memory_space<vmem>>, vector<1x8x512xf32>
    %swap3A_620 = vector.shape_cast %swap3A_619 : vector<1x8x512xf32> to vector<8x512xf32>
    %swap3A_621 = vector.shape_cast %select_n3A_615 : vector<8x512xf32> to vector<1x8x512xf32>
    tpu.vector_store %arg12[%swap3A_616, %swap3A_617, %swap3A_618], %swap3A_621 {strides = array<i32>} : memref<1x128x4096xf32, #tpu.memory_space<vmem>>, vector<1x8x512xf32>,
    %eq3A_622 = arith.constant 16 : i32
    %eq3A_623 = vector.broadcast %eq3A_622 : i32 to vector<8x512xi32>
    %eq3A_624 = arith.cmpi eq, %sub3A_558, %eq3A_623 : vector<8x512xi32>
    %jit3A_625 = arith.constant 0.000000e+00 : f32
    %broadcast_in_dim3A_626 = vector.broadcast %jit3A_625 : f32 to vector<8x512xf32>
    %select_n3A_627 = arith.select %eq3A_624, %broadcast_in_dim3A_550, %broadcast_in_dim3A_626 : vector<8x512xi1>, vector<8x512xf32>
    %swap3A_628 = arith.constant 0 : index
    %swap3A_629 = arith.constant 16 : index
    %swap3A_630 = arith.constant 512 : index
    %swap3A_631 = vector.load %arg12[%swap3A_628, %swap3A_629, %swap3A_630] : memref<1x128x4096xf32, #tpu.memory_space<vmem>>, vector<1x8x512xf32>
    %swap3A_632 = vector.shape_cast %swap3A_631 : vector<1x8x512xf32> to vector<8x512xf32>
    %swap3A_633 = vector.shape_cast %select_n3A_627 : vector<8x512xf32> to vector<1x8x512xf32>
    tpu.vector_store %arg12[%swap3A_628, %swap3A_629, %swap3A_630], %swap3A_633 {strides = array<i32>} : memref<1x128x4096xf32, #tpu.memory_space<vmem>>, vector<1x8x512xf32>,
    %eq3A_634 = arith.constant 24 : i32
    %eq3A_635 = vector.broadcast %eq3A_634 : i32 to vector<8x512xi32>
    %eq3A_636 = arith.cmpi eq, %sub3A_558, %eq3A_635 : vector<8x512xi32>
    %jit3A_637 = arith.constant 0.000000e+00 : f32
    %broadcast_in_dim3A_638 = vector.broadcast %jit3A_637 : f32 to vector<8x512xf32>
    %select_n3A_639 = arith.select %eq3A_636, %broadcast_in_dim3A_550, %broadcast_in_dim3A_638 : vector<8x512xi1>, vector<8x512xf32>
    %swap3A_640 = arith.constant 0 : index
    %swap3A_641 = arith.constant 24 : index
    %swap3A_642 = arith.constant 512 : index
    %swap3A_643 = vector.load %arg12[%swap3A_640, %swap3A_641, %swap3A_642] : memref<1x128x4096xf32, #tpu.memory_space<vmem>>, vector<1x8x512xf32>
    %swap3A_644 = vector.shape_cast %swap3A_643 : vector<1x8x512xf32> to vector<8x512xf32>
    %swap3A_645 = vector.shape_cast %select_n3A_639 : vector<8x512xf32> to vector<1x8x512xf32>
    tpu.vector_store %arg12[%swap3A_640, %swap3A_641, %swap3A_642], %swap3A_645 {strides = array<i32>} : memref<1x128x4096xf32, #tpu.memory_space<vmem>>, vector<1x8x512xf32>,
    %eq3A_646 = arith.constant 32 : i32
    %eq3A_647 = vector.broadcast %eq3A_646 : i32 to vector<8x512xi32>
    %eq3A_648 = arith.cmpi eq, %sub3A_558, %eq3A_647 : vector<8x512xi32>
    %jit3A_649 = arith.constant 0.000000e+00 : f32
    %broadcast_in_dim3A_650 = vector.broadcast %jit3A_649 : f32 to vector<8x512xf32>
    %select_n3A_651 = arith.select %eq3A_648, %broadcast_in_dim3A_550, %broadcast_in_dim3A_650 : vector<8x512xi1>, vector<8x512xf32>
    %swap3A_652 = arith.constant 0 : index
    %swap3A_653 = arith.constant 32 : index
    %swap3A_654 = arith.constant 512 : index
    %swap3A_655 = vector.load %arg12[%swap3A_652, %swap3A_653, %swap3A_654] : memref<1x128x4096xf32, #tpu.memory_space<vmem>>, vector<1x8x512xf32>
    %swap3A_656 = vector.shape_cast %swap3A_655 : vector<1x8x512xf32> to vector<8x512xf32>
    %swap3A_657 = vector.shape_cast %select_n3A_651 : vector<8x512xf32> to vector<1x8x512xf32>
    tpu.vector_store %arg12[%swap3A_652, %swap3A_653, %swap3A_654], %swap3A_657 {strides = array<i32>} : memref<1x128x4096xf32, #tpu.memory_space<vmem>>, vector<1x8x512xf32>,
    %eq3A_658 = arith.constant 40 : i32
    %eq3A_659 = vector.broadcast %eq3A_658 : i32 to vector<8x512xi32>
    %eq3A_660 = arith.cmpi eq, %sub3A_558, %eq3A_659 : vector<8x512xi32>
    %jit3A_661 = arith.constant 0.000000e+00 : f32
    %broadcast_in_dim3A_662 = vector.broadcast %jit3A_661 : f32 to vector<8x512xf32>
    %select_n3A_663 = arith.select %eq3A_660, %broadcast_in_dim3A_550, %broadcast_in_dim3A_662 : vector<8x512xi1>, vector<8x512xf32>
    %swap3A_664 = arith.constant 0 : index
    %swap3A_665 = arith.constant 40 : index
    %swap3A_666 = arith.constant 512 : index
    %swap3A_667 = vector.load %arg12[%swap3A_664, %swap3A_665, %swap3A_666] : memref<1x128x4096xf32, #tpu.memory_space<vmem>>, vector<1x8x512xf32>
    %swap3A_668 = vector.shape_cast %swap3A_667 : vector<1x8x512xf32> to vector<8x512xf32>
    %swap3A_669 = vector.shape_cast %select_n3A_663 : vector<8x512xf32> to vector<1x8x512xf32>
    tpu.vector_store %arg12[%swap3A_664, %swap3A_665, %swap3A_666], %swap3A_669 {strides = array<i32>} : memref<1x128x4096xf32, #tpu.memory_space<vmem>>, vector<1x8x512xf32>,
    %eq3A_670 = arith.constant 48 : i32
    %eq3A_671 = vector.broadcast %eq3A_670 : i32 to vector<8x512xi32>
    %eq3A_672 = arith.cmpi eq, %sub3A_558, %eq3A_671 : vector<8x512xi32>
    %jit3A_673 = arith.constant 0.000000e+00 : f32
    %broadcast_in_dim3A_674 = vector.broadcast %jit3A_673 : f32 to vector<8x512xf32>
    %select_n3A_675 = arith.select %eq3A_672, %broadcast_in_dim3A_550, %broadcast_in_dim3A_674 : vector<8x512xi1>, vector<8x512xf32>
    %swap3A_676 = arith.constant 0 : index
    %swap3A_677 = arith.constant 48 : index
    %swap3A_678 = arith.constant 512 : index
    %swap3A_679 = vector.load %arg12[%swap3A_676, %swap3A_677, %swap3A_678] : memref<1x128x4096xf32, #tpu.memory_space<vmem>>, vector<1x8x512xf32>
    %swap3A_680 = vector.shape_cast %swap3A_679 : vector<1x8x512xf32> to vector<8x512xf32>
    %swap3A_681 = vector.shape_cast %select_n3A_675 : vector<8x512xf32> to vector<1x8x512xf32>
    tpu.vector_store %arg12[%swap3A_676, %swap3A_677, %swap3A_678], %swap3A_681 {strides = array<i32>} : memref<1x128x4096xf32, #tpu.memory_space<vmem>>, vector<1x8x512xf32>,
    %eq3A_682 = arith.constant 56 : i32
    %eq3A_683 = vector.broadcast %eq3A_682 : i32 to vector<8x512xi32>
    %eq3A_684 = arith.cmpi eq, %sub3A_558, %eq3A_683 : vector<8x512xi32>
    %jit3A_685 = arith.constant 0.000000e+00 : f32
    %broadcast_in_dim3A_686 = vector.broadcast %jit3A_685 : f32 to vector<8x512xf32>
    %select_n3A_687 = arith.select %eq3A_684, %broadcast_in_dim3A_550, %broadcast_in_dim3A_686 : vector<8x512xi1>, vector<8x512xf32>
    %swap3A_688 = arith.constant 0 : index
    %swap3A_689 = arith.constant 56 : index
    %swap3A_690 = arith.constant 512 : index
    %swap3A_691 = vector.load %arg12[%swap3A_688, %swap3A_689, %swap3A_690] : memref<1x128x4096xf32, #tpu.memory_space<vmem>>, vector<1x8x512xf32>
    %swap3A_692 = vector.shape_cast %swap3A_691 : vector<1x8x512xf32> to vector<8x512xf32>
    %swap3A_693 = vector.shape_cast %select_n3A_687 : vector<8x512xf32> to vector<1x8x512xf32>
    tpu.vector_store %arg12[%swap3A_688, %swap3A_689, %swap3A_690], %swap3A_693 {strides = array<i32>} : memref<1x128x4096xf32, #tpu.memory_space<vmem>>, vector<1x8x512xf32>,
    %eq3A_694 = arith.constant 64 : i32
    %eq3A_695 = vector.broadcast %eq3A_694 : i32 to vector<8x512xi32>
    %eq3A_696 = arith.cmpi eq, %sub3A_558, %eq3A_695 : vector<8x512xi32>
    %jit3A_697 = arith.constant 0.000000e+00 : f32
    %broadcast_in_dim3A_698 = vector.broadcast %jit3A_697 : f32 to vector<8x512xf32>
    %select_n3A_699 = arith.select %eq3A_696, %broadcast_in_dim3A_550, %broadcast_in_dim3A_698 : vector<8x512xi1>, vector<8x512xf32>
    %swap3A_700 = arith.constant 0 : index
    %swap3A_701 = arith.constant 64 : index
    %swap3A_702 = arith.constant 512 : index
    %swap3A_703 = vector.load %arg12[%swap3A_700, %swap3A_701, %swap3A_702] : memref<1x128x4096xf32, #tpu.memory_space<vmem>>, vector<1x8x512xf32>
    %swap3A_704 = vector.shape_cast %swap3A_703 : vector<1x8x512xf32> to vector<8x512xf32>
    %swap3A_705 = vector.shape_cast %select_n3A_699 : vector<8x512xf32> to vector<1x8x512xf32>
    tpu.vector_store %arg12[%swap3A_700, %swap3A_701, %swap3A_702], %swap3A_705 {strides = array<i32>} : memref<1x128x4096xf32, #tpu.memory_space<vmem>>, vector<1x8x512xf32>,
    %eq3A_706 = arith.constant 72 : i32
    %eq3A_707 = vector.broadcast %eq3A_706 : i32 to vector<8x512xi32>
    %eq3A_708 = arith.cmpi eq, %sub3A_558, %eq3A_707 : vector<8x512xi32>
    %jit3A_709 = arith.constant 0.000000e+00 : f32
    %broadcast_in_dim3A_710 = vector.broadcast %jit3A_709 : f32 to vector<8x512xf32>
    %select_n3A_711 = arith.select %eq3A_708, %broadcast_in_dim3A_550, %broadcast_in_dim3A_710 : vector<8x512xi1>, vector<8x512xf32>
    %swap3A_712 = arith.constant 0 : index
    %swap3A_713 = arith.constant 72 : index
    %swap3A_714 = arith.constant 512 : index
    %swap3A_715 = vector.load %arg12[%swap3A_712, %swap3A_713, %swap3A_714] : memref<1x128x4096xf32, #tpu.memory_space<vmem>>, vector<1x8x512xf32>
    %swap3A_716 = vector.shape_cast %swap3A_715 : vector<1x8x512xf32> to vector<8x512xf32>
    %swap3A_717 = vector.shape_cast %select_n3A_711 : vector<8x512xf32> to vector<1x8x512xf32>
    tpu.vector_store %arg12[%swap3A_712, %swap3A_713, %swap3A_714], %swap3A_717 {strides = array<i32>} : memref<1x128x4096xf32, #tpu.memory_space<vmem>>, vector<1x8x512xf32>,
    %eq3A_718 = arith.constant 80 : i32
    %eq3A_719 = vector.broadcast %eq3A_718 : i32 to vector<8x512xi32>
    %eq3A_720 = arith.cmpi eq, %sub3A_558, %eq3A_719 : vector<8x512xi32>
    %jit3A_721 = arith.constant 0.000000e+00 : f32
    %broadcast_in_dim3A_722 = vector.broadcast %jit3A_721 : f32 to vector<8x512xf32>
    %select_n3A_723 = arith.select %eq3A_720, %broadcast_in_dim3A_550, %broadcast_in_dim3A_722 : vector<8x512xi1>, vector<8x512xf32>
    %swap3A_724 = arith.constant 0 : index
    %swap3A_725 = arith.constant 80 : index
    %swap3A_726 = arith.constant 512 : index
    %swap3A_727 = vector.load %arg12[%swap3A_724, %swap3A_725, %swap3A_726] : memref<1x128x4096xf32, #tpu.memory_space<vmem>>, vector<1x8x512xf32>
    %swap3A_728 = vector.shape_cast %swap3A_727 : vector<1x8x512xf32> to vector<8x512xf32>
    %swap3A_729 = vector.shape_cast %select_n3A_723 : vector<8x512xf32> to vector<1x8x512xf32>
    tpu.vector_store %arg12[%swap3A_724, %swap3A_725, %swap3A_726], %swap3A_729 {strides = array<i32>} : memref<1x128x4096xf32, #tpu.memory_space<vmem>>, vector<1x8x512xf32>,
    %eq3A_730 = arith.constant 88 : i32
    %eq3A_731 = vector.broadcast %eq3A_730 : i32 to vector<8x512xi32>
    %eq3A_732 = arith.cmpi eq, %sub3A_558, %eq3A_731 : vector<8x512xi32>
    %jit3A_733 = arith.constant 0.000000e+00 : f32
    %broadcast_in_dim3A_734 = vector.broadcast %jit3A_733 : f32 to vector<8x512xf32>
    %select_n3A_735 = arith.select %eq3A_732, %broadcast_in_dim3A_550, %broadcast_in_dim3A_734 : vector<8x512xi1>, vector<8x512xf32>
    %swap3A_736 = arith.constant 0 : index
    %swap3A_737 = arith.constant 88 : index
    %swap3A_738 = arith.constant 512 : index
    %swap3A_739 = vector.load %arg12[%swap3A_736, %swap3A_737, %swap3A_738] : memref<1x128x4096xf32, #tpu.memory_space<vmem>>, vector<1x8x512xf32>
    %swap3A_740 = vector.shape_cast %swap3A_739 : vector<1x8x512xf32> to vector<8x512xf32>
    %swap3A_741 = vector.shape_cast %select_n3A_735 : vector<8x512xf32> to vector<1x8x512xf32>
    tpu.vector_store %arg12[%swap3A_736, %swap3A_737, %swap3A_738], %swap3A_741 {strides = array<i32>} : memref<1x128x4096xf32, #tpu.memory_space<vmem>>, vector<1x8x512xf32>,
    %eq3A_742 = arith.constant 96 : i32
    %eq3A_743 = vector.broadcast %eq3A_742 : i32 to vector<8x512xi32>
    %eq3A_744 = arith.cmpi eq, %sub3A_558, %eq3A_743 : vector<8x512xi32>
    %jit3A_745 = arith.constant 0.000000e+00 : f32
    %broadcast_in_dim3A_746 = vector.broadcast %jit3A_745 : f32 to vector<8x512xf32>
    %select_n3A_747 = arith.select %eq3A_744, %broadcast_in_dim3A_550, %broadcast_in_dim3A_746 : vector<8x512xi1>, vector<8x512xf32>
    %swap3A_748 = arith.constant 0 : index
    %swap3A_749 = arith.constant 96 : index
    %swap3A_750 = arith.constant 512 : index
    %swap3A_751 = vector.load %arg12[%swap3A_748, %swap3A_749, %swap3A_750] : memref<1x128x4096xf32, #tpu.memory_space<vmem>>, vector<1x8x512xf32>
    %swap3A_752 = vector.shape_cast %swap3A_751 : vector<1x8x512xf32> to vector<8x512xf32>
    %swap3A_753 = vector.shape_cast %select_n3A_747 : vector<8x512xf32> to vector<1x8x512xf32>
    tpu.vector_store %arg12[%swap3A_748, %swap3A_749, %swap3A_750], %swap3A_753 {strides = array<i32>} : memref<1x128x4096xf32, #tpu.memory_space<vmem>>, vector<1x8x512xf32>,
    %eq3A_754 = arith.constant 104 : i32
    %eq3A_755 = vector.broadcast %eq3A_754 : i32 to vector<8x512xi32>
    %eq3A_756 = arith.cmpi eq, %sub3A_558, %eq3A_755 : vector<8x512xi32>
    %jit3A_757 = arith.constant 0.000000e+00 : f32
    %broadcast_in_dim3A_758 = vector.broadcast %jit3A_757 : f32 to vector<8x512xf32>
    %select_n3A_759 = arith.select %eq3A_756, %broadcast_in_dim3A_550, %broadcast_in_dim3A_758 : vector<8x512xi1>, vector<8x512xf32>
    %swap3A_760 = arith.constant 0 : index
    %swap3A_761 = arith.constant 104 : index
    %swap3A_762 = arith.constant 512 : index
    %swap3A_763 = vector.load %arg12[%swap3A_760, %swap3A_761, %swap3A_762] : memref<1x128x4096xf32, #tpu.memory_space<vmem>>, vector<1x8x512xf32>
    %swap3A_764 = vector.shape_cast %swap3A_763 : vector<1x8x512xf32> to vector<8x512xf32>
    %swap3A_765 = vector.shape_cast %select_n3A_759 : vector<8x512xf32> to vector<1x8x512xf32>
    tpu.vector_store %arg12[%swap3A_760, %swap3A_761, %swap3A_762], %swap3A_765 {strides = array<i32>} : memref<1x128x4096xf32, #tpu.memory_space<vmem>>, vector<1x8x512xf32>,
    %eq3A_766 = arith.constant 112 : i32
    %eq3A_767 = vector.broadcast %eq3A_766 : i32 to vector<8x512xi32>
    %eq3A_768 = arith.cmpi eq, %sub3A_558, %eq3A_767 : vector<8x512xi32>
    %jit3A_769 = arith.constant 0.000000e+00 : f32
    %broadcast_in_dim3A_770 = vector.broadcast %jit3A_769 : f32 to vector<8x512xf32>
    %select_n3A_771 = arith.select %eq3A_768, %broadcast_in_dim3A_550, %broadcast_in_dim3A_770 : vector<8x512xi1>, vector<8x512xf32>
    %swap3A_772 = arith.constant 0 : index
    %swap3A_773 = arith.constant 112 : index
    %swap3A_774 = arith.constant 512 : index
    %swap3A_775 = vector.load %arg12[%swap3A_772, %swap3A_773, %swap3A_774] : memref<1x128x4096xf32, #tpu.memory_space<vmem>>, vector<1x8x512xf32>
    %swap3A_776 = vector.shape_cast %swap3A_775 : vector<1x8x512xf32> to vector<8x512xf32>
    %swap3A_777 = vector.shape_cast %select_n3A_771 : vector<8x512xf32> to vector<1x8x512xf32>
    tpu.vector_store %arg12[%swap3A_772, %swap3A_773, %swap3A_774], %swap3A_777 {strides = array<i32>} : memref<1x128x4096xf32, #tpu.memory_space<vmem>>, vector<1x8x512xf32>,
    %eq3A_778 = arith.constant 120 : i32
    %eq3A_779 = vector.broadcast %eq3A_778 : i32 to vector<8x512xi32>
    %eq3A_780 = arith.cmpi eq, %sub3A_558, %eq3A_779 : vector<8x512xi32>
    %jit3A_781 = arith.constant 0.000000e+00 : f32
    %broadcast_in_dim3A_782 = vector.broadcast %jit3A_781 : f32 to vector<8x512xf32>
    %select_n3A_783 = arith.select %eq3A_780, %broadcast_in_dim3A_550, %broadcast_in_dim3A_782 : vector<8x512xi1>, vector<8x512xf32>
    %swap3A_784 = arith.constant 0 : index
    %swap3A_785 = arith.constant 120 : index
    %swap3A_786 = arith.constant 512 : index
    %swap3A_787 = vector.load %arg12[%swap3A_784, %swap3A_785, %swap3A_786] : memref<1x128x4096xf32, #tpu.memory_space<vmem>>, vector<1x8x512xf32>
    %swap3A_788 = vector.shape_cast %swap3A_787 : vector<1x8x512xf32> to vector<8x512xf32>
    %swap3A_789 = vector.shape_cast %select_n3A_783 : vector<8x512xf32> to vector<1x8x512xf32>
    tpu.vector_store %arg12[%swap3A_784, %swap3A_785, %swap3A_786], %swap3A_789 {strides = array<i32>} : memref<1x128x4096xf32, #tpu.memory_space<vmem>>, vector<1x8x512xf32>,
    %eq3A_790 = arith.constant 0 : i32
    %eq3A_791 = vector.broadcast %eq3A_790 : i32 to vector<8x512xi32>
    %eq3A_792 = arith.cmpi eq, %sub3A_597, %eq3A_791 : vector<8x512xi32>
    %jit3A_793 = arith.constant 0.000000e+00 : f32
    %broadcast_in_dim3A_794 = vector.broadcast %jit3A_793 : f32 to vector<8x512xf32>
    %select_n3A_795 = arith.select %eq3A_792, %broadcast_in_dim3A_550, %broadcast_in_dim3A_794 : vector<8x512xi1>, vector<8x512xf32>
    %swap3A_796 = arith.constant 0 : index
    %swap3A_797 = arith.constant 0 : index
    %swap3A_798 = arith.constant 512 : index
    %swap3A_799 = vector.load %arg11[%swap3A_796, %swap3A_797, %swap3A_798] : memref<1x32x4096xf32, #tpu.memory_space<vmem>>, vector<1x8x512xf32>
    %swap3A_800 = vector.shape_cast %swap3A_799 : vector<1x8x512xf32> to vector<8x512xf32>
    %swap3A_801 = vector.shape_cast %select_n3A_795 : vector<8x512xf32> to vector<1x8x512xf32>
    tpu.vector_store %arg11[%swap3A_796, %swap3A_797, %swap3A_798], %swap3A_801 {strides = array<i32>} : memref<1x32x4096xf32, #tpu.memory_space<vmem>>, vector<1x8x512xf32>,
    %eq3A_802 = arith.constant 8 : i32
    %eq3A_803 = vector.broadcast %eq3A_802 : i32 to vector<8x512xi32>
    %eq3A_804 = arith.cmpi eq, %sub3A_597, %eq3A_803 : vector<8x512xi32>
    %jit3A_805 = arith.constant 0.000000e+00 : f32
    %broadcast_in_dim3A_806 = vector.broadcast %jit3A_805 : f32 to vector<8x512xf32>
    %select_n3A_807 = arith.select %eq3A_804, %broadcast_in_dim3A_550, %broadcast_in_dim3A_806 : vector<8x512xi1>, vector<8x512xf32>
    %swap3A_808 = arith.constant 0 : index
    %swap3A_809 = arith.constant 8 : index
    %swap3A_810 = arith.constant 512 : index
    %swap3A_811 = vector.load %arg11[%swap3A_808, %swap3A_809, %swap3A_810] : memref<1x32x4096xf32, #tpu.memory_space<vmem>>, vector<1x8x512xf32>
    %swap3A_812 = vector.shape_cast %swap3A_811 : vector<1x8x512xf32> to vector<8x512xf32>
    %swap3A_813 = vector.shape_cast %select_n3A_807 : vector<8x512xf32> to vector<1x8x512xf32>
    tpu.vector_store %arg11[%swap3A_808, %swap3A_809, %swap3A_810], %swap3A_813 {strides = array<i32>} : memref<1x32x4096xf32, #tpu.memory_space<vmem>>, vector<1x8x512xf32>,
    %eq3A_814 = arith.constant 16 : i32
    %eq3A_815 = vector.broadcast %eq3A_814 : i32 to vector<8x512xi32>
    %eq3A_816 = arith.cmpi eq, %sub3A_597, %eq3A_815 : vector<8x512xi32>
    %jit3A_817 = arith.constant 0.000000e+00 : f32
    %broadcast_in_dim3A_818 = vector.broadcast %jit3A_817 : f32 to vector<8x512xf32>
    %select_n3A_819 = arith.select %eq3A_816, %broadcast_in_dim3A_550, %broadcast_in_dim3A_818 : vector<8x512xi1>, vector<8x512xf32>
    %swap3A_820 = arith.constant 0 : index
    %swap3A_821 = arith.constant 16 : index
    %swap3A_822 = arith.constant 512 : index
    %swap3A_823 = vector.load %arg11[%swap3A_820, %swap3A_821, %swap3A_822] : memref<1x32x4096xf32, #tpu.memory_space<vmem>>, vector<1x8x512xf32>
    %swap3A_824 = vector.shape_cast %swap3A_823 : vector<1x8x512xf32> to vector<8x512xf32>
    %swap3A_825 = vector.shape_cast %select_n3A_819 : vector<8x512xf32> to vector<1x8x512xf32>
    tpu.vector_store %arg11[%swap3A_820, %swap3A_821, %swap3A_822], %swap3A_825 {strides = array<i32>} : memref<1x32x4096xf32, #tpu.memory_space<vmem>>, vector<1x8x512xf32>,
    %eq3A_826 = arith.constant 24 : i32
    %eq3A_827 = vector.broadcast %eq3A_826 : i32 to vector<8x512xi32>
    %eq3A_828 = arith.cmpi eq, %sub3A_597, %eq3A_827 : vector<8x512xi32>
    %jit3A_829 = arith.constant 0.000000e+00 : f32
    %broadcast_in_dim3A_830 = vector.broadcast %jit3A_829 : f32 to vector<8x512xf32>
    %select_n3A_831 = arith.select %eq3A_828, %broadcast_in_dim3A_550, %broadcast_in_dim3A_830 : vector<8x512xi1>, vector<8x512xf32>
    %swap3A_832 = arith.constant 0 : index
    %swap3A_833 = arith.constant 24 : index
    %swap3A_834 = arith.constant 512 : index
    %swap3A_835 = vector.load %arg11[%swap3A_832, %swap3A_833, %swap3A_834] : memref<1x32x4096xf32, #tpu.memory_space<vmem>>, vector<1x8x512xf32>
    %swap3A_836 = vector.shape_cast %swap3A_835 : vector<1x8x512xf32> to vector<8x512xf32>
    %swap3A_837 = vector.shape_cast %select_n3A_831 : vector<8x512xf32> to vector<1x8x512xf32>
    tpu.vector_store %arg11[%swap3A_832, %swap3A_833, %swap3A_834], %swap3A_837 {strides = array<i32>} : memref<1x32x4096xf32, #tpu.memory_space<vmem>>, vector<1x8x512xf32>,
    %get3A_838 = arith.constant 0 : index
    %get3A_839 = arith.constant 0 : index
    %get3A_840 = arith.constant 1024 : index
    %get3A_841 = vector.load %arg2[%get3A_838, %get3A_839, %get3A_840] : memref<1x4x4096xbf16, #tpu.memory_space<vmem>>, vector<1x4x512xbf16>
    %get3A_842 = vector.shape_cast %get3A_841 : vector<1x4x512xbf16> to vector<4x512xbf16>
    %get3A_843 = arith.constant 0 : index
    %get3A_844 = arith.constant 0 : index
    %get3A_845 = vector.load %arg8[%get3A_843, %get3A_844] : memref<4x64xbf16, #tpu.memory_space<vmem>>, vector<4x64xbf16>
    %dot_general3A_846 = arith.constant dense<0.000000e+00> : vector<512x64xf32>
    %dot_general3A_847 = tpu.matmul %get3A_842, %get3A_845, %dot_general3A_846 {dimension_numbers = #tpu.dot_dimension_numbers<[0], [0], [1], [1], [0, 1, 1, 1], [], []>, transpose_lhs_hint = false} : vector<4x512xbf16>, vector<4x64xbf16>, vector<512x64xf32> -> vector<512x64xf32>
    %swap3A_848 = arith.constant 0 : index
    %swap3A_849 = arith.constant 1024 : index
    %swap3A_850 = arith.constant 0 : index
    %swap3A_851 = vector.load %arg10[%swap3A_848, %swap3A_849, %swap3A_850] : memref<1x4096x128xf32, #tpu.memory_space<vmem>>, vector<1x512x64xf32>
    %swap3A_852 = vector.shape_cast %swap3A_851 : vector<1x512x64xf32> to vector<512x64xf32>
    %swap3A_853 = vector.shape_cast %dot_general3A_847 : vector<512x64xf32> to vector<1x512x64xf32>
    tpu.vector_store %arg10[%swap3A_848, %swap3A_849, %swap3A_850], %swap3A_853 {strides = array<i32>} : memref<1x4096x128xf32, #tpu.memory_space<vmem>>, vector<1x512x64xf32>,
    %get3A_854 = arith.constant 0 : index
    %get3A_855 = arith.constant 0 : index
    %get3A_856 = arith.constant 1024 : index
    %get3A_857 = vector.load %arg3[%get3A_854, %get3A_855, %get3A_856] : memref<1x1x4096xi32, #tpu.memory_space<vmem>>, vector<1x1x512xi32>
    %get3A_858 = vector.shape_cast %get3A_857 : vector<1x1x512xi32> to vector<1x512xi32>
    %broadcast_in_dim3A_859 = vector.shape_cast %get3A_858 : vector<1x512xi32> to vector<1x512xi32>
    %broadcast_in_dim3A_860 = vector.broadcast %broadcast_in_dim3A_859 : vector<1x512xi32> to vector<8x512xi32>
    %sub3A_861 = arith.subi %broadcast_in_dim3A_860, %iota3A : vector<8x512xi32>
    %get3A_862 = arith.constant 0 : index
    %get3A_863 = arith.constant 0 : index
    %get3A_864 = arith.constant 1024 : index
    %get3A_865 = vector.load %arg4[%get3A_862, %get3A_863, %get3A_864] : memref<1x1x4096xi32, #tpu.memory_space<vmem>>, vector<1x1x512xi32>
    %get3A_866 = vector.shape_cast %get3A_865 : vector<1x1x512xi32> to vector<1x512xi32>
    %broadcast_in_dim3A_867 = vector.shape_cast %get3A_866 : vector<1x512xi32> to vector<1x512xi32>
    %broadcast_in_dim3A_868 = vector.broadcast %broadcast_in_dim3A_867 : vector<1x512xi32> to vector<8x512xi32>
    %sub3A_869 = arith.subi %broadcast_in_dim3A_868, %iota3A : vector<8x512xi32>
    %eq3A_870 = arith.constant 0 : i32
    %eq3A_871 = vector.broadcast %eq3A_870 : i32 to vector<8x512xi32>
    %eq3A_872 = arith.cmpi eq, %sub3A_861, %eq3A_871 : vector<8x512xi32>
    %convert_element_type3A_873 = arith.extui %eq3A_872 : vector<8x512xi1> to vector<8x512xi32>
    %convert_element_type3A_874 = arith.sitofp %convert_element_type3A_873 : vector<8x512xi32> to vector<8x512xf32>
    %eq3A_875 = arith.constant 8 : i32
    %eq3A_876 = vector.broadcast %eq3A_875 : i32 to vector<8x512xi32>
    %eq3A_877 = arith.cmpi eq, %sub3A_861, %eq3A_876 : vector<8x512xi32>
    %convert_element_type3A_878 = arith.extui %eq3A_877 : vector<8x512xi1> to vector<8x512xi32>
    %convert_element_type3A_879 = arith.sitofp %convert_element_type3A_878 : vector<8x512xi32> to vector<8x512xf32>
    %eq3A_880 = arith.constant 16 : i32
    %eq3A_881 = vector.broadcast %eq3A_880 : i32 to vector<8x512xi32>
    %eq3A_882 = arith.cmpi eq, %sub3A_861, %eq3A_881 : vector<8x512xi32>
    %convert_element_type3A_883 = arith.extui %eq3A_882 : vector<8x512xi1> to vector<8x512xi32>
    %convert_element_type3A_884 = arith.sitofp %convert_element_type3A_883 : vector<8x512xi32> to vector<8x512xf32>
    %eq3A_885 = arith.constant 24 : i32
    %eq3A_886 = vector.broadcast %eq3A_885 : i32 to vector<8x512xi32>
    %eq3A_887 = arith.cmpi eq, %sub3A_861, %eq3A_886 : vector<8x512xi32>
    %convert_element_type3A_888 = arith.extui %eq3A_887 : vector<8x512xi1> to vector<8x512xi32>
    %convert_element_type3A_889 = arith.sitofp %convert_element_type3A_888 : vector<8x512xi32> to vector<8x512xf32>
    %eq3A_890 = arith.constant 32 : i32
    %eq3A_891 = vector.broadcast %eq3A_890 : i32 to vector<8x512xi32>
    %eq3A_892 = arith.cmpi eq, %sub3A_861, %eq3A_891 : vector<8x512xi32>
    %convert_element_type3A_893 = arith.extui %eq3A_892 : vector<8x512xi1> to vector<8x512xi32>
    %convert_element_type3A_894 = arith.sitofp %convert_element_type3A_893 : vector<8x512xi32> to vector<8x512xf32>
    %eq3A_895 = arith.constant 40 : i32
    %eq3A_896 = vector.broadcast %eq3A_895 : i32 to vector<8x512xi32>
    %eq3A_897 = arith.cmpi eq, %sub3A_861, %eq3A_896 : vector<8x512xi32>
    %convert_element_type3A_898 = arith.extui %eq3A_897 : vector<8x512xi1> to vector<8x512xi32>
    %convert_element_type3A_899 = arith.sitofp %convert_element_type3A_898 : vector<8x512xi32> to vector<8x512xf32>
    %eq3A_900 = arith.constant 48 : i32
    %eq3A_901 = vector.broadcast %eq3A_900 : i32 to vector<8x512xi32>
    %eq3A_902 = arith.cmpi eq, %sub3A_861, %eq3A_901 : vector<8x512xi32>
    %convert_element_type3A_903 = arith.extui %eq3A_902 : vector<8x512xi1> to vector<8x512xi32>
    %convert_element_type3A_904 = arith.sitofp %convert_element_type3A_903 : vector<8x512xi32> to vector<8x512xf32>
    %eq3A_905 = arith.constant 56 : i32
    %eq3A_906 = vector.broadcast %eq3A_905 : i32 to vector<8x512xi32>
    %eq3A_907 = arith.cmpi eq, %sub3A_861, %eq3A_906 : vector<8x512xi32>
    %convert_element_type3A_908 = arith.extui %eq3A_907 : vector<8x512xi1> to vector<8x512xi32>
    %convert_element_type3A_909 = arith.sitofp %convert_element_type3A_908 : vector<8x512xi32> to vector<8x512xf32>
    %eq3A_910 = arith.constant 0 : i32
    %eq3A_911 = vector.broadcast %eq3A_910 : i32 to vector<8x512xi32>
    %eq3A_912 = arith.cmpi eq, %sub3A_869, %eq3A_911 : vector<8x512xi32>
    %convert_element_type3A_913 = arith.extui %eq3A_912 : vector<8x512xi1> to vector<8x512xi32>
    %convert_element_type3A_914 = arith.sitofp %convert_element_type3A_913 : vector<8x512xi32> to vector<8x512xf32>
    %eq3A_915 = arith.constant 8 : i32
    %eq3A_916 = vector.broadcast %eq3A_915 : i32 to vector<8x512xi32>
    %eq3A_917 = arith.cmpi eq, %sub3A_869, %eq3A_916 : vector<8x512xi32>
    %convert_element_type3A_918 = arith.extui %eq3A_917 : vector<8x512xi1> to vector<8x512xi32>
    %convert_element_type3A_919 = arith.sitofp %convert_element_type3A_918 : vector<8x512xi32> to vector<8x512xf32>
    %eq3A_920 = arith.constant 16 : i32
    %eq3A_921 = vector.broadcast %eq3A_920 : i32 to vector<8x512xi32>
    %eq3A_922 = arith.cmpi eq, %sub3A_869, %eq3A_921 : vector<8x512xi32>
    %convert_element_type3A_923 = arith.extui %eq3A_922 : vector<8x512xi1> to vector<8x512xi32>
    %convert_element_type3A_924 = arith.sitofp %convert_element_type3A_923 : vector<8x512xi32> to vector<8x512xf32>
    %eq3A_925 = arith.constant 24 : i32
    %eq3A_926 = vector.broadcast %eq3A_925 : i32 to vector<8x512xi32>
    %eq3A_927 = arith.cmpi eq, %sub3A_869, %eq3A_926 : vector<8x512xi32>
    %convert_element_type3A_928 = arith.extui %eq3A_927 : vector<8x512xi1> to vector<8x512xi32>
    %convert_element_type3A_929 = arith.sitofp %convert_element_type3A_928 : vector<8x512xi32> to vector<8x512xf32>
    %eq3A_930 = arith.constant 32 : i32
    %eq3A_931 = vector.broadcast %eq3A_930 : i32 to vector<8x512xi32>
    %eq3A_932 = arith.cmpi eq, %sub3A_869, %eq3A_931 : vector<8x512xi32>
    %convert_element_type3A_933 = arith.extui %eq3A_932 : vector<8x512xi1> to vector<8x512xi32>
    %convert_element_type3A_934 = arith.sitofp %convert_element_type3A_933 : vector<8x512xi32> to vector<8x512xf32>
    %eq3A_935 = arith.constant 40 : i32
    %eq3A_936 = vector.broadcast %eq3A_935 : i32 to vector<8x512xi32>
    %eq3A_937 = arith.cmpi eq, %sub3A_869, %eq3A_936 : vector<8x512xi32>
    %convert_element_type3A_938 = arith.extui %eq3A_937 : vector<8x512xi1> to vector<8x512xi32>
    %convert_element_type3A_939 = arith.sitofp %convert_element_type3A_938 : vector<8x512xi32> to vector<8x512xf32>
    %eq3A_940 = arith.constant 48 : i32
    %eq3A_941 = vector.broadcast %eq3A_940 : i32 to vector<8x512xi32>
    %eq3A_942 = arith.cmpi eq, %sub3A_869, %eq3A_941 : vector<8x512xi32>
    %convert_element_type3A_943 = arith.extui %eq3A_942 : vector<8x512xi1> to vector<8x512xi32>
    %convert_element_type3A_944 = arith.sitofp %convert_element_type3A_943 : vector<8x512xi32> to vector<8x512xf32>
    %eq3A_945 = arith.constant 56 : i32
    %eq3A_946 = vector.broadcast %eq3A_945 : i32 to vector<8x512xi32>
    %eq3A_947 = arith.cmpi eq, %sub3A_869, %eq3A_946 : vector<8x512xi32>
    %convert_element_type3A_948 = arith.extui %eq3A_947 : vector<8x512xi1> to vector<8x512xi32>
    %convert_element_type3A_949 = arith.sitofp %convert_element_type3A_948 : vector<8x512xi32> to vector<8x512xf32>
    %concatenate3A_950 = tpu.concatenate %convert_element_type3A_874, %convert_element_type3A_879, %convert_element_type3A_884, %convert_element_type3A_889, %convert_element_type3A_894, %convert_element_type3A_899, %convert_element_type3A_904, %convert_element_type3A_909, %convert_element_type3A_914, %convert_element_type3A_919, %convert_element_type3A_924, %convert_element_type3A_929, %convert_element_type3A_934, %convert_element_type3A_939, %convert_element_type3A_944, %convert_element_type3A_949 in 0 : vector<8x512xf32>, vector<8x512xf32>, vector<8x512xf32>, vector<8x512xf32>, vector<8x512xf32>, vector<8x512xf32>, vector<8x512xf32>, vector<8x512xf32>, vector<8x512xf32>, vector<8x512xf32>, vector<8x512xf32>, vector<8x512xf32>, vector<8x512xf32>, vector<8x512xf32>, vector<8x512xf32>, vector<8x512xf32> -> vector<128x512xf32>
    %convert_element_type3A_951 = arith.truncf %concatenate3A_950 : vector<128x512xf32> to vector<128x512xbf16>
    %get3A_952 = arith.constant 0 : index
    %get3A_953 = arith.constant 0 : index
    %get3A_954 = vector.load %arg9[%get3A_952, %get3A_953] : memref<128x256xbf16, #tpu.memory_space<vmem>>, vector<128x256xbf16>
    %dot_general3A_955 = arith.constant dense<0.000000e+00> : vector<512x256xf32>
    %dot_general3A_956 = tpu.matmul %convert_element_type3A_951, %get3A_954, %dot_general3A_955 {dimension_numbers = #tpu.dot_dimension_numbers<[0], [0], [1], [1], [0, 1, 1, 1], [], []>, transpose_lhs_hint = false} : vector<128x512xbf16>, vector<128x256xbf16>, vector<512x256xf32> -> vector<512x256xf32>
    %convert_element_type3A_957 = arith.truncf %dot_general3A_956 : vector<512x256xf32> to vector<512x256xbf16>
    %slice3A_958 = vector.extract_strided_slice %convert_element_type3A_957 {offsets = [0, 0], sizes = [512, 128], strides = [1, 1]} : vector<512x256xbf16> to vector<512x128xbf16>
    %slice3A_959 = vector.extract_strided_slice %convert_element_type3A_957 {offsets = [0, 128], sizes = [512, 128], strides = [1, 1]} : vector<512x256xbf16> to vector<512x128xbf16>
    %mul3A_960 = arith.mulf %slice3A_958, %slice3A_959 : vector<512x128xbf16>
    %slice3A_961 = vector.extract_strided_slice %mul3A_960 {offsets = [0, 0], sizes = [512, 64], strides = [1, 1]} : vector<512x128xbf16> to vector<512x64xbf16>
    %slice3A_962 = vector.extract_strided_slice %mul3A_960 {offsets = [0, 64], sizes = [512, 64], strides = [1, 1]} : vector<512x128xbf16> to vector<512x64xbf16>
    %add3A_963 = arith.addf %slice3A_961, %slice3A_962 : vector<512x64xbf16>
    %convert_element_type3A_964 = arith.extf %add3A_963 : vector<512x64xbf16> to vector<512x64xf32>
    %swap3A_965 = arith.constant 0 : index
    %swap3A_966 = arith.constant 1024 : index
    %swap3A_967 = arith.constant 64 : index
    %swap3A_968 = vector.load %arg10[%swap3A_965, %swap3A_966, %swap3A_967] : memref<1x4096x128xf32, #tpu.memory_space<vmem>>, vector<1x512x64xf32>
    %swap3A_969 = vector.shape_cast %swap3A_968 : vector<1x512x64xf32> to vector<512x64xf32>
    %swap3A_970 = vector.shape_cast %convert_element_type3A_964 : vector<512x64xf32> to vector<1x512x64xf32>
    tpu.vector_store %arg10[%swap3A_965, %swap3A_966, %swap3A_967], %swap3A_970 {strides = array<i32>} : memref<1x4096x128xf32, #tpu.memory_space<vmem>>, vector<1x512x64xf32>,
    %get3A_971 = arith.constant 0 : index
    %get3A_972 = arith.constant 0 : index
    %get3A_973 = arith.constant 1024 : index
    %get3A_974 = vector.load %arg7[%get3A_971, %get3A_972, %get3A_973] : memref<1x1x4096xi32, #tpu.memory_space<vmem>>, vector<1x1x512xi32>
    %get3A_975 = vector.shape_cast %get3A_974 : vector<1x1x512xi32> to vector<1x512xi32>
    %convert_element_type3A_976 = arith.sitofp %get3A_975 : vector<1x512xi32> to vector<1x512xf32>
    %broadcast_in_dim3A_977 = vector.shape_cast %convert_element_type3A_976 : vector<1x512xf32> to vector<1x512xf32>
    %broadcast_in_dim3A_978 = vector.broadcast %broadcast_in_dim3A_977 : vector<1x512xf32> to vector<8x512xf32>
    %get3A_979 = arith.constant 0 : index
    %get3A_980 = arith.constant 0 : index
    %get3A_981 = arith.constant 1024 : index
    %get3A_982 = vector.load %arg6[%get3A_979, %get3A_980, %get3A_981] : memref<1x1x4096xi32, #tpu.memory_space<vmem>>, vector<1x1x512xi32>
    %get3A_983 = vector.shape_cast %get3A_982 : vector<1x1x512xi32> to vector<1x512xi32>
    %broadcast_in_dim3A_984 = vector.shape_cast %get3A_983 : vector<1x512xi32> to vector<1x512xi32>
    %broadcast_in_dim3A_985 = vector.broadcast %broadcast_in_dim3A_984 : vector<1x512xi32> to vector<8x512xi32>
    %sub3A_986 = arith.subi %broadcast_in_dim3A_985, %iota3A : vector<8x512xi32>
    %get3A_987 = arith.constant 0 : index
    %get3A_988 = arith.constant 0 : index
    %get3A_989 = arith.constant 1024 : index
    %get3A_990 = vector.load %arg5[%get3A_987, %get3A_988, %get3A_989] : memref<1x1x4096xi32, #tpu.memory_space<vmem>>, vector<1x1x512xi32>
    %get3A_991 = vector.shape_cast %get3A_990 : vector<1x1x512xi32> to vector<1x512xi32>
    %jit3A_992 = arith.constant 128 : i32
    %div3A_993 = vector.broadcast %jit3A_992 : i32 to vector<1x512xi32>
    %div3A_994 = arith.divsi %get3A_991, %div3A_993 : vector<1x512xi32>
    %sign3A_995 = arith.constant 0 : i32
    %sign3A_996 = vector.broadcast %sign3A_995 : i32 to vector<1x512xi32>
    %sign3A_997 = arith.cmpi sgt, %get3A_991, %sign3A_996 : vector<1x512xi32>
    %sign3A_998 = arith.extui %sign3A_997 : vector<1x512xi1> to vector<1x512xi32>
    %sign3A_999 = arith.constant 0 : i32
    %sign3A_1000 = vector.broadcast %sign3A_999 : i32 to vector<1x512xi32>
    %sign3A_1001 = arith.cmpi slt, %get3A_991, %sign3A_1000 : vector<1x512xi32>
    %sign3A_1002 = arith.extui %sign3A_1001 : vector<1x512xi1> to vector<1x512xi32>
    %sign3A_1003 = arith.subi %sign3A_998, %sign3A_1002 : vector<1x512xi32>
    %sign3A_1004 = arith.constant 0 : i32
    %sign3A_1005 = arith.cmpi sgt, %jit3A_992, %sign3A_1004 : i32
    %sign3A_1006 = arith.extui %sign3A_1005 : i1 to i32
    %sign3A_1007 = arith.constant 0 : i32
    %sign3A_1008 = arith.cmpi slt, %jit3A_992, %sign3A_1007 : i32
    %sign3A_1009 = arith.extui %sign3A_1008 : i1 to i32
    %sign3A_1010 = arith.subi %sign3A_1006, %sign3A_1009 : i32
    %ne3A_1011 = vector.broadcast %sign3A_1010 : i32 to vector<1x512xi32>
    %ne3A_1012 = arith.cmpi ne, %sign3A_1003, %ne3A_1011 : vector<1x512xi32>
    %rem3A_1013 = vector.broadcast %jit3A_992 : i32 to vector<1x512xi32>
    %rem3A_1014 = arith.remsi %get3A_991, %rem3A_1013 : vector<1x512xi32>
    %ne3A_1015 = arith.constant 0 : i32
    %ne3A_1016 = vector.broadcast %ne3A_1015 : i32 to vector<1x512xi32>
    %ne3A_1017 = arith.cmpi ne, %rem3A_1014, %ne3A_1016 : vector<1x512xi32>
    %and3A_1018 = arith.andi %ne3A_1012, %ne3A_1017 : vector<1x512xi1>
    %sub3A_1019 = arith.constant 1 : i32
    %sub3A_1020 = vector.broadcast %sub3A_1019 : i32 to vector<1x512xi32>
    %sub3A_1021 = arith.subi %div3A_994, %sub3A_1020 : vector<1x512xi32>
    %select_n3A_1022 = arith.select %and3A_1018, %sub3A_1021, %div3A_994 : vector<1x512xi1>, vector<1x512xi32>
    %broadcast_in_dim3A_1023 = vector.shape_cast %select_n3A_1022 : vector<1x512xi32> to vector<1x512xi32>
    %broadcast_in_dim3A_1024 = vector.broadcast %broadcast_in_dim3A_1023 : vector<1x512xi32> to vector<8x512xi32>
    %sub3A_1025 = arith.subi %broadcast_in_dim3A_1024, %iota3A : vector<8x512xi32>
    %eq3A_1026 = arith.constant 0 : i32
    %eq3A_1027 = vector.broadcast %eq3A_1026 : i32 to vector<8x512xi32>
    %eq3A_1028 = arith.cmpi eq, %sub3A_986, %eq3A_1027 : vector<8x512xi32>
    %jit3A_1029 = arith.constant 0.000000e+00 : f32
    %broadcast_in_dim3A_1030 = vector.broadcast %jit3A_1029 : f32 to vector<8x512xf32>
    %select_n3A_1031 = arith.select %eq3A_1028, %broadcast_in_dim3A_978, %broadcast_in_dim3A_1030 : vector<8x512xi1>, vector<8x512xf32>
    %swap3A_1032 = arith.constant 0 : index
    %swap3A_1033 = arith.constant 0 : index
    %swap3A_1034 = arith.constant 1024 : index
    %swap3A_1035 = vector.load %arg12[%swap3A_1032, %swap3A_1033, %swap3A_1034] : memref<1x128x4096xf32, #tpu.memory_space<vmem>>, vector<1x8x512xf32>
    %swap3A_1036 = vector.shape_cast %swap3A_1035 : vector<1x8x512xf32> to vector<8x512xf32>
    %swap3A_1037 = vector.shape_cast %select_n3A_1031 : vector<8x512xf32> to vector<1x8x512xf32>
    tpu.vector_store %arg12[%swap3A_1032, %swap3A_1033, %swap3A_1034], %swap3A_1037 {strides = array<i32>} : memref<1x128x4096xf32, #tpu.memory_space<vmem>>, vector<1x8x512xf32>,
    %eq3A_1038 = arith.constant 8 : i32
    %eq3A_1039 = vector.broadcast %eq3A_1038 : i32 to vector<8x512xi32>
    %eq3A_1040 = arith.cmpi eq, %sub3A_986, %eq3A_1039 : vector<8x512xi32>
    %jit3A_1041 = arith.constant 0.000000e+00 : f32
    %broadcast_in_dim3A_1042 = vector.broadcast %jit3A_1041 : f32 to vector<8x512xf32>
    %select_n3A_1043 = arith.select %eq3A_1040, %broadcast_in_dim3A_978, %broadcast_in_dim3A_1042 : vector<8x512xi1>, vector<8x512xf32>
    %swap3A_1044 = arith.constant 0 : index
    %swap3A_1045 = arith.constant 8 : index
    %swap3A_1046 = arith.constant 1024 : index
    %swap3A_1047 = vector.load %arg12[%swap3A_1044, %swap3A_1045, %swap3A_1046] : memref<1x128x4096xf32, #tpu.memory_space<vmem>>, vector<1x8x512xf32>
    %swap3A_1048 = vector.shape_cast %swap3A_1047 : vector<1x8x512xf32> to vector<8x512xf32>
    %swap3A_1049 = vector.shape_cast %select_n3A_1043 : vector<8x512xf32> to vector<1x8x512xf32>
    tpu.vector_store %arg12[%swap3A_1044, %swap3A_1045, %swap3A_1046], %swap3A_1049 {strides = array<i32>} : memref<1x128x4096xf32, #tpu.memory_space<vmem>>, vector<1x8x512xf32>,
    %eq3A_1050 = arith.constant 16 : i32
    %eq3A_1051 = vector.broadcast %eq3A_1050 : i32 to vector<8x512xi32>
    %eq3A_1052 = arith.cmpi eq, %sub3A_986, %eq3A_1051 : vector<8x512xi32>
    %jit3A_1053 = arith.constant 0.000000e+00 : f32
    %broadcast_in_dim3A_1054 = vector.broadcast %jit3A_1053 : f32 to vector<8x512xf32>
    %select_n3A_1055 = arith.select %eq3A_1052, %broadcast_in_dim3A_978, %broadcast_in_dim3A_1054 : vector<8x512xi1>, vector<8x512xf32>
    %swap3A_1056 = arith.constant 0 : index
    %swap3A_1057 = arith.constant 16 : index
    %swap3A_1058 = arith.constant 1024 : index
    %swap3A_1059 = vector.load %arg12[%swap3A_1056, %swap3A_1057, %swap3A_1058] : memref<1x128x4096xf32, #tpu.memory_space<vmem>>, vector<1x8x512xf32>
    %swap3A_1060 = vector.shape_cast %swap3A_1059 : vector<1x8x512xf32> to vector<8x512xf32>
    %swap3A_1061 = vector.shape_cast %select_n3A_1055 : vector<8x512xf32> to vector<1x8x512xf32>
    tpu.vector_store %arg12[%swap3A_1056, %swap3A_1057, %swap3A_1058], %swap3A_1061 {strides = array<i32>} : memref<1x128x4096xf32, #tpu.memory_space<vmem>>, vector<1x8x512xf32>,
    %eq3A_1062 = arith.constant 24 : i32
    %eq3A_1063 = vector.broadcast %eq3A_1062 : i32 to vector<8x512xi32>
    %eq3A_1064 = arith.cmpi eq, %sub3A_986, %eq3A_1063 : vector<8x512xi32>
    %jit3A_1065 = arith.constant 0.000000e+00 : f32
    %broadcast_in_dim3A_1066 = vector.broadcast %jit3A_1065 : f32 to vector<8x512xf32>
    %select_n3A_1067 = arith.select %eq3A_1064, %broadcast_in_dim3A_978, %broadcast_in_dim3A_1066 : vector<8x512xi1>, vector<8x512xf32>
    %swap3A_1068 = arith.constant 0 : index
    %swap3A_1069 = arith.constant 24 : index
    %swap3A_1070 = arith.constant 1024 : index
    %swap3A_1071 = vector.load %arg12[%swap3A_1068, %swap3A_1069, %swap3A_1070] : memref<1x128x4096xf32, #tpu.memory_space<vmem>>, vector<1x8x512xf32>
    %swap3A_1072 = vector.shape_cast %swap3A_1071 : vector<1x8x512xf32> to vector<8x512xf32>
    %swap3A_1073 = vector.shape_cast %select_n3A_1067 : vector<8x512xf32> to vector<1x8x512xf32>
    tpu.vector_store %arg12[%swap3A_1068, %swap3A_1069, %swap3A_1070], %swap3A_1073 {strides = array<i32>} : memref<1x128x4096xf32, #tpu.memory_space<vmem>>, vector<1x8x512xf32>,
    %eq3A_1074 = arith.constant 32 : i32
    %eq3A_1075 = vector.broadcast %eq3A_1074 : i32 to vector<8x512xi32>
    %eq3A_1076 = arith.cmpi eq, %sub3A_986, %eq3A_1075 : vector<8x512xi32>
    %jit3A_1077 = arith.constant 0.000000e+00 : f32
    %broadcast_in_dim3A_1078 = vector.broadcast %jit3A_1077 : f32 to vector<8x512xf32>
    %select_n3A_1079 = arith.select %eq3A_1076, %broadcast_in_dim3A_978, %broadcast_in_dim3A_1078 : vector<8x512xi1>, vector<8x512xf32>
    %swap3A_1080 = arith.constant 0 : index
    %swap3A_1081 = arith.constant 32 : index
    %swap3A_1082 = arith.constant 1024 : index
    %swap3A_1083 = vector.load %arg12[%swap3A_1080, %swap3A_1081, %swap3A_1082] : memref<1x128x4096xf32, #tpu.memory_space<vmem>>, vector<1x8x512xf32>
    %swap3A_1084 = vector.shape_cast %swap3A_1083 : vector<1x8x512xf32> to vector<8x512xf32>
    %swap3A_1085 = vector.shape_cast %select_n3A_1079 : vector<8x512xf32> to vector<1x8x512xf32>
    tpu.vector_store %arg12[%swap3A_1080, %swap3A_1081, %swap3A_1082], %swap3A_1085 {strides = array<i32>} : memref<1x128x4096xf32, #tpu.memory_space<vmem>>, vector<1x8x512xf32>,
    %eq3A_1086 = arith.constant 40 : i32
    %eq3A_1087 = vector.broadcast %eq3A_1086 : i32 to vector<8x512xi32>
    %eq3A_1088 = arith.cmpi eq, %sub3A_986, %eq3A_1087 : vector<8x512xi32>
    %jit3A_1089 = arith.constant 0.000000e+00 : f32
    %broadcast_in_dim3A_1090 = vector.broadcast %jit3A_1089 : f32 to vector<8x512xf32>
    %select_n3A_1091 = arith.select %eq3A_1088, %broadcast_in_dim3A_978, %broadcast_in_dim3A_1090 : vector<8x512xi1>, vector<8x512xf32>
    %swap3A_1092 = arith.constant 0 : index
    %swap3A_1093 = arith.constant 40 : index
    %swap3A_1094 = arith.constant 1024 : index
    %swap3A_1095 = vector.load %arg12[%swap3A_1092, %swap3A_1093, %swap3A_1094] : memref<1x128x4096xf32, #tpu.memory_space<vmem>>, vector<1x8x512xf32>
    %swap3A_1096 = vector.shape_cast %swap3A_1095 : vector<1x8x512xf32> to vector<8x512xf32>
    %swap3A_1097 = vector.shape_cast %select_n3A_1091 : vector<8x512xf32> to vector<1x8x512xf32>
    tpu.vector_store %arg12[%swap3A_1092, %swap3A_1093, %swap3A_1094], %swap3A_1097 {strides = array<i32>} : memref<1x128x4096xf32, #tpu.memory_space<vmem>>, vector<1x8x512xf32>,
    %eq3A_1098 = arith.constant 48 : i32
    %eq3A_1099 = vector.broadcast %eq3A_1098 : i32 to vector<8x512xi32>
    %eq3A_1100 = arith.cmpi eq, %sub3A_986, %eq3A_1099 : vector<8x512xi32>
    %jit3A_1101 = arith.constant 0.000000e+00 : f32
    %broadcast_in_dim3A_1102 = vector.broadcast %jit3A_1101 : f32 to vector<8x512xf32>
    %select_n3A_1103 = arith.select %eq3A_1100, %broadcast_in_dim3A_978, %broadcast_in_dim3A_1102 : vector<8x512xi1>, vector<8x512xf32>
    %swap3A_1104 = arith.constant 0 : index
    %swap3A_1105 = arith.constant 48 : index
    %swap3A_1106 = arith.constant 1024 : index
    %swap3A_1107 = vector.load %arg12[%swap3A_1104, %swap3A_1105, %swap3A_1106] : memref<1x128x4096xf32, #tpu.memory_space<vmem>>, vector<1x8x512xf32>
    %swap3A_1108 = vector.shape_cast %swap3A_1107 : vector<1x8x512xf32> to vector<8x512xf32>
    %swap3A_1109 = vector.shape_cast %select_n3A_1103 : vector<8x512xf32> to vector<1x8x512xf32>
    tpu.vector_store %arg12[%swap3A_1104, %swap3A_1105, %swap3A_1106], %swap3A_1109 {strides = array<i32>} : memref<1x128x4096xf32, #tpu.memory_space<vmem>>, vector<1x8x512xf32>,
    %eq3A_1110 = arith.constant 56 : i32
    %eq3A_1111 = vector.broadcast %eq3A_1110 : i32 to vector<8x512xi32>
    %eq3A_1112 = arith.cmpi eq, %sub3A_986, %eq3A_1111 : vector<8x512xi32>
    %jit3A_1113 = arith.constant 0.000000e+00 : f32
    %broadcast_in_dim3A_1114 = vector.broadcast %jit3A_1113 : f32 to vector<8x512xf32>
    %select_n3A_1115 = arith.select %eq3A_1112, %broadcast_in_dim3A_978, %broadcast_in_dim3A_1114 : vector<8x512xi1>, vector<8x512xf32>
    %swap3A_1116 = arith.constant 0 : index
    %swap3A_1117 = arith.constant 56 : index
    %swap3A_1118 = arith.constant 1024 : index
    %swap3A_1119 = vector.load %arg12[%swap3A_1116, %swap3A_1117, %swap3A_1118] : memref<1x128x4096xf32, #tpu.memory_space<vmem>>, vector<1x8x512xf32>
    %swap3A_1120 = vector.shape_cast %swap3A_1119 : vector<1x8x512xf32> to vector<8x512xf32>
    %swap3A_1121 = vector.shape_cast %select_n3A_1115 : vector<8x512xf32> to vector<1x8x512xf32>
    tpu.vector_store %arg12[%swap3A_1116, %swap3A_1117, %swap3A_1118], %swap3A_1121 {strides = array<i32>} : memref<1x128x4096xf32, #tpu.memory_space<vmem>>, vector<1x8x512xf32>,
    %eq3A_1122 = arith.constant 64 : i32
    %eq3A_1123 = vector.broadcast %eq3A_1122 : i32 to vector<8x512xi32>
    %eq3A_1124 = arith.cmpi eq, %sub3A_986, %eq3A_1123 : vector<8x512xi32>
    %jit3A_1125 = arith.constant 0.000000e+00 : f32
    %broadcast_in_dim3A_1126 = vector.broadcast %jit3A_1125 : f32 to vector<8x512xf32>
    %select_n3A_1127 = arith.select %eq3A_1124, %broadcast_in_dim3A_978, %broadcast_in_dim3A_1126 : vector<8x512xi1>, vector<8x512xf32>
    %swap3A_1128 = arith.constant 0 : index
    %swap3A_1129 = arith.constant 64 : index
    %swap3A_1130 = arith.constant 1024 : index
    %swap3A_1131 = vector.load %arg12[%swap3A_1128, %swap3A_1129, %swap3A_1130] : memref<1x128x4096xf32, #tpu.memory_space<vmem>>, vector<1x8x512xf32>
    %swap3A_1132 = vector.shape_cast %swap3A_1131 : vector<1x8x512xf32> to vector<8x512xf32>
    %swap3A_1133 = vector.shape_cast %select_n3A_1127 : vector<8x512xf32> to vector<1x8x512xf32>
    tpu.vector_store %arg12[%swap3A_1128, %swap3A_1129, %swap3A_1130], %swap3A_1133 {strides = array<i32>} : memref<1x128x4096xf32, #tpu.memory_space<vmem>>, vector<1x8x512xf32>,
    %eq3A_1134 = arith.constant 72 : i32
    %eq3A_1135 = vector.broadcast %eq3A_1134 : i32 to vector<8x512xi32>
    %eq3A_1136 = arith.cmpi eq, %sub3A_986, %eq3A_1135 : vector<8x512xi32>
    %jit3A_1137 = arith.constant 0.000000e+00 : f32
    %broadcast_in_dim3A_1138 = vector.broadcast %jit3A_1137 : f32 to vector<8x512xf32>
    %select_n3A_1139 = arith.select %eq3A_1136, %broadcast_in_dim3A_978, %broadcast_in_dim3A_1138 : vector<8x512xi1>, vector<8x512xf32>
    %swap3A_1140 = arith.constant 0 : index
    %swap3A_1141 = arith.constant 72 : index
    %swap3A_1142 = arith.constant 1024 : index
    %swap3A_1143 = vector.load %arg12[%swap3A_1140, %swap3A_1141, %swap3A_1142] : memref<1x128x4096xf32, #tpu.memory_space<vmem>>, vector<1x8x512xf32>
    %swap3A_1144 = vector.shape_cast %swap3A_1143 : vector<1x8x512xf32> to vector<8x512xf32>
    %swap3A_1145 = vector.shape_cast %select_n3A_1139 : vector<8x512xf32> to vector<1x8x512xf32>
    tpu.vector_store %arg12[%swap3A_1140, %swap3A_1141, %swap3A_1142], %swap3A_1145 {strides = array<i32>} : memref<1x128x4096xf32, #tpu.memory_space<vmem>>, vector<1x8x512xf32>,
    %eq3A_1146 = arith.constant 80 : i32
    %eq3A_1147 = vector.broadcast %eq3A_1146 : i32 to vector<8x512xi32>
    %eq3A_1148 = arith.cmpi eq, %sub3A_986, %eq3A_1147 : vector<8x512xi32>
    %jit3A_1149 = arith.constant 0.000000e+00 : f32
    %broadcast_in_dim3A_1150 = vector.broadcast %jit3A_1149 : f32 to vector<8x512xf32>
    %select_n3A_1151 = arith.select %eq3A_1148, %broadcast_in_dim3A_978, %broadcast_in_dim3A_1150 : vector<8x512xi1>, vector<8x512xf32>
    %swap3A_1152 = arith.constant 0 : index
    %swap3A_1153 = arith.constant 80 : index
    %swap3A_1154 = arith.constant 1024 : index
    %swap3A_1155 = vector.load %arg12[%swap3A_1152, %swap3A_1153, %swap3A_1154] : memref<1x128x4096xf32, #tpu.memory_space<vmem>>, vector<1x8x512xf32>
    %swap3A_1156 = vector.shape_cast %swap3A_1155 : vector<1x8x512xf32> to vector<8x512xf32>
    %swap3A_1157 = vector.shape_cast %select_n3A_1151 : vector<8x512xf32> to vector<1x8x512xf32>
    tpu.vector_store %arg12[%swap3A_1152, %swap3A_1153, %swap3A_1154], %swap3A_1157 {strides = array<i32>} : memref<1x128x4096xf32, #tpu.memory_space<vmem>>, vector<1x8x512xf32>,
    %eq3A_1158 = arith.constant 88 : i32
    %eq3A_1159 = vector.broadcast %eq3A_1158 : i32 to vector<8x512xi32>
    %eq3A_1160 = arith.cmpi eq, %sub3A_986, %eq3A_1159 : vector<8x512xi32>
    %jit3A_1161 = arith.constant 0.000000e+00 : f32
    %broadcast_in_dim3A_1162 = vector.broadcast %jit3A_1161 : f32 to vector<8x512xf32>
    %select_n3A_1163 = arith.select %eq3A_1160, %broadcast_in_dim3A_978, %broadcast_in_dim3A_1162 : vector<8x512xi1>, vector<8x512xf32>
    %swap3A_1164 = arith.constant 0 : index
    %swap3A_1165 = arith.constant 88 : index
    %swap3A_1166 = arith.constant 1024 : index
    %swap3A_1167 = vector.load %arg12[%swap3A_1164, %swap3A_1165, %swap3A_1166] : memref<1x128x4096xf32, #tpu.memory_space<vmem>>, vector<1x8x512xf32>
    %swap3A_1168 = vector.shape_cast %swap3A_1167 : vector<1x8x512xf32> to vector<8x512xf32>
    %swap3A_1169 = vector.shape_cast %select_n3A_1163 : vector<8x512xf32> to vector<1x8x512xf32>
    tpu.vector_store %arg12[%swap3A_1164, %swap3A_1165, %swap3A_1166], %swap3A_1169 {strides = array<i32>} : memref<1x128x4096xf32, #tpu.memory_space<vmem>>, vector<1x8x512xf32>,
    %eq3A_1170 = arith.constant 96 : i32
    %eq3A_1171 = vector.broadcast %eq3A_1170 : i32 to vector<8x512xi32>
    %eq3A_1172 = arith.cmpi eq, %sub3A_986, %eq3A_1171 : vector<8x512xi32>
    %jit3A_1173 = arith.constant 0.000000e+00 : f32
    %broadcast_in_dim3A_1174 = vector.broadcast %jit3A_1173 : f32 to vector<8x512xf32>
    %select_n3A_1175 = arith.select %eq3A_1172, %broadcast_in_dim3A_978, %broadcast_in_dim3A_1174 : vector<8x512xi1>, vector<8x512xf32>
    %swap3A_1176 = arith.constant 0 : index
    %swap3A_1177 = arith.constant 96 : index
    %swap3A_1178 = arith.constant 1024 : index
    %swap3A_1179 = vector.load %arg12[%swap3A_1176, %swap3A_1177, %swap3A_1178] : memref<1x128x4096xf32, #tpu.memory_space<vmem>>, vector<1x8x512xf32>
    %swap3A_1180 = vector.shape_cast %swap3A_1179 : vector<1x8x512xf32> to vector<8x512xf32>
    %swap3A_1181 = vector.shape_cast %select_n3A_1175 : vector<8x512xf32> to vector<1x8x512xf32>
    tpu.vector_store %arg12[%swap3A_1176, %swap3A_1177, %swap3A_1178], %swap3A_1181 {strides = array<i32>} : memref<1x128x4096xf32, #tpu.memory_space<vmem>>, vector<1x8x512xf32>,
    %eq3A_1182 = arith.constant 104 : i32
    %eq3A_1183 = vector.broadcast %eq3A_1182 : i32 to vector<8x512xi32>
    %eq3A_1184 = arith.cmpi eq, %sub3A_986, %eq3A_1183 : vector<8x512xi32>
    %jit3A_1185 = arith.constant 0.000000e+00 : f32
    %broadcast_in_dim3A_1186 = vector.broadcast %jit3A_1185 : f32 to vector<8x512xf32>
    %select_n3A_1187 = arith.select %eq3A_1184, %broadcast_in_dim3A_978, %broadcast_in_dim3A_1186 : vector<8x512xi1>, vector<8x512xf32>
    %swap3A_1188 = arith.constant 0 : index
    %swap3A_1189 = arith.constant 104 : index
    %swap3A_1190 = arith.constant 1024 : index
    %swap3A_1191 = vector.load %arg12[%swap3A_1188, %swap3A_1189, %swap3A_1190] : memref<1x128x4096xf32, #tpu.memory_space<vmem>>, vector<1x8x512xf32>
    %swap3A_1192 = vector.shape_cast %swap3A_1191 : vector<1x8x512xf32> to vector<8x512xf32>
    %swap3A_1193 = vector.shape_cast %select_n3A_1187 : vector<8x512xf32> to vector<1x8x512xf32>
    tpu.vector_store %arg12[%swap3A_1188, %swap3A_1189, %swap3A_1190], %swap3A_1193 {strides = array<i32>} : memref<1x128x4096xf32, #tpu.memory_space<vmem>>, vector<1x8x512xf32>,
    %eq3A_1194 = arith.constant 112 : i32
    %eq3A_1195 = vector.broadcast %eq3A_1194 : i32 to vector<8x512xi32>
    %eq3A_1196 = arith.cmpi eq, %sub3A_986, %eq3A_1195 : vector<8x512xi32>
    %jit3A_1197 = arith.constant 0.000000e+00 : f32
    %broadcast_in_dim3A_1198 = vector.broadcast %jit3A_1197 : f32 to vector<8x512xf32>
    %select_n3A_1199 = arith.select %eq3A_1196, %broadcast_in_dim3A_978, %broadcast_in_dim3A_1198 : vector<8x512xi1>, vector<8x512xf32>
    %swap3A_1200 = arith.constant 0 : index
    %swap3A_1201 = arith.constant 112 : index
    %swap3A_1202 = arith.constant 1024 : index
    %swap3A_1203 = vector.load %arg12[%swap3A_1200, %swap3A_1201, %swap3A_1202] : memref<1x128x4096xf32, #tpu.memory_space<vmem>>, vector<1x8x512xf32>
    %swap3A_1204 = vector.shape_cast %swap3A_1203 : vector<1x8x512xf32> to vector<8x512xf32>
    %swap3A_1205 = vector.shape_cast %select_n3A_1199 : vector<8x512xf32> to vector<1x8x512xf32>
    tpu.vector_store %arg12[%swap3A_1200, %swap3A_1201, %swap3A_1202], %swap3A_1205 {strides = array<i32>} : memref<1x128x4096xf32, #tpu.memory_space<vmem>>, vector<1x8x512xf32>,
    %eq3A_1206 = arith.constant 120 : i32
    %eq3A_1207 = vector.broadcast %eq3A_1206 : i32 to vector<8x512xi32>
    %eq3A_1208 = arith.cmpi eq, %sub3A_986, %eq3A_1207 : vector<8x512xi32>
    %jit3A_1209 = arith.constant 0.000000e+00 : f32
    %broadcast_in_dim3A_1210 = vector.broadcast %jit3A_1209 : f32 to vector<8x512xf32>
    %select_n3A_1211 = arith.select %eq3A_1208, %broadcast_in_dim3A_978, %broadcast_in_dim3A_1210 : vector<8x512xi1>, vector<8x512xf32>
    %swap3A_1212 = arith.constant 0 : index
    %swap3A_1213 = arith.constant 120 : index
    %swap3A_1214 = arith.constant 1024 : index
    %swap3A_1215 = vector.load %arg12[%swap3A_1212, %swap3A_1213, %swap3A_1214] : memref<1x128x4096xf32, #tpu.memory_space<vmem>>, vector<1x8x512xf32>
    %swap3A_1216 = vector.shape_cast %swap3A_1215 : vector<1x8x512xf32> to vector<8x512xf32>
    %swap3A_1217 = vector.shape_cast %select_n3A_1211 : vector<8x512xf32> to vector<1x8x512xf32>
    tpu.vector_store %arg12[%swap3A_1212, %swap3A_1213, %swap3A_1214], %swap3A_1217 {strides = array<i32>} : memref<1x128x4096xf32, #tpu.memory_space<vmem>>, vector<1x8x512xf32>,
    %eq3A_1218 = arith.constant 0 : i32
    %eq3A_1219 = vector.broadcast %eq3A_1218 : i32 to vector<8x512xi32>
    %eq3A_1220 = arith.cmpi eq, %sub3A_1025, %eq3A_1219 : vector<8x512xi32>
    %jit3A_1221 = arith.constant 0.000000e+00 : f32
    %broadcast_in_dim3A_1222 = vector.broadcast %jit3A_1221 : f32 to vector<8x512xf32>
    %select_n3A_1223 = arith.select %eq3A_1220, %broadcast_in_dim3A_978, %broadcast_in_dim3A_1222 : vector<8x512xi1>, vector<8x512xf32>
    %swap3A_1224 = arith.constant 0 : index
    %swap3A_1225 = arith.constant 0 : index
    %swap3A_1226 = arith.constant 1024 : index
    %swap3A_1227 = vector.load %arg11[%swap3A_1224, %swap3A_1225, %swap3A_1226] : memref<1x32x4096xf32, #tpu.memory_space<vmem>>, vector<1x8x512xf32>
    %swap3A_1228 = vector.shape_cast %swap3A_1227 : vector<1x8x512xf32> to vector<8x512xf32>
    %swap3A_1229 = vector.shape_cast %select_n3A_1223 : vector<8x512xf32> to vector<1x8x512xf32>
    tpu.vector_store %arg11[%swap3A_1224, %swap3A_1225, %swap3A_1226], %swap3A_1229 {strides = array<i32>} : memref<1x32x4096xf32, #tpu.memory_space<vmem>>, vector<1x8x512xf32>,
    %eq3A_1230 = arith.constant 8 : i32
    %eq3A_1231 = vector.broadcast %eq3A_1230 : i32 to vector<8x512xi32>
    %eq3A_1232 = arith.cmpi eq, %sub3A_1025, %eq3A_1231 : vector<8x512xi32>
    %jit3A_1233 = arith.constant 0.000000e+00 : f32
    %broadcast_in_dim3A_1234 = vector.broadcast %jit3A_1233 : f32 to vector<8x512xf32>
    %select_n3A_1235 = arith.select %eq3A_1232, %broadcast_in_dim3A_978, %broadcast_in_dim3A_1234 : vector<8x512xi1>, vector<8x512xf32>
    %swap3A_1236 = arith.constant 0 : index
    %swap3A_1237 = arith.constant 8 : index
    %swap3A_1238 = arith.constant 1024 : index
    %swap3A_1239 = vector.load %arg11[%swap3A_1236, %swap3A_1237, %swap3A_1238] : memref<1x32x4096xf32, #tpu.memory_space<vmem>>, vector<1x8x512xf32>
    %swap3A_1240 = vector.shape_cast %swap3A_1239 : vector<1x8x512xf32> to vector<8x512xf32>
    %swap3A_1241 = vector.shape_cast %select_n3A_1235 : vector<8x512xf32> to vector<1x8x512xf32>
    tpu.vector_store %arg11[%swap3A_1236, %swap3A_1237, %swap3A_1238], %swap3A_1241 {strides = array<i32>} : memref<1x32x4096xf32, #tpu.memory_space<vmem>>, vector<1x8x512xf32>,
    %eq3A_1242 = arith.constant 16 : i32
    %eq3A_1243 = vector.broadcast %eq3A_1242 : i32 to vector<8x512xi32>
    %eq3A_1244 = arith.cmpi eq, %sub3A_1025, %eq3A_1243 : vector<8x512xi32>
    %jit3A_1245 = arith.constant 0.000000e+00 : f32
    %broadcast_in_dim3A_1246 = vector.broadcast %jit3A_1245 : f32 to vector<8x512xf32>
    %select_n3A_1247 = arith.select %eq3A_1244, %broadcast_in_dim3A_978, %broadcast_in_dim3A_1246 : vector<8x512xi1>, vector<8x512xf32>
    %swap3A_1248 = arith.constant 0 : index
    %swap3A_1249 = arith.constant 16 : index
    %swap3A_1250 = arith.constant 1024 : index
    %swap3A_1251 = vector.load %arg11[%swap3A_1248, %swap3A_1249, %swap3A_1250] : memref<1x32x4096xf32, #tpu.memory_space<vmem>>, vector<1x8x512xf32>
    %swap3A_1252 = vector.shape_cast %swap3A_1251 : vector<1x8x512xf32> to vector<8x512xf32>
    %swap3A_1253 = vector.shape_cast %select_n3A_1247 : vector<8x512xf32> to vector<1x8x512xf32>
    tpu.vector_store %arg11[%swap3A_1248, %swap3A_1249, %swap3A_1250], %swap3A_1253 {strides = array<i32>} : memref<1x32x4096xf32, #tpu.memory_space<vmem>>, vector<1x8x512xf32>,
    %eq3A_1254 = arith.constant 24 : i32
    %eq3A_1255 = vector.broadcast %eq3A_1254 : i32 to vector<8x512xi32>
    %eq3A_1256 = arith.cmpi eq, %sub3A_1025, %eq3A_1255 : vector<8x512xi32>
    %jit3A_1257 = arith.constant 0.000000e+00 : f32
    %broadcast_in_dim3A_1258 = vector.broadcast %jit3A_1257 : f32 to vector<8x512xf32>
    %select_n3A_1259 = arith.select %eq3A_1256, %broadcast_in_dim3A_978, %broadcast_in_dim3A_1258 : vector<8x512xi1>, vector<8x512xf32>
    %swap3A_1260 = arith.constant 0 : index
    %swap3A_1261 = arith.constant 24 : index
    %swap3A_1262 = arith.constant 1024 : index
    %swap3A_1263 = vector.load %arg11[%swap3A_1260, %swap3A_1261, %swap3A_1262] : memref<1x32x4096xf32, #tpu.memory_space<vmem>>, vector<1x8x512xf32>
    %swap3A_1264 = vector.shape_cast %swap3A_1263 : vector<1x8x512xf32> to vector<8x512xf32>
    %swap3A_1265 = vector.shape_cast %select_n3A_1259 : vector<8x512xf32> to vector<1x8x512xf32>
    tpu.vector_store %arg11[%swap3A_1260, %swap3A_1261, %swap3A_1262], %swap3A_1265 {strides = array<i32>} : memref<1x32x4096xf32, #tpu.memory_space<vmem>>, vector<1x8x512xf32>,
    %get3A_1266 = arith.constant 0 : index
    %get3A_1267 = arith.constant 0 : index
    %get3A_1268 = arith.constant 1536 : index
    %get3A_1269 = vector.load %arg2[%get3A_1266, %get3A_1267, %get3A_1268] : memref<1x4x4096xbf16, #tpu.memory_space<vmem>>, vector<1x4x512xbf16>
    %get3A_1270 = vector.shape_cast %get3A_1269 : vector<1x4x512xbf16> to vector<4x512xbf16>
    %get3A_1271 = arith.constant 0 : index
    %get3A_1272 = arith.constant 0 : index
    %get3A_1273 = vector.load %arg8[%get3A_1271, %get3A_1272] : memref<4x64xbf16, #tpu.memory_space<vmem>>, vector<4x64xbf16>
    %dot_general3A_1274 = arith.constant dense<0.000000e+00> : vector<512x64xf32>
    %dot_general3A_1275 = tpu.matmul %get3A_1270, %get3A_1273, %dot_general3A_1274 {dimension_numbers = #tpu.dot_dimension_numbers<[0], [0], [1], [1], [0, 1, 1, 1], [], []>, transpose_lhs_hint = false} : vector<4x512xbf16>, vector<4x64xbf16>, vector<512x64xf32> -> vector<512x64xf32>
    %swap3A_1276 = arith.constant 0 : index
    %swap3A_1277 = arith.constant 1536 : index
    %swap3A_1278 = arith.constant 0 : index
    %swap3A_1279 = vector.load %arg10[%swap3A_1276, %swap3A_1277, %swap3A_1278] : memref<1x4096x128xf32, #tpu.memory_space<vmem>>, vector<1x512x64xf32>
    %swap3A_1280 = vector.shape_cast %swap3A_1279 : vector<1x512x64xf32> to vector<512x64xf32>
    %swap3A_1281 = vector.shape_cast %dot_general3A_1275 : vector<512x64xf32> to vector<1x512x64xf32>
    tpu.vector_store %arg10[%swap3A_1276, %swap3A_1277, %swap3A_1278], %swap3A_1281 {strides = array<i32>} : memref<1x4096x128xf32, #tpu.memory_space<vmem>>, vector<1x512x64xf32>,
    %get3A_1282 = arith.constant 0 : index
    %get3A_1283 = arith.constant 0 : index
    %get3A_1284 = arith.constant 1536 : index
    %get3A_1285 = vector.load %arg3[%get3A_1282, %get3A_1283, %get3A_1284] : memref<1x1x4096xi32, #tpu.memory_space<vmem>>, vector<1x1x512xi32>
    %get3A_1286 = vector.shape_cast %get3A_1285 : vector<1x1x512xi32> to vector<1x512xi32>
    %broadcast_in_dim3A_1287 = vector.shape_cast %get3A_1286 : vector<1x512xi32> to vector<1x512xi32>
    %broadcast_in_dim3A_1288 = vector.broadcast %broadcast_in_dim3A_1287 : vector<1x512xi32> to vector<8x512xi32>
    %sub3A_1289 = arith.subi %broadcast_in_dim3A_1288, %iota3A : vector<8x512xi32>
    %get3A_1290 = arith.constant 0 : index
    %get3A_1291 = arith.constant 0 : index
    %get3A_1292 = arith.constant 1536 : index
    %get3A_1293 = vector.load %arg4[%get3A_1290, %get3A_1291, %get3A_1292] : memref<1x1x4096xi32, #tpu.memory_space<vmem>>, vector<1x1x512xi32>
    %get3A_1294 = vector.shape_cast %get3A_1293 : vector<1x1x512xi32> to vector<1x512xi32>
    %broadcast_in_dim3A_1295 = vector.shape_cast %get3A_1294 : vector<1x512xi32> to vector<1x512xi32>
    %broadcast_in_dim3A_1296 = vector.broadcast %broadcast_in_dim3A_1295 : vector<1x512xi32> to vector<8x512xi32>
    %sub3A_1297 = arith.subi %broadcast_in_dim3A_1296, %iota3A : vector<8x512xi32>
    %eq3A_1298 = arith.constant 0 : i32
    %eq3A_1299 = vector.broadcast %eq3A_1298 : i32 to vector<8x512xi32>
    %eq3A_1300 = arith.cmpi eq, %sub3A_1289, %eq3A_1299 : vector<8x512xi32>
    %convert_element_type3A_1301 = arith.extui %eq3A_1300 : vector<8x512xi1> to vector<8x512xi32>
    %convert_element_type3A_1302 = arith.sitofp %convert_element_type3A_1301 : vector<8x512xi32> to vector<8x512xf32>
    %eq3A_1303 = arith.constant 8 : i32
    %eq3A_1304 = vector.broadcast %eq3A_1303 : i32 to vector<8x512xi32>
    %eq3A_1305 = arith.cmpi eq, %sub3A_1289, %eq3A_1304 : vector<8x512xi32>
    %convert_element_type3A_1306 = arith.extui %eq3A_1305 : vector<8x512xi1> to vector<8x512xi32>
    %convert_element_type3A_1307 = arith.sitofp %convert_element_type3A_1306 : vector<8x512xi32> to vector<8x512xf32>
    %eq3A_1308 = arith.constant 16 : i32
    %eq3A_1309 = vector.broadcast %eq3A_1308 : i32 to vector<8x512xi32>
    %eq3A_1310 = arith.cmpi eq, %sub3A_1289, %eq3A_1309 : vector<8x512xi32>
    %convert_element_type3A_1311 = arith.extui %eq3A_1310 : vector<8x512xi1> to vector<8x512xi32>
    %convert_element_type3A_1312 = arith.sitofp %convert_element_type3A_1311 : vector<8x512xi32> to vector<8x512xf32>
    %eq3A_1313 = arith.constant 24 : i32
    %eq3A_1314 = vector.broadcast %eq3A_1313 : i32 to vector<8x512xi32>
    %eq3A_1315 = arith.cmpi eq, %sub3A_1289, %eq3A_1314 : vector<8x512xi32>
    %convert_element_type3A_1316 = arith.extui %eq3A_1315 : vector<8x512xi1> to vector<8x512xi32>
    %convert_element_type3A_1317 = arith.sitofp %convert_element_type3A_1316 : vector<8x512xi32> to vector<8x512xf32>
    %eq3A_1318 = arith.constant 32 : i32
    %eq3A_1319 = vector.broadcast %eq3A_1318 : i32 to vector<8x512xi32>
    %eq3A_1320 = arith.cmpi eq, %sub3A_1289, %eq3A_1319 : vector<8x512xi32>
    %convert_element_type3A_1321 = arith.extui %eq3A_1320 : vector<8x512xi1> to vector<8x512xi32>
    %convert_element_type3A_1322 = arith.sitofp %convert_element_type3A_1321 : vector<8x512xi32> to vector<8x512xf32>
    %eq3A_1323 = arith.constant 40 : i32
    %eq3A_1324 = vector.broadcast %eq3A_1323 : i32 to vector<8x512xi32>
    %eq3A_1325 = arith.cmpi eq, %sub3A_1289, %eq3A_1324 : vector<8x512xi32>
    %convert_element_type3A_1326 = arith.extui %eq3A_1325 : vector<8x512xi1> to vector<8x512xi32>
    %convert_element_type3A_1327 = arith.sitofp %convert_element_type3A_1326 : vector<8x512xi32> to vector<8x512xf32>
    %eq3A_1328 = arith.constant 48 : i32
    %eq3A_1329 = vector.broadcast %eq3A_1328 : i32 to vector<8x512xi32>
    %eq3A_1330 = arith.cmpi eq, %sub3A_1289, %eq3A_1329 : vector<8x512xi32>
    %convert_element_type3A_1331 = arith.extui %eq3A_1330 : vector<8x512xi1> to vector<8x512xi32>
    %convert_element_type3A_1332 = arith.sitofp %convert_element_type3A_1331 : vector<8x512xi32> to vector<8x512xf32>
    %eq3A_1333 = arith.constant 56 : i32
    %eq3A_1334 = vector.broadcast %eq3A_1333 : i32 to vector<8x512xi32>
    %eq3A_1335 = arith.cmpi eq, %sub3A_1289, %eq3A_1334 : vector<8x512xi32>
    %convert_element_type3A_1336 = arith.extui %eq3A_1335 : vector<8x512xi1> to vector<8x512xi32>
    %convert_element_type3A_1337 = arith.sitofp %convert_element_type3A_1336 : vector<8x512xi32> to vector<8x512xf32>
    %eq3A_1338 = arith.constant 0 : i32
    %eq3A_1339 = vector.broadcast %eq3A_1338 : i32 to vector<8x512xi32>
    %eq3A_1340 = arith.cmpi eq, %sub3A_1297, %eq3A_1339 : vector<8x512xi32>
    %convert_element_type3A_1341 = arith.extui %eq3A_1340 : vector<8x512xi1> to vector<8x512xi32>
    %convert_element_type3A_1342 = arith.sitofp %convert_element_type3A_1341 : vector<8x512xi32> to vector<8x512xf32>
    %eq3A_1343 = arith.constant 8 : i32
    %eq3A_1344 = vector.broadcast %eq3A_1343 : i32 to vector<8x512xi32>
    %eq3A_1345 = arith.cmpi eq, %sub3A_1297, %eq3A_1344 : vector<8x512xi32>
    %convert_element_type3A_1346 = arith.extui %eq3A_1345 : vector<8x512xi1> to vector<8x512xi32>
    %convert_element_type3A_1347 = arith.sitofp %convert_element_type3A_1346 : vector<8x512xi32> to vector<8x512xf32>
    %eq3A_1348 = arith.constant 16 : i32
    %eq3A_1349 = vector.broadcast %eq3A_1348 : i32 to vector<8x512xi32>
    %eq3A_1350 = arith.cmpi eq, %sub3A_1297, %eq3A_1349 : vector<8x512xi32>
    %convert_element_type3A_1351 = arith.extui %eq3A_1350 : vector<8x512xi1> to vector<8x512xi32>
    %convert_element_type3A_1352 = arith.sitofp %convert_element_type3A_1351 : vector<8x512xi32> to vector<8x512xf32>
    %eq3A_1353 = arith.constant 24 : i32
    %eq3A_1354 = vector.broadcast %eq3A_1353 : i32 to vector<8x512xi32>
    %eq3A_1355 = arith.cmpi eq, %sub3A_1297, %eq3A_1354 : vector<8x512xi32>
    %convert_element_type3A_1356 = arith.extui %eq3A_1355 : vector<8x512xi1> to vector<8x512xi32>
    %convert_element_type3A_1357 = arith.sitofp %convert_element_type3A_1356 : vector<8x512xi32> to vector<8x512xf32>
    %eq3A_1358 = arith.constant 32 : i32
    %eq3A_1359 = vector.broadcast %eq3A_1358 : i32 to vector<8x512xi32>
    %eq3A_1360 = arith.cmpi eq, %sub3A_1297, %eq3A_1359 : vector<8x512xi32>
    %convert_element_type3A_1361 = arith.extui %eq3A_1360 : vector<8x512xi1> to vector<8x512xi32>
    %convert_element_type3A_1362 = arith.sitofp %convert_element_type3A_1361 : vector<8x512xi32> to vector<8x512xf32>
    %eq3A_1363 = arith.constant 40 : i32
    %eq3A_1364 = vector.broadcast %eq3A_1363 : i32 to vector<8x512xi32>
    %eq3A_1365 = arith.cmpi eq, %sub3A_1297, %eq3A_1364 : vector<8x512xi32>
    %convert_element_type3A_1366 = arith.extui %eq3A_1365 : vector<8x512xi1> to vector<8x512xi32>
    %convert_element_type3A_1367 = arith.sitofp %convert_element_type3A_1366 : vector<8x512xi32> to vector<8x512xf32>
    %eq3A_1368 = arith.constant 48 : i32
    %eq3A_1369 = vector.broadcast %eq3A_1368 : i32 to vector<8x512xi32>
    %eq3A_1370 = arith.cmpi eq, %sub3A_1297, %eq3A_1369 : vector<8x512xi32>
    %convert_element_type3A_1371 = arith.extui %eq3A_1370 : vector<8x512xi1> to vector<8x512xi32>
    %convert_element_type3A_1372 = arith.sitofp %convert_element_type3A_1371 : vector<8x512xi32> to vector<8x512xf32>
    %eq3A_1373 = arith.constant 56 : i32
    %eq3A_1374 = vector.broadcast %eq3A_1373 : i32 to vector<8x512xi32>
    %eq3A_1375 = arith.cmpi eq, %sub3A_1297, %eq3A_1374 : vector<8x512xi32>
    %convert_element_type3A_1376 = arith.extui %eq3A_1375 : vector<8x512xi1> to vector<8x512xi32>
    %convert_element_type3A_1377 = arith.sitofp %convert_element_type3A_1376 : vector<8x512xi32> to vector<8x512xf32>
    %concatenate3A_1378 = tpu.concatenate %convert_element_type3A_1302, %convert_element_type3A_1307, %convert_element_type3A_1312, %convert_element_type3A_1317, %convert_element_type3A_1322, %convert_element_type3A_1327, %convert_element_type3A_1332, %convert_element_type3A_1337, %convert_element_type3A_1342, %convert_element_type3A_1347, %convert_element_type3A_1352, %convert_element_type3A_1357, %convert_element_type3A_1362, %convert_element_type3A_1367, %convert_element_type3A_1372, %convert_element_type3A_1377 in 0 : vector<8x512xf32>, vector<8x512xf32>, vector<8x512xf32>, vector<8x512xf32>, vector<8x512xf32>, vector<8x512xf32>, vector<8x512xf32>, vector<8x512xf32>, vector<8x512xf32>, vector<8x512xf32>, vector<8x512xf32>, vector<8x512xf32>, vector<8x512xf32>, vector<8x512xf32>, vector<8x512xf32>, vector<8x512xf32> -> vector<128x512xf32>
    %convert_element_type3A_1379 = arith.truncf %concatenate3A_1378 : vector<128x512xf32> to vector<128x512xbf16>
    %get3A_1380 = arith.constant 0 : index
    %get3A_1381 = arith.constant 0 : index
    %get3A_1382 = vector.load %arg9[%get3A_1380, %get3A_1381] : memref<128x256xbf16, #tpu.memory_space<vmem>>, vector<128x256xbf16>
    %dot_general3A_1383 = arith.constant dense<0.000000e+00> : vector<512x256xf32>
    %dot_general3A_1384 = tpu.matmul %convert_element_type3A_1379, %get3A_1382, %dot_general3A_1383 {dimension_numbers = #tpu.dot_dimension_numbers<[0], [0], [1], [1], [0, 1, 1, 1], [], []>, transpose_lhs_hint = false} : vector<128x512xbf16>, vector<128x256xbf16>, vector<512x256xf32> -> vector<512x256xf32>
    %convert_element_type3A_1385 = arith.truncf %dot_general3A_1384 : vector<512x256xf32> to vector<512x256xbf16>
    %slice3A_1386 = vector.extract_strided_slice %convert_element_type3A_1385 {offsets = [0, 0], sizes = [512, 128], strides = [1, 1]} : vector<512x256xbf16> to vector<512x128xbf16>
    %slice3A_1387 = vector.extract_strided_slice %convert_element_type3A_1385 {offsets = [0, 128], sizes = [512, 128], strides = [1, 1]} : vector<512x256xbf16> to vector<512x128xbf16>
    %mul3A_1388 = arith.mulf %slice3A_1386, %slice3A_1387 : vector<512x128xbf16>
    %slice3A_1389 = vector.extract_strided_slice %mul3A_1388 {offsets = [0, 0], sizes = [512, 64], strides = [1, 1]} : vector<512x128xbf16> to vector<512x64xbf16>
    %slice3A_1390 = vector.extract_strided_slice %mul3A_1388 {offsets = [0, 64], sizes = [512, 64], strides = [1, 1]} : vector<512x128xbf16> to vector<512x64xbf16>
    %add3A_1391 = arith.addf %slice3A_1389, %slice3A_1390 : vector<512x64xbf16>
    %convert_element_type3A_1392 = arith.extf %add3A_1391 : vector<512x64xbf16> to vector<512x64xf32>
    %swap3A_1393 = arith.constant 0 : index
    %swap3A_1394 = arith.constant 1536 : index
    %swap3A_1395 = arith.constant 64 : index
    %swap3A_1396 = vector.load %arg10[%swap3A_1393, %swap3A_1394, %swap3A_1395] : memref<1x4096x128xf32, #tpu.memory_space<vmem>>, vector<1x512x64xf32>
    %swap3A_1397 = vector.shape_cast %swap3A_1396 : vector<1x512x64xf32> to vector<512x64xf32>
    %swap3A_1398 = vector.shape_cast %convert_element_type3A_1392 : vector<512x64xf32> to vector<1x512x64xf32>
    tpu.vector_store %arg10[%swap3A_1393, %swap3A_1394, %swap3A_1395], %swap3A_1398 {strides = array<i32>} : memref<1x4096x128xf32, #tpu.memory_space<vmem>>, vector<1x512x64xf32>,
    %get3A_1399 = arith.constant 0 : index
    %get3A_1400 = arith.constant 0 : index
    %get3A_1401 = arith.constant 1536 : index
    %get3A_1402 = vector.load %arg7[%get3A_1399, %get3A_1400, %get3A_1401] : memref<1x1x4096xi32, #tpu.memory_space<vmem>>, vector<1x1x512xi32>
    %get3A_1403 = vector.shape_cast %get3A_1402 : vector<1x1x512xi32> to vector<1x512xi32>
    %convert_element_type3A_1404 = arith.sitofp %get3A_1403 : vector<1x512xi32> to vector<1x512xf32>
    %broadcast_in_dim3A_1405 = vector.shape_cast %convert_element_type3A_1404 : vector<1x512xf32> to vector<1x512xf32>
    %broadcast_in_dim3A_1406 = vector.broadcast %broadcast_in_dim3A_1405 : vector<1x512xf32> to vector<8x512xf32>
    %get3A_1407 = arith.constant 0 : index
    %get3A_1408 = arith.constant 0 : index
    %get3A_1409 = arith.constant 1536 : index
    %get3A_1410 = vector.load %arg6[%get3A_1407, %get3A_1408, %get3A_1409] : memref<1x1x4096xi32, #tpu.memory_space<vmem>>, vector<1x1x512xi32>
    %get3A_1411 = vector.shape_cast %get3A_1410 : vector<1x1x512xi32> to vector<1x512xi32>
    %broadcast_in_dim3A_1412 = vector.shape_cast %get3A_1411 : vector<1x512xi32> to vector<1x512xi32>
    %broadcast_in_dim3A_1413 = vector.broadcast %broadcast_in_dim3A_1412 : vector<1x512xi32> to vector<8x512xi32>
    %sub3A_1414 = arith.subi %broadcast_in_dim3A_1413, %iota3A : vector<8x512xi32>
    %get3A_1415 = arith.constant 0 : index
    %get3A_1416 = arith.constant 0 : index
    %get3A_1417 = arith.constant 1536 : index
    %get3A_1418 = vector.load %arg5[%get3A_1415, %get3A_1416, %get3A_1417] : memref<1x1x4096xi32, #tpu.memory_space<vmem>>, vector<1x1x512xi32>
    %get3A_1419 = vector.shape_cast %get3A_1418 : vector<1x1x512xi32> to vector<1x512xi32>
    %jit3A_1420 = arith.constant 128 : i32
    %div3A_1421 = vector.broadcast %jit3A_1420 : i32 to vector<1x512xi32>
    %div3A_1422 = arith.divsi %get3A_1419, %div3A_1421 : vector<1x512xi32>
    %sign3A_1423 = arith.constant 0 : i32
    %sign3A_1424 = vector.broadcast %sign3A_1423 : i32 to vector<1x512xi32>
    %sign3A_1425 = arith.cmpi sgt, %get3A_1419, %sign3A_1424 : vector<1x512xi32>
    %sign3A_1426 = arith.extui %sign3A_1425 : vector<1x512xi1> to vector<1x512xi32>
    %sign3A_1427 = arith.constant 0 : i32
    %sign3A_1428 = vector.broadcast %sign3A_1427 : i32 to vector<1x512xi32>
    %sign3A_1429 = arith.cmpi slt, %get3A_1419, %sign3A_1428 : vector<1x512xi32>
    %sign3A_1430 = arith.extui %sign3A_1429 : vector<1x512xi1> to vector<1x512xi32>
    %sign3A_1431 = arith.subi %sign3A_1426, %sign3A_1430 : vector<1x512xi32>
    %sign3A_1432 = arith.constant 0 : i32
    %sign3A_1433 = arith.cmpi sgt, %jit3A_1420, %sign3A_1432 : i32
    %sign3A_1434 = arith.extui %sign3A_1433 : i1 to i32
    %sign3A_1435 = arith.constant 0 : i32
    %sign3A_1436 = arith.cmpi slt, %jit3A_1420, %sign3A_1435 : i32
    %sign3A_1437 = arith.extui %sign3A_1436 : i1 to i32
    %sign3A_1438 = arith.subi %sign3A_1434, %sign3A_1437 : i32
    %ne3A_1439 = vector.broadcast %sign3A_1438 : i32 to vector<1x512xi32>
    %ne3A_1440 = arith.cmpi ne, %sign3A_1431, %ne3A_1439 : vector<1x512xi32>
    %rem3A_1441 = vector.broadcast %jit3A_1420 : i32 to vector<1x512xi32>
    %rem3A_1442 = arith.remsi %get3A_1419, %rem3A_1441 : vector<1x512xi32>
    %ne3A_1443 = arith.constant 0 : i32
    %ne3A_1444 = vector.broadcast %ne3A_1443 : i32 to vector<1x512xi32>
    %ne3A_1445 = arith.cmpi ne, %rem3A_1442, %ne3A_1444 : vector<1x512xi32>
    %and3A_1446 = arith.andi %ne3A_1440, %ne3A_1445 : vector<1x512xi1>
    %sub3A_1447 = arith.constant 1 : i32
    %sub3A_1448 = vector.broadcast %sub3A_1447 : i32 to vector<1x512xi32>
    %sub3A_1449 = arith.subi %div3A_1422, %sub3A_1448 : vector<1x512xi32>
    %select_n3A_1450 = arith.select %and3A_1446, %sub3A_1449, %div3A_1422 : vector<1x512xi1>, vector<1x512xi32>
    %broadcast_in_dim3A_1451 = vector.shape_cast %select_n3A_1450 : vector<1x512xi32> to vector<1x512xi32>
    %broadcast_in_dim3A_1452 = vector.broadcast %broadcast_in_dim3A_1451 : vector<1x512xi32> to vector<8x512xi32>
    %sub3A_1453 = arith.subi %broadcast_in_dim3A_1452, %iota3A : vector<8x512xi32>
    %eq3A_1454 = arith.constant 0 : i32
    %eq3A_1455 = vector.broadcast %eq3A_1454 : i32 to vector<8x512xi32>
    %eq3A_1456 = arith.cmpi eq, %sub3A_1414, %eq3A_1455 : vector<8x512xi32>
    %jit3A_1457 = arith.constant 0.000000e+00 : f32
    %broadcast_in_dim3A_1458 = vector.broadcast %jit3A_1457 : f32 to vector<8x512xf32>
    %select_n3A_1459 = arith.select %eq3A_1456, %broadcast_in_dim3A_1406, %broadcast_in_dim3A_1458 : vector<8x512xi1>, vector<8x512xf32>
    %swap3A_1460 = arith.constant 0 : index
    %swap3A_1461 = arith.constant 0 : index
    %swap3A_1462 = arith.constant 1536 : index
    %swap3A_1463 = vector.load %arg12[%swap3A_1460, %swap3A_1461, %swap3A_1462] : memref<1x128x4096xf32, #tpu.memory_space<vmem>>, vector<1x8x512xf32>
    %swap3A_1464 = vector.shape_cast %swap3A_1463 : vector<1x8x512xf32> to vector<8x512xf32>
    %swap3A_1465 = vector.shape_cast %select_n3A_1459 : vector<8x512xf32> to vector<1x8x512xf32>
    tpu.vector_store %arg12[%swap3A_1460, %swap3A_1461, %swap3A_1462], %swap3A_1465 {strides = array<i32>} : memref<1x128x4096xf32, #tpu.memory_space<vmem>>, vector<1x8x512xf32>,
    %eq3A_1466 = arith.constant 8 : i32
    %eq3A_1467 = vector.broadcast %eq3A_1466 : i32 to vector<8x512xi32>
    %eq3A_1468 = arith.cmpi eq, %sub3A_1414, %eq3A_1467 : vector<8x512xi32>
    %jit3A_1469 = arith.constant 0.000000e+00 : f32
    %broadcast_in_dim3A_1470 = vector.broadcast %jit3A_1469 : f32 to vector<8x512xf32>
    %select_n3A_1471 = arith.select %eq3A_1468, %broadcast_in_dim3A_1406, %broadcast_in_dim3A_1470 : vector<8x512xi1>, vector<8x512xf32>
    %swap3A_1472 = arith.constant 0 : index
    %swap3A_1473 = arith.constant 8 : index
    %swap3A_1474 = arith.constant 1536 : index
    %swap3A_1475 = vector.load %arg12[%swap3A_1472, %swap3A_1473, %swap3A_1474] : memref<1x128x4096xf32, #tpu.memory_space<vmem>>, vector<1x8x512xf32>
    %swap3A_1476 = vector.shape_cast %swap3A_1475 : vector<1x8x512xf32> to vector<8x512xf32>
    %swap3A_1477 = vector.shape_cast %select_n3A_1471 : vector<8x512xf32> to vector<1x8x512xf32>
    tpu.vector_store %arg12[%swap3A_1472, %swap3A_1473, %swap3A_1474], %swap3A_1477 {strides = array<i32>} : memref<1x128x4096xf32, #tpu.memory_space<vmem>>, vector<1x8x512xf32>,
    %eq3A_1478 = arith.constant 16 : i32
    %eq3A_1479 = vector.broadcast %eq3A_1478 : i32 to vector<8x512xi32>
    %eq3A_1480 = arith.cmpi eq, %sub3A_1414, %eq3A_1479 : vector<8x512xi32>
    %jit3A_1481 = arith.constant 0.000000e+00 : f32
    %broadcast_in_dim3A_1482 = vector.broadcast %jit3A_1481 : f32 to vector<8x512xf32>
    %select_n3A_1483 = arith.select %eq3A_1480, %broadcast_in_dim3A_1406, %broadcast_in_dim3A_1482 : vector<8x512xi1>, vector<8x512xf32>
    %swap3A_1484 = arith.constant 0 : index
    %swap3A_1485 = arith.constant 16 : index
    %swap3A_1486 = arith.constant 1536 : index
    %swap3A_1487 = vector.load %arg12[%swap3A_1484, %swap3A_1485, %swap3A_1486] : memref<1x128x4096xf32, #tpu.memory_space<vmem>>, vector<1x8x512xf32>
    %swap3A_1488 = vector.shape_cast %swap3A_1487 : vector<1x8x512xf32> to vector<8x512xf32>
    %swap3A_1489 = vector.shape_cast %select_n3A_1483 : vector<8x512xf32> to vector<1x8x512xf32>
    tpu.vector_store %arg12[%swap3A_1484, %swap3A_1485, %swap3A_1486], %swap3A_1489 {strides = array<i32>} : memref<1x128x4096xf32, #tpu.memory_space<vmem>>, vector<1x8x512xf32>,
    %eq3A_1490 = arith.constant 24 : i32
    %eq3A_1491 = vector.broadcast %eq3A_1490 : i32 to vector<8x512xi32>
    %eq3A_1492 = arith.cmpi eq, %sub3A_1414, %eq3A_1491 : vector<8x512xi32>
    %jit3A_1493 = arith.constant 0.000000e+00 : f32
    %broadcast_in_dim3A_1494 = vector.broadcast %jit3A_1493 : f32 to vector<8x512xf32>
    %select_n3A_1495 = arith.select %eq3A_1492, %broadcast_in_dim3A_1406, %broadcast_in_dim3A_1494 : vector<8x512xi1>, vector<8x512xf32>
    %swap3A_1496 = arith.constant 0 : index
    %swap3A_1497 = arith.constant 24 : index
    %swap3A_1498 = arith.constant 1536 : index
    %swap3A_1499 = vector.load %arg12[%swap3A_1496, %swap3A_1497, %swap3A_1498] : memref<1x128x4096xf32, #tpu.memory_space<vmem>>, vector<1x8x512xf32>
    %swap3A_1500 = vector.shape_cast %swap3A_1499 : vector<1x8x512xf32> to vector<8x512xf32>
    %swap3A_1501 = vector.shape_cast %select_n3A_1495 : vector<8x512xf32> to vector<1x8x512xf32>
    tpu.vector_store %arg12[%swap3A_1496, %swap3A_1497, %swap3A_1498], %swap3A_1501 {strides = array<i32>} : memref<1x128x4096xf32, #tpu.memory_space<vmem>>, vector<1x8x512xf32>,
    %eq3A_1502 = arith.constant 32 : i32
    %eq3A_1503 = vector.broadcast %eq3A_1502 : i32 to vector<8x512xi32>
    %eq3A_1504 = arith.cmpi eq, %sub3A_1414, %eq3A_1503 : vector<8x512xi32>
    %jit3A_1505 = arith.constant 0.000000e+00 : f32
    %broadcast_in_dim3A_1506 = vector.broadcast %jit3A_1505 : f32 to vector<8x512xf32>
    %select_n3A_1507 = arith.select %eq3A_1504, %broadcast_in_dim3A_1406, %broadcast_in_dim3A_1506 : vector<8x512xi1>, vector<8x512xf32>
    %swap3A_1508 = arith.constant 0 : index
    %swap3A_1509 = arith.constant 32 : index
    %swap3A_1510 = arith.constant 1536 : index
    %swap3A_1511 = vector.load %arg12[%swap3A_1508, %swap3A_1509, %swap3A_1510] : memref<1x128x4096xf32, #tpu.memory_space<vmem>>, vector<1x8x512xf32>
    %swap3A_1512 = vector.shape_cast %swap3A_1511 : vector<1x8x512xf32> to vector<8x512xf32>
    %swap3A_1513 = vector.shape_cast %select_n3A_1507 : vector<8x512xf32> to vector<1x8x512xf32>
    tpu.vector_store %arg12[%swap3A_1508, %swap3A_1509, %swap3A_1510], %swap3A_1513 {strides = array<i32>} : memref<1x128x4096xf32, #tpu.memory_space<vmem>>, vector<1x8x512xf32>,
    %eq3A_1514 = arith.constant 40 : i32
    %eq3A_1515 = vector.broadcast %eq3A_1514 : i32 to vector<8x512xi32>
    %eq3A_1516 = arith.cmpi eq, %sub3A_1414, %eq3A_1515 : vector<8x512xi32>
    %jit3A_1517 = arith.constant 0.000000e+00 : f32
    %broadcast_in_dim3A_1518 = vector.broadcast %jit3A_1517 : f32 to vector<8x512xf32>
    %select_n3A_1519 = arith.select %eq3A_1516, %broadcast_in_dim3A_1406, %broadcast_in_dim3A_1518 : vector<8x512xi1>, vector<8x512xf32>
    %swap3A_1520 = arith.constant 0 : index
    %swap3A_1521 = arith.constant 40 : index
    %swap3A_1522 = arith.constant 1536 : index
    %swap3A_1523 = vector.load %arg12[%swap3A_1520, %swap3A_1521, %swap3A_1522] : memref<1x128x4096xf32, #tpu.memory_space<vmem>>, vector<1x8x512xf32>
    %swap3A_1524 = vector.shape_cast %swap3A_1523 : vector<1x8x512xf32> to vector<8x512xf32>
    %swap3A_1525 = vector.shape_cast %select_n3A_1519 : vector<8x512xf32> to vector<1x8x512xf32>
    tpu.vector_store %arg12[%swap3A_1520, %swap3A_1521, %swap3A_1522], %swap3A_1525 {strides = array<i32>} : memref<1x128x4096xf32, #tpu.memory_space<vmem>>, vector<1x8x512xf32>,
    %eq3A_1526 = arith.constant 48 : i32
    %eq3A_1527 = vector.broadcast %eq3A_1526 : i32 to vector<8x512xi32>
    %eq3A_1528 = arith.cmpi eq, %sub3A_1414, %eq3A_1527 : vector<8x512xi32>
    %jit3A_1529 = arith.constant 0.000000e+00 : f32
    %broadcast_in_dim3A_1530 = vector.broadcast %jit3A_1529 : f32 to vector<8x512xf32>
    %select_n3A_1531 = arith.select %eq3A_1528, %broadcast_in_dim3A_1406, %broadcast_in_dim3A_1530 : vector<8x512xi1>, vector<8x512xf32>
    %swap3A_1532 = arith.constant 0 : index
    %swap3A_1533 = arith.constant 48 : index
    %swap3A_1534 = arith.constant 1536 : index
    %swap3A_1535 = vector.load %arg12[%swap3A_1532, %swap3A_1533, %swap3A_1534] : memref<1x128x4096xf32, #tpu.memory_space<vmem>>, vector<1x8x512xf32>
    %swap3A_1536 = vector.shape_cast %swap3A_1535 : vector<1x8x512xf32> to vector<8x512xf32>
    %swap3A_1537 = vector.shape_cast %select_n3A_1531 : vector<8x512xf32> to vector<1x8x512xf32>
    tpu.vector_store %arg12[%swap3A_1532, %swap3A_1533, %swap3A_1534], %swap3A_1537 {strides = array<i32>} : memref<1x128x4096xf32, #tpu.memory_space<vmem>>, vector<1x8x512xf32>,
    %eq3A_1538 = arith.constant 56 : i32
    %eq3A_1539 = vector.broadcast %eq3A_1538 : i32 to vector<8x512xi32>
    %eq3A_1540 = arith.cmpi eq, %sub3A_1414, %eq3A_1539 : vector<8x512xi32>
    %jit3A_1541 = arith.constant 0.000000e+00 : f32
    %broadcast_in_dim3A_1542 = vector.broadcast %jit3A_1541 : f32 to vector<8x512xf32>
    %select_n3A_1543 = arith.select %eq3A_1540, %broadcast_in_dim3A_1406, %broadcast_in_dim3A_1542 : vector<8x512xi1>, vector<8x512xf32>
    %swap3A_1544 = arith.constant 0 : index
    %swap3A_1545 = arith.constant 56 : index
    %swap3A_1546 = arith.constant 1536 : index
    %swap3A_1547 = vector.load %arg12[%swap3A_1544, %swap3A_1545, %swap3A_1546] : memref<1x128x4096xf32, #tpu.memory_space<vmem>>, vector<1x8x512xf32>
    %swap3A_1548 = vector.shape_cast %swap3A_1547 : vector<1x8x512xf32> to vector<8x512xf32>
    %swap3A_1549 = vector.shape_cast %select_n3A_1543 : vector<8x512xf32> to vector<1x8x512xf32>
    tpu.vector_store %arg12[%swap3A_1544, %swap3A_1545, %swap3A_1546], %swap3A_1549 {strides = array<i32>} : memref<1x128x4096xf32, #tpu.memory_space<vmem>>, vector<1x8x512xf32>,
    %eq3A_1550 = arith.constant 64 : i32
    %eq3A_1551 = vector.broadcast %eq3A_1550 : i32 to vector<8x512xi32>
    %eq3A_1552 = arith.cmpi eq, %sub3A_1414, %eq3A_1551 : vector<8x512xi32>
    %jit3A_1553 = arith.constant 0.000000e+00 : f32
    %broadcast_in_dim3A_1554 = vector.broadcast %jit3A_1553 : f32 to vector<8x512xf32>
    %select_n3A_1555 = arith.select %eq3A_1552, %broadcast_in_dim3A_1406, %broadcast_in_dim3A_1554 : vector<8x512xi1>, vector<8x512xf32>
    %swap3A_1556 = arith.constant 0 : index
    %swap3A_1557 = arith.constant 64 : index
    %swap3A_1558 = arith.constant 1536 : index
    %swap3A_1559 = vector.load %arg12[%swap3A_1556, %swap3A_1557, %swap3A_1558] : memref<1x128x4096xf32, #tpu.memory_space<vmem>>, vector<1x8x512xf32>
    %swap3A_1560 = vector.shape_cast %swap3A_1559 : vector<1x8x512xf32> to vector<8x512xf32>
    %swap3A_1561 = vector.shape_cast %select_n3A_1555 : vector<8x512xf32> to vector<1x8x512xf32>
    tpu.vector_store %arg12[%swap3A_1556, %swap3A_1557, %swap3A_1558], %swap3A_1561 {strides = array<i32>} : memref<1x128x4096xf32, #tpu.memory_space<vmem>>, vector<1x8x512xf32>,
    %eq3A_1562 = arith.constant 72 : i32
    %eq3A_1563 = vector.broadcast %eq3A_1562 : i32 to vector<8x512xi32>
    %eq3A_1564 = arith.cmpi eq, %sub3A_1414, %eq3A_1563 : vector<8x512xi32>
    %jit3A_1565 = arith.constant 0.000000e+00 : f32
    %broadcast_in_dim3A_1566 = vector.broadcast %jit3A_1565 : f32 to vector<8x512xf32>
    %select_n3A_1567 = arith.select %eq3A_1564, %broadcast_in_dim3A_1406, %broadcast_in_dim3A_1566 : vector<8x512xi1>, vector<8x512xf32>
    %swap3A_1568 = arith.constant 0 : index
    %swap3A_1569 = arith.constant 72 : index
    %swap3A_1570 = arith.constant 1536 : index
    %swap3A_1571 = vector.load %arg12[%swap3A_1568, %swap3A_1569, %swap3A_1570] : memref<1x128x4096xf32, #tpu.memory_space<vmem>>, vector<1x8x512xf32>
    %swap3A_1572 = vector.shape_cast %swap3A_1571 : vector<1x8x512xf32> to vector<8x512xf32>
    %swap3A_1573 = vector.shape_cast %select_n3A_1567 : vector<8x512xf32> to vector<1x8x512xf32>
    tpu.vector_store %arg12[%swap3A_1568, %swap3A_1569, %swap3A_1570], %swap3A_1573 {strides = array<i32>} : memref<1x128x4096xf32, #tpu.memory_space<vmem>>, vector<1x8x512xf32>,
    %eq3A_1574 = arith.constant 80 : i32
    %eq3A_1575 = vector.broadcast %eq3A_1574 : i32 to vector<8x512xi32>
    %eq3A_1576 = arith.cmpi eq, %sub3A_1414, %eq3A_1575 : vector<8x512xi32>
    %jit3A_1577 = arith.constant 0.000000e+00 : f32
    %broadcast_in_dim3A_1578 = vector.broadcast %jit3A_1577 : f32 to vector<8x512xf32>
    %select_n3A_1579 = arith.select %eq3A_1576, %broadcast_in_dim3A_1406, %broadcast_in_dim3A_1578 : vector<8x512xi1>, vector<8x512xf32>
    %swap3A_1580 = arith.constant 0 : index
    %swap3A_1581 = arith.constant 80 : index
    %swap3A_1582 = arith.constant 1536 : index
    %swap3A_1583 = vector.load %arg12[%swap3A_1580, %swap3A_1581, %swap3A_1582] : memref<1x128x4096xf32, #tpu.memory_space<vmem>>, vector<1x8x512xf32>
    %swap3A_1584 = vector.shape_cast %swap3A_1583 : vector<1x8x512xf32> to vector<8x512xf32>
    %swap3A_1585 = vector.shape_cast %select_n3A_1579 : vector<8x512xf32> to vector<1x8x512xf32>
    tpu.vector_store %arg12[%swap3A_1580, %swap3A_1581, %swap3A_1582], %swap3A_1585 {strides = array<i32>} : memref<1x128x4096xf32, #tpu.memory_space<vmem>>, vector<1x8x512xf32>,
    %eq3A_1586 = arith.constant 88 : i32
    %eq3A_1587 = vector.broadcast %eq3A_1586 : i32 to vector<8x512xi32>
    %eq3A_1588 = arith.cmpi eq, %sub3A_1414, %eq3A_1587 : vector<8x512xi32>
    %jit3A_1589 = arith.constant 0.000000e+00 : f32
    %broadcast_in_dim3A_1590 = vector.broadcast %jit3A_1589 : f32 to vector<8x512xf32>
    %select_n3A_1591 = arith.select %eq3A_1588, %broadcast_in_dim3A_1406, %broadcast_in_dim3A_1590 : vector<8x512xi1>, vector<8x512xf32>
    %swap3A_1592 = arith.constant 0 : index
    %swap3A_1593 = arith.constant 88 : index
    %swap3A_1594 = arith.constant 1536 : index
    %swap3A_1595 = vector.load %arg12[%swap3A_1592, %swap3A_1593, %swap3A_1594] : memref<1x128x4096xf32, #tpu.memory_space<vmem>>, vector<1x8x512xf32>
    %swap3A_1596 = vector.shape_cast %swap3A_1595 : vector<1x8x512xf32> to vector<8x512xf32>
    %swap3A_1597 = vector.shape_cast %select_n3A_1591 : vector<8x512xf32> to vector<1x8x512xf32>
    tpu.vector_store %arg12[%swap3A_1592, %swap3A_1593, %swap3A_1594], %swap3A_1597 {strides = array<i32>} : memref<1x128x4096xf32, #tpu.memory_space<vmem>>, vector<1x8x512xf32>,
    %eq3A_1598 = arith.constant 96 : i32
    %eq3A_1599 = vector.broadcast %eq3A_1598 : i32 to vector<8x512xi32>
    %eq3A_1600 = arith.cmpi eq, %sub3A_1414, %eq3A_1599 : vector<8x512xi32>
    %jit3A_1601 = arith.constant 0.000000e+00 : f32
    %broadcast_in_dim3A_1602 = vector.broadcast %jit3A_1601 : f32 to vector<8x512xf32>
    %select_n3A_1603 = arith.select %eq3A_1600, %broadcast_in_dim3A_1406, %broadcast_in_dim3A_1602 : vector<8x512xi1>, vector<8x512xf32>
    %swap3A_1604 = arith.constant 0 : index
    %swap3A_1605 = arith.constant 96 : index
    %swap3A_1606 = arith.constant 1536 : index
    %swap3A_1607 = vector.load %arg12[%swap3A_1604, %swap3A_1605, %swap3A_1606] : memref<1x128x4096xf32, #tpu.memory_space<vmem>>, vector<1x8x512xf32>
    %swap3A_1608 = vector.shape_cast %swap3A_1607 : vector<1x8x512xf32> to vector<8x512xf32>
    %swap3A_1609 = vector.shape_cast %select_n3A_1603 : vector<8x512xf32> to vector<1x8x512xf32>
    tpu.vector_store %arg12[%swap3A_1604, %swap3A_1605, %swap3A_1606], %swap3A_1609 {strides = array<i32>} : memref<1x128x4096xf32, #tpu.memory_space<vmem>>, vector<1x8x512xf32>,
    %eq3A_1610 = arith.constant 104 : i32
    %eq3A_1611 = vector.broadcast %eq3A_1610 : i32 to vector<8x512xi32>
    %eq3A_1612 = arith.cmpi eq, %sub3A_1414, %eq3A_1611 : vector<8x512xi32>
    %jit3A_1613 = arith.constant 0.000000e+00 : f32
    %broadcast_in_dim3A_1614 = vector.broadcast %jit3A_1613 : f32 to vector<8x512xf32>
    %select_n3A_1615 = arith.select %eq3A_1612, %broadcast_in_dim3A_1406, %broadcast_in_dim3A_1614 : vector<8x512xi1>, vector<8x512xf32>
    %swap3A_1616 = arith.constant 0 : index
    %swap3A_1617 = arith.constant 104 : index
    %swap3A_1618 = arith.constant 1536 : index
    %swap3A_1619 = vector.load %arg12[%swap3A_1616, %swap3A_1617, %swap3A_1618] : memref<1x128x4096xf32, #tpu.memory_space<vmem>>, vector<1x8x512xf32>
    %swap3A_1620 = vector.shape_cast %swap3A_1619 : vector<1x8x512xf32> to vector<8x512xf32>
    %swap3A_1621 = vector.shape_cast %select_n3A_1615 : vector<8x512xf32> to vector<1x8x512xf32>
    tpu.vector_store %arg12[%swap3A_1616, %swap3A_1617, %swap3A_1618], %swap3A_1621 {strides = array<i32>} : memref<1x128x4096xf32, #tpu.memory_space<vmem>>, vector<1x8x512xf32>,
    %eq3A_1622 = arith.constant 112 : i32
    %eq3A_1623 = vector.broadcast %eq3A_1622 : i32 to vector<8x512xi32>
    %eq3A_1624 = arith.cmpi eq, %sub3A_1414, %eq3A_1623 : vector<8x512xi32>
    %jit3A_1625 = arith.constant 0.000000e+00 : f32
    %broadcast_in_dim3A_1626 = vector.broadcast %jit3A_1625 : f32 to vector<8x512xf32>
    %select_n3A_1627 = arith.select %eq3A_1624, %broadcast_in_dim3A_1406, %broadcast_in_dim3A_1626 : vector<8x512xi1>, vector<8x512xf32>
    %swap3A_1628 = arith.constant 0 : index
    %swap3A_1629 = arith.constant 112 : index
    %swap3A_1630 = arith.constant 1536 : index
    %swap3A_1631 = vector.load %arg12[%swap3A_1628, %swap3A_1629, %swap3A_1630] : memref<1x128x4096xf32, #tpu.memory_space<vmem>>, vector<1x8x512xf32>
    %swap3A_1632 = vector.shape_cast %swap3A_1631 : vector<1x8x512xf32> to vector<8x512xf32>
    %swap3A_1633 = vector.shape_cast %select_n3A_1627 : vector<8x512xf32> to vector<1x8x512xf32>
    tpu.vector_store %arg12[%swap3A_1628, %swap3A_1629, %swap3A_1630], %swap3A_1633 {strides = array<i32>} : memref<1x128x4096xf32, #tpu.memory_space<vmem>>, vector<1x8x512xf32>,
    %eq3A_1634 = arith.constant 120 : i32
    %eq3A_1635 = vector.broadcast %eq3A_1634 : i32 to vector<8x512xi32>
    %eq3A_1636 = arith.cmpi eq, %sub3A_1414, %eq3A_1635 : vector<8x512xi32>
    %jit3A_1637 = arith.constant 0.000000e+00 : f32
    %broadcast_in_dim3A_1638 = vector.broadcast %jit3A_1637 : f32 to vector<8x512xf32>
    %select_n3A_1639 = arith.select %eq3A_1636, %broadcast_in_dim3A_1406, %broadcast_in_dim3A_1638 : vector<8x512xi1>, vector<8x512xf32>
    %swap3A_1640 = arith.constant 0 : index
    %swap3A_1641 = arith.constant 120 : index
    %swap3A_1642 = arith.constant 1536 : index
    %swap3A_1643 = vector.load %arg12[%swap3A_1640, %swap3A_1641, %swap3A_1642] : memref<1x128x4096xf32, #tpu.memory_space<vmem>>, vector<1x8x512xf32>
    %swap3A_1644 = vector.shape_cast %swap3A_1643 : vector<1x8x512xf32> to vector<8x512xf32>
    %swap3A_1645 = vector.shape_cast %select_n3A_1639 : vector<8x512xf32> to vector<1x8x512xf32>
    tpu.vector_store %arg12[%swap3A_1640, %swap3A_1641, %swap3A_1642], %swap3A_1645 {strides = array<i32>} : memref<1x128x4096xf32, #tpu.memory_space<vmem>>, vector<1x8x512xf32>,
    %eq3A_1646 = arith.constant 0 : i32
    %eq3A_1647 = vector.broadcast %eq3A_1646 : i32 to vector<8x512xi32>
    %eq3A_1648 = arith.cmpi eq, %sub3A_1453, %eq3A_1647 : vector<8x512xi32>
    %jit3A_1649 = arith.constant 0.000000e+00 : f32
    %broadcast_in_dim3A_1650 = vector.broadcast %jit3A_1649 : f32 to vector<8x512xf32>
    %select_n3A_1651 = arith.select %eq3A_1648, %broadcast_in_dim3A_1406, %broadcast_in_dim3A_1650 : vector<8x512xi1>, vector<8x512xf32>
    %swap3A_1652 = arith.constant 0 : index
    %swap3A_1653 = arith.constant 0 : index
    %swap3A_1654 = arith.constant 1536 : index
    %swap3A_1655 = vector.load %arg11[%swap3A_1652, %swap3A_1653, %swap3A_1654] : memref<1x32x4096xf32, #tpu.memory_space<vmem>>, vector<1x8x512xf32>
    %swap3A_1656 = vector.shape_cast %swap3A_1655 : vector<1x8x512xf32> to vector<8x512xf32>
    %swap3A_1657 = vector.shape_cast %select_n3A_1651 : vector<8x512xf32> to vector<1x8x512xf32>
    tpu.vector_store %arg11[%swap3A_1652, %swap3A_1653, %swap3A_1654], %swap3A_1657 {strides = array<i32>} : memref<1x32x4096xf32, #tpu.memory_space<vmem>>, vector<1x8x512xf32>,
    %eq3A_1658 = arith.constant 8 : i32
    %eq3A_1659 = vector.broadcast %eq3A_1658 : i32 to vector<8x512xi32>
    %eq3A_1660 = arith.cmpi eq, %sub3A_1453, %eq3A_1659 : vector<8x512xi32>
    %jit3A_1661 = arith.constant 0.000000e+00 : f32
    %broadcast_in_dim3A_1662 = vector.broadcast %jit3A_1661 : f32 to vector<8x512xf32>
    %select_n3A_1663 = arith.select %eq3A_1660, %broadcast_in_dim3A_1406, %broadcast_in_dim3A_1662 : vector<8x512xi1>, vector<8x512xf32>
    %swap3A_1664 = arith.constant 0 : index
    %swap3A_1665 = arith.constant 8 : index
    %swap3A_1666 = arith.constant 1536 : index
    %swap3A_1667 = vector.load %arg11[%swap3A_1664, %swap3A_1665, %swap3A_1666] : memref<1x32x4096xf32, #tpu.memory_space<vmem>>, vector<1x8x512xf32>
    %swap3A_1668 = vector.shape_cast %swap3A_1667 : vector<1x8x512xf32> to vector<8x512xf32>
    %swap3A_1669 = vector.shape_cast %select_n3A_1663 : vector<8x512xf32> to vector<1x8x512xf32>
    tpu.vector_store %arg11[%swap3A_1664, %swap3A_1665, %swap3A_1666], %swap3A_1669 {strides = array<i32>} : memref<1x32x4096xf32, #tpu.memory_space<vmem>>, vector<1x8x512xf32>,
    %eq3A_1670 = arith.constant 16 : i32
    %eq3A_1671 = vector.broadcast %eq3A_1670 : i32 to vector<8x512xi32>
    %eq3A_1672 = arith.cmpi eq, %sub3A_1453, %eq3A_1671 : vector<8x512xi32>
    %jit3A_1673 = arith.constant 0.000000e+00 : f32
    %broadcast_in_dim3A_1674 = vector.broadcast %jit3A_1673 : f32 to vector<8x512xf32>
    %select_n3A_1675 = arith.select %eq3A_1672, %broadcast_in_dim3A_1406, %broadcast_in_dim3A_1674 : vector<8x512xi1>, vector<8x512xf32>
    %swap3A_1676 = arith.constant 0 : index
    %swap3A_1677 = arith.constant 16 : index
    %swap3A_1678 = arith.constant 1536 : index
    %swap3A_1679 = vector.load %arg11[%swap3A_1676, %swap3A_1677, %swap3A_1678] : memref<1x32x4096xf32, #tpu.memory_space<vmem>>, vector<1x8x512xf32>
    %swap3A_1680 = vector.shape_cast %swap3A_1679 : vector<1x8x512xf32> to vector<8x512xf32>
    %swap3A_1681 = vector.shape_cast %select_n3A_1675 : vector<8x512xf32> to vector<1x8x512xf32>
    tpu.vector_store %arg11[%swap3A_1676, %swap3A_1677, %swap3A_1678], %swap3A_1681 {strides = array<i32>} : memref<1x32x4096xf32, #tpu.memory_space<vmem>>, vector<1x8x512xf32>,
    %eq3A_1682 = arith.constant 24 : i32
    %eq3A_1683 = vector.broadcast %eq3A_1682 : i32 to vector<8x512xi32>
    %eq3A_1684 = arith.cmpi eq, %sub3A_1453, %eq3A_1683 : vector<8x512xi32>
    %jit3A_1685 = arith.constant 0.000000e+00 : f32
    %broadcast_in_dim3A_1686 = vector.broadcast %jit3A_1685 : f32 to vector<8x512xf32>
    %select_n3A_1687 = arith.select %eq3A_1684, %broadcast_in_dim3A_1406, %broadcast_in_dim3A_1686 : vector<8x512xi1>, vector<8x512xf32>
    %swap3A_1688 = arith.constant 0 : index
    %swap3A_1689 = arith.constant 24 : index
    %swap3A_1690 = arith.constant 1536 : index
    %swap3A_1691 = vector.load %arg11[%swap3A_1688, %swap3A_1689, %swap3A_1690] : memref<1x32x4096xf32, #tpu.memory_space<vmem>>, vector<1x8x512xf32>
    %swap3A_1692 = vector.shape_cast %swap3A_1691 : vector<1x8x512xf32> to vector<8x512xf32>
    %swap3A_1693 = vector.shape_cast %select_n3A_1687 : vector<8x512xf32> to vector<1x8x512xf32>
    tpu.vector_store %arg11[%swap3A_1688, %swap3A_1689, %swap3A_1690], %swap3A_1693 {strides = array<i32>} : memref<1x32x4096xf32, #tpu.memory_space<vmem>>, vector<1x8x512xf32>,
    %get3A_1694 = arith.constant 0 : index
    %get3A_1695 = arith.constant 0 : index
    %get3A_1696 = arith.constant 2048 : index
    %get3A_1697 = vector.load %arg2[%get3A_1694, %get3A_1695, %get3A_1696] : memref<1x4x4096xbf16, #tpu.memory_space<vmem>>, vector<1x4x512xbf16>
    %get3A_1698 = vector.shape_cast %get3A_1697 : vector<1x4x512xbf16> to vector<4x512xbf16>
    %get3A_1699 = arith.constant 0 : index
    %get3A_1700 = arith.constant 0 : index
    %get3A_1701 = vector.load %arg8[%get3A_1699, %get3A_1700] : memref<4x64xbf16, #tpu.memory_space<vmem>>, vector<4x64xbf16>
    %dot_general3A_1702 = arith.constant dense<0.000000e+00> : vector<512x64xf32>
    %dot_general3A_1703 = tpu.matmul %get3A_1698, %get3A_1701, %dot_general3A_1702 {dimension_numbers = #tpu.dot_dimension_numbers<[0], [0], [1], [1], [0, 1, 1, 1], [], []>, transpose_lhs_hint = false} : vector<4x512xbf16>, vector<4x64xbf16>, vector<512x64xf32> -> vector<512x64xf32>
    %swap3A_1704 = arith.constant 0 : index
    %swap3A_1705 = arith.constant 2048 : index
    %swap3A_1706 = arith.constant 0 : index
    %swap3A_1707 = vector.load %arg10[%swap3A_1704, %swap3A_1705, %swap3A_1706] : memref<1x4096x128xf32, #tpu.memory_space<vmem>>, vector<1x512x64xf32>
    %swap3A_1708 = vector.shape_cast %swap3A_1707 : vector<1x512x64xf32> to vector<512x64xf32>
    %swap3A_1709 = vector.shape_cast %dot_general3A_1703 : vector<512x64xf32> to vector<1x512x64xf32>
    tpu.vector_store %arg10[%swap3A_1704, %swap3A_1705, %swap3A_1706], %swap3A_1709 {strides = array<i32>} : memref<1x4096x128xf32, #tpu.memory_space<vmem>>, vector<1x512x64xf32>,
    %get3A_1710 = arith.constant 0 : index
    %get3A_1711 = arith.constant 0 : index
    %get3A_1712 = arith.constant 2048 : index
    %get3A_1713 = vector.load %arg3[%get3A_1710, %get3A_1711, %get3A_1712] : memref<1x1x4096xi32, #tpu.memory_space<vmem>>, vector<1x1x512xi32>
    %get3A_1714 = vector.shape_cast %get3A_1713 : vector<1x1x512xi32> to vector<1x512xi32>
    %broadcast_in_dim3A_1715 = vector.shape_cast %get3A_1714 : vector<1x512xi32> to vector<1x512xi32>
    %broadcast_in_dim3A_1716 = vector.broadcast %broadcast_in_dim3A_1715 : vector<1x512xi32> to vector<8x512xi32>
    %sub3A_1717 = arith.subi %broadcast_in_dim3A_1716, %iota3A : vector<8x512xi32>
    %get3A_1718 = arith.constant 0 : index
    %get3A_1719 = arith.constant 0 : index
    %get3A_1720 = arith.constant 2048 : index
    %get3A_1721 = vector.load %arg4[%get3A_1718, %get3A_1719, %get3A_1720] : memref<1x1x4096xi32, #tpu.memory_space<vmem>>, vector<1x1x512xi32>
    %get3A_1722 = vector.shape_cast %get3A_1721 : vector<1x1x512xi32> to vector<1x512xi32>
    %broadcast_in_dim3A_1723 = vector.shape_cast %get3A_1722 : vector<1x512xi32> to vector<1x512xi32>
    %broadcast_in_dim3A_1724 = vector.broadcast %broadcast_in_dim3A_1723 : vector<1x512xi32> to vector<8x512xi32>
    %sub3A_1725 = arith.subi %broadcast_in_dim3A_1724, %iota3A : vector<8x512xi32>
    %eq3A_1726 = arith.constant 0 : i32
    %eq3A_1727 = vector.broadcast %eq3A_1726 : i32 to vector<8x512xi32>
    %eq3A_1728 = arith.cmpi eq, %sub3A_1717, %eq3A_1727 : vector<8x512xi32>
    %convert_element_type3A_1729 = arith.extui %eq3A_1728 : vector<8x512xi1> to vector<8x512xi32>
    %convert_element_type3A_1730 = arith.sitofp %convert_element_type3A_1729 : vector<8x512xi32> to vector<8x512xf32>
    %eq3A_1731 = arith.constant 8 : i32
    %eq3A_1732 = vector.broadcast %eq3A_1731 : i32 to vector<8x512xi32>
    %eq3A_1733 = arith.cmpi eq, %sub3A_1717, %eq3A_1732 : vector<8x512xi32>
    %convert_element_type3A_1734 = arith.extui %eq3A_1733 : vector<8x512xi1> to vector<8x512xi32>
    %convert_element_type3A_1735 = arith.sitofp %convert_element_type3A_1734 : vector<8x512xi32> to vector<8x512xf32>
    %eq3A_1736 = arith.constant 16 : i32
    %eq3A_1737 = vector.broadcast %eq3A_1736 : i32 to vector<8x512xi32>
    %eq3A_1738 = arith.cmpi eq, %sub3A_1717, %eq3A_1737 : vector<8x512xi32>
    %convert_element_type3A_1739 = arith.extui %eq3A_1738 : vector<8x512xi1> to vector<8x512xi32>
    %convert_element_type3A_1740 = arith.sitofp %convert_element_type3A_1739 : vector<8x512xi32> to vector<8x512xf32>
    %eq3A_1741 = arith.constant 24 : i32
    %eq3A_1742 = vector.broadcast %eq3A_1741 : i32 to vector<8x512xi32>
    %eq3A_1743 = arith.cmpi eq, %sub3A_1717, %eq3A_1742 : vector<8x512xi32>
    %convert_element_type3A_1744 = arith.extui %eq3A_1743 : vector<8x512xi1> to vector<8x512xi32>
    %convert_element_type3A_1745 = arith.sitofp %convert_element_type3A_1744 : vector<8x512xi32> to vector<8x512xf32>
    %eq3A_1746 = arith.constant 32 : i32
    %eq3A_1747 = vector.broadcast %eq3A_1746 : i32 to vector<8x512xi32>
    %eq3A_1748 = arith.cmpi eq, %sub3A_1717, %eq3A_1747 : vector<8x512xi32>
    %convert_element_type3A_1749 = arith.extui %eq3A_1748 : vector<8x512xi1> to vector<8x512xi32>
    %convert_element_type3A_1750 = arith.sitofp %convert_element_type3A_1749 : vector<8x512xi32> to vector<8x512xf32>
    %eq3A_1751 = arith.constant 40 : i32
    %eq3A_1752 = vector.broadcast %eq3A_1751 : i32 to vector<8x512xi32>
    %eq3A_1753 = arith.cmpi eq, %sub3A_1717, %eq3A_1752 : vector<8x512xi32>
    %convert_element_type3A_1754 = arith.extui %eq3A_1753 : vector<8x512xi1> to vector<8x512xi32>
    %convert_element_type3A_1755 = arith.sitofp %convert_element_type3A_1754 : vector<8x512xi32> to vector<8x512xf32>
    %eq3A_1756 = arith.constant 48 : i32
    %eq3A_1757 = vector.broadcast %eq3A_1756 : i32 to vector<8x512xi32>
    %eq3A_1758 = arith.cmpi eq, %sub3A_1717, %eq3A_1757 : vector<8x512xi32>
    %convert_element_type3A_1759 = arith.extui %eq3A_1758 : vector<8x512xi1> to vector<8x512xi32>
    %convert_element_type3A_1760 = arith.sitofp %convert_element_type3A_1759 : vector<8x512xi32> to vector<8x512xf32>
    %eq3A_1761 = arith.constant 56 : i32
    %eq3A_1762 = vector.broadcast %eq3A_1761 : i32 to vector<8x512xi32>
    %eq3A_1763 = arith.cmpi eq, %sub3A_1717, %eq3A_1762 : vector<8x512xi32>
    %convert_element_type3A_1764 = arith.extui %eq3A_1763 : vector<8x512xi1> to vector<8x512xi32>
    %convert_element_type3A_1765 = arith.sitofp %convert_element_type3A_1764 : vector<8x512xi32> to vector<8x512xf32>
    %eq3A_1766 = arith.constant 0 : i32
    %eq3A_1767 = vector.broadcast %eq3A_1766 : i32 to vector<8x512xi32>
    %eq3A_1768 = arith.cmpi eq, %sub3A_1725, %eq3A_1767 : vector<8x512xi32>
    %convert_element_type3A_1769 = arith.extui %eq3A_1768 : vector<8x512xi1> to vector<8x512xi32>
    %convert_element_type3A_1770 = arith.sitofp %convert_element_type3A_1769 : vector<8x512xi32> to vector<8x512xf32>
    %eq3A_1771 = arith.constant 8 : i32
    %eq3A_1772 = vector.broadcast %eq3A_1771 : i32 to vector<8x512xi32>
    %eq3A_1773 = arith.cmpi eq, %sub3A_1725, %eq3A_1772 : vector<8x512xi32>
    %convert_element_type3A_1774 = arith.extui %eq3A_1773 : vector<8x512xi1> to vector<8x512xi32>
    %convert_element_type3A_1775 = arith.sitofp %convert_element_type3A_1774 : vector<8x512xi32> to vector<8x512xf32>
    %eq3A_1776 = arith.constant 16 : i32
    %eq3A_1777 = vector.broadcast %eq3A_1776 : i32 to vector<8x512xi32>
    %eq3A_1778 = arith.cmpi eq, %sub3A_1725, %eq3A_1777 : vector<8x512xi32>
    %convert_element_type3A_1779 = arith.extui %eq3A_1778 : vector<8x512xi1> to vector<8x512xi32>
    %convert_element_type3A_1780 = arith.sitofp %convert_element_type3A_1779 : vector<8x512xi32> to vector<8x512xf32>
    %eq3A_1781 = arith.constant 24 : i32
    %eq3A_1782 = vector.broadcast %eq3A_1781 : i32 to vector<8x512xi32>
    %eq3A_1783 = arith.cmpi eq, %sub3A_1725, %eq3A_1782 : vector<8x512xi32>
    %convert_element_type3A_1784 = arith.extui %eq3A_1783 : vector<8x512xi1> to vector<8x512xi32>
    %convert_element_type3A_1785 = arith.sitofp %convert_element_type3A_1784 : vector<8x512xi32> to vector<8x512xf32>
    %eq3A_1786 = arith.constant 32 : i32
    %eq3A_1787 = vector.broadcast %eq3A_1786 : i32 to vector<8x512xi32>
    %eq3A_1788 = arith.cmpi eq, %sub3A_1725, %eq3A_1787 : vector<8x512xi32>
    %convert_element_type3A_1789 = arith.extui %eq3A_1788 : vector<8x512xi1> to vector<8x512xi32>
    %convert_element_type3A_1790 = arith.sitofp %convert_element_type3A_1789 : vector<8x512xi32> to vector<8x512xf32>
    %eq3A_1791 = arith.constant 40 : i32
    %eq3A_1792 = vector.broadcast %eq3A_1791 : i32 to vector<8x512xi32>
    %eq3A_1793 = arith.cmpi eq, %sub3A_1725, %eq3A_1792 : vector<8x512xi32>
    %convert_element_type3A_1794 = arith.extui %eq3A_1793 : vector<8x512xi1> to vector<8x512xi32>
    %convert_element_type3A_1795 = arith.sitofp %convert_element_type3A_1794 : vector<8x512xi32> to vector<8x512xf32>
    %eq3A_1796 = arith.constant 48 : i32
    %eq3A_1797 = vector.broadcast %eq3A_1796 : i32 to vector<8x512xi32>
    %eq3A_1798 = arith.cmpi eq, %sub3A_1725, %eq3A_1797 : vector<8x512xi32>
    %convert_element_type3A_1799 = arith.extui %eq3A_1798 : vector<8x512xi1> to vector<8x512xi32>
    %convert_element_type3A_1800 = arith.sitofp %convert_element_type3A_1799 : vector<8x512xi32> to vector<8x512xf32>
    %eq3A_1801 = arith.constant 56 : i32
    %eq3A_1802 = vector.broadcast %eq3A_1801 : i32 to vector<8x512xi32>
    %eq3A_1803 = arith.cmpi eq, %sub3A_1725, %eq3A_1802 : vector<8x512xi32>
    %convert_element_type3A_1804 = arith.extui %eq3A_1803 : vector<8x512xi1> to vector<8x512xi32>
    %convert_element_type3A_1805 = arith.sitofp %convert_element_type3A_1804 : vector<8x512xi32> to vector<8x512xf32>
    %concatenate3A_1806 = tpu.concatenate %convert_element_type3A_1730, %convert_element_type3A_1735, %convert_element_type3A_1740, %convert_element_type3A_1745, %convert_element_type3A_1750, %convert_element_type3A_1755, %convert_element_type3A_1760, %convert_element_type3A_1765, %convert_element_type3A_1770, %convert_element_type3A_1775, %convert_element_type3A_1780, %convert_element_type3A_1785, %convert_element_type3A_1790, %convert_element_type3A_1795, %convert_element_type3A_1800, %convert_element_type3A_1805 in 0 : vector<8x512xf32>, vector<8x512xf32>, vector<8x512xf32>, vector<8x512xf32>, vector<8x512xf32>, vector<8x512xf32>, vector<8x512xf32>, vector<8x512xf32>, vector<8x512xf32>, vector<8x512xf32>, vector<8x512xf32>, vector<8x512xf32>, vector<8x512xf32>, vector<8x512xf32>, vector<8x512xf32>, vector<8x512xf32> -> vector<128x512xf32>
    %convert_element_type3A_1807 = arith.truncf %concatenate3A_1806 : vector<128x512xf32> to vector<128x512xbf16>
    %get3A_1808 = arith.constant 0 : index
    %get3A_1809 = arith.constant 0 : index
    %get3A_1810 = vector.load %arg9[%get3A_1808, %get3A_1809] : memref<128x256xbf16, #tpu.memory_space<vmem>>, vector<128x256xbf16>
    %dot_general3A_1811 = arith.constant dense<0.000000e+00> : vector<512x256xf32>
    %dot_general3A_1812 = tpu.matmul %convert_element_type3A_1807, %get3A_1810, %dot_general3A_1811 {dimension_numbers = #tpu.dot_dimension_numbers<[0], [0], [1], [1], [0, 1, 1, 1], [], []>, transpose_lhs_hint = false} : vector<128x512xbf16>, vector<128x256xbf16>, vector<512x256xf32> -> vector<512x256xf32>
    %convert_element_type3A_1813 = arith.truncf %dot_general3A_1812 : vector<512x256xf32> to vector<512x256xbf16>
    %slice3A_1814 = vector.extract_strided_slice %convert_element_type3A_1813 {offsets = [0, 0], sizes = [512, 128], strides = [1, 1]} : vector<512x256xbf16> to vector<512x128xbf16>
    %slice3A_1815 = vector.extract_strided_slice %convert_element_type3A_1813 {offsets = [0, 128], sizes = [512, 128], strides = [1, 1]} : vector<512x256xbf16> to vector<512x128xbf16>
    %mul3A_1816 = arith.mulf %slice3A_1814, %slice3A_1815 : vector<512x128xbf16>
    %slice3A_1817 = vector.extract_strided_slice %mul3A_1816 {offsets = [0, 0], sizes = [512, 64], strides = [1, 1]} : vector<512x128xbf16> to vector<512x64xbf16>
    %slice3A_1818 = vector.extract_strided_slice %mul3A_1816 {offsets = [0, 64], sizes = [512, 64], strides = [1, 1]} : vector<512x128xbf16> to vector<512x64xbf16>
    %add3A_1819 = arith.addf %slice3A_1817, %slice3A_1818 : vector<512x64xbf16>
    %convert_element_type3A_1820 = arith.extf %add3A_1819 : vector<512x64xbf16> to vector<512x64xf32>
    %swap3A_1821 = arith.constant 0 : index
    %swap3A_1822 = arith.constant 2048 : index
    %swap3A_1823 = arith.constant 64 : index
    %swap3A_1824 = vector.load %arg10[%swap3A_1821, %swap3A_1822, %swap3A_1823] : memref<1x4096x128xf32, #tpu.memory_space<vmem>>, vector<1x512x64xf32>
    %swap3A_1825 = vector.shape_cast %swap3A_1824 : vector<1x512x64xf32> to vector<512x64xf32>
    %swap3A_1826 = vector.shape_cast %convert_element_type3A_1820 : vector<512x64xf32> to vector<1x512x64xf32>
    tpu.vector_store %arg10[%swap3A_1821, %swap3A_1822, %swap3A_1823], %swap3A_1826 {strides = array<i32>} : memref<1x4096x128xf32, #tpu.memory_space<vmem>>, vector<1x512x64xf32>,
    %get3A_1827 = arith.constant 0 : index
    %get3A_1828 = arith.constant 0 : index
    %get3A_1829 = arith.constant 2048 : index
    %get3A_1830 = vector.load %arg7[%get3A_1827, %get3A_1828, %get3A_1829] : memref<1x1x4096xi32, #tpu.memory_space<vmem>>, vector<1x1x512xi32>
    %get3A_1831 = vector.shape_cast %get3A_1830 : vector<1x1x512xi32> to vector<1x512xi32>
    %convert_element_type3A_1832 = arith.sitofp %get3A_1831 : vector<1x512xi32> to vector<1x512xf32>
    %broadcast_in_dim3A_1833 = vector.shape_cast %convert_element_type3A_1832 : vector<1x512xf32> to vector<1x512xf32>
    %broadcast_in_dim3A_1834 = vector.broadcast %broadcast_in_dim3A_1833 : vector<1x512xf32> to vector<8x512xf32>
    %get3A_1835 = arith.constant 0 : index
    %get3A_1836 = arith.constant 0 : index
    %get3A_1837 = arith.constant 2048 : index
    %get3A_1838 = vector.load %arg6[%get3A_1835, %get3A_1836, %get3A_1837] : memref<1x1x4096xi32, #tpu.memory_space<vmem>>, vector<1x1x512xi32>
    %get3A_1839 = vector.shape_cast %get3A_1838 : vector<1x1x512xi32> to vector<1x512xi32>
    %broadcast_in_dim3A_1840 = vector.shape_cast %get3A_1839 : vector<1x512xi32> to vector<1x512xi32>
    %broadcast_in_dim3A_1841 = vector.broadcast %broadcast_in_dim3A_1840 : vector<1x512xi32> to vector<8x512xi32>
    %sub3A_1842 = arith.subi %broadcast_in_dim3A_1841, %iota3A : vector<8x512xi32>
    %get3A_1843 = arith.constant 0 : index
    %get3A_1844 = arith.constant 0 : index
    %get3A_1845 = arith.constant 2048 : index
    %get3A_1846 = vector.load %arg5[%get3A_1843, %get3A_1844, %get3A_1845] : memref<1x1x4096xi32, #tpu.memory_space<vmem>>, vector<1x1x512xi32>
    %get3A_1847 = vector.shape_cast %get3A_1846 : vector<1x1x512xi32> to vector<1x512xi32>
    %jit3A_1848 = arith.constant 128 : i32
    %div3A_1849 = vector.broadcast %jit3A_1848 : i32 to vector<1x512xi32>
    %div3A_1850 = arith.divsi %get3A_1847, %div3A_1849 : vector<1x512xi32>
    %sign3A_1851 = arith.constant 0 : i32
    %sign3A_1852 = vector.broadcast %sign3A_1851 : i32 to vector<1x512xi32>
    %sign3A_1853 = arith.cmpi sgt, %get3A_1847, %sign3A_1852 : vector<1x512xi32>
    %sign3A_1854 = arith.extui %sign3A_1853 : vector<1x512xi1> to vector<1x512xi32>
    %sign3A_1855 = arith.constant 0 : i32
    %sign3A_1856 = vector.broadcast %sign3A_1855 : i32 to vector<1x512xi32>
    %sign3A_1857 = arith.cmpi slt, %get3A_1847, %sign3A_1856 : vector<1x512xi32>
    %sign3A_1858 = arith.extui %sign3A_1857 : vector<1x512xi1> to vector<1x512xi32>
    %sign3A_1859 = arith.subi %sign3A_1854, %sign3A_1858 : vector<1x512xi32>
    %sign3A_1860 = arith.constant 0 : i32
    %sign3A_1861 = arith.cmpi sgt, %jit3A_1848, %sign3A_1860 : i32
    %sign3A_1862 = arith.extui %sign3A_1861 : i1 to i32
    %sign3A_1863 = arith.constant 0 : i32
    %sign3A_1864 = arith.cmpi slt, %jit3A_1848, %sign3A_1863 : i32
    %sign3A_1865 = arith.extui %sign3A_1864 : i1 to i32
    %sign3A_1866 = arith.subi %sign3A_1862, %sign3A_1865 : i32
    %ne3A_1867 = vector.broadcast %sign3A_1866 : i32 to vector<1x512xi32>
    %ne3A_1868 = arith.cmpi ne, %sign3A_1859, %ne3A_1867 : vector<1x512xi32>
    %rem3A_1869 = vector.broadcast %jit3A_1848 : i32 to vector<1x512xi32>
    %rem3A_1870 = arith.remsi %get3A_1847, %rem3A_1869 : vector<1x512xi32>
    %ne3A_1871 = arith.constant 0 : i32
    %ne3A_1872 = vector.broadcast %ne3A_1871 : i32 to vector<1x512xi32>
    %ne3A_1873 = arith.cmpi ne, %rem3A_1870, %ne3A_1872 : vector<1x512xi32>
    %and3A_1874 = arith.andi %ne3A_1868, %ne3A_1873 : vector<1x512xi1>
    %sub3A_1875 = arith.constant 1 : i32
    %sub3A_1876 = vector.broadcast %sub3A_1875 : i32 to vector<1x512xi32>
    %sub3A_1877 = arith.subi %div3A_1850, %sub3A_1876 : vector<1x512xi32>
    %select_n3A_1878 = arith.select %and3A_1874, %sub3A_1877, %div3A_1850 : vector<1x512xi1>, vector<1x512xi32>
    %broadcast_in_dim3A_1879 = vector.shape_cast %select_n3A_1878 : vector<1x512xi32> to vector<1x512xi32>
    %broadcast_in_dim3A_1880 = vector.broadcast %broadcast_in_dim3A_1879 : vector<1x512xi32> to vector<8x512xi32>
    %sub3A_1881 = arith.subi %broadcast_in_dim3A_1880, %iota3A : vector<8x512xi32>
    %eq3A_1882 = arith.constant 0 : i32
    %eq3A_1883 = vector.broadcast %eq3A_1882 : i32 to vector<8x512xi32>
    %eq3A_1884 = arith.cmpi eq, %sub3A_1842, %eq3A_1883 : vector<8x512xi32>
    %jit3A_1885 = arith.constant 0.000000e+00 : f32
    %broadcast_in_dim3A_1886 = vector.broadcast %jit3A_1885 : f32 to vector<8x512xf32>
    %select_n3A_1887 = arith.select %eq3A_1884, %broadcast_in_dim3A_1834, %broadcast_in_dim3A_1886 : vector<8x512xi1>, vector<8x512xf32>
    %swap3A_1888 = arith.constant 0 : index
    %swap3A_1889 = arith.constant 0 : index
    %swap3A_1890 = arith.constant 2048 : index
    %swap3A_1891 = vector.load %arg12[%swap3A_1888, %swap3A_1889, %swap3A_1890] : memref<1x128x4096xf32, #tpu.memory_space<vmem>>, vector<1x8x512xf32>
    %swap3A_1892 = vector.shape_cast %swap3A_1891 : vector<1x8x512xf32> to vector<8x512xf32>
    %swap3A_1893 = vector.shape_cast %select_n3A_1887 : vector<8x512xf32> to vector<1x8x512xf32>
    tpu.vector_store %arg12[%swap3A_1888, %swap3A_1889, %swap3A_1890], %swap3A_1893 {strides = array<i32>} : memref<1x128x4096xf32, #tpu.memory_space<vmem>>, vector<1x8x512xf32>,
    %eq3A_1894 = arith.constant 8 : i32
    %eq3A_1895 = vector.broadcast %eq3A_1894 : i32 to vector<8x512xi32>
    %eq3A_1896 = arith.cmpi eq, %sub3A_1842, %eq3A_1895 : vector<8x512xi32>
    %jit3A_1897 = arith.constant 0.000000e+00 : f32
    %broadcast_in_dim3A_1898 = vector.broadcast %jit3A_1897 : f32 to vector<8x512xf32>
    %select_n3A_1899 = arith.select %eq3A_1896, %broadcast_in_dim3A_1834, %broadcast_in_dim3A_1898 : vector<8x512xi1>, vector<8x512xf32>
    %swap3A_1900 = arith.constant 0 : index
    %swap3A_1901 = arith.constant 8 : index
    %swap3A_1902 = arith.constant 2048 : index
    %swap3A_1903 = vector.load %arg12[%swap3A_1900, %swap3A_1901, %swap3A_1902] : memref<1x128x4096xf32, #tpu.memory_space<vmem>>, vector<1x8x512xf32>
    %swap3A_1904 = vector.shape_cast %swap3A_1903 : vector<1x8x512xf32> to vector<8x512xf32>
    %swap3A_1905 = vector.shape_cast %select_n3A_1899 : vector<8x512xf32> to vector<1x8x512xf32>
    tpu.vector_store %arg12[%swap3A_1900, %swap3A_1901, %swap3A_1902], %swap3A_1905 {strides = array<i32>} : memref<1x128x4096xf32, #tpu.memory_space<vmem>>, vector<1x8x512xf32>,
    %eq3A_1906 = arith.constant 16 : i32
    %eq3A_1907 = vector.broadcast %eq3A_1906 : i32 to vector<8x512xi32>
    %eq3A_1908 = arith.cmpi eq, %sub3A_1842, %eq3A_1907 : vector<8x512xi32>
    %jit3A_1909 = arith.constant 0.000000e+00 : f32
    %broadcast_in_dim3A_1910 = vector.broadcast %jit3A_1909 : f32 to vector<8x512xf32>
    %select_n3A_1911 = arith.select %eq3A_1908, %broadcast_in_dim3A_1834, %broadcast_in_dim3A_1910 : vector<8x512xi1>, vector<8x512xf32>
    %swap3A_1912 = arith.constant 0 : index
    %swap3A_1913 = arith.constant 16 : index
    %swap3A_1914 = arith.constant 2048 : index
    %swap3A_1915 = vector.load %arg12[%swap3A_1912, %swap3A_1913, %swap3A_1914] : memref<1x128x4096xf32, #tpu.memory_space<vmem>>, vector<1x8x512xf32>
    %swap3A_1916 = vector.shape_cast %swap3A_1915 : vector<1x8x512xf32> to vector<8x512xf32>
    %swap3A_1917 = vector.shape_cast %select_n3A_1911 : vector<8x512xf32> to vector<1x8x512xf32>
    tpu.vector_store %arg12[%swap3A_1912, %swap3A_1913, %swap3A_1914], %swap3A_1917 {strides = array<i32>} : memref<1x128x4096xf32, #tpu.memory_space<vmem>>, vector<1x8x512xf32>,
    %eq3A_1918 = arith.constant 24 : i32
    %eq3A_1919 = vector.broadcast %eq3A_1918 : i32 to vector<8x512xi32>
    %eq3A_1920 = arith.cmpi eq, %sub3A_1842, %eq3A_1919 : vector<8x512xi32>
    %jit3A_1921 = arith.constant 0.000000e+00 : f32
    %broadcast_in_dim3A_1922 = vector.broadcast %jit3A_1921 : f32 to vector<8x512xf32>
    %select_n3A_1923 = arith.select %eq3A_1920, %broadcast_in_dim3A_1834, %broadcast_in_dim3A_1922 : vector<8x512xi1>, vector<8x512xf32>
    %swap3A_1924 = arith.constant 0 : index
    %swap3A_1925 = arith.constant 24 : index
    %swap3A_1926 = arith.constant 2048 : index
    %swap3A_1927 = vector.load %arg12[%swap3A_1924, %swap3A_1925, %swap3A_1926] : memref<1x128x4096xf32, #tpu.memory_space<vmem>>, vector<1x8x512xf32>
    %swap3A_1928 = vector.shape_cast %swap3A_1927 : vector<1x8x512xf32> to vector<8x512xf32>
    %swap3A_1929 = vector.shape_cast %select_n3A_1923 : vector<8x512xf32> to vector<1x8x512xf32>
    tpu.vector_store %arg12[%swap3A_1924, %swap3A_1925, %swap3A_1926], %swap3A_1929 {strides = array<i32>} : memref<1x128x4096xf32, #tpu.memory_space<vmem>>, vector<1x8x512xf32>,
    %eq3A_1930 = arith.constant 32 : i32
    %eq3A_1931 = vector.broadcast %eq3A_1930 : i32 to vector<8x512xi32>
    %eq3A_1932 = arith.cmpi eq, %sub3A_1842, %eq3A_1931 : vector<8x512xi32>
    %jit3A_1933 = arith.constant 0.000000e+00 : f32
    %broadcast_in_dim3A_1934 = vector.broadcast %jit3A_1933 : f32 to vector<8x512xf32>
    %select_n3A_1935 = arith.select %eq3A_1932, %broadcast_in_dim3A_1834, %broadcast_in_dim3A_1934 : vector<8x512xi1>, vector<8x512xf32>
    %swap3A_1936 = arith.constant 0 : index
    %swap3A_1937 = arith.constant 32 : index
    %swap3A_1938 = arith.constant 2048 : index
    %swap3A_1939 = vector.load %arg12[%swap3A_1936, %swap3A_1937, %swap3A_1938] : memref<1x128x4096xf32, #tpu.memory_space<vmem>>, vector<1x8x512xf32>
    %swap3A_1940 = vector.shape_cast %swap3A_1939 : vector<1x8x512xf32> to vector<8x512xf32>
    %swap3A_1941 = vector.shape_cast %select_n3A_1935 : vector<8x512xf32> to vector<1x8x512xf32>
    tpu.vector_store %arg12[%swap3A_1936, %swap3A_1937, %swap3A_1938], %swap3A_1941 {strides = array<i32>} : memref<1x128x4096xf32, #tpu.memory_space<vmem>>, vector<1x8x512xf32>,
    %eq3A_1942 = arith.constant 40 : i32
    %eq3A_1943 = vector.broadcast %eq3A_1942 : i32 to vector<8x512xi32>
    %eq3A_1944 = arith.cmpi eq, %sub3A_1842, %eq3A_1943 : vector<8x512xi32>
    %jit3A_1945 = arith.constant 0.000000e+00 : f32
    %broadcast_in_dim3A_1946 = vector.broadcast %jit3A_1945 : f32 to vector<8x512xf32>
    %select_n3A_1947 = arith.select %eq3A_1944, %broadcast_in_dim3A_1834, %broadcast_in_dim3A_1946 : vector<8x512xi1>, vector<8x512xf32>
    %swap3A_1948 = arith.constant 0 : index
    %swap3A_1949 = arith.constant 40 : index
    %swap3A_1950 = arith.constant 2048 : index
    %swap3A_1951 = vector.load %arg12[%swap3A_1948, %swap3A_1949, %swap3A_1950] : memref<1x128x4096xf32, #tpu.memory_space<vmem>>, vector<1x8x512xf32>
    %swap3A_1952 = vector.shape_cast %swap3A_1951 : vector<1x8x512xf32> to vector<8x512xf32>
    %swap3A_1953 = vector.shape_cast %select_n3A_1947 : vector<8x512xf32> to vector<1x8x512xf32>
    tpu.vector_store %arg12[%swap3A_1948, %swap3A_1949, %swap3A_1950], %swap3A_1953 {strides = array<i32>} : memref<1x128x4096xf32, #tpu.memory_space<vmem>>, vector<1x8x512xf32>,
    %eq3A_1954 = arith.constant 48 : i32
    %eq3A_1955 = vector.broadcast %eq3A_1954 : i32 to vector<8x512xi32>
    %eq3A_1956 = arith.cmpi eq, %sub3A_1842, %eq3A_1955 : vector<8x512xi32>
    %jit3A_1957 = arith.constant 0.000000e+00 : f32
    %broadcast_in_dim3A_1958 = vector.broadcast %jit3A_1957 : f32 to vector<8x512xf32>
    %select_n3A_1959 = arith.select %eq3A_1956, %broadcast_in_dim3A_1834, %broadcast_in_dim3A_1958 : vector<8x512xi1>, vector<8x512xf32>
    %swap3A_1960 = arith.constant 0 : index
    %swap3A_1961 = arith.constant 48 : index
    %swap3A_1962 = arith.constant 2048 : index
    %swap3A_1963 = vector.load %arg12[%swap3A_1960, %swap3A_1961, %swap3A_1962] : memref<1x128x4096xf32, #tpu.memory_space<vmem>>, vector<1x8x512xf32>
    %swap3A_1964 = vector.shape_cast %swap3A_1963 : vector<1x8x512xf32> to vector<8x512xf32>
    %swap3A_1965 = vector.shape_cast %select_n3A_1959 : vector<8x512xf32> to vector<1x8x512xf32>
    tpu.vector_store %arg12[%swap3A_1960, %swap3A_1961, %swap3A_1962], %swap3A_1965 {strides = array<i32>} : memref<1x128x4096xf32, #tpu.memory_space<vmem>>, vector<1x8x512xf32>,
    %eq3A_1966 = arith.constant 56 : i32
    %eq3A_1967 = vector.broadcast %eq3A_1966 : i32 to vector<8x512xi32>
    %eq3A_1968 = arith.cmpi eq, %sub3A_1842, %eq3A_1967 : vector<8x512xi32>
    %jit3A_1969 = arith.constant 0.000000e+00 : f32
    %broadcast_in_dim3A_1970 = vector.broadcast %jit3A_1969 : f32 to vector<8x512xf32>
    %select_n3A_1971 = arith.select %eq3A_1968, %broadcast_in_dim3A_1834, %broadcast_in_dim3A_1970 : vector<8x512xi1>, vector<8x512xf32>
    %swap3A_1972 = arith.constant 0 : index
    %swap3A_1973 = arith.constant 56 : index
    %swap3A_1974 = arith.constant 2048 : index
    %swap3A_1975 = vector.load %arg12[%swap3A_1972, %swap3A_1973, %swap3A_1974] : memref<1x128x4096xf32, #tpu.memory_space<vmem>>, vector<1x8x512xf32>
    %swap3A_1976 = vector.shape_cast %swap3A_1975 : vector<1x8x512xf32> to vector<8x512xf32>
    %swap3A_1977 = vector.shape_cast %select_n3A_1971 : vector<8x512xf32> to vector<1x8x512xf32>
    tpu.vector_store %arg12[%swap3A_1972, %swap3A_1973, %swap3A_1974], %swap3A_1977 {strides = array<i32>} : memref<1x128x4096xf32, #tpu.memory_space<vmem>>, vector<1x8x512xf32>,
    %eq3A_1978 = arith.constant 64 : i32
    %eq3A_1979 = vector.broadcast %eq3A_1978 : i32 to vector<8x512xi32>
    %eq3A_1980 = arith.cmpi eq, %sub3A_1842, %eq3A_1979 : vector<8x512xi32>
    %jit3A_1981 = arith.constant 0.000000e+00 : f32
    %broadcast_in_dim3A_1982 = vector.broadcast %jit3A_1981 : f32 to vector<8x512xf32>
    %select_n3A_1983 = arith.select %eq3A_1980, %broadcast_in_dim3A_1834, %broadcast_in_dim3A_1982 : vector<8x512xi1>, vector<8x512xf32>
    %swap3A_1984 = arith.constant 0 : index
    %swap3A_1985 = arith.constant 64 : index
    %swap3A_1986 = arith.constant 2048 : index
    %swap3A_1987 = vector.load %arg12[%swap3A_1984, %swap3A_1985, %swap3A_1986] : memref<1x128x4096xf32, #tpu.memory_space<vmem>>, vector<1x8x512xf32>
    %swap3A_1988 = vector.shape_cast %swap3A_1987 : vector<1x8x512xf32> to vector<8x512xf32>
    %swap3A_1989 = vector.shape_cast %select_n3A_1983 : vector<8x512xf32> to vector<1x8x512xf32>
    tpu.vector_store %arg12[%swap3A_1984, %swap3A_1985, %swap3A_1986], %swap3A_1989 {strides = array<i32>} : memref<1x128x4096xf32, #tpu.memory_space<vmem>>, vector<1x8x512xf32>,
    %eq3A_1990 = arith.constant 72 : i32
    %eq3A_1991 = vector.broadcast %eq3A_1990 : i32 to vector<8x512xi32>
    %eq3A_1992 = arith.cmpi eq, %sub3A_1842, %eq3A_1991 : vector<8x512xi32>
    %jit3A_1993 = arith.constant 0.000000e+00 : f32
    %broadcast_in_dim3A_1994 = vector.broadcast %jit3A_1993 : f32 to vector<8x512xf32>
    %select_n3A_1995 = arith.select %eq3A_1992, %broadcast_in_dim3A_1834, %broadcast_in_dim3A_1994 : vector<8x512xi1>, vector<8x512xf32>
    %swap3A_1996 = arith.constant 0 : index
    %swap3A_1997 = arith.constant 72 : index
    %swap3A_1998 = arith.constant 2048 : index
    %swap3A_1999 = vector.load %arg12[%swap3A_1996, %swap3A_1997, %swap3A_1998] : memref<1x128x4096xf32, #tpu.memory_space<vmem>>, vector<1x8x512xf32>
    %swap3A_2000 = vector.shape_cast %swap3A_1999 : vector<1x8x512xf32> to vector<8x512xf32>
    %swap3A_2001 = vector.shape_cast %select_n3A_1995 : vector<8x512xf32> to vector<1x8x512xf32>
    tpu.vector_store %arg12[%swap3A_1996, %swap3A_1997, %swap3A_1998], %swap3A_2001 {strides = array<i32>} : memref<1x128x4096xf32, #tpu.memory_space<vmem>>, vector<1x8x512xf32>,
    %eq3A_2002 = arith.constant 80 : i32
    %eq3A_2003 = vector.broadcast %eq3A_2002 : i32 to vector<8x512xi32>
    %eq3A_2004 = arith.cmpi eq, %sub3A_1842, %eq3A_2003 : vector<8x512xi32>
    %jit3A_2005 = arith.constant 0.000000e+00 : f32
    %broadcast_in_dim3A_2006 = vector.broadcast %jit3A_2005 : f32 to vector<8x512xf32>
    %select_n3A_2007 = arith.select %eq3A_2004, %broadcast_in_dim3A_1834, %broadcast_in_dim3A_2006 : vector<8x512xi1>, vector<8x512xf32>
    %swap3A_2008 = arith.constant 0 : index
    %swap3A_2009 = arith.constant 80 : index
    %swap3A_2010 = arith.constant 2048 : index
    %swap3A_2011 = vector.load %arg12[%swap3A_2008, %swap3A_2009, %swap3A_2010] : memref<1x128x4096xf32, #tpu.memory_space<vmem>>, vector<1x8x512xf32>
    %swap3A_2012 = vector.shape_cast %swap3A_2011 : vector<1x8x512xf32> to vector<8x512xf32>
    %swap3A_2013 = vector.shape_cast %select_n3A_2007 : vector<8x512xf32> to vector<1x8x512xf32>
    tpu.vector_store %arg12[%swap3A_2008, %swap3A_2009, %swap3A_2010], %swap3A_2013 {strides = array<i32>} : memref<1x128x4096xf32, #tpu.memory_space<vmem>>, vector<1x8x512xf32>,
    %eq3A_2014 = arith.constant 88 : i32
    %eq3A_2015 = vector.broadcast %eq3A_2014 : i32 to vector<8x512xi32>
    %eq3A_2016 = arith.cmpi eq, %sub3A_1842, %eq3A_2015 : vector<8x512xi32>
    %jit3A_2017 = arith.constant 0.000000e+00 : f32
    %broadcast_in_dim3A_2018 = vector.broadcast %jit3A_2017 : f32 to vector<8x512xf32>
    %select_n3A_2019 = arith.select %eq3A_2016, %broadcast_in_dim3A_1834, %broadcast_in_dim3A_2018 : vector<8x512xi1>, vector<8x512xf32>
    %swap3A_2020 = arith.constant 0 : index
    %swap3A_2021 = arith.constant 88 : index
    %swap3A_2022 = arith.constant 2048 : index
    %swap3A_2023 = vector.load %arg12[%swap3A_2020, %swap3A_2021, %swap3A_2022] : memref<1x128x4096xf32, #tpu.memory_space<vmem>>, vector<1x8x512xf32>
    %swap3A_2024 = vector.shape_cast %swap3A_2023 : vector<1x8x512xf32> to vector<8x512xf32>
    %swap3A_2025 = vector.shape_cast %select_n3A_2019 : vector<8x512xf32> to vector<1x8x512xf32>
    tpu.vector_store %arg12[%swap3A_2020, %swap3A_2021, %swap3A_2022], %swap3A_2025 {strides = array<i32>} : memref<1x128x4096xf32, #tpu.memory_space<vmem>>, vector<1x8x512xf32>,
    %eq3A_2026 = arith.constant 96 : i32
    %eq3A_2027 = vector.broadcast %eq3A_2026 : i32 to vector<8x512xi32>
    %eq3A_2028 = arith.cmpi eq, %sub3A_1842, %eq3A_2027 : vector<8x512xi32>
    %jit3A_2029 = arith.constant 0.000000e+00 : f32
    %broadcast_in_dim3A_2030 = vector.broadcast %jit3A_2029 : f32 to vector<8x512xf32>
    %select_n3A_2031 = arith.select %eq3A_2028, %broadcast_in_dim3A_1834, %broadcast_in_dim3A_2030 : vector<8x512xi1>, vector<8x512xf32>
    %swap3A_2032 = arith.constant 0 : index
    %swap3A_2033 = arith.constant 96 : index
    %swap3A_2034 = arith.constant 2048 : index
    %swap3A_2035 = vector.load %arg12[%swap3A_2032, %swap3A_2033, %swap3A_2034] : memref<1x128x4096xf32, #tpu.memory_space<vmem>>, vector<1x8x512xf32>
    %swap3A_2036 = vector.shape_cast %swap3A_2035 : vector<1x8x512xf32> to vector<8x512xf32>
    %swap3A_2037 = vector.shape_cast %select_n3A_2031 : vector<8x512xf32> to vector<1x8x512xf32>
    tpu.vector_store %arg12[%swap3A_2032, %swap3A_2033, %swap3A_2034], %swap3A_2037 {strides = array<i32>} : memref<1x128x4096xf32, #tpu.memory_space<vmem>>, vector<1x8x512xf32>,
    %eq3A_2038 = arith.constant 104 : i32
    %eq3A_2039 = vector.broadcast %eq3A_2038 : i32 to vector<8x512xi32>
    %eq3A_2040 = arith.cmpi eq, %sub3A_1842, %eq3A_2039 : vector<8x512xi32>
    %jit3A_2041 = arith.constant 0.000000e+00 : f32
    %broadcast_in_dim3A_2042 = vector.broadcast %jit3A_2041 : f32 to vector<8x512xf32>
    %select_n3A_2043 = arith.select %eq3A_2040, %broadcast_in_dim3A_1834, %broadcast_in_dim3A_2042 : vector<8x512xi1>, vector<8x512xf32>
    %swap3A_2044 = arith.constant 0 : index
    %swap3A_2045 = arith.constant 104 : index
    %swap3A_2046 = arith.constant 2048 : index
    %swap3A_2047 = vector.load %arg12[%swap3A_2044, %swap3A_2045, %swap3A_2046] : memref<1x128x4096xf32, #tpu.memory_space<vmem>>, vector<1x8x512xf32>
    %swap3A_2048 = vector.shape_cast %swap3A_2047 : vector<1x8x512xf32> to vector<8x512xf32>
    %swap3A_2049 = vector.shape_cast %select_n3A_2043 : vector<8x512xf32> to vector<1x8x512xf32>
    tpu.vector_store %arg12[%swap3A_2044, %swap3A_2045, %swap3A_2046], %swap3A_2049 {strides = array<i32>} : memref<1x128x4096xf32, #tpu.memory_space<vmem>>, vector<1x8x512xf32>,
    %eq3A_2050 = arith.constant 112 : i32
    %eq3A_2051 = vector.broadcast %eq3A_2050 : i32 to vector<8x512xi32>
    %eq3A_2052 = arith.cmpi eq, %sub3A_1842, %eq3A_2051 : vector<8x512xi32>
    %jit3A_2053 = arith.constant 0.000000e+00 : f32
    %broadcast_in_dim3A_2054 = vector.broadcast %jit3A_2053 : f32 to vector<8x512xf32>
    %select_n3A_2055 = arith.select %eq3A_2052, %broadcast_in_dim3A_1834, %broadcast_in_dim3A_2054 : vector<8x512xi1>, vector<8x512xf32>
    %swap3A_2056 = arith.constant 0 : index
    %swap3A_2057 = arith.constant 112 : index
    %swap3A_2058 = arith.constant 2048 : index
    %swap3A_2059 = vector.load %arg12[%swap3A_2056, %swap3A_2057, %swap3A_2058] : memref<1x128x4096xf32, #tpu.memory_space<vmem>>, vector<1x8x512xf32>
    %swap3A_2060 = vector.shape_cast %swap3A_2059 : vector<1x8x512xf32> to vector<8x512xf32>
    %swap3A_2061 = vector.shape_cast %select_n3A_2055 : vector<8x512xf32> to vector<1x8x512xf32>
    tpu.vector_store %arg12[%swap3A_2056, %swap3A_2057, %swap3A_2058], %swap3A_2061 {strides = array<i32>} : memref<1x128x4096xf32, #tpu.memory_space<vmem>>, vector<1x8x512xf32>,
    %eq3A_2062 = arith.constant 120 : i32
    %eq3A_2063 = vector.broadcast %eq3A_2062 : i32 to vector<8x512xi32>
    %eq3A_2064 = arith.cmpi eq, %sub3A_1842, %eq3A_2063 : vector<8x512xi32>
    %jit3A_2065 = arith.constant 0.000000e+00 : f32
    %broadcast_in_dim3A_2066 = vector.broadcast %jit3A_2065 : f32 to vector<8x512xf32>
    %select_n3A_2067 = arith.select %eq3A_2064, %broadcast_in_dim3A_1834, %broadcast_in_dim3A_2066 : vector<8x512xi1>, vector<8x512xf32>
    %swap3A_2068 = arith.constant 0 : index
    %swap3A_2069 = arith.constant 120 : index
    %swap3A_2070 = arith.constant 2048 : index
    %swap3A_2071 = vector.load %arg12[%swap3A_2068, %swap3A_2069, %swap3A_2070] : memref<1x128x4096xf32, #tpu.memory_space<vmem>>, vector<1x8x512xf32>
    %swap3A_2072 = vector.shape_cast %swap3A_2071 : vector<1x8x512xf32> to vector<8x512xf32>
    %swap3A_2073 = vector.shape_cast %select_n3A_2067 : vector<8x512xf32> to vector<1x8x512xf32>
    tpu.vector_store %arg12[%swap3A_2068, %swap3A_2069, %swap3A_2070], %swap3A_2073 {strides = array<i32>} : memref<1x128x4096xf32, #tpu.memory_space<vmem>>, vector<1x8x512xf32>,
    %eq3A_2074 = arith.constant 0 : i32
    %eq3A_2075 = vector.broadcast %eq3A_2074 : i32 to vector<8x512xi32>
    %eq3A_2076 = arith.cmpi eq, %sub3A_1881, %eq3A_2075 : vector<8x512xi32>
    %jit3A_2077 = arith.constant 0.000000e+00 : f32
    %broadcast_in_dim3A_2078 = vector.broadcast %jit3A_2077 : f32 to vector<8x512xf32>
    %select_n3A_2079 = arith.select %eq3A_2076, %broadcast_in_dim3A_1834, %broadcast_in_dim3A_2078 : vector<8x512xi1>, vector<8x512xf32>
    %swap3A_2080 = arith.constant 0 : index
    %swap3A_2081 = arith.constant 0 : index
    %swap3A_2082 = arith.constant 2048 : index
    %swap3A_2083 = vector.load %arg11[%swap3A_2080, %swap3A_2081, %swap3A_2082] : memref<1x32x4096xf32, #tpu.memory_space<vmem>>, vector<1x8x512xf32>
    %swap3A_2084 = vector.shape_cast %swap3A_2083 : vector<1x8x512xf32> to vector<8x512xf32>
    %swap3A_2085 = vector.shape_cast %select_n3A_2079 : vector<8x512xf32> to vector<1x8x512xf32>
    tpu.vector_store %arg11[%swap3A_2080, %swap3A_2081, %swap3A_2082], %swap3A_2085 {strides = array<i32>} : memref<1x32x4096xf32, #tpu.memory_space<vmem>>, vector<1x8x512xf32>,
    %eq3A_2086 = arith.constant 8 : i32
    %eq3A_2087 = vector.broadcast %eq3A_2086 : i32 to vector<8x512xi32>
    %eq3A_2088 = arith.cmpi eq, %sub3A_1881, %eq3A_2087 : vector<8x512xi32>
    %jit3A_2089 = arith.constant 0.000000e+00 : f32
    %broadcast_in_dim3A_2090 = vector.broadcast %jit3A_2089 : f32 to vector<8x512xf32>
    %select_n3A_2091 = arith.select %eq3A_2088, %broadcast_in_dim3A_1834, %broadcast_in_dim3A_2090 : vector<8x512xi1>, vector<8x512xf32>
    %swap3A_2092 = arith.constant 0 : index
    %swap3A_2093 = arith.constant 8 : index
    %swap3A_2094 = arith.constant 2048 : index
    %swap3A_2095 = vector.load %arg11[%swap3A_2092, %swap3A_2093, %swap3A_2094] : memref<1x32x4096xf32, #tpu.memory_space<vmem>>, vector<1x8x512xf32>
    %swap3A_2096 = vector.shape_cast %swap3A_2095 : vector<1x8x512xf32> to vector<8x512xf32>
    %swap3A_2097 = vector.shape_cast %select_n3A_2091 : vector<8x512xf32> to vector<1x8x512xf32>
    tpu.vector_store %arg11[%swap3A_2092, %swap3A_2093, %swap3A_2094], %swap3A_2097 {strides = array<i32>} : memref<1x32x4096xf32, #tpu.memory_space<vmem>>, vector<1x8x512xf32>,
    %eq3A_2098 = arith.constant 16 : i32
    %eq3A_2099 = vector.broadcast %eq3A_2098 : i32 to vector<8x512xi32>
    %eq3A_2100 = arith.cmpi eq, %sub3A_1881, %eq3A_2099 : vector<8x512xi32>
    %jit3A_2101 = arith.constant 0.000000e+00 : f32
    %broadcast_in_dim3A_2102 = vector.broadcast %jit3A_2101 : f32 to vector<8x512xf32>
    %select_n3A_2103 = arith.select %eq3A_2100, %broadcast_in_dim3A_1834, %broadcast_in_dim3A_2102 : vector<8x512xi1>, vector<8x512xf32>
    %swap3A_2104 = arith.constant 0 : index
    %swap3A_2105 = arith.constant 16 : index
    %swap3A_2106 = arith.constant 2048 : index
    %swap3A_2107 = vector.load %arg11[%swap3A_2104, %swap3A_2105, %swap3A_2106] : memref<1x32x4096xf32, #tpu.memory_space<vmem>>, vector<1x8x512xf32>
    %swap3A_2108 = vector.shape_cast %swap3A_2107 : vector<1x8x512xf32> to vector<8x512xf32>
    %swap3A_2109 = vector.shape_cast %select_n3A_2103 : vector<8x512xf32> to vector<1x8x512xf32>
    tpu.vector_store %arg11[%swap3A_2104, %swap3A_2105, %swap3A_2106], %swap3A_2109 {strides = array<i32>} : memref<1x32x4096xf32, #tpu.memory_space<vmem>>, vector<1x8x512xf32>,
    %eq3A_2110 = arith.constant 24 : i32
    %eq3A_2111 = vector.broadcast %eq3A_2110 : i32 to vector<8x512xi32>
    %eq3A_2112 = arith.cmpi eq, %sub3A_1881, %eq3A_2111 : vector<8x512xi32>
    %jit3A_2113 = arith.constant 0.000000e+00 : f32
    %broadcast_in_dim3A_2114 = vector.broadcast %jit3A_2113 : f32 to vector<8x512xf32>
    %select_n3A_2115 = arith.select %eq3A_2112, %broadcast_in_dim3A_1834, %broadcast_in_dim3A_2114 : vector<8x512xi1>, vector<8x512xf32>
    %swap3A_2116 = arith.constant 0 : index
    %swap3A_2117 = arith.constant 24 : index
    %swap3A_2118 = arith.constant 2048 : index
    %swap3A_2119 = vector.load %arg11[%swap3A_2116, %swap3A_2117, %swap3A_2118] : memref<1x32x4096xf32, #tpu.memory_space<vmem>>, vector<1x8x512xf32>
    %swap3A_2120 = vector.shape_cast %swap3A_2119 : vector<1x8x512xf32> to vector<8x512xf32>
    %swap3A_2121 = vector.shape_cast %select_n3A_2115 : vector<8x512xf32> to vector<1x8x512xf32>
    tpu.vector_store %arg11[%swap3A_2116, %swap3A_2117, %swap3A_2118], %swap3A_2121 {strides = array<i32>} : memref<1x32x4096xf32, #tpu.memory_space<vmem>>, vector<1x8x512xf32>,
    %get3A_2122 = arith.constant 0 : index
    %get3A_2123 = arith.constant 0 : index
    %get3A_2124 = arith.constant 2560 : index
    %get3A_2125 = vector.load %arg2[%get3A_2122, %get3A_2123, %get3A_2124] : memref<1x4x4096xbf16, #tpu.memory_space<vmem>>, vector<1x4x512xbf16>
    %get3A_2126 = vector.shape_cast %get3A_2125 : vector<1x4x512xbf16> to vector<4x512xbf16>
    %get3A_2127 = arith.constant 0 : index
    %get3A_2128 = arith.constant 0 : index
    %get3A_2129 = vector.load %arg8[%get3A_2127, %get3A_2128] : memref<4x64xbf16, #tpu.memory_space<vmem>>, vector<4x64xbf16>
    %dot_general3A_2130 = arith.constant dense<0.000000e+00> : vector<512x64xf32>
    %dot_general3A_2131 = tpu.matmul %get3A_2126, %get3A_2129, %dot_general3A_2130 {dimension_numbers = #tpu.dot_dimension_numbers<[0], [0], [1], [1], [0, 1, 1, 1], [], []>, transpose_lhs_hint = false} : vector<4x512xbf16>, vector<4x64xbf16>, vector<512x64xf32> -> vector<512x64xf32>
    %swap3A_2132 = arith.constant 0 : index
    %swap3A_2133 = arith.constant 2560 : index
    %swap3A_2134 = arith.constant 0 : index
    %swap3A_2135 = vector.load %arg10[%swap3A_2132, %swap3A_2133, %swap3A_2134] : memref<1x4096x128xf32, #tpu.memory_space<vmem>>, vector<1x512x64xf32>
    %swap3A_2136 = vector.shape_cast %swap3A_2135 : vector<1x512x64xf32> to vector<512x64xf32>
    %swap3A_2137 = vector.shape_cast %dot_general3A_2131 : vector<512x64xf32> to vector<1x512x64xf32>
    tpu.vector_store %arg10[%swap3A_2132, %swap3A_2133, %swap3A_2134], %swap3A_2137 {strides = array<i32>} : memref<1x4096x128xf32, #tpu.memory_space<vmem>>, vector<1x512x64xf32>,
    %get3A_2138 = arith.constant 0 : index
    %get3A_2139 = arith.constant 0 : index
    %get3A_2140 = arith.constant 2560 : index
    %get3A_2141 = vector.load %arg3[%get3A_2138, %get3A_2139, %get3A_2140] : memref<1x1x4096xi32, #tpu.memory_space<vmem>>, vector<1x1x512xi32>
    %get3A_2142 = vector.shape_cast %get3A_2141 : vector<1x1x512xi32> to vector<1x512xi32>
    %broadcast_in_dim3A_2143 = vector.shape_cast %get3A_2142 : vector<1x512xi32> to vector<1x512xi32>
    %broadcast_in_dim3A_2144 = vector.broadcast %broadcast_in_dim3A_2143 : vector<1x512xi32> to vector<8x512xi32>
    %sub3A_2145 = arith.subi %broadcast_in_dim3A_2144, %iota3A : vector<8x512xi32>
    %get3A_2146 = arith.constant 0 : index
    %get3A_2147 = arith.constant 0 : index
    %get3A_2148 = arith.constant 2560 : index
    %get3A_2149 = vector.load %arg4[%get3A_2146, %get3A_2147, %get3A_2148] : memref<1x1x4096xi32, #tpu.memory_space<vmem>>, vector<1x1x512xi32>
    %get3A_2150 = vector.shape_cast %get3A_2149 : vector<1x1x512xi32> to vector<1x512xi32>
    %broadcast_in_dim3A_2151 = vector.shape_cast %get3A_2150 : vector<1x512xi32> to vector<1x512xi32>
    %broadcast_in_dim3A_2152 = vector.broadcast %broadcast_in_dim3A_2151 : vector<1x512xi32> to vector<8x512xi32>
    %sub3A_2153 = arith.subi %broadcast_in_dim3A_2152, %iota3A : vector<8x512xi32>
    %eq3A_2154 = arith.constant 0 : i32
    %eq3A_2155 = vector.broadcast %eq3A_2154 : i32 to vector<8x512xi32>
    %eq3A_2156 = arith.cmpi eq, %sub3A_2145, %eq3A_2155 : vector<8x512xi32>
    %convert_element_type3A_2157 = arith.extui %eq3A_2156 : vector<8x512xi1> to vector<8x512xi32>
    %convert_element_type3A_2158 = arith.sitofp %convert_element_type3A_2157 : vector<8x512xi32> to vector<8x512xf32>
    %eq3A_2159 = arith.constant 8 : i32
    %eq3A_2160 = vector.broadcast %eq3A_2159 : i32 to vector<8x512xi32>
    %eq3A_2161 = arith.cmpi eq, %sub3A_2145, %eq3A_2160 : vector<8x512xi32>
    %convert_element_type3A_2162 = arith.extui %eq3A_2161 : vector<8x512xi1> to vector<8x512xi32>
    %convert_element_type3A_2163 = arith.sitofp %convert_element_type3A_2162 : vector<8x512xi32> to vector<8x512xf32>
    %eq3A_2164 = arith.constant 16 : i32
    %eq3A_2165 = vector.broadcast %eq3A_2164 : i32 to vector<8x512xi32>
    %eq3A_2166 = arith.cmpi eq, %sub3A_2145, %eq3A_2165 : vector<8x512xi32>
    %convert_element_type3A_2167 = arith.extui %eq3A_2166 : vector<8x512xi1> to vector<8x512xi32>
    %convert_element_type3A_2168 = arith.sitofp %convert_element_type3A_2167 : vector<8x512xi32> to vector<8x512xf32>
    %eq3A_2169 = arith.constant 24 : i32
    %eq3A_2170 = vector.broadcast %eq3A_2169 : i32 to vector<8x512xi32>
    %eq3A_2171 = arith.cmpi eq, %sub3A_2145, %eq3A_2170 : vector<8x512xi32>
    %convert_element_type3A_2172 = arith.extui %eq3A_2171 : vector<8x512xi1> to vector<8x512xi32>
    %convert_element_type3A_2173 = arith.sitofp %convert_element_type3A_2172 : vector<8x512xi32> to vector<8x512xf32>
    %eq3A_2174 = arith.constant 32 : i32
    %eq3A_2175 = vector.broadcast %eq3A_2174 : i32 to vector<8x512xi32>
    %eq3A_2176 = arith.cmpi eq, %sub3A_2145, %eq3A_2175 : vector<8x512xi32>
    %convert_element_type3A_2177 = arith.extui %eq3A_2176 : vector<8x512xi1> to vector<8x512xi32>
    %convert_element_type3A_2178 = arith.sitofp %convert_element_type3A_2177 : vector<8x512xi32> to vector<8x512xf32>
    %eq3A_2179 = arith.constant 40 : i32
    %eq3A_2180 = vector.broadcast %eq3A_2179 : i32 to vector<8x512xi32>
    %eq3A_2181 = arith.cmpi eq, %sub3A_2145, %eq3A_2180 : vector<8x512xi32>
    %convert_element_type3A_2182 = arith.extui %eq3A_2181 : vector<8x512xi1> to vector<8x512xi32>
    %convert_element_type3A_2183 = arith.sitofp %convert_element_type3A_2182 : vector<8x512xi32> to vector<8x512xf32>
    %eq3A_2184 = arith.constant 48 : i32
    %eq3A_2185 = vector.broadcast %eq3A_2184 : i32 to vector<8x512xi32>
    %eq3A_2186 = arith.cmpi eq, %sub3A_2145, %eq3A_2185 : vector<8x512xi32>
    %convert_element_type3A_2187 = arith.extui %eq3A_2186 : vector<8x512xi1> to vector<8x512xi32>
    %convert_element_type3A_2188 = arith.sitofp %convert_element_type3A_2187 : vector<8x512xi32> to vector<8x512xf32>
    %eq3A_2189 = arith.constant 56 : i32
    %eq3A_2190 = vector.broadcast %eq3A_2189 : i32 to vector<8x512xi32>
    %eq3A_2191 = arith.cmpi eq, %sub3A_2145, %eq3A_2190 : vector<8x512xi32>
    %convert_element_type3A_2192 = arith.extui %eq3A_2191 : vector<8x512xi1> to vector<8x512xi32>
    %convert_element_type3A_2193 = arith.sitofp %convert_element_type3A_2192 : vector<8x512xi32> to vector<8x512xf32>
    %eq3A_2194 = arith.constant 0 : i32
    %eq3A_2195 = vector.broadcast %eq3A_2194 : i32 to vector<8x512xi32>
    %eq3A_2196 = arith.cmpi eq, %sub3A_2153, %eq3A_2195 : vector<8x512xi32>
    %convert_element_type3A_2197 = arith.extui %eq3A_2196 : vector<8x512xi1> to vector<8x512xi32>
    %convert_element_type3A_2198 = arith.sitofp %convert_element_type3A_2197 : vector<8x512xi32> to vector<8x512xf32>
    %eq3A_2199 = arith.constant 8 : i32
    %eq3A_2200 = vector.broadcast %eq3A_2199 : i32 to vector<8x512xi32>
    %eq3A_2201 = arith.cmpi eq, %sub3A_2153, %eq3A_2200 : vector<8x512xi32>
    %convert_element_type3A_2202 = arith.extui %eq3A_2201 : vector<8x512xi1> to vector<8x512xi32>
    %convert_element_type3A_2203 = arith.sitofp %convert_element_type3A_2202 : vector<8x512xi32> to vector<8x512xf32>
    %eq3A_2204 = arith.constant 16 : i32
    %eq3A_2205 = vector.broadcast %eq3A_2204 : i32 to vector<8x512xi32>
    %eq3A_2206 = arith.cmpi eq, %sub3A_2153, %eq3A_2205 : vector<8x512xi32>
    %convert_element_type3A_2207 = arith.extui %eq3A_2206 : vector<8x512xi1> to vector<8x512xi32>
    %convert_element_type3A_2208 = arith.sitofp %convert_element_type3A_2207 : vector<8x512xi32> to vector<8x512xf32>
    %eq3A_2209 = arith.constant 24 : i32
    %eq3A_2210 = vector.broadcast %eq3A_2209 : i32 to vector<8x512xi32>
    %eq3A_2211 = arith.cmpi eq, %sub3A_2153, %eq3A_2210 : vector<8x512xi32>
    %convert_element_type3A_2212 = arith.extui %eq3A_2211 : vector<8x512xi1> to vector<8x512xi32>
    %convert_element_type3A_2213 = arith.sitofp %convert_element_type3A_2212 : vector<8x512xi32> to vector<8x512xf32>
    %eq3A_2214 = arith.constant 32 : i32
    %eq3A_2215 = vector.broadcast %eq3A_2214 : i32 to vector<8x512xi32>
    %eq3A_2216 = arith.cmpi eq, %sub3A_2153, %eq3A_2215 : vector<8x512xi32>
    %convert_element_type3A_2217 = arith.extui %eq3A_2216 : vector<8x512xi1> to vector<8x512xi32>
    %convert_element_type3A_2218 = arith.sitofp %convert_element_type3A_2217 : vector<8x512xi32> to vector<8x512xf32>
    %eq3A_2219 = arith.constant 40 : i32
    %eq3A_2220 = vector.broadcast %eq3A_2219 : i32 to vector<8x512xi32>
    %eq3A_2221 = arith.cmpi eq, %sub3A_2153, %eq3A_2220 : vector<8x512xi32>
    %convert_element_type3A_2222 = arith.extui %eq3A_2221 : vector<8x512xi1> to vector<8x512xi32>
    %convert_element_type3A_2223 = arith.sitofp %convert_element_type3A_2222 : vector<8x512xi32> to vector<8x512xf32>
    %eq3A_2224 = arith.constant 48 : i32
    %eq3A_2225 = vector.broadcast %eq3A_2224 : i32 to vector<8x512xi32>
    %eq3A_2226 = arith.cmpi eq, %sub3A_2153, %eq3A_2225 : vector<8x512xi32>
    %convert_element_type3A_2227 = arith.extui %eq3A_2226 : vector<8x512xi1> to vector<8x512xi32>
    %convert_element_type3A_2228 = arith.sitofp %convert_element_type3A_2227 : vector<8x512xi32> to vector<8x512xf32>
    %eq3A_2229 = arith.constant 56 : i32
    %eq3A_2230 = vector.broadcast %eq3A_2229 : i32 to vector<8x512xi32>
    %eq3A_2231 = arith.cmpi eq, %sub3A_2153, %eq3A_2230 : vector<8x512xi32>
    %convert_element_type3A_2232 = arith.extui %eq3A_2231 : vector<8x512xi1> to vector<8x512xi32>
    %convert_element_type3A_2233 = arith.sitofp %convert_element_type3A_2232 : vector<8x512xi32> to vector<8x512xf32>
    %concatenate3A_2234 = tpu.concatenate %convert_element_type3A_2158, %convert_element_type3A_2163, %convert_element_type3A_2168, %convert_element_type3A_2173, %convert_element_type3A_2178, %convert_element_type3A_2183, %convert_element_type3A_2188, %convert_element_type3A_2193, %convert_element_type3A_2198, %convert_element_type3A_2203, %convert_element_type3A_2208, %convert_element_type3A_2213, %convert_element_type3A_2218, %convert_element_type3A_2223, %convert_element_type3A_2228, %convert_element_type3A_2233 in 0 : vector<8x512xf32>, vector<8x512xf32>, vector<8x512xf32>, vector<8x512xf32>, vector<8x512xf32>, vector<8x512xf32>, vector<8x512xf32>, vector<8x512xf32>, vector<8x512xf32>, vector<8x512xf32>, vector<8x512xf32>, vector<8x512xf32>, vector<8x512xf32>, vector<8x512xf32>, vector<8x512xf32>, vector<8x512xf32> -> vector<128x512xf32>
    %convert_element_type3A_2235 = arith.truncf %concatenate3A_2234 : vector<128x512xf32> to vector<128x512xbf16>
    %get3A_2236 = arith.constant 0 : index
    %get3A_2237 = arith.constant 0 : index
    %get3A_2238 = vector.load %arg9[%get3A_2236, %get3A_2237] : memref<128x256xbf16, #tpu.memory_space<vmem>>, vector<128x256xbf16>
    %dot_general3A_2239 = arith.constant dense<0.000000e+00> : vector<512x256xf32>
    %dot_general3A_2240 = tpu.matmul %convert_element_type3A_2235, %get3A_2238, %dot_general3A_2239 {dimension_numbers = #tpu.dot_dimension_numbers<[0], [0], [1], [1], [0, 1, 1, 1], [], []>, transpose_lhs_hint = false} : vector<128x512xbf16>, vector<128x256xbf16>, vector<512x256xf32> -> vector<512x256xf32>
    %convert_element_type3A_2241 = arith.truncf %dot_general3A_2240 : vector<512x256xf32> to vector<512x256xbf16>
    %slice3A_2242 = vector.extract_strided_slice %convert_element_type3A_2241 {offsets = [0, 0], sizes = [512, 128], strides = [1, 1]} : vector<512x256xbf16> to vector<512x128xbf16>
    %slice3A_2243 = vector.extract_strided_slice %convert_element_type3A_2241 {offsets = [0, 128], sizes = [512, 128], strides = [1, 1]} : vector<512x256xbf16> to vector<512x128xbf16>
    %mul3A_2244 = arith.mulf %slice3A_2242, %slice3A_2243 : vector<512x128xbf16>
    %slice3A_2245 = vector.extract_strided_slice %mul3A_2244 {offsets = [0, 0], sizes = [512, 64], strides = [1, 1]} : vector<512x128xbf16> to vector<512x64xbf16>
    %slice3A_2246 = vector.extract_strided_slice %mul3A_2244 {offsets = [0, 64], sizes = [512, 64], strides = [1, 1]} : vector<512x128xbf16> to vector<512x64xbf16>
    %add3A_2247 = arith.addf %slice3A_2245, %slice3A_2246 : vector<512x64xbf16>
    %convert_element_type3A_2248 = arith.extf %add3A_2247 : vector<512x64xbf16> to vector<512x64xf32>
    %swap3A_2249 = arith.constant 0 : index
    %swap3A_2250 = arith.constant 2560 : index
    %swap3A_2251 = arith.constant 64 : index
    %swap3A_2252 = vector.load %arg10[%swap3A_2249, %swap3A_2250, %swap3A_2251] : memref<1x4096x128xf32, #tpu.memory_space<vmem>>, vector<1x512x64xf32>
    %swap3A_2253 = vector.shape_cast %swap3A_2252 : vector<1x512x64xf32> to vector<512x64xf32>
    %swap3A_2254 = vector.shape_cast %convert_element_type3A_2248 : vector<512x64xf32> to vector<1x512x64xf32>
    tpu.vector_store %arg10[%swap3A_2249, %swap3A_2250, %swap3A_2251], %swap3A_2254 {strides = array<i32>} : memref<1x4096x128xf32, #tpu.memory_space<vmem>>, vector<1x512x64xf32>,
    %get3A_2255 = arith.constant 0 : index
    %get3A_2256 = arith.constant 0 : index
    %get3A_2257 = arith.constant 2560 : index
    %get3A_2258 = vector.load %arg7[%get3A_2255, %get3A_2256, %get3A_2257] : memref<1x1x4096xi32, #tpu.memory_space<vmem>>, vector<1x1x512xi32>
    %get3A_2259 = vector.shape_cast %get3A_2258 : vector<1x1x512xi32> to vector<1x512xi32>
    %convert_element_type3A_2260 = arith.sitofp %get3A_2259 : vector<1x512xi32> to vector<1x512xf32>
    %broadcast_in_dim3A_2261 = vector.shape_cast %convert_element_type3A_2260 : vector<1x512xf32> to vector<1x512xf32>
    %broadcast_in_dim3A_2262 = vector.broadcast %broadcast_in_dim3A_2261 : vector<1x512xf32> to vector<8x512xf32>
    %get3A_2263 = arith.constant 0 : index
    %get3A_2264 = arith.constant 0 : index
    %get3A_2265 = arith.constant 2560 : index
    %get3A_2266 = vector.load %arg6[%get3A_2263, %get3A_2264, %get3A_2265] : memref<1x1x4096xi32, #tpu.memory_space<vmem>>, vector<1x1x512xi32>
    %get3A_2267 = vector.shape_cast %get3A_2266 : vector<1x1x512xi32> to vector<1x512xi32>
    %broadcast_in_dim3A_2268 = vector.shape_cast %get3A_2267 : vector<1x512xi32> to vector<1x512xi32>
    %broadcast_in_dim3A_2269 = vector.broadcast %broadcast_in_dim3A_2268 : vector<1x512xi32> to vector<8x512xi32>
    %sub3A_2270 = arith.subi %broadcast_in_dim3A_2269, %iota3A : vector<8x512xi32>
    %get3A_2271 = arith.constant 0 : index
    %get3A_2272 = arith.constant 0 : index
    %get3A_2273 = arith.constant 2560 : index
    %get3A_2274 = vector.load %arg5[%get3A_2271, %get3A_2272, %get3A_2273] : memref<1x1x4096xi32, #tpu.memory_space<vmem>>, vector<1x1x512xi32>
    %get3A_2275 = vector.shape_cast %get3A_2274 : vector<1x1x512xi32> to vector<1x512xi32>
    %jit3A_2276 = arith.constant 128 : i32
    %div3A_2277 = vector.broadcast %jit3A_2276 : i32 to vector<1x512xi32>
    %div3A_2278 = arith.divsi %get3A_2275, %div3A_2277 : vector<1x512xi32>
    %sign3A_2279 = arith.constant 0 : i32
    %sign3A_2280 = vector.broadcast %sign3A_2279 : i32 to vector<1x512xi32>
    %sign3A_2281 = arith.cmpi sgt, %get3A_2275, %sign3A_2280 : vector<1x512xi32>
    %sign3A_2282 = arith.extui %sign3A_2281 : vector<1x512xi1> to vector<1x512xi32>
    %sign3A_2283 = arith.constant 0 : i32
    %sign3A_2284 = vector.broadcast %sign3A_2283 : i32 to vector<1x512xi32>
    %sign3A_2285 = arith.cmpi slt, %get3A_2275, %sign3A_2284 : vector<1x512xi32>
    %sign3A_2286 = arith.extui %sign3A_2285 : vector<1x512xi1> to vector<1x512xi32>
    %sign3A_2287 = arith.subi %sign3A_2282, %sign3A_2286 : vector<1x512xi32>
    %sign3A_2288 = arith.constant 0 : i32
    %sign3A_2289 = arith.cmpi sgt, %jit3A_2276, %sign3A_2288 : i32
    %sign3A_2290 = arith.extui %sign3A_2289 : i1 to i32
    %sign3A_2291 = arith.constant 0 : i32
    %sign3A_2292 = arith.cmpi slt, %jit3A_2276, %sign3A_2291 : i32
    %sign3A_2293 = arith.extui %sign3A_2292 : i1 to i32
    %sign3A_2294 = arith.subi %sign3A_2290, %sign3A_2293 : i32
    %ne3A_2295 = vector.broadcast %sign3A_2294 : i32 to vector<1x512xi32>
    %ne3A_2296 = arith.cmpi ne, %sign3A_2287, %ne3A_2295 : vector<1x512xi32>
    %rem3A_2297 = vector.broadcast %jit3A_2276 : i32 to vector<1x512xi32>
    %rem3A_2298 = arith.remsi %get3A_2275, %rem3A_2297 : vector<1x512xi32>
    %ne3A_2299 = arith.constant 0 : i32
    %ne3A_2300 = vector.broadcast %ne3A_2299 : i32 to vector<1x512xi32>
    %ne3A_2301 = arith.cmpi ne, %rem3A_2298, %ne3A_2300 : vector<1x512xi32>
    %and3A_2302 = arith.andi %ne3A_2296, %ne3A_2301 : vector<1x512xi1>
    %sub3A_2303 = arith.constant 1 : i32
    %sub3A_2304 = vector.broadcast %sub3A_2303 : i32 to vector<1x512xi32>
    %sub3A_2305 = arith.subi %div3A_2278, %sub3A_2304 : vector<1x512xi32>
    %select_n3A_2306 = arith.select %and3A_2302, %sub3A_2305, %div3A_2278 : vector<1x512xi1>, vector<1x512xi32>
    %broadcast_in_dim3A_2307 = vector.shape_cast %select_n3A_2306 : vector<1x512xi32> to vector<1x512xi32>
    %broadcast_in_dim3A_2308 = vector.broadcast %broadcast_in_dim3A_2307 : vector<1x512xi32> to vector<8x512xi32>
    %sub3A_2309 = arith.subi %broadcast_in_dim3A_2308, %iota3A : vector<8x512xi32>
    %eq3A_2310 = arith.constant 0 : i32
    %eq3A_2311 = vector.broadcast %eq3A_2310 : i32 to vector<8x512xi32>
    %eq3A_2312 = arith.cmpi eq, %sub3A_2270, %eq3A_2311 : vector<8x512xi32>
    %jit3A_2313 = arith.constant 0.000000e+00 : f32
    %broadcast_in_dim3A_2314 = vector.broadcast %jit3A_2313 : f32 to vector<8x512xf32>
    %select_n3A_2315 = arith.select %eq3A_2312, %broadcast_in_dim3A_2262, %broadcast_in_dim3A_2314 : vector<8x512xi1>, vector<8x512xf32>
    %swap3A_2316 = arith.constant 0 : index
    %swap3A_2317 = arith.constant 0 : index
    %swap3A_2318 = arith.constant 2560 : index
    %swap3A_2319 = vector.load %arg12[%swap3A_2316, %swap3A_2317, %swap3A_2318] : memref<1x128x4096xf32, #tpu.memory_space<vmem>>, vector<1x8x512xf32>
    %swap3A_2320 = vector.shape_cast %swap3A_2319 : vector<1x8x512xf32> to vector<8x512xf32>
    %swap3A_2321 = vector.shape_cast %select_n3A_2315 : vector<8x512xf32> to vector<1x8x512xf32>
    tpu.vector_store %arg12[%swap3A_2316, %swap3A_2317, %swap3A_2318], %swap3A_2321 {strides = array<i32>} : memref<1x128x4096xf32, #tpu.memory_space<vmem>>, vector<1x8x512xf32>,
    %eq3A_2322 = arith.constant 8 : i32
    %eq3A_2323 = vector.broadcast %eq3A_2322 : i32 to vector<8x512xi32>
    %eq3A_2324 = arith.cmpi eq, %sub3A_2270, %eq3A_2323 : vector<8x512xi32>
    %jit3A_2325 = arith.constant 0.000000e+00 : f32
    %broadcast_in_dim3A_2326 = vector.broadcast %jit3A_2325 : f32 to vector<8x512xf32>
    %select_n3A_2327 = arith.select %eq3A_2324, %broadcast_in_dim3A_2262, %broadcast_in_dim3A_2326 : vector<8x512xi1>, vector<8x512xf32>
    %swap3A_2328 = arith.constant 0 : index
    %swap3A_2329 = arith.constant 8 : index
    %swap3A_2330 = arith.constant 2560 : index
    %swap3A_2331 = vector.load %arg12[%swap3A_2328, %swap3A_2329, %swap3A_2330] : memref<1x128x4096xf32, #tpu.memory_space<vmem>>, vector<1x8x512xf32>
    %swap3A_2332 = vector.shape_cast %swap3A_2331 : vector<1x8x512xf32> to vector<8x512xf32>
    %swap3A_2333 = vector.shape_cast %select_n3A_2327 : vector<8x512xf32> to vector<1x8x512xf32>
    tpu.vector_store %arg12[%swap3A_2328, %swap3A_2329, %swap3A_2330], %swap3A_2333 {strides = array<i32>} : memref<1x128x4096xf32, #tpu.memory_space<vmem>>, vector<1x8x512xf32>,
    %eq3A_2334 = arith.constant 16 : i32
    %eq3A_2335 = vector.broadcast %eq3A_2334 : i32 to vector<8x512xi32>
    %eq3A_2336 = arith.cmpi eq, %sub3A_2270, %eq3A_2335 : vector<8x512xi32>
    %jit3A_2337 = arith.constant 0.000000e+00 : f32
    %broadcast_in_dim3A_2338 = vector.broadcast %jit3A_2337 : f32 to vector<8x512xf32>
    %select_n3A_2339 = arith.select %eq3A_2336, %broadcast_in_dim3A_2262, %broadcast_in_dim3A_2338 : vector<8x512xi1>, vector<8x512xf32>
    %swap3A_2340 = arith.constant 0 : index
    %swap3A_2341 = arith.constant 16 : index
    %swap3A_2342 = arith.constant 2560 : index
    %swap3A_2343 = vector.load %arg12[%swap3A_2340, %swap3A_2341, %swap3A_2342] : memref<1x128x4096xf32, #tpu.memory_space<vmem>>, vector<1x8x512xf32>
    %swap3A_2344 = vector.shape_cast %swap3A_2343 : vector<1x8x512xf32> to vector<8x512xf32>
    %swap3A_2345 = vector.shape_cast %select_n3A_2339 : vector<8x512xf32> to vector<1x8x512xf32>
    tpu.vector_store %arg12[%swap3A_2340, %swap3A_2341, %swap3A_2342], %swap3A_2345 {strides = array<i32>} : memref<1x128x4096xf32, #tpu.memory_space<vmem>>, vector<1x8x512xf32>,
    %eq3A_2346 = arith.constant 24 : i32
    %eq3A_2347 = vector.broadcast %eq3A_2346 : i32 to vector<8x512xi32>
    %eq3A_2348 = arith.cmpi eq, %sub3A_2270, %eq3A_2347 : vector<8x512xi32>
    %jit3A_2349 = arith.constant 0.000000e+00 : f32
    %broadcast_in_dim3A_2350 = vector.broadcast %jit3A_2349 : f32 to vector<8x512xf32>
    %select_n3A_2351 = arith.select %eq3A_2348, %broadcast_in_dim3A_2262, %broadcast_in_dim3A_2350 : vector<8x512xi1>, vector<8x512xf32>
    %swap3A_2352 = arith.constant 0 : index
    %swap3A_2353 = arith.constant 24 : index
    %swap3A_2354 = arith.constant 2560 : index
    %swap3A_2355 = vector.load %arg12[%swap3A_2352, %swap3A_2353, %swap3A_2354] : memref<1x128x4096xf32, #tpu.memory_space<vmem>>, vector<1x8x512xf32>
    %swap3A_2356 = vector.shape_cast %swap3A_2355 : vector<1x8x512xf32> to vector<8x512xf32>
    %swap3A_2357 = vector.shape_cast %select_n3A_2351 : vector<8x512xf32> to vector<1x8x512xf32>
    tpu.vector_store %arg12[%swap3A_2352, %swap3A_2353, %swap3A_2354], %swap3A_2357 {strides = array<i32>} : memref<1x128x4096xf32, #tpu.memory_space<vmem>>, vector<1x8x512xf32>,
    %eq3A_2358 = arith.constant 32 : i32
    %eq3A_2359 = vector.broadcast %eq3A_2358 : i32 to vector<8x512xi32>
    %eq3A_2360 = arith.cmpi eq, %sub3A_2270, %eq3A_2359 : vector<8x512xi32>
    %jit3A_2361 = arith.constant 0.000000e+00 : f32
    %broadcast_in_dim3A_2362 = vector.broadcast %jit3A_2361 : f32 to vector<8x512xf32>
    %select_n3A_2363 = arith.select %eq3A_2360, %broadcast_in_dim3A_2262, %broadcast_in_dim3A_2362 : vector<8x512xi1>, vector<8x512xf32>
    %swap3A_2364 = arith.constant 0 : index
    %swap3A_2365 = arith.constant 32 : index
    %swap3A_2366 = arith.constant 2560 : index
    %swap3A_2367 = vector.load %arg12[%swap3A_2364, %swap3A_2365, %swap3A_2366] : memref<1x128x4096xf32, #tpu.memory_space<vmem>>, vector<1x8x512xf32>
    %swap3A_2368 = vector.shape_cast %swap3A_2367 : vector<1x8x512xf32> to vector<8x512xf32>
    %swap3A_2369 = vector.shape_cast %select_n3A_2363 : vector<8x512xf32> to vector<1x8x512xf32>
    tpu.vector_store %arg12[%swap3A_2364, %swap3A_2365, %swap3A_2366], %swap3A_2369 {strides = array<i32>} : memref<1x128x4096xf32, #tpu.memory_space<vmem>>, vector<1x8x512xf32>,
    %eq3A_2370 = arith.constant 40 : i32
    %eq3A_2371 = vector.broadcast %eq3A_2370 : i32 to vector<8x512xi32>
    %eq3A_2372 = arith.cmpi eq, %sub3A_2270, %eq3A_2371 : vector<8x512xi32>
    %jit3A_2373 = arith.constant 0.000000e+00 : f32
    %broadcast_in_dim3A_2374 = vector.broadcast %jit3A_2373 : f32 to vector<8x512xf32>
    %select_n3A_2375 = arith.select %eq3A_2372, %broadcast_in_dim3A_2262, %broadcast_in_dim3A_2374 : vector<8x512xi1>, vector<8x512xf32>
    %swap3A_2376 = arith.constant 0 : index
    %swap3A_2377 = arith.constant 40 : index
    %swap3A_2378 = arith.constant 2560 : index
    %swap3A_2379 = vector.load %arg12[%swap3A_2376, %swap3A_2377, %swap3A_2378] : memref<1x128x4096xf32, #tpu.memory_space<vmem>>, vector<1x8x512xf32>
    %swap3A_2380 = vector.shape_cast %swap3A_2379 : vector<1x8x512xf32> to vector<8x512xf32>
    %swap3A_2381 = vector.shape_cast %select_n3A_2375 : vector<8x512xf32> to vector<1x8x512xf32>
    tpu.vector_store %arg12[%swap3A_2376, %swap3A_2377, %swap3A_2378], %swap3A_2381 {strides = array<i32>} : memref<1x128x4096xf32, #tpu.memory_space<vmem>>, vector<1x8x512xf32>,
    %eq3A_2382 = arith.constant 48 : i32
    %eq3A_2383 = vector.broadcast %eq3A_2382 : i32 to vector<8x512xi32>
    %eq3A_2384 = arith.cmpi eq, %sub3A_2270, %eq3A_2383 : vector<8x512xi32>
    %jit3A_2385 = arith.constant 0.000000e+00 : f32
    %broadcast_in_dim3A_2386 = vector.broadcast %jit3A_2385 : f32 to vector<8x512xf32>
    %select_n3A_2387 = arith.select %eq3A_2384, %broadcast_in_dim3A_2262, %broadcast_in_dim3A_2386 : vector<8x512xi1>, vector<8x512xf32>
    %swap3A_2388 = arith.constant 0 : index
    %swap3A_2389 = arith.constant 48 : index
    %swap3A_2390 = arith.constant 2560 : index
    %swap3A_2391 = vector.load %arg12[%swap3A_2388, %swap3A_2389, %swap3A_2390] : memref<1x128x4096xf32, #tpu.memory_space<vmem>>, vector<1x8x512xf32>
    %swap3A_2392 = vector.shape_cast %swap3A_2391 : vector<1x8x512xf32> to vector<8x512xf32>
    %swap3A_2393 = vector.shape_cast %select_n3A_2387 : vector<8x512xf32> to vector<1x8x512xf32>
    tpu.vector_store %arg12[%swap3A_2388, %swap3A_2389, %swap3A_2390], %swap3A_2393 {strides = array<i32>} : memref<1x128x4096xf32, #tpu.memory_space<vmem>>, vector<1x8x512xf32>,
    %eq3A_2394 = arith.constant 56 : i32
    %eq3A_2395 = vector.broadcast %eq3A_2394 : i32 to vector<8x512xi32>
    %eq3A_2396 = arith.cmpi eq, %sub3A_2270, %eq3A_2395 : vector<8x512xi32>
    %jit3A_2397 = arith.constant 0.000000e+00 : f32
    %broadcast_in_dim3A_2398 = vector.broadcast %jit3A_2397 : f32 to vector<8x512xf32>
    %select_n3A_2399 = arith.select %eq3A_2396, %broadcast_in_dim3A_2262, %broadcast_in_dim3A_2398 : vector<8x512xi1>, vector<8x512xf32>
    %swap3A_2400 = arith.constant 0 : index
    %swap3A_2401 = arith.constant 56 : index
    %swap3A_2402 = arith.constant 2560 : index
    %swap3A_2403 = vector.load %arg12[%swap3A_2400, %swap3A_2401, %swap3A_2402] : memref<1x128x4096xf32, #tpu.memory_space<vmem>>, vector<1x8x512xf32>
    %swap3A_2404 = vector.shape_cast %swap3A_2403 : vector<1x8x512xf32> to vector<8x512xf32>
    %swap3A_2405 = vector.shape_cast %select_n3A_2399 : vector<8x512xf32> to vector<1x8x512xf32>
    tpu.vector_store %arg12[%swap3A_2400, %swap3A_2401, %swap3A_2402], %swap3A_2405 {strides = array<i32>} : memref<1x128x4096xf32, #tpu.memory_space<vmem>>, vector<1x8x512xf32>,
    %eq3A_2406 = arith.constant 64 : i32
    %eq3A_2407 = vector.broadcast %eq3A_2406 : i32 to vector<8x512xi32>
    %eq3A_2408 = arith.cmpi eq, %sub3A_2270, %eq3A_2407 : vector<8x512xi32>
    %jit3A_2409 = arith.constant 0.000000e+00 : f32
    %broadcast_in_dim3A_2410 = vector.broadcast %jit3A_2409 : f32 to vector<8x512xf32>
    %select_n3A_2411 = arith.select %eq3A_2408, %broadcast_in_dim3A_2262, %broadcast_in_dim3A_2410 : vector<8x512xi1>, vector<8x512xf32>
    %swap3A_2412 = arith.constant 0 : index
    %swap3A_2413 = arith.constant 64 : index
    %swap3A_2414 = arith.constant 2560 : index
    %swap3A_2415 = vector.load %arg12[%swap3A_2412, %swap3A_2413, %swap3A_2414] : memref<1x128x4096xf32, #tpu.memory_space<vmem>>, vector<1x8x512xf32>
    %swap3A_2416 = vector.shape_cast %swap3A_2415 : vector<1x8x512xf32> to vector<8x512xf32>
    %swap3A_2417 = vector.shape_cast %select_n3A_2411 : vector<8x512xf32> to vector<1x8x512xf32>
    tpu.vector_store %arg12[%swap3A_2412, %swap3A_2413, %swap3A_2414], %swap3A_2417 {strides = array<i32>} : memref<1x128x4096xf32, #tpu.memory_space<vmem>>, vector<1x8x512xf32>,
    %eq3A_2418 = arith.constant 72 : i32
    %eq3A_2419 = vector.broadcast %eq3A_2418 : i32 to vector<8x512xi32>
    %eq3A_2420 = arith.cmpi eq, %sub3A_2270, %eq3A_2419 : vector<8x512xi32>
    %jit3A_2421 = arith.constant 0.000000e+00 : f32
    %broadcast_in_dim3A_2422 = vector.broadcast %jit3A_2421 : f32 to vector<8x512xf32>
    %select_n3A_2423 = arith.select %eq3A_2420, %broadcast_in_dim3A_2262, %broadcast_in_dim3A_2422 : vector<8x512xi1>, vector<8x512xf32>
    %swap3A_2424 = arith.constant 0 : index
    %swap3A_2425 = arith.constant 72 : index
    %swap3A_2426 = arith.constant 2560 : index
    %swap3A_2427 = vector.load %arg12[%swap3A_2424, %swap3A_2425, %swap3A_2426] : memref<1x128x4096xf32, #tpu.memory_space<vmem>>, vector<1x8x512xf32>
    %swap3A_2428 = vector.shape_cast %swap3A_2427 : vector<1x8x512xf32> to vector<8x512xf32>
    %swap3A_2429 = vector.shape_cast %select_n3A_2423 : vector<8x512xf32> to vector<1x8x512xf32>
    tpu.vector_store %arg12[%swap3A_2424, %swap3A_2425, %swap3A_2426], %swap3A_2429 {strides = array<i32>} : memref<1x128x4096xf32, #tpu.memory_space<vmem>>, vector<1x8x512xf32>,
    %eq3A_2430 = arith.constant 80 : i32
    %eq3A_2431 = vector.broadcast %eq3A_2430 : i32 to vector<8x512xi32>
    %eq3A_2432 = arith.cmpi eq, %sub3A_2270, %eq3A_2431 : vector<8x512xi32>
    %jit3A_2433 = arith.constant 0.000000e+00 : f32
    %broadcast_in_dim3A_2434 = vector.broadcast %jit3A_2433 : f32 to vector<8x512xf32>
    %select_n3A_2435 = arith.select %eq3A_2432, %broadcast_in_dim3A_2262, %broadcast_in_dim3A_2434 : vector<8x512xi1>, vector<8x512xf32>
    %swap3A_2436 = arith.constant 0 : index
    %swap3A_2437 = arith.constant 80 : index
    %swap3A_2438 = arith.constant 2560 : index
    %swap3A_2439 = vector.load %arg12[%swap3A_2436, %swap3A_2437, %swap3A_2438] : memref<1x128x4096xf32, #tpu.memory_space<vmem>>, vector<1x8x512xf32>
    %swap3A_2440 = vector.shape_cast %swap3A_2439 : vector<1x8x512xf32> to vector<8x512xf32>
    %swap3A_2441 = vector.shape_cast %select_n3A_2435 : vector<8x512xf32> to vector<1x8x512xf32>
    tpu.vector_store %arg12[%swap3A_2436, %swap3A_2437, %swap3A_2438], %swap3A_2441 {strides = array<i32>} : memref<1x128x4096xf32, #tpu.memory_space<vmem>>, vector<1x8x512xf32>,
    %eq3A_2442 = arith.constant 88 : i32
    %eq3A_2443 = vector.broadcast %eq3A_2442 : i32 to vector<8x512xi32>
    %eq3A_2444 = arith.cmpi eq, %sub3A_2270, %eq3A_2443 : vector<8x512xi32>
    %jit3A_2445 = arith.constant 0.000000e+00 : f32
    %broadcast_in_dim3A_2446 = vector.broadcast %jit3A_2445 : f32 to vector<8x512xf32>
    %select_n3A_2447 = arith.select %eq3A_2444, %broadcast_in_dim3A_2262, %broadcast_in_dim3A_2446 : vector<8x512xi1>, vector<8x512xf32>
    %swap3A_2448 = arith.constant 0 : index
    %swap3A_2449 = arith.constant 88 : index
    %swap3A_2450 = arith.constant 2560 : index
    %swap3A_2451 = vector.load %arg12[%swap3A_2448, %swap3A_2449, %swap3A_2450] : memref<1x128x4096xf32, #tpu.memory_space<vmem>>, vector<1x8x512xf32>
    %swap3A_2452 = vector.shape_cast %swap3A_2451 : vector<1x8x512xf32> to vector<8x512xf32>
    %swap3A_2453 = vector.shape_cast %select_n3A_2447 : vector<8x512xf32> to vector<1x8x512xf32>
    tpu.vector_store %arg12[%swap3A_2448, %swap3A_2449, %swap3A_2450], %swap3A_2453 {strides = array<i32>} : memref<1x128x4096xf32, #tpu.memory_space<vmem>>, vector<1x8x512xf32>,
    %eq3A_2454 = arith.constant 96 : i32
    %eq3A_2455 = vector.broadcast %eq3A_2454 : i32 to vector<8x512xi32>
    %eq3A_2456 = arith.cmpi eq, %sub3A_2270, %eq3A_2455 : vector<8x512xi32>
    %jit3A_2457 = arith.constant 0.000000e+00 : f32
    %broadcast_in_dim3A_2458 = vector.broadcast %jit3A_2457 : f32 to vector<8x512xf32>
    %select_n3A_2459 = arith.select %eq3A_2456, %broadcast_in_dim3A_2262, %broadcast_in_dim3A_2458 : vector<8x512xi1>, vector<8x512xf32>
    %swap3A_2460 = arith.constant 0 : index
    %swap3A_2461 = arith.constant 96 : index
    %swap3A_2462 = arith.constant 2560 : index
    %swap3A_2463 = vector.load %arg12[%swap3A_2460, %swap3A_2461, %swap3A_2462] : memref<1x128x4096xf32, #tpu.memory_space<vmem>>, vector<1x8x512xf32>
    %swap3A_2464 = vector.shape_cast %swap3A_2463 : vector<1x8x512xf32> to vector<8x512xf32>
    %swap3A_2465 = vector.shape_cast %select_n3A_2459 : vector<8x512xf32> to vector<1x8x512xf32>
    tpu.vector_store %arg12[%swap3A_2460, %swap3A_2461, %swap3A_2462], %swap3A_2465 {strides = array<i32>} : memref<1x128x4096xf32, #tpu.memory_space<vmem>>, vector<1x8x512xf32>,
    %eq3A_2466 = arith.constant 104 : i32
    %eq3A_2467 = vector.broadcast %eq3A_2466 : i32 to vector<8x512xi32>
    %eq3A_2468 = arith.cmpi eq, %sub3A_2270, %eq3A_2467 : vector<8x512xi32>
    %jit3A_2469 = arith.constant 0.000000e+00 : f32
    %broadcast_in_dim3A_2470 = vector.broadcast %jit3A_2469 : f32 to vector<8x512xf32>
    %select_n3A_2471 = arith.select %eq3A_2468, %broadcast_in_dim3A_2262, %broadcast_in_dim3A_2470 : vector<8x512xi1>, vector<8x512xf32>
    %swap3A_2472 = arith.constant 0 : index
    %swap3A_2473 = arith.constant 104 : index
    %swap3A_2474 = arith.constant 2560 : index
    %swap3A_2475 = vector.load %arg12[%swap3A_2472, %swap3A_2473, %swap3A_2474] : memref<1x128x4096xf32, #tpu.memory_space<vmem>>, vector<1x8x512xf32>
    %swap3A_2476 = vector.shape_cast %swap3A_2475 : vector<1x8x512xf32> to vector<8x512xf32>
    %swap3A_2477 = vector.shape_cast %select_n3A_2471 : vector<8x512xf32> to vector<1x8x512xf32>
    tpu.vector_store %arg12[%swap3A_2472, %swap3A_2473, %swap3A_2474], %swap3A_2477 {strides = array<i32>} : memref<1x128x4096xf32, #tpu.memory_space<vmem>>, vector<1x8x512xf32>,
    %eq3A_2478 = arith.constant 112 : i32
    %eq3A_2479 = vector.broadcast %eq3A_2478 : i32 to vector<8x512xi32>
    %eq3A_2480 = arith.cmpi eq, %sub3A_2270, %eq3A_2479 : vector<8x512xi32>
    %jit3A_2481 = arith.constant 0.000000e+00 : f32
    %broadcast_in_dim3A_2482 = vector.broadcast %jit3A_2481 : f32 to vector<8x512xf32>
    %select_n3A_2483 = arith.select %eq3A_2480, %broadcast_in_dim3A_2262, %broadcast_in_dim3A_2482 : vector<8x512xi1>, vector<8x512xf32>
    %swap3A_2484 = arith.constant 0 : index
    %swap3A_2485 = arith.constant 112 : index
    %swap3A_2486 = arith.constant 2560 : index
    %swap3A_2487 = vector.load %arg12[%swap3A_2484, %swap3A_2485, %swap3A_2486] : memref<1x128x4096xf32, #tpu.memory_space<vmem>>, vector<1x8x512xf32>
    %swap3A_2488 = vector.shape_cast %swap3A_2487 : vector<1x8x512xf32> to vector<8x512xf32>
    %swap3A_2489 = vector.shape_cast %select_n3A_2483 : vector<8x512xf32> to vector<1x8x512xf32>
    tpu.vector_store %arg12[%swap3A_2484, %swap3A_2485, %swap3A_2486], %swap3A_2489 {strides = array<i32>} : memref<1x128x4096xf32, #tpu.memory_space<vmem>>, vector<1x8x512xf32>,
    %eq3A_2490 = arith.constant 120 : i32
    %eq3A_2491 = vector.broadcast %eq3A_2490 : i32 to vector<8x512xi32>
    %eq3A_2492 = arith.cmpi eq, %sub3A_2270, %eq3A_2491 : vector<8x512xi32>
    %jit3A_2493 = arith.constant 0.000000e+00 : f32
    %broadcast_in_dim3A_2494 = vector.broadcast %jit3A_2493 : f32 to vector<8x512xf32>
    %select_n3A_2495 = arith.select %eq3A_2492, %broadcast_in_dim3A_2262, %broadcast_in_dim3A_2494 : vector<8x512xi1>, vector<8x512xf32>
    %swap3A_2496 = arith.constant 0 : index
    %swap3A_2497 = arith.constant 120 : index
    %swap3A_2498 = arith.constant 2560 : index
    %swap3A_2499 = vector.load %arg12[%swap3A_2496, %swap3A_2497, %swap3A_2498] : memref<1x128x4096xf32, #tpu.memory_space<vmem>>, vector<1x8x512xf32>
    %swap3A_2500 = vector.shape_cast %swap3A_2499 : vector<1x8x512xf32> to vector<8x512xf32>
    %swap3A_2501 = vector.shape_cast %select_n3A_2495 : vector<8x512xf32> to vector<1x8x512xf32>
    tpu.vector_store %arg12[%swap3A_2496, %swap3A_2497, %swap3A_2498], %swap3A_2501 {strides = array<i32>} : memref<1x128x4096xf32, #tpu.memory_space<vmem>>, vector<1x8x512xf32>,
    %eq3A_2502 = arith.constant 0 : i32
    %eq3A_2503 = vector.broadcast %eq3A_2502 : i32 to vector<8x512xi32>
    %eq3A_2504 = arith.cmpi eq, %sub3A_2309, %eq3A_2503 : vector<8x512xi32>
    %jit3A_2505 = arith.constant 0.000000e+00 : f32
    %broadcast_in_dim3A_2506 = vector.broadcast %jit3A_2505 : f32 to vector<8x512xf32>
    %select_n3A_2507 = arith.select %eq3A_2504, %broadcast_in_dim3A_2262, %broadcast_in_dim3A_2506 : vector<8x512xi1>, vector<8x512xf32>
    %swap3A_2508 = arith.constant 0 : index
    %swap3A_2509 = arith.constant 0 : index
    %swap3A_2510 = arith.constant 2560 : index
    %swap3A_2511 = vector.load %arg11[%swap3A_2508, %swap3A_2509, %swap3A_2510] : memref<1x32x4096xf32, #tpu.memory_space<vmem>>, vector<1x8x512xf32>
    %swap3A_2512 = vector.shape_cast %swap3A_2511 : vector<1x8x512xf32> to vector<8x512xf32>
    %swap3A_2513 = vector.shape_cast %select_n3A_2507 : vector<8x512xf32> to vector<1x8x512xf32>
    tpu.vector_store %arg11[%swap3A_2508, %swap3A_2509, %swap3A_2510], %swap3A_2513 {strides = array<i32>} : memref<1x32x4096xf32, #tpu.memory_space<vmem>>, vector<1x8x512xf32>,
    %eq3A_2514 = arith.constant 8 : i32
    %eq3A_2515 = vector.broadcast %eq3A_2514 : i32 to vector<8x512xi32>
    %eq3A_2516 = arith.cmpi eq, %sub3A_2309, %eq3A_2515 : vector<8x512xi32>
    %jit3A_2517 = arith.constant 0.000000e+00 : f32
    %broadcast_in_dim3A_2518 = vector.broadcast %jit3A_2517 : f32 to vector<8x512xf32>
    %select_n3A_2519 = arith.select %eq3A_2516, %broadcast_in_dim3A_2262, %broadcast_in_dim3A_2518 : vector<8x512xi1>, vector<8x512xf32>
    %swap3A_2520 = arith.constant 0 : index
    %swap3A_2521 = arith.constant 8 : index
    %swap3A_2522 = arith.constant 2560 : index
    %swap3A_2523 = vector.load %arg11[%swap3A_2520, %swap3A_2521, %swap3A_2522] : memref<1x32x4096xf32, #tpu.memory_space<vmem>>, vector<1x8x512xf32>
    %swap3A_2524 = vector.shape_cast %swap3A_2523 : vector<1x8x512xf32> to vector<8x512xf32>
    %swap3A_2525 = vector.shape_cast %select_n3A_2519 : vector<8x512xf32> to vector<1x8x512xf32>
    tpu.vector_store %arg11[%swap3A_2520, %swap3A_2521, %swap3A_2522], %swap3A_2525 {strides = array<i32>} : memref<1x32x4096xf32, #tpu.memory_space<vmem>>, vector<1x8x512xf32>,
    %eq3A_2526 = arith.constant 16 : i32
    %eq3A_2527 = vector.broadcast %eq3A_2526 : i32 to vector<8x512xi32>
    %eq3A_2528 = arith.cmpi eq, %sub3A_2309, %eq3A_2527 : vector<8x512xi32>
    %jit3A_2529 = arith.constant 0.000000e+00 : f32
    %broadcast_in_dim3A_2530 = vector.broadcast %jit3A_2529 : f32 to vector<8x512xf32>
    %select_n3A_2531 = arith.select %eq3A_2528, %broadcast_in_dim3A_2262, %broadcast_in_dim3A_2530 : vector<8x512xi1>, vector<8x512xf32>
    %swap3A_2532 = arith.constant 0 : index
    %swap3A_2533 = arith.constant 16 : index
    %swap3A_2534 = arith.constant 2560 : index
    %swap3A_2535 = vector.load %arg11[%swap3A_2532, %swap3A_2533, %swap3A_2534] : memref<1x32x4096xf32, #tpu.memory_space<vmem>>, vector<1x8x512xf32>
    %swap3A_2536 = vector.shape_cast %swap3A_2535 : vector<1x8x512xf32> to vector<8x512xf32>
    %swap3A_2537 = vector.shape_cast %select_n3A_2531 : vector<8x512xf32> to vector<1x8x512xf32>
    tpu.vector_store %arg11[%swap3A_2532, %swap3A_2533, %swap3A_2534], %swap3A_2537 {strides = array<i32>} : memref<1x32x4096xf32, #tpu.memory_space<vmem>>, vector<1x8x512xf32>,
    %eq3A_2538 = arith.constant 24 : i32
    %eq3A_2539 = vector.broadcast %eq3A_2538 : i32 to vector<8x512xi32>
    %eq3A_2540 = arith.cmpi eq, %sub3A_2309, %eq3A_2539 : vector<8x512xi32>
    %jit3A_2541 = arith.constant 0.000000e+00 : f32
    %broadcast_in_dim3A_2542 = vector.broadcast %jit3A_2541 : f32 to vector<8x512xf32>
    %select_n3A_2543 = arith.select %eq3A_2540, %broadcast_in_dim3A_2262, %broadcast_in_dim3A_2542 : vector<8x512xi1>, vector<8x512xf32>
    %swap3A_2544 = arith.constant 0 : index
    %swap3A_2545 = arith.constant 24 : index
    %swap3A_2546 = arith.constant 2560 : index
    %swap3A_2547 = vector.load %arg11[%swap3A_2544, %swap3A_2545, %swap3A_2546] : memref<1x32x4096xf32, #tpu.memory_space<vmem>>, vector<1x8x512xf32>
    %swap3A_2548 = vector.shape_cast %swap3A_2547 : vector<1x8x512xf32> to vector<8x512xf32>
    %swap3A_2549 = vector.shape_cast %select_n3A_2543 : vector<8x512xf32> to vector<1x8x512xf32>
    tpu.vector_store %arg11[%swap3A_2544, %swap3A_2545, %swap3A_2546], %swap3A_2549 {strides = array<i32>} : memref<1x32x4096xf32, #tpu.memory_space<vmem>>, vector<1x8x512xf32>,
    %get3A_2550 = arith.constant 0 : index
    %get3A_2551 = arith.constant 0 : index
    %get3A_2552 = arith.constant 3072 : index
    %get3A_2553 = vector.load %arg2[%get3A_2550, %get3A_2551, %get3A_2552] : memref<1x4x4096xbf16, #tpu.memory_space<vmem>>, vector<1x4x512xbf16>
    %get3A_2554 = vector.shape_cast %get3A_2553 : vector<1x4x512xbf16> to vector<4x512xbf16>
    %get3A_2555 = arith.constant 0 : index
    %get3A_2556 = arith.constant 0 : index
    %get3A_2557 = vector.load %arg8[%get3A_2555, %get3A_2556] : memref<4x64xbf16, #tpu.memory_space<vmem>>, vector<4x64xbf16>
    %dot_general3A_2558 = arith.constant dense<0.000000e+00> : vector<512x64xf32>
    %dot_general3A_2559 = tpu.matmul %get3A_2554, %get3A_2557, %dot_general3A_2558 {dimension_numbers = #tpu.dot_dimension_numbers<[0], [0], [1], [1], [0, 1, 1, 1], [], []>, transpose_lhs_hint = false} : vector<4x512xbf16>, vector<4x64xbf16>, vector<512x64xf32> -> vector<512x64xf32>
    %swap3A_2560 = arith.constant 0 : index
    %swap3A_2561 = arith.constant 3072 : index
    %swap3A_2562 = arith.constant 0 : index
    %swap3A_2563 = vector.load %arg10[%swap3A_2560, %swap3A_2561, %swap3A_2562] : memref<1x4096x128xf32, #tpu.memory_space<vmem>>, vector<1x512x64xf32>
    %swap3A_2564 = vector.shape_cast %swap3A_2563 : vector<1x512x64xf32> to vector<512x64xf32>
    %swap3A_2565 = vector.shape_cast %dot_general3A_2559 : vector<512x64xf32> to vector<1x512x64xf32>
    tpu.vector_store %arg10[%swap3A_2560, %swap3A_2561, %swap3A_2562], %swap3A_2565 {strides = array<i32>} : memref<1x4096x128xf32, #tpu.memory_space<vmem>>, vector<1x512x64xf32>,
    %get3A_2566 = arith.constant 0 : index
    %get3A_2567 = arith.constant 0 : index
    %get3A_2568 = arith.constant 3072 : index
    %get3A_2569 = vector.load %arg3[%get3A_2566, %get3A_2567, %get3A_2568] : memref<1x1x4096xi32, #tpu.memory_space<vmem>>, vector<1x1x512xi32>
    %get3A_2570 = vector.shape_cast %get3A_2569 : vector<1x1x512xi32> to vector<1x512xi32>
    %broadcast_in_dim3A_2571 = vector.shape_cast %get3A_2570 : vector<1x512xi32> to vector<1x512xi32>
    %broadcast_in_dim3A_2572 = vector.broadcast %broadcast_in_dim3A_2571 : vector<1x512xi32> to vector<8x512xi32>
    %sub3A_2573 = arith.subi %broadcast_in_dim3A_2572, %iota3A : vector<8x512xi32>
    %get3A_2574 = arith.constant 0 : index
    %get3A_2575 = arith.constant 0 : index
    %get3A_2576 = arith.constant 3072 : index
    %get3A_2577 = vector.load %arg4[%get3A_2574, %get3A_2575, %get3A_2576] : memref<1x1x4096xi32, #tpu.memory_space<vmem>>, vector<1x1x512xi32>
    %get3A_2578 = vector.shape_cast %get3A_2577 : vector<1x1x512xi32> to vector<1x512xi32>
    %broadcast_in_dim3A_2579 = vector.shape_cast %get3A_2578 : vector<1x512xi32> to vector<1x512xi32>
    %broadcast_in_dim3A_2580 = vector.broadcast %broadcast_in_dim3A_2579 : vector<1x512xi32> to vector<8x512xi32>
    %sub3A_2581 = arith.subi %broadcast_in_dim3A_2580, %iota3A : vector<8x512xi32>
    %eq3A_2582 = arith.constant 0 : i32
    %eq3A_2583 = vector.broadcast %eq3A_2582 : i32 to vector<8x512xi32>
    %eq3A_2584 = arith.cmpi eq, %sub3A_2573, %eq3A_2583 : vector<8x512xi32>
    %convert_element_type3A_2585 = arith.extui %eq3A_2584 : vector<8x512xi1> to vector<8x512xi32>
    %convert_element_type3A_2586 = arith.sitofp %convert_element_type3A_2585 : vector<8x512xi32> to vector<8x512xf32>
    %eq3A_2587 = arith.constant 8 : i32
    %eq3A_2588 = vector.broadcast %eq3A_2587 : i32 to vector<8x512xi32>
    %eq3A_2589 = arith.cmpi eq, %sub3A_2573, %eq3A_2588 : vector<8x512xi32>
    %convert_element_type3A_2590 = arith.extui %eq3A_2589 : vector<8x512xi1> to vector<8x512xi32>
    %convert_element_type3A_2591 = arith.sitofp %convert_element_type3A_2590 : vector<8x512xi32> to vector<8x512xf32>
    %eq3A_2592 = arith.constant 16 : i32
    %eq3A_2593 = vector.broadcast %eq3A_2592 : i32 to vector<8x512xi32>
    %eq3A_2594 = arith.cmpi eq, %sub3A_2573, %eq3A_2593 : vector<8x512xi32>
    %convert_element_type3A_2595 = arith.extui %eq3A_2594 : vector<8x512xi1> to vector<8x512xi32>
    %convert_element_type3A_2596 = arith.sitofp %convert_element_type3A_2595 : vector<8x512xi32> to vector<8x512xf32>
    %eq3A_2597 = arith.constant 24 : i32
    %eq3A_2598 = vector.broadcast %eq3A_2597 : i32 to vector<8x512xi32>
    %eq3A_2599 = arith.cmpi eq, %sub3A_2573, %eq3A_2598 : vector<8x512xi32>
    %convert_element_type3A_2600 = arith.extui %eq3A_2599 : vector<8x512xi1> to vector<8x512xi32>
    %convert_element_type3A_2601 = arith.sitofp %convert_element_type3A_2600 : vector<8x512xi32> to vector<8x512xf32>
    %eq3A_2602 = arith.constant 32 : i32
    %eq3A_2603 = vector.broadcast %eq3A_2602 : i32 to vector<8x512xi32>
    %eq3A_2604 = arith.cmpi eq, %sub3A_2573, %eq3A_2603 : vector<8x512xi32>
    %convert_element_type3A_2605 = arith.extui %eq3A_2604 : vector<8x512xi1> to vector<8x512xi32>
    %convert_element_type3A_2606 = arith.sitofp %convert_element_type3A_2605 : vector<8x512xi32> to vector<8x512xf32>
    %eq3A_2607 = arith.constant 40 : i32
    %eq3A_2608 = vector.broadcast %eq3A_2607 : i32 to vector<8x512xi32>
    %eq3A_2609 = arith.cmpi eq, %sub3A_2573, %eq3A_2608 : vector<8x512xi32>
    %convert_element_type3A_2610 = arith.extui %eq3A_2609 : vector<8x512xi1> to vector<8x512xi32>
    %convert_element_type3A_2611 = arith.sitofp %convert_element_type3A_2610 : vector<8x512xi32> to vector<8x512xf32>
    %eq3A_2612 = arith.constant 48 : i32
    %eq3A_2613 = vector.broadcast %eq3A_2612 : i32 to vector<8x512xi32>
    %eq3A_2614 = arith.cmpi eq, %sub3A_2573, %eq3A_2613 : vector<8x512xi32>
    %convert_element_type3A_2615 = arith.extui %eq3A_2614 : vector<8x512xi1> to vector<8x512xi32>
    %convert_element_type3A_2616 = arith.sitofp %convert_element_type3A_2615 : vector<8x512xi32> to vector<8x512xf32>
    %eq3A_2617 = arith.constant 56 : i32
    %eq3A_2618 = vector.broadcast %eq3A_2617 : i32 to vector<8x512xi32>
    %eq3A_2619 = arith.cmpi eq, %sub3A_2573, %eq3A_2618 : vector<8x512xi32>
    %convert_element_type3A_2620 = arith.extui %eq3A_2619 : vector<8x512xi1> to vector<8x512xi32>
    %convert_element_type3A_2621 = arith.sitofp %convert_element_type3A_2620 : vector<8x512xi32> to vector<8x512xf32>
    %eq3A_2622 = arith.constant 0 : i32
    %eq3A_2623 = vector.broadcast %eq3A_2622 : i32 to vector<8x512xi32>
    %eq3A_2624 = arith.cmpi eq, %sub3A_2581, %eq3A_2623 : vector<8x512xi32>
    %convert_element_type3A_2625 = arith.extui %eq3A_2624 : vector<8x512xi1> to vector<8x512xi32>
    %convert_element_type3A_2626 = arith.sitofp %convert_element_type3A_2625 : vector<8x512xi32> to vector<8x512xf32>
    %eq3A_2627 = arith.constant 8 : i32
    %eq3A_2628 = vector.broadcast %eq3A_2627 : i32 to vector<8x512xi32>
    %eq3A_2629 = arith.cmpi eq, %sub3A_2581, %eq3A_2628 : vector<8x512xi32>
    %convert_element_type3A_2630 = arith.extui %eq3A_2629 : vector<8x512xi1> to vector<8x512xi32>
    %convert_element_type3A_2631 = arith.sitofp %convert_element_type3A_2630 : vector<8x512xi32> to vector<8x512xf32>
    %eq3A_2632 = arith.constant 16 : i32
    %eq3A_2633 = vector.broadcast %eq3A_2632 : i32 to vector<8x512xi32>
    %eq3A_2634 = arith.cmpi eq, %sub3A_2581, %eq3A_2633 : vector<8x512xi32>
    %convert_element_type3A_2635 = arith.extui %eq3A_2634 : vector<8x512xi1> to vector<8x512xi32>
    %convert_element_type3A_2636 = arith.sitofp %convert_element_type3A_2635 : vector<8x512xi32> to vector<8x512xf32>
    %eq3A_2637 = arith.constant 24 : i32
    %eq3A_2638 = vector.broadcast %eq3A_2637 : i32 to vector<8x512xi32>
    %eq3A_2639 = arith.cmpi eq, %sub3A_2581, %eq3A_2638 : vector<8x512xi32>
    %convert_element_type3A_2640 = arith.extui %eq3A_2639 : vector<8x512xi1> to vector<8x512xi32>
    %convert_element_type3A_2641 = arith.sitofp %convert_element_type3A_2640 : vector<8x512xi32> to vector<8x512xf32>
    %eq3A_2642 = arith.constant 32 : i32
    %eq3A_2643 = vector.broadcast %eq3A_2642 : i32 to vector<8x512xi32>
    %eq3A_2644 = arith.cmpi eq, %sub3A_2581, %eq3A_2643 : vector<8x512xi32>
    %convert_element_type3A_2645 = arith.extui %eq3A_2644 : vector<8x512xi1> to vector<8x512xi32>
    %convert_element_type3A_2646 = arith.sitofp %convert_element_type3A_2645 : vector<8x512xi32> to vector<8x512xf32>
    %eq3A_2647 = arith.constant 40 : i32
    %eq3A_2648 = vector.broadcast %eq3A_2647 : i32 to vector<8x512xi32>
    %eq3A_2649 = arith.cmpi eq, %sub3A_2581, %eq3A_2648 : vector<8x512xi32>
    %convert_element_type3A_2650 = arith.extui %eq3A_2649 : vector<8x512xi1> to vector<8x512xi32>
    %convert_element_type3A_2651 = arith.sitofp %convert_element_type3A_2650 : vector<8x512xi32> to vector<8x512xf32>
    %eq3A_2652 = arith.constant 48 : i32
    %eq3A_2653 = vector.broadcast %eq3A_2652 : i32 to vector<8x512xi32>
    %eq3A_2654 = arith.cmpi eq, %sub3A_2581, %eq3A_2653 : vector<8x512xi32>
    %convert_element_type3A_2655 = arith.extui %eq3A_2654 : vector<8x512xi1> to vector<8x512xi32>
    %convert_element_type3A_2656 = arith.sitofp %convert_element_type3A_2655 : vector<8x512xi32> to vector<8x512xf32>
    %eq3A_2657 = arith.constant 56 : i32
    %eq3A_2658 = vector.broadcast %eq3A_2657 : i32 to vector<8x512xi32>
    %eq3A_2659 = arith.cmpi eq, %sub3A_2581, %eq3A_2658 : vector<8x512xi32>
    %convert_element_type3A_2660 = arith.extui %eq3A_2659 : vector<8x512xi1> to vector<8x512xi32>
    %convert_element_type3A_2661 = arith.sitofp %convert_element_type3A_2660 : vector<8x512xi32> to vector<8x512xf32>
    %concatenate3A_2662 = tpu.concatenate %convert_element_type3A_2586, %convert_element_type3A_2591, %convert_element_type3A_2596, %convert_element_type3A_2601, %convert_element_type3A_2606, %convert_element_type3A_2611, %convert_element_type3A_2616, %convert_element_type3A_2621, %convert_element_type3A_2626, %convert_element_type3A_2631, %convert_element_type3A_2636, %convert_element_type3A_2641, %convert_element_type3A_2646, %convert_element_type3A_2651, %convert_element_type3A_2656, %convert_element_type3A_2661 in 0 : vector<8x512xf32>, vector<8x512xf32>, vector<8x512xf32>, vector<8x512xf32>, vector<8x512xf32>, vector<8x512xf32>, vector<8x512xf32>, vector<8x512xf32>, vector<8x512xf32>, vector<8x512xf32>, vector<8x512xf32>, vector<8x512xf32>, vector<8x512xf32>, vector<8x512xf32>, vector<8x512xf32>, vector<8x512xf32> -> vector<128x512xf32>
    %convert_element_type3A_2663 = arith.truncf %concatenate3A_2662 : vector<128x512xf32> to vector<128x512xbf16>
    %get3A_2664 = arith.constant 0 : index
    %get3A_2665 = arith.constant 0 : index
    %get3A_2666 = vector.load %arg9[%get3A_2664, %get3A_2665] : memref<128x256xbf16, #tpu.memory_space<vmem>>, vector<128x256xbf16>
    %dot_general3A_2667 = arith.constant dense<0.000000e+00> : vector<512x256xf32>
    %dot_general3A_2668 = tpu.matmul %convert_element_type3A_2663, %get3A_2666, %dot_general3A_2667 {dimension_numbers = #tpu.dot_dimension_numbers<[0], [0], [1], [1], [0, 1, 1, 1], [], []>, transpose_lhs_hint = false} : vector<128x512xbf16>, vector<128x256xbf16>, vector<512x256xf32> -> vector<512x256xf32>
    %convert_element_type3A_2669 = arith.truncf %dot_general3A_2668 : vector<512x256xf32> to vector<512x256xbf16>
    %slice3A_2670 = vector.extract_strided_slice %convert_element_type3A_2669 {offsets = [0, 0], sizes = [512, 128], strides = [1, 1]} : vector<512x256xbf16> to vector<512x128xbf16>
    %slice3A_2671 = vector.extract_strided_slice %convert_element_type3A_2669 {offsets = [0, 128], sizes = [512, 128], strides = [1, 1]} : vector<512x256xbf16> to vector<512x128xbf16>
    %mul3A_2672 = arith.mulf %slice3A_2670, %slice3A_2671 : vector<512x128xbf16>
    %slice3A_2673 = vector.extract_strided_slice %mul3A_2672 {offsets = [0, 0], sizes = [512, 64], strides = [1, 1]} : vector<512x128xbf16> to vector<512x64xbf16>
    %slice3A_2674 = vector.extract_strided_slice %mul3A_2672 {offsets = [0, 64], sizes = [512, 64], strides = [1, 1]} : vector<512x128xbf16> to vector<512x64xbf16>
    %add3A_2675 = arith.addf %slice3A_2673, %slice3A_2674 : vector<512x64xbf16>
    %convert_element_type3A_2676 = arith.extf %add3A_2675 : vector<512x64xbf16> to vector<512x64xf32>
    %swap3A_2677 = arith.constant 0 : index
    %swap3A_2678 = arith.constant 3072 : index
    %swap3A_2679 = arith.constant 64 : index
    %swap3A_2680 = vector.load %arg10[%swap3A_2677, %swap3A_2678, %swap3A_2679] : memref<1x4096x128xf32, #tpu.memory_space<vmem>>, vector<1x512x64xf32>
    %swap3A_2681 = vector.shape_cast %swap3A_2680 : vector<1x512x64xf32> to vector<512x64xf32>
    %swap3A_2682 = vector.shape_cast %convert_element_type3A_2676 : vector<512x64xf32> to vector<1x512x64xf32>
    tpu.vector_store %arg10[%swap3A_2677, %swap3A_2678, %swap3A_2679], %swap3A_2682 {strides = array<i32>} : memref<1x4096x128xf32, #tpu.memory_space<vmem>>, vector<1x512x64xf32>,
    %get3A_2683 = arith.constant 0 : index
    %get3A_2684 = arith.constant 0 : index
    %get3A_2685 = arith.constant 3072 : index
    %get3A_2686 = vector.load %arg7[%get3A_2683, %get3A_2684, %get3A_2685] : memref<1x1x4096xi32, #tpu.memory_space<vmem>>, vector<1x1x512xi32>
    %get3A_2687 = vector.shape_cast %get3A_2686 : vector<1x1x512xi32> to vector<1x512xi32>
    %convert_element_type3A_2688 = arith.sitofp %get3A_2687 : vector<1x512xi32> to vector<1x512xf32>
    %broadcast_in_dim3A_2689 = vector.shape_cast %convert_element_type3A_2688 : vector<1x512xf32> to vector<1x512xf32>
    %broadcast_in_dim3A_2690 = vector.broadcast %broadcast_in_dim3A_2689 : vector<1x512xf32> to vector<8x512xf32>
    %get3A_2691 = arith.constant 0 : index
    %get3A_2692 = arith.constant 0 : index
    %get3A_2693 = arith.constant 3072 : index
    %get3A_2694 = vector.load %arg6[%get3A_2691, %get3A_2692, %get3A_2693] : memref<1x1x4096xi32, #tpu.memory_space<vmem>>, vector<1x1x512xi32>
    %get3A_2695 = vector.shape_cast %get3A_2694 : vector<1x1x512xi32> to vector<1x512xi32>
    %broadcast_in_dim3A_2696 = vector.shape_cast %get3A_2695 : vector<1x512xi32> to vector<1x512xi32>
    %broadcast_in_dim3A_2697 = vector.broadcast %broadcast_in_dim3A_2696 : vector<1x512xi32> to vector<8x512xi32>
    %sub3A_2698 = arith.subi %broadcast_in_dim3A_2697, %iota3A : vector<8x512xi32>
    %get3A_2699 = arith.constant 0 : index
    %get3A_2700 = arith.constant 0 : index
    %get3A_2701 = arith.constant 3072 : index
    %get3A_2702 = vector.load %arg5[%get3A_2699, %get3A_2700, %get3A_2701] : memref<1x1x4096xi32, #tpu.memory_space<vmem>>, vector<1x1x512xi32>
    %get3A_2703 = vector.shape_cast %get3A_2702 : vector<1x1x512xi32> to vector<1x512xi32>
    %jit3A_2704 = arith.constant 128 : i32
    %div3A_2705 = vector.broadcast %jit3A_2704 : i32 to vector<1x512xi32>
    %div3A_2706 = arith.divsi %get3A_2703, %div3A_2705 : vector<1x512xi32>
    %sign3A_2707 = arith.constant 0 : i32
    %sign3A_2708 = vector.broadcast %sign3A_2707 : i32 to vector<1x512xi32>
    %sign3A_2709 = arith.cmpi sgt, %get3A_2703, %sign3A_2708 : vector<1x512xi32>
    %sign3A_2710 = arith.extui %sign3A_2709 : vector<1x512xi1> to vector<1x512xi32>
    %sign3A_2711 = arith.constant 0 : i32
    %sign3A_2712 = vector.broadcast %sign3A_2711 : i32 to vector<1x512xi32>
    %sign3A_2713 = arith.cmpi slt, %get3A_2703, %sign3A_2712 : vector<1x512xi32>
    %sign3A_2714 = arith.extui %sign3A_2713 : vector<1x512xi1> to vector<1x512xi32>
    %sign3A_2715 = arith.subi %sign3A_2710, %sign3A_2714 : vector<1x512xi32>
    %sign3A_2716 = arith.constant 0 : i32
    %sign3A_2717 = arith.cmpi sgt, %jit3A_2704, %sign3A_2716 : i32
    %sign3A_2718 = arith.extui %sign3A_2717 : i1 to i32
    %sign3A_2719 = arith.constant 0 : i32
    %sign3A_2720 = arith.cmpi slt, %jit3A_2704, %sign3A_2719 : i32
    %sign3A_2721 = arith.extui %sign3A_2720 : i1 to i32
    %sign3A_2722 = arith.subi %sign3A_2718, %sign3A_2721 : i32
    %ne3A_2723 = vector.broadcast %sign3A_2722 : i32 to vector<1x512xi32>
    %ne3A_2724 = arith.cmpi ne, %sign3A_2715, %ne3A_2723 : vector<1x512xi32>
    %rem3A_2725 = vector.broadcast %jit3A_2704 : i32 to vector<1x512xi32>
    %rem3A_2726 = arith.remsi %get3A_2703, %rem3A_2725 : vector<1x512xi32>
    %ne3A_2727 = arith.constant 0 : i32
    %ne3A_2728 = vector.broadcast %ne3A_2727 : i32 to vector<1x512xi32>
    %ne3A_2729 = arith.cmpi ne, %rem3A_2726, %ne3A_2728 : vector<1x512xi32>
    %and3A_2730 = arith.andi %ne3A_2724, %ne3A_2729 : vector<1x512xi1>
    %sub3A_2731 = arith.constant 1 : i32
    %sub3A_2732 = vector.broadcast %sub3A_2731 : i32 to vector<1x512xi32>
    %sub3A_2733 = arith.subi %div3A_2706, %sub3A_2732 : vector<1x512xi32>
    %select_n3A_2734 = arith.select %and3A_2730, %sub3A_2733, %div3A_2706 : vector<1x512xi1>, vector<1x512xi32>
    %broadcast_in_dim3A_2735 = vector.shape_cast %select_n3A_2734 : vector<1x512xi32> to vector<1x512xi32>
    %broadcast_in_dim3A_2736 = vector.broadcast %broadcast_in_dim3A_2735 : vector<1x512xi32> to vector<8x512xi32>
    %sub3A_2737 = arith.subi %broadcast_in_dim3A_2736, %iota3A : vector<8x512xi32>
    %eq3A_2738 = arith.constant 0 : i32
    %eq3A_2739 = vector.broadcast %eq3A_2738 : i32 to vector<8x512xi32>
    %eq3A_2740 = arith.cmpi eq, %sub3A_2698, %eq3A_2739 : vector<8x512xi32>
    %jit3A_2741 = arith.constant 0.000000e+00 : f32
    %broadcast_in_dim3A_2742 = vector.broadcast %jit3A_2741 : f32 to vector<8x512xf32>
    %select_n3A_2743 = arith.select %eq3A_2740, %broadcast_in_dim3A_2690, %broadcast_in_dim3A_2742 : vector<8x512xi1>, vector<8x512xf32>
    %swap3A_2744 = arith.constant 0 : index
    %swap3A_2745 = arith.constant 0 : index
    %swap3A_2746 = arith.constant 3072 : index
    %swap3A_2747 = vector.load %arg12[%swap3A_2744, %swap3A_2745, %swap3A_2746] : memref<1x128x4096xf32, #tpu.memory_space<vmem>>, vector<1x8x512xf32>
    %swap3A_2748 = vector.shape_cast %swap3A_2747 : vector<1x8x512xf32> to vector<8x512xf32>
    %swap3A_2749 = vector.shape_cast %select_n3A_2743 : vector<8x512xf32> to vector<1x8x512xf32>
    tpu.vector_store %arg12[%swap3A_2744, %swap3A_2745, %swap3A_2746], %swap3A_2749 {strides = array<i32>} : memref<1x128x4096xf32, #tpu.memory_space<vmem>>, vector<1x8x512xf32>,
    %eq3A_2750 = arith.constant 8 : i32
    %eq3A_2751 = vector.broadcast %eq3A_2750 : i32 to vector<8x512xi32>
    %eq3A_2752 = arith.cmpi eq, %sub3A_2698, %eq3A_2751 : vector<8x512xi32>
    %jit3A_2753 = arith.constant 0.000000e+00 : f32
    %broadcast_in_dim3A_2754 = vector.broadcast %jit3A_2753 : f32 to vector<8x512xf32>
    %select_n3A_2755 = arith.select %eq3A_2752, %broadcast_in_dim3A_2690, %broadcast_in_dim3A_2754 : vector<8x512xi1>, vector<8x512xf32>
    %swap3A_2756 = arith.constant 0 : index
    %swap3A_2757 = arith.constant 8 : index
    %swap3A_2758 = arith.constant 3072 : index
    %swap3A_2759 = vector.load %arg12[%swap3A_2756, %swap3A_2757, %swap3A_2758] : memref<1x128x4096xf32, #tpu.memory_space<vmem>>, vector<1x8x512xf32>
    %swap3A_2760 = vector.shape_cast %swap3A_2759 : vector<1x8x512xf32> to vector<8x512xf32>
    %swap3A_2761 = vector.shape_cast %select_n3A_2755 : vector<8x512xf32> to vector<1x8x512xf32>
    tpu.vector_store %arg12[%swap3A_2756, %swap3A_2757, %swap3A_2758], %swap3A_2761 {strides = array<i32>} : memref<1x128x4096xf32, #tpu.memory_space<vmem>>, vector<1x8x512xf32>,
    %eq3A_2762 = arith.constant 16 : i32
    %eq3A_2763 = vector.broadcast %eq3A_2762 : i32 to vector<8x512xi32>
    %eq3A_2764 = arith.cmpi eq, %sub3A_2698, %eq3A_2763 : vector<8x512xi32>
    %jit3A_2765 = arith.constant 0.000000e+00 : f32
    %broadcast_in_dim3A_2766 = vector.broadcast %jit3A_2765 : f32 to vector<8x512xf32>
    %select_n3A_2767 = arith.select %eq3A_2764, %broadcast_in_dim3A_2690, %broadcast_in_dim3A_2766 : vector<8x512xi1>, vector<8x512xf32>
    %swap3A_2768 = arith.constant 0 : index
    %swap3A_2769 = arith.constant 16 : index
    %swap3A_2770 = arith.constant 3072 : index
    %swap3A_2771 = vector.load %arg12[%swap3A_2768, %swap3A_2769, %swap3A_2770] : memref<1x128x4096xf32, #tpu.memory_space<vmem>>, vector<1x8x512xf32>
    %swap3A_2772 = vector.shape_cast %swap3A_2771 : vector<1x8x512xf32> to vector<8x512xf32>
    %swap3A_2773 = vector.shape_cast %select_n3A_2767 : vector<8x512xf32> to vector<1x8x512xf32>
    tpu.vector_store %arg12[%swap3A_2768, %swap3A_2769, %swap3A_2770], %swap3A_2773 {strides = array<i32>} : memref<1x128x4096xf32, #tpu.memory_space<vmem>>, vector<1x8x512xf32>,
    %eq3A_2774 = arith.constant 24 : i32
    %eq3A_2775 = vector.broadcast %eq3A_2774 : i32 to vector<8x512xi32>
    %eq3A_2776 = arith.cmpi eq, %sub3A_2698, %eq3A_2775 : vector<8x512xi32>
    %jit3A_2777 = arith.constant 0.000000e+00 : f32
    %broadcast_in_dim3A_2778 = vector.broadcast %jit3A_2777 : f32 to vector<8x512xf32>
    %select_n3A_2779 = arith.select %eq3A_2776, %broadcast_in_dim3A_2690, %broadcast_in_dim3A_2778 : vector<8x512xi1>, vector<8x512xf32>
    %swap3A_2780 = arith.constant 0 : index
    %swap3A_2781 = arith.constant 24 : index
    %swap3A_2782 = arith.constant 3072 : index
    %swap3A_2783 = vector.load %arg12[%swap3A_2780, %swap3A_2781, %swap3A_2782] : memref<1x128x4096xf32, #tpu.memory_space<vmem>>, vector<1x8x512xf32>
    %swap3A_2784 = vector.shape_cast %swap3A_2783 : vector<1x8x512xf32> to vector<8x512xf32>
    %swap3A_2785 = vector.shape_cast %select_n3A_2779 : vector<8x512xf32> to vector<1x8x512xf32>
    tpu.vector_store %arg12[%swap3A_2780, %swap3A_2781, %swap3A_2782], %swap3A_2785 {strides = array<i32>} : memref<1x128x4096xf32, #tpu.memory_space<vmem>>, vector<1x8x512xf32>,
    %eq3A_2786 = arith.constant 32 : i32
    %eq3A_2787 = vector.broadcast %eq3A_2786 : i32 to vector<8x512xi32>
    %eq3A_2788 = arith.cmpi eq, %sub3A_2698, %eq3A_2787 : vector<8x512xi32>
    %jit3A_2789 = arith.constant 0.000000e+00 : f32
    %broadcast_in_dim3A_2790 = vector.broadcast %jit3A_2789 : f32 to vector<8x512xf32>
    %select_n3A_2791 = arith.select %eq3A_2788, %broadcast_in_dim3A_2690, %broadcast_in_dim3A_2790 : vector<8x512xi1>, vector<8x512xf32>
    %swap3A_2792 = arith.constant 0 : index
    %swap3A_2793 = arith.constant 32 : index
    %swap3A_2794 = arith.constant 3072 : index
    %swap3A_2795 = vector.load %arg12[%swap3A_2792, %swap3A_2793, %swap3A_2794] : memref<1x128x4096xf32, #tpu.memory_space<vmem>>, vector<1x8x512xf32>
    %swap3A_2796 = vector.shape_cast %swap3A_2795 : vector<1x8x512xf32> to vector<8x512xf32>
    %swap3A_2797 = vector.shape_cast %select_n3A_2791 : vector<8x512xf32> to vector<1x8x512xf32>
    tpu.vector_store %arg12[%swap3A_2792, %swap3A_2793, %swap3A_2794], %swap3A_2797 {strides = array<i32>} : memref<1x128x4096xf32, #tpu.memory_space<vmem>>, vector<1x8x512xf32>,
    %eq3A_2798 = arith.constant 40 : i32
    %eq3A_2799 = vector.broadcast %eq3A_2798 : i32 to vector<8x512xi32>
    %eq3A_2800 = arith.cmpi eq, %sub3A_2698, %eq3A_2799 : vector<8x512xi32>
    %jit3A_2801 = arith.constant 0.000000e+00 : f32
    %broadcast_in_dim3A_2802 = vector.broadcast %jit3A_2801 : f32 to vector<8x512xf32>
    %select_n3A_2803 = arith.select %eq3A_2800, %broadcast_in_dim3A_2690, %broadcast_in_dim3A_2802 : vector<8x512xi1>, vector<8x512xf32>
    %swap3A_2804 = arith.constant 0 : index
    %swap3A_2805 = arith.constant 40 : index
    %swap3A_2806 = arith.constant 3072 : index
    %swap3A_2807 = vector.load %arg12[%swap3A_2804, %swap3A_2805, %swap3A_2806] : memref<1x128x4096xf32, #tpu.memory_space<vmem>>, vector<1x8x512xf32>
    %swap3A_2808 = vector.shape_cast %swap3A_2807 : vector<1x8x512xf32> to vector<8x512xf32>
    %swap3A_2809 = vector.shape_cast %select_n3A_2803 : vector<8x512xf32> to vector<1x8x512xf32>
    tpu.vector_store %arg12[%swap3A_2804, %swap3A_2805, %swap3A_2806], %swap3A_2809 {strides = array<i32>} : memref<1x128x4096xf32, #tpu.memory_space<vmem>>, vector<1x8x512xf32>,
    %eq3A_2810 = arith.constant 48 : i32
    %eq3A_2811 = vector.broadcast %eq3A_2810 : i32 to vector<8x512xi32>
    %eq3A_2812 = arith.cmpi eq, %sub3A_2698, %eq3A_2811 : vector<8x512xi32>
    %jit3A_2813 = arith.constant 0.000000e+00 : f32
    %broadcast_in_dim3A_2814 = vector.broadcast %jit3A_2813 : f32 to vector<8x512xf32>
    %select_n3A_2815 = arith.select %eq3A_2812, %broadcast_in_dim3A_2690, %broadcast_in_dim3A_2814 : vector<8x512xi1>, vector<8x512xf32>
    %swap3A_2816 = arith.constant 0 : index
    %swap3A_2817 = arith.constant 48 : index
    %swap3A_2818 = arith.constant 3072 : index
    %swap3A_2819 = vector.load %arg12[%swap3A_2816, %swap3A_2817, %swap3A_2818] : memref<1x128x4096xf32, #tpu.memory_space<vmem>>, vector<1x8x512xf32>
    %swap3A_2820 = vector.shape_cast %swap3A_2819 : vector<1x8x512xf32> to vector<8x512xf32>
    %swap3A_2821 = vector.shape_cast %select_n3A_2815 : vector<8x512xf32> to vector<1x8x512xf32>
    tpu.vector_store %arg12[%swap3A_2816, %swap3A_2817, %swap3A_2818], %swap3A_2821 {strides = array<i32>} : memref<1x128x4096xf32, #tpu.memory_space<vmem>>, vector<1x8x512xf32>,
    %eq3A_2822 = arith.constant 56 : i32
    %eq3A_2823 = vector.broadcast %eq3A_2822 : i32 to vector<8x512xi32>
    %eq3A_2824 = arith.cmpi eq, %sub3A_2698, %eq3A_2823 : vector<8x512xi32>
    %jit3A_2825 = arith.constant 0.000000e+00 : f32
    %broadcast_in_dim3A_2826 = vector.broadcast %jit3A_2825 : f32 to vector<8x512xf32>
    %select_n3A_2827 = arith.select %eq3A_2824, %broadcast_in_dim3A_2690, %broadcast_in_dim3A_2826 : vector<8x512xi1>, vector<8x512xf32>
    %swap3A_2828 = arith.constant 0 : index
    %swap3A_2829 = arith.constant 56 : index
    %swap3A_2830 = arith.constant 3072 : index
    %swap3A_2831 = vector.load %arg12[%swap3A_2828, %swap3A_2829, %swap3A_2830] : memref<1x128x4096xf32, #tpu.memory_space<vmem>>, vector<1x8x512xf32>
    %swap3A_2832 = vector.shape_cast %swap3A_2831 : vector<1x8x512xf32> to vector<8x512xf32>
    %swap3A_2833 = vector.shape_cast %select_n3A_2827 : vector<8x512xf32> to vector<1x8x512xf32>
    tpu.vector_store %arg12[%swap3A_2828, %swap3A_2829, %swap3A_2830], %swap3A_2833 {strides = array<i32>} : memref<1x128x4096xf32, #tpu.memory_space<vmem>>, vector<1x8x512xf32>,
    %eq3A_2834 = arith.constant 64 : i32
    %eq3A_2835 = vector.broadcast %eq3A_2834 : i32 to vector<8x512xi32>
    %eq3A_2836 = arith.cmpi eq, %sub3A_2698, %eq3A_2835 : vector<8x512xi32>
    %jit3A_2837 = arith.constant 0.000000e+00 : f32
    %broadcast_in_dim3A_2838 = vector.broadcast %jit3A_2837 : f32 to vector<8x512xf32>
    %select_n3A_2839 = arith.select %eq3A_2836, %broadcast_in_dim3A_2690, %broadcast_in_dim3A_2838 : vector<8x512xi1>, vector<8x512xf32>
    %swap3A_2840 = arith.constant 0 : index
    %swap3A_2841 = arith.constant 64 : index
    %swap3A_2842 = arith.constant 3072 : index
    %swap3A_2843 = vector.load %arg12[%swap3A_2840, %swap3A_2841, %swap3A_2842] : memref<1x128x4096xf32, #tpu.memory_space<vmem>>, vector<1x8x512xf32>
    %swap3A_2844 = vector.shape_cast %swap3A_2843 : vector<1x8x512xf32> to vector<8x512xf32>
    %swap3A_2845 = vector.shape_cast %select_n3A_2839 : vector<8x512xf32> to vector<1x8x512xf32>
    tpu.vector_store %arg12[%swap3A_2840, %swap3A_2841, %swap3A_2842], %swap3A_2845 {strides = array<i32>} : memref<1x128x4096xf32, #tpu.memory_space<vmem>>, vector<1x8x512xf32>,
    %eq3A_2846 = arith.constant 72 : i32
    %eq3A_2847 = vector.broadcast %eq3A_2846 : i32 to vector<8x512xi32>
    %eq3A_2848 = arith.cmpi eq, %sub3A_2698, %eq3A_2847 : vector<8x512xi32>
    %jit3A_2849 = arith.constant 0.000000e+00 : f32
    %broadcast_in_dim3A_2850 = vector.broadcast %jit3A_2849 : f32 to vector<8x512xf32>
    %select_n3A_2851 = arith.select %eq3A_2848, %broadcast_in_dim3A_2690, %broadcast_in_dim3A_2850 : vector<8x512xi1>, vector<8x512xf32>
    %swap3A_2852 = arith.constant 0 : index
    %swap3A_2853 = arith.constant 72 : index
    %swap3A_2854 = arith.constant 3072 : index
    %swap3A_2855 = vector.load %arg12[%swap3A_2852, %swap3A_2853, %swap3A_2854] : memref<1x128x4096xf32, #tpu.memory_space<vmem>>, vector<1x8x512xf32>
    %swap3A_2856 = vector.shape_cast %swap3A_2855 : vector<1x8x512xf32> to vector<8x512xf32>
    %swap3A_2857 = vector.shape_cast %select_n3A_2851 : vector<8x512xf32> to vector<1x8x512xf32>
    tpu.vector_store %arg12[%swap3A_2852, %swap3A_2853, %swap3A_2854], %swap3A_2857 {strides = array<i32>} : memref<1x128x4096xf32, #tpu.memory_space<vmem>>, vector<1x8x512xf32>,
    %eq3A_2858 = arith.constant 80 : i32
    %eq3A_2859 = vector.broadcast %eq3A_2858 : i32 to vector<8x512xi32>
    %eq3A_2860 = arith.cmpi eq, %sub3A_2698, %eq3A_2859 : vector<8x512xi32>
    %jit3A_2861 = arith.constant 0.000000e+00 : f32
    %broadcast_in_dim3A_2862 = vector.broadcast %jit3A_2861 : f32 to vector<8x512xf32>
    %select_n3A_2863 = arith.select %eq3A_2860, %broadcast_in_dim3A_2690, %broadcast_in_dim3A_2862 : vector<8x512xi1>, vector<8x512xf32>
    %swap3A_2864 = arith.constant 0 : index
    %swap3A_2865 = arith.constant 80 : index
    %swap3A_2866 = arith.constant 3072 : index
    %swap3A_2867 = vector.load %arg12[%swap3A_2864, %swap3A_2865, %swap3A_2866] : memref<1x128x4096xf32, #tpu.memory_space<vmem>>, vector<1x8x512xf32>
    %swap3A_2868 = vector.shape_cast %swap3A_2867 : vector<1x8x512xf32> to vector<8x512xf32>
    %swap3A_2869 = vector.shape_cast %select_n3A_2863 : vector<8x512xf32> to vector<1x8x512xf32>
    tpu.vector_store %arg12[%swap3A_2864, %swap3A_2865, %swap3A_2866], %swap3A_2869 {strides = array<i32>} : memref<1x128x4096xf32, #tpu.memory_space<vmem>>, vector<1x8x512xf32>,
    %eq3A_2870 = arith.constant 88 : i32
    %eq3A_2871 = vector.broadcast %eq3A_2870 : i32 to vector<8x512xi32>
    %eq3A_2872 = arith.cmpi eq, %sub3A_2698, %eq3A_2871 : vector<8x512xi32>
    %jit3A_2873 = arith.constant 0.000000e+00 : f32
    %broadcast_in_dim3A_2874 = vector.broadcast %jit3A_2873 : f32 to vector<8x512xf32>
    %select_n3A_2875 = arith.select %eq3A_2872, %broadcast_in_dim3A_2690, %broadcast_in_dim3A_2874 : vector<8x512xi1>, vector<8x512xf32>
    %swap3A_2876 = arith.constant 0 : index
    %swap3A_2877 = arith.constant 88 : index
    %swap3A_2878 = arith.constant 3072 : index
    %swap3A_2879 = vector.load %arg12[%swap3A_2876, %swap3A_2877, %swap3A_2878] : memref<1x128x4096xf32, #tpu.memory_space<vmem>>, vector<1x8x512xf32>
    %swap3A_2880 = vector.shape_cast %swap3A_2879 : vector<1x8x512xf32> to vector<8x512xf32>
    %swap3A_2881 = vector.shape_cast %select_n3A_2875 : vector<8x512xf32> to vector<1x8x512xf32>
    tpu.vector_store %arg12[%swap3A_2876, %swap3A_2877, %swap3A_2878], %swap3A_2881 {strides = array<i32>} : memref<1x128x4096xf32, #tpu.memory_space<vmem>>, vector<1x8x512xf32>,
    %eq3A_2882 = arith.constant 96 : i32
    %eq3A_2883 = vector.broadcast %eq3A_2882 : i32 to vector<8x512xi32>
    %eq3A_2884 = arith.cmpi eq, %sub3A_2698, %eq3A_2883 : vector<8x512xi32>
    %jit3A_2885 = arith.constant 0.000000e+00 : f32
    %broadcast_in_dim3A_2886 = vector.broadcast %jit3A_2885 : f32 to vector<8x512xf32>
    %select_n3A_2887 = arith.select %eq3A_2884, %broadcast_in_dim3A_2690, %broadcast_in_dim3A_2886 : vector<8x512xi1>, vector<8x512xf32>
    %swap3A_2888 = arith.constant 0 : index
    %swap3A_2889 = arith.constant 96 : index
    %swap3A_2890 = arith.constant 3072 : index
    %swap3A_2891 = vector.load %arg12[%swap3A_2888, %swap3A_2889, %swap3A_2890] : memref<1x128x4096xf32, #tpu.memory_space<vmem>>, vector<1x8x512xf32>
    %swap3A_2892 = vector.shape_cast %swap3A_2891 : vector<1x8x512xf32> to vector<8x512xf32>
    %swap3A_2893 = vector.shape_cast %select_n3A_2887 : vector<8x512xf32> to vector<1x8x512xf32>
    tpu.vector_store %arg12[%swap3A_2888, %swap3A_2889, %swap3A_2890], %swap3A_2893 {strides = array<i32>} : memref<1x128x4096xf32, #tpu.memory_space<vmem>>, vector<1x8x512xf32>,
    %eq3A_2894 = arith.constant 104 : i32
    %eq3A_2895 = vector.broadcast %eq3A_2894 : i32 to vector<8x512xi32>
    %eq3A_2896 = arith.cmpi eq, %sub3A_2698, %eq3A_2895 : vector<8x512xi32>
    %jit3A_2897 = arith.constant 0.000000e+00 : f32
    %broadcast_in_dim3A_2898 = vector.broadcast %jit3A_2897 : f32 to vector<8x512xf32>
    %select_n3A_2899 = arith.select %eq3A_2896, %broadcast_in_dim3A_2690, %broadcast_in_dim3A_2898 : vector<8x512xi1>, vector<8x512xf32>
    %swap3A_2900 = arith.constant 0 : index
    %swap3A_2901 = arith.constant 104 : index
    %swap3A_2902 = arith.constant 3072 : index
    %swap3A_2903 = vector.load %arg12[%swap3A_2900, %swap3A_2901, %swap3A_2902] : memref<1x128x4096xf32, #tpu.memory_space<vmem>>, vector<1x8x512xf32>
    %swap3A_2904 = vector.shape_cast %swap3A_2903 : vector<1x8x512xf32> to vector<8x512xf32>
    %swap3A_2905 = vector.shape_cast %select_n3A_2899 : vector<8x512xf32> to vector<1x8x512xf32>
    tpu.vector_store %arg12[%swap3A_2900, %swap3A_2901, %swap3A_2902], %swap3A_2905 {strides = array<i32>} : memref<1x128x4096xf32, #tpu.memory_space<vmem>>, vector<1x8x512xf32>,
    %eq3A_2906 = arith.constant 112 : i32
    %eq3A_2907 = vector.broadcast %eq3A_2906 : i32 to vector<8x512xi32>
    %eq3A_2908 = arith.cmpi eq, %sub3A_2698, %eq3A_2907 : vector<8x512xi32>
    %jit3A_2909 = arith.constant 0.000000e+00 : f32
    %broadcast_in_dim3A_2910 = vector.broadcast %jit3A_2909 : f32 to vector<8x512xf32>
    %select_n3A_2911 = arith.select %eq3A_2908, %broadcast_in_dim3A_2690, %broadcast_in_dim3A_2910 : vector<8x512xi1>, vector<8x512xf32>
    %swap3A_2912 = arith.constant 0 : index
    %swap3A_2913 = arith.constant 112 : index
    %swap3A_2914 = arith.constant 3072 : index
    %swap3A_2915 = vector.load %arg12[%swap3A_2912, %swap3A_2913, %swap3A_2914] : memref<1x128x4096xf32, #tpu.memory_space<vmem>>, vector<1x8x512xf32>
    %swap3A_2916 = vector.shape_cast %swap3A_2915 : vector<1x8x512xf32> to vector<8x512xf32>
    %swap3A_2917 = vector.shape_cast %select_n3A_2911 : vector<8x512xf32> to vector<1x8x512xf32>
    tpu.vector_store %arg12[%swap3A_2912, %swap3A_2913, %swap3A_2914], %swap3A_2917 {strides = array<i32>} : memref<1x128x4096xf32, #tpu.memory_space<vmem>>, vector<1x8x512xf32>,
    %eq3A_2918 = arith.constant 120 : i32
    %eq3A_2919 = vector.broadcast %eq3A_2918 : i32 to vector<8x512xi32>
    %eq3A_2920 = arith.cmpi eq, %sub3A_2698, %eq3A_2919 : vector<8x512xi32>
    %jit3A_2921 = arith.constant 0.000000e+00 : f32
    %broadcast_in_dim3A_2922 = vector.broadcast %jit3A_2921 : f32 to vector<8x512xf32>
    %select_n3A_2923 = arith.select %eq3A_2920, %broadcast_in_dim3A_2690, %broadcast_in_dim3A_2922 : vector<8x512xi1>, vector<8x512xf32>
    %swap3A_2924 = arith.constant 0 : index
    %swap3A_2925 = arith.constant 120 : index
    %swap3A_2926 = arith.constant 3072 : index
    %swap3A_2927 = vector.load %arg12[%swap3A_2924, %swap3A_2925, %swap3A_2926] : memref<1x128x4096xf32, #tpu.memory_space<vmem>>, vector<1x8x512xf32>
    %swap3A_2928 = vector.shape_cast %swap3A_2927 : vector<1x8x512xf32> to vector<8x512xf32>
    %swap3A_2929 = vector.shape_cast %select_n3A_2923 : vector<8x512xf32> to vector<1x8x512xf32>
    tpu.vector_store %arg12[%swap3A_2924, %swap3A_2925, %swap3A_2926], %swap3A_2929 {strides = array<i32>} : memref<1x128x4096xf32, #tpu.memory_space<vmem>>, vector<1x8x512xf32>,
    %eq3A_2930 = arith.constant 0 : i32
    %eq3A_2931 = vector.broadcast %eq3A_2930 : i32 to vector<8x512xi32>
    %eq3A_2932 = arith.cmpi eq, %sub3A_2737, %eq3A_2931 : vector<8x512xi32>
    %jit3A_2933 = arith.constant 0.000000e+00 : f32
    %broadcast_in_dim3A_2934 = vector.broadcast %jit3A_2933 : f32 to vector<8x512xf32>
    %select_n3A_2935 = arith.select %eq3A_2932, %broadcast_in_dim3A_2690, %broadcast_in_dim3A_2934 : vector<8x512xi1>, vector<8x512xf32>
    %swap3A_2936 = arith.constant 0 : index
    %swap3A_2937 = arith.constant 0 : index
    %swap3A_2938 = arith.constant 3072 : index
    %swap3A_2939 = vector.load %arg11[%swap3A_2936, %swap3A_2937, %swap3A_2938] : memref<1x32x4096xf32, #tpu.memory_space<vmem>>, vector<1x8x512xf32>
    %swap3A_2940 = vector.shape_cast %swap3A_2939 : vector<1x8x512xf32> to vector<8x512xf32>
    %swap3A_2941 = vector.shape_cast %select_n3A_2935 : vector<8x512xf32> to vector<1x8x512xf32>
    tpu.vector_store %arg11[%swap3A_2936, %swap3A_2937, %swap3A_2938], %swap3A_2941 {strides = array<i32>} : memref<1x32x4096xf32, #tpu.memory_space<vmem>>, vector<1x8x512xf32>,
    %eq3A_2942 = arith.constant 8 : i32
    %eq3A_2943 = vector.broadcast %eq3A_2942 : i32 to vector<8x512xi32>
    %eq3A_2944 = arith.cmpi eq, %sub3A_2737, %eq3A_2943 : vector<8x512xi32>
    %jit3A_2945 = arith.constant 0.000000e+00 : f32
    %broadcast_in_dim3A_2946 = vector.broadcast %jit3A_2945 : f32 to vector<8x512xf32>
    %select_n3A_2947 = arith.select %eq3A_2944, %broadcast_in_dim3A_2690, %broadcast_in_dim3A_2946 : vector<8x512xi1>, vector<8x512xf32>
    %swap3A_2948 = arith.constant 0 : index
    %swap3A_2949 = arith.constant 8 : index
    %swap3A_2950 = arith.constant 3072 : index
    %swap3A_2951 = vector.load %arg11[%swap3A_2948, %swap3A_2949, %swap3A_2950] : memref<1x32x4096xf32, #tpu.memory_space<vmem>>, vector<1x8x512xf32>
    %swap3A_2952 = vector.shape_cast %swap3A_2951 : vector<1x8x512xf32> to vector<8x512xf32>
    %swap3A_2953 = vector.shape_cast %select_n3A_2947 : vector<8x512xf32> to vector<1x8x512xf32>
    tpu.vector_store %arg11[%swap3A_2948, %swap3A_2949, %swap3A_2950], %swap3A_2953 {strides = array<i32>} : memref<1x32x4096xf32, #tpu.memory_space<vmem>>, vector<1x8x512xf32>,
    %eq3A_2954 = arith.constant 16 : i32
    %eq3A_2955 = vector.broadcast %eq3A_2954 : i32 to vector<8x512xi32>
    %eq3A_2956 = arith.cmpi eq, %sub3A_2737, %eq3A_2955 : vector<8x512xi32>
    %jit3A_2957 = arith.constant 0.000000e+00 : f32
    %broadcast_in_dim3A_2958 = vector.broadcast %jit3A_2957 : f32 to vector<8x512xf32>
    %select_n3A_2959 = arith.select %eq3A_2956, %broadcast_in_dim3A_2690, %broadcast_in_dim3A_2958 : vector<8x512xi1>, vector<8x512xf32>
    %swap3A_2960 = arith.constant 0 : index
    %swap3A_2961 = arith.constant 16 : index
    %swap3A_2962 = arith.constant 3072 : index
    %swap3A_2963 = vector.load %arg11[%swap3A_2960, %swap3A_2961, %swap3A_2962] : memref<1x32x4096xf32, #tpu.memory_space<vmem>>, vector<1x8x512xf32>
    %swap3A_2964 = vector.shape_cast %swap3A_2963 : vector<1x8x512xf32> to vector<8x512xf32>
    %swap3A_2965 = vector.shape_cast %select_n3A_2959 : vector<8x512xf32> to vector<1x8x512xf32>
    tpu.vector_store %arg11[%swap3A_2960, %swap3A_2961, %swap3A_2962], %swap3A_2965 {strides = array<i32>} : memref<1x32x4096xf32, #tpu.memory_space<vmem>>, vector<1x8x512xf32>,
    %eq3A_2966 = arith.constant 24 : i32
    %eq3A_2967 = vector.broadcast %eq3A_2966 : i32 to vector<8x512xi32>
    %eq3A_2968 = arith.cmpi eq, %sub3A_2737, %eq3A_2967 : vector<8x512xi32>
    %jit3A_2969 = arith.constant 0.000000e+00 : f32
    %broadcast_in_dim3A_2970 = vector.broadcast %jit3A_2969 : f32 to vector<8x512xf32>
    %select_n3A_2971 = arith.select %eq3A_2968, %broadcast_in_dim3A_2690, %broadcast_in_dim3A_2970 : vector<8x512xi1>, vector<8x512xf32>
    %swap3A_2972 = arith.constant 0 : index
    %swap3A_2973 = arith.constant 24 : index
    %swap3A_2974 = arith.constant 3072 : index
    %swap3A_2975 = vector.load %arg11[%swap3A_2972, %swap3A_2973, %swap3A_2974] : memref<1x32x4096xf32, #tpu.memory_space<vmem>>, vector<1x8x512xf32>
    %swap3A_2976 = vector.shape_cast %swap3A_2975 : vector<1x8x512xf32> to vector<8x512xf32>
    %swap3A_2977 = vector.shape_cast %select_n3A_2971 : vector<8x512xf32> to vector<1x8x512xf32>
    tpu.vector_store %arg11[%swap3A_2972, %swap3A_2973, %swap3A_2974], %swap3A_2977 {strides = array<i32>} : memref<1x32x4096xf32, #tpu.memory_space<vmem>>, vector<1x8x512xf32>,
    %get3A_2978 = arith.constant 0 : index
    %get3A_2979 = arith.constant 0 : index
    %get3A_2980 = arith.constant 3584 : index
    %get3A_2981 = vector.load %arg2[%get3A_2978, %get3A_2979, %get3A_2980] : memref<1x4x4096xbf16, #tpu.memory_space<vmem>>, vector<1x4x512xbf16>
    %get3A_2982 = vector.shape_cast %get3A_2981 : vector<1x4x512xbf16> to vector<4x512xbf16>
    %get3A_2983 = arith.constant 0 : index
    %get3A_2984 = arith.constant 0 : index
    %get3A_2985 = vector.load %arg8[%get3A_2983, %get3A_2984] : memref<4x64xbf16, #tpu.memory_space<vmem>>, vector<4x64xbf16>
    %dot_general3A_2986 = arith.constant dense<0.000000e+00> : vector<512x64xf32>
    %dot_general3A_2987 = tpu.matmul %get3A_2982, %get3A_2985, %dot_general3A_2986 {dimension_numbers = #tpu.dot_dimension_numbers<[0], [0], [1], [1], [0, 1, 1, 1], [], []>, transpose_lhs_hint = false} : vector<4x512xbf16>, vector<4x64xbf16>, vector<512x64xf32> -> vector<512x64xf32>
    %swap3A_2988 = arith.constant 0 : index
    %swap3A_2989 = arith.constant 3584 : index
    %swap3A_2990 = arith.constant 0 : index
    %swap3A_2991 = vector.load %arg10[%swap3A_2988, %swap3A_2989, %swap3A_2990] : memref<1x4096x128xf32, #tpu.memory_space<vmem>>, vector<1x512x64xf32>
    %swap3A_2992 = vector.shape_cast %swap3A_2991 : vector<1x512x64xf32> to vector<512x64xf32>
    %swap3A_2993 = vector.shape_cast %dot_general3A_2987 : vector<512x64xf32> to vector<1x512x64xf32>
    tpu.vector_store %arg10[%swap3A_2988, %swap3A_2989, %swap3A_2990], %swap3A_2993 {strides = array<i32>} : memref<1x4096x128xf32, #tpu.memory_space<vmem>>, vector<1x512x64xf32>,
    %get3A_2994 = arith.constant 0 : index
    %get3A_2995 = arith.constant 0 : index
    %get3A_2996 = arith.constant 3584 : index
    %get3A_2997 = vector.load %arg3[%get3A_2994, %get3A_2995, %get3A_2996] : memref<1x1x4096xi32, #tpu.memory_space<vmem>>, vector<1x1x512xi32>
    %get3A_2998 = vector.shape_cast %get3A_2997 : vector<1x1x512xi32> to vector<1x512xi32>
    %broadcast_in_dim3A_2999 = vector.shape_cast %get3A_2998 : vector<1x512xi32> to vector<1x512xi32>
    %broadcast_in_dim3A_3000 = vector.broadcast %broadcast_in_dim3A_2999 : vector<1x512xi32> to vector<8x512xi32>
    %sub3A_3001 = arith.subi %broadcast_in_dim3A_3000, %iota3A : vector<8x512xi32>
    %get3A_3002 = arith.constant 0 : index
    %get3A_3003 = arith.constant 0 : index
    %get3A_3004 = arith.constant 3584 : index
    %get3A_3005 = vector.load %arg4[%get3A_3002, %get3A_3003, %get3A_3004] : memref<1x1x4096xi32, #tpu.memory_space<vmem>>, vector<1x1x512xi32>
    %get3A_3006 = vector.shape_cast %get3A_3005 : vector<1x1x512xi32> to vector<1x512xi32>
    %broadcast_in_dim3A_3007 = vector.shape_cast %get3A_3006 : vector<1x512xi32> to vector<1x512xi32>
    %broadcast_in_dim3A_3008 = vector.broadcast %broadcast_in_dim3A_3007 : vector<1x512xi32> to vector<8x512xi32>
    %sub3A_3009 = arith.subi %broadcast_in_dim3A_3008, %iota3A : vector<8x512xi32>
    %eq3A_3010 = arith.constant 0 : i32
    %eq3A_3011 = vector.broadcast %eq3A_3010 : i32 to vector<8x512xi32>
    %eq3A_3012 = arith.cmpi eq, %sub3A_3001, %eq3A_3011 : vector<8x512xi32>
    %convert_element_type3A_3013 = arith.extui %eq3A_3012 : vector<8x512xi1> to vector<8x512xi32>
    %convert_element_type3A_3014 = arith.sitofp %convert_element_type3A_3013 : vector<8x512xi32> to vector<8x512xf32>
    %eq3A_3015 = arith.constant 8 : i32
    %eq3A_3016 = vector.broadcast %eq3A_3015 : i32 to vector<8x512xi32>
    %eq3A_3017 = arith.cmpi eq, %sub3A_3001, %eq3A_3016 : vector<8x512xi32>
    %convert_element_type3A_3018 = arith.extui %eq3A_3017 : vector<8x512xi1> to vector<8x512xi32>
    %convert_element_type3A_3019 = arith.sitofp %convert_element_type3A_3018 : vector<8x512xi32> to vector<8x512xf32>
    %eq3A_3020 = arith.constant 16 : i32
    %eq3A_3021 = vector.broadcast %eq3A_3020 : i32 to vector<8x512xi32>
    %eq3A_3022 = arith.cmpi eq, %sub3A_3001, %eq3A_3021 : vector<8x512xi32>
    %convert_element_type3A_3023 = arith.extui %eq3A_3022 : vector<8x512xi1> to vector<8x512xi32>
    %convert_element_type3A_3024 = arith.sitofp %convert_element_type3A_3023 : vector<8x512xi32> to vector<8x512xf32>
    %eq3A_3025 = arith.constant 24 : i32
    %eq3A_3026 = vector.broadcast %eq3A_3025 : i32 to vector<8x512xi32>
    %eq3A_3027 = arith.cmpi eq, %sub3A_3001, %eq3A_3026 : vector<8x512xi32>
    %convert_element_type3A_3028 = arith.extui %eq3A_3027 : vector<8x512xi1> to vector<8x512xi32>
    %convert_element_type3A_3029 = arith.sitofp %convert_element_type3A_3028 : vector<8x512xi32> to vector<8x512xf32>
    %eq3A_3030 = arith.constant 32 : i32
    %eq3A_3031 = vector.broadcast %eq3A_3030 : i32 to vector<8x512xi32>
    %eq3A_3032 = arith.cmpi eq, %sub3A_3001, %eq3A_3031 : vector<8x512xi32>
    %convert_element_type3A_3033 = arith.extui %eq3A_3032 : vector<8x512xi1> to vector<8x512xi32>
    %convert_element_type3A_3034 = arith.sitofp %convert_element_type3A_3033 : vector<8x512xi32> to vector<8x512xf32>
    %eq3A_3035 = arith.constant 40 : i32
    %eq3A_3036 = vector.broadcast %eq3A_3035 : i32 to vector<8x512xi32>
    %eq3A_3037 = arith.cmpi eq, %sub3A_3001, %eq3A_3036 : vector<8x512xi32>
    %convert_element_type3A_3038 = arith.extui %eq3A_3037 : vector<8x512xi1> to vector<8x512xi32>
    %convert_element_type3A_3039 = arith.sitofp %convert_element_type3A_3038 : vector<8x512xi32> to vector<8x512xf32>
    %eq3A_3040 = arith.constant 48 : i32
    %eq3A_3041 = vector.broadcast %eq3A_3040 : i32 to vector<8x512xi32>
    %eq3A_3042 = arith.cmpi eq, %sub3A_3001, %eq3A_3041 : vector<8x512xi32>
    %convert_element_type3A_3043 = arith.extui %eq3A_3042 : vector<8x512xi1> to vector<8x512xi32>
    %convert_element_type3A_3044 = arith.sitofp %convert_element_type3A_3043 : vector<8x512xi32> to vector<8x512xf32>
    %eq3A_3045 = arith.constant 56 : i32
    %eq3A_3046 = vector.broadcast %eq3A_3045 : i32 to vector<8x512xi32>
    %eq3A_3047 = arith.cmpi eq, %sub3A_3001, %eq3A_3046 : vector<8x512xi32>
    %convert_element_type3A_3048 = arith.extui %eq3A_3047 : vector<8x512xi1> to vector<8x512xi32>
    %convert_element_type3A_3049 = arith.sitofp %convert_element_type3A_3048 : vector<8x512xi32> to vector<8x512xf32>
    %eq3A_3050 = arith.constant 0 : i32
    %eq3A_3051 = vector.broadcast %eq3A_3050 : i32 to vector<8x512xi32>
    %eq3A_3052 = arith.cmpi eq, %sub3A_3009, %eq3A_3051 : vector<8x512xi32>
    %convert_element_type3A_3053 = arith.extui %eq3A_3052 : vector<8x512xi1> to vector<8x512xi32>
    %convert_element_type3A_3054 = arith.sitofp %convert_element_type3A_3053 : vector<8x512xi32> to vector<8x512xf32>
    %eq3A_3055 = arith.constant 8 : i32
    %eq3A_3056 = vector.broadcast %eq3A_3055 : i32 to vector<8x512xi32>
    %eq3A_3057 = arith.cmpi eq, %sub3A_3009, %eq3A_3056 : vector<8x512xi32>
    %convert_element_type3A_3058 = arith.extui %eq3A_3057 : vector<8x512xi1> to vector<8x512xi32>
    %convert_element_type3A_3059 = arith.sitofp %convert_element_type3A_3058 : vector<8x512xi32> to vector<8x512xf32>
    %eq3A_3060 = arith.constant 16 : i32
    %eq3A_3061 = vector.broadcast %eq3A_3060 : i32 to vector<8x512xi32>
    %eq3A_3062 = arith.cmpi eq, %sub3A_3009, %eq3A_3061 : vector<8x512xi32>
    %convert_element_type3A_3063 = arith.extui %eq3A_3062 : vector<8x512xi1> to vector<8x512xi32>
    %convert_element_type3A_3064 = arith.sitofp %convert_element_type3A_3063 : vector<8x512xi32> to vector<8x512xf32>
    %eq3A_3065 = arith.constant 24 : i32
    %eq3A_3066 = vector.broadcast %eq3A_3065 : i32 to vector<8x512xi32>
    %eq3A_3067 = arith.cmpi eq, %sub3A_3009, %eq3A_3066 : vector<8x512xi32>
    %convert_element_type3A_3068 = arith.extui %eq3A_3067 : vector<8x512xi1> to vector<8x512xi32>
    %convert_element_type3A_3069 = arith.sitofp %convert_element_type3A_3068 : vector<8x512xi32> to vector<8x512xf32>
    %eq3A_3070 = arith.constant 32 : i32
    %eq3A_3071 = vector.broadcast %eq3A_3070 : i32 to vector<8x512xi32>
    %eq3A_3072 = arith.cmpi eq, %sub3A_3009, %eq3A_3071 : vector<8x512xi32>
    %convert_element_type3A_3073 = arith.extui %eq3A_3072 : vector<8x512xi1> to vector<8x512xi32>
    %convert_element_type3A_3074 = arith.sitofp %convert_element_type3A_3073 : vector<8x512xi32> to vector<8x512xf32>
    %eq3A_3075 = arith.constant 40 : i32
    %eq3A_3076 = vector.broadcast %eq3A_3075 : i32 to vector<8x512xi32>
    %eq3A_3077 = arith.cmpi eq, %sub3A_3009, %eq3A_3076 : vector<8x512xi32>
    %convert_element_type3A_3078 = arith.extui %eq3A_3077 : vector<8x512xi1> to vector<8x512xi32>
    %convert_element_type3A_3079 = arith.sitofp %convert_element_type3A_3078 : vector<8x512xi32> to vector<8x512xf32>
    %eq3A_3080 = arith.constant 48 : i32
    %eq3A_3081 = vector.broadcast %eq3A_3080 : i32 to vector<8x512xi32>
    %eq3A_3082 = arith.cmpi eq, %sub3A_3009, %eq3A_3081 : vector<8x512xi32>
    %convert_element_type3A_3083 = arith.extui %eq3A_3082 : vector<8x512xi1> to vector<8x512xi32>
    %convert_element_type3A_3084 = arith.sitofp %convert_element_type3A_3083 : vector<8x512xi32> to vector<8x512xf32>
    %eq3A_3085 = arith.constant 56 : i32
    %eq3A_3086 = vector.broadcast %eq3A_3085 : i32 to vector<8x512xi32>
    %eq3A_3087 = arith.cmpi eq, %sub3A_3009, %eq3A_3086 : vector<8x512xi32>
    %convert_element_type3A_3088 = arith.extui %eq3A_3087 : vector<8x512xi1> to vector<8x512xi32>
    %convert_element_type3A_3089 = arith.sitofp %convert_element_type3A_3088 : vector<8x512xi32> to vector<8x512xf32>
    %concatenate3A_3090 = tpu.concatenate %convert_element_type3A_3014, %convert_element_type3A_3019, %convert_element_type3A_3024, %convert_element_type3A_3029, %convert_element_type3A_3034, %convert_element_type3A_3039, %convert_element_type3A_3044, %convert_element_type3A_3049, %convert_element_type3A_3054, %convert_element_type3A_3059, %convert_element_type3A_3064, %convert_element_type3A_3069, %convert_element_type3A_3074, %convert_element_type3A_3079, %convert_element_type3A_3084, %convert_element_type3A_3089 in 0 : vector<8x512xf32>, vector<8x512xf32>, vector<8x512xf32>, vector<8x512xf32>, vector<8x512xf32>, vector<8x512xf32>, vector<8x512xf32>, vector<8x512xf32>, vector<8x512xf32>, vector<8x512xf32>, vector<8x512xf32>, vector<8x512xf32>, vector<8x512xf32>, vector<8x512xf32>, vector<8x512xf32>, vector<8x512xf32> -> vector<128x512xf32>
    %convert_element_type3A_3091 = arith.truncf %concatenate3A_3090 : vector<128x512xf32> to vector<128x512xbf16>
    %get3A_3092 = arith.constant 0 : index
    %get3A_3093 = arith.constant 0 : index
    %get3A_3094 = vector.load %arg9[%get3A_3092, %get3A_3093] : memref<128x256xbf16, #tpu.memory_space<vmem>>, vector<128x256xbf16>
    %dot_general3A_3095 = arith.constant dense<0.000000e+00> : vector<512x256xf32>
    %dot_general3A_3096 = tpu.matmul %convert_element_type3A_3091, %get3A_3094, %dot_general3A_3095 {dimension_numbers = #tpu.dot_dimension_numbers<[0], [0], [1], [1], [0, 1, 1, 1], [], []>, transpose_lhs_hint = false} : vector<128x512xbf16>, vector<128x256xbf16>, vector<512x256xf32> -> vector<512x256xf32>
    %convert_element_type3A_3097 = arith.truncf %dot_general3A_3096 : vector<512x256xf32> to vector<512x256xbf16>
    %slice3A_3098 = vector.extract_strided_slice %convert_element_type3A_3097 {offsets = [0, 0], sizes = [512, 128], strides = [1, 1]} : vector<512x256xbf16> to vector<512x128xbf16>
    %slice3A_3099 = vector.extract_strided_slice %convert_element_type3A_3097 {offsets = [0, 128], sizes = [512, 128], strides = [1, 1]} : vector<512x256xbf16> to vector<512x128xbf16>
    %mul3A_3100 = arith.mulf %slice3A_3098, %slice3A_3099 : vector<512x128xbf16>
    %slice3A_3101 = vector.extract_strided_slice %mul3A_3100 {offsets = [0, 0], sizes = [512, 64], strides = [1, 1]} : vector<512x128xbf16> to vector<512x64xbf16>
    %slice3A_3102 = vector.extract_strided_slice %mul3A_3100 {offsets = [0, 64], sizes = [512, 64], strides = [1, 1]} : vector<512x128xbf16> to vector<512x64xbf16>
    %add3A_3103 = arith.addf %slice3A_3101, %slice3A_3102 : vector<512x64xbf16>
    %convert_element_type3A_3104 = arith.extf %add3A_3103 : vector<512x64xbf16> to vector<512x64xf32>
    %swap3A_3105 = arith.constant 0 : index
    %swap3A_3106 = arith.constant 3584 : index
    %swap3A_3107 = arith.constant 64 : index
    %swap3A_3108 = vector.load %arg10[%swap3A_3105, %swap3A_3106, %swap3A_3107] : memref<1x4096x128xf32, #tpu.memory_space<vmem>>, vector<1x512x64xf32>
    %swap3A_3109 = vector.shape_cast %swap3A_3108 : vector<1x512x64xf32> to vector<512x64xf32>
    %swap3A_3110 = vector.shape_cast %convert_element_type3A_3104 : vector<512x64xf32> to vector<1x512x64xf32>
    tpu.vector_store %arg10[%swap3A_3105, %swap3A_3106, %swap3A_3107], %swap3A_3110 {strides = array<i32>} : memref<1x4096x128xf32, #tpu.memory_space<vmem>>, vector<1x512x64xf32>,
    %get3A_3111 = arith.constant 0 : index
    %get3A_3112 = arith.constant 0 : index
    %get3A_3113 = arith.constant 3584 : index
    %get3A_3114 = vector.load %arg7[%get3A_3111, %get3A_3112, %get3A_3113] : memref<1x1x4096xi32, #tpu.memory_space<vmem>>, vector<1x1x512xi32>
    %get3A_3115 = vector.shape_cast %get3A_3114 : vector<1x1x512xi32> to vector<1x512xi32>
    %convert_element_type3A_3116 = arith.sitofp %get3A_3115 : vector<1x512xi32> to vector<1x512xf32>
    %broadcast_in_dim3A_3117 = vector.shape_cast %convert_element_type3A_3116 : vector<1x512xf32> to vector<1x512xf32>
    %broadcast_in_dim3A_3118 = vector.broadcast %broadcast_in_dim3A_3117 : vector<1x512xf32> to vector<8x512xf32>
    %get3A_3119 = arith.constant 0 : index
    %get3A_3120 = arith.constant 0 : index
    %get3A_3121 = arith.constant 3584 : index
    %get3A_3122 = vector.load %arg6[%get3A_3119, %get3A_3120, %get3A_3121] : memref<1x1x4096xi32, #tpu.memory_space<vmem>>, vector<1x1x512xi32>
    %get3A_3123 = vector.shape_cast %get3A_3122 : vector<1x1x512xi32> to vector<1x512xi32>
    %broadcast_in_dim3A_3124 = vector.shape_cast %get3A_3123 : vector<1x512xi32> to vector<1x512xi32>
    %broadcast_in_dim3A_3125 = vector.broadcast %broadcast_in_dim3A_3124 : vector<1x512xi32> to vector<8x512xi32>
    %sub3A_3126 = arith.subi %broadcast_in_dim3A_3125, %iota3A : vector<8x512xi32>
    %get3A_3127 = arith.constant 0 : index
    %get3A_3128 = arith.constant 0 : index
    %get3A_3129 = arith.constant 3584 : index
    %get3A_3130 = vector.load %arg5[%get3A_3127, %get3A_3128, %get3A_3129] : memref<1x1x4096xi32, #tpu.memory_space<vmem>>, vector<1x1x512xi32>
    %get3A_3131 = vector.shape_cast %get3A_3130 : vector<1x1x512xi32> to vector<1x512xi32>
    %jit3A_3132 = arith.constant 128 : i32
    %div3A_3133 = vector.broadcast %jit3A_3132 : i32 to vector<1x512xi32>
    %div3A_3134 = arith.divsi %get3A_3131, %div3A_3133 : vector<1x512xi32>
    %sign3A_3135 = arith.constant 0 : i32
    %sign3A_3136 = vector.broadcast %sign3A_3135 : i32 to vector<1x512xi32>
    %sign3A_3137 = arith.cmpi sgt, %get3A_3131, %sign3A_3136 : vector<1x512xi32>
    %sign3A_3138 = arith.extui %sign3A_3137 : vector<1x512xi1> to vector<1x512xi32>
    %sign3A_3139 = arith.constant 0 : i32
    %sign3A_3140 = vector.broadcast %sign3A_3139 : i32 to vector<1x512xi32>
    %sign3A_3141 = arith.cmpi slt, %get3A_3131, %sign3A_3140 : vector<1x512xi32>
    %sign3A_3142 = arith.extui %sign3A_3141 : vector<1x512xi1> to vector<1x512xi32>
    %sign3A_3143 = arith.subi %sign3A_3138, %sign3A_3142 : vector<1x512xi32>
    %sign3A_3144 = arith.constant 0 : i32
    %sign3A_3145 = arith.cmpi sgt, %jit3A_3132, %sign3A_3144 : i32
    %sign3A_3146 = arith.extui %sign3A_3145 : i1 to i32
    %sign3A_3147 = arith.constant 0 : i32
    %sign3A_3148 = arith.cmpi slt, %jit3A_3132, %sign3A_3147 : i32
    %sign3A_3149 = arith.extui %sign3A_3148 : i1 to i32
    %sign3A_3150 = arith.subi %sign3A_3146, %sign3A_3149 : i32
    %ne3A_3151 = vector.broadcast %sign3A_3150 : i32 to vector<1x512xi32>
    %ne3A_3152 = arith.cmpi ne, %sign3A_3143, %ne3A_3151 : vector<1x512xi32>
    %rem3A_3153 = vector.broadcast %jit3A_3132 : i32 to vector<1x512xi32>
    %rem3A_3154 = arith.remsi %get3A_3131, %rem3A_3153 : vector<1x512xi32>
    %ne3A_3155 = arith.constant 0 : i32
    %ne3A_3156 = vector.broadcast %ne3A_3155 : i32 to vector<1x512xi32>
    %ne3A_3157 = arith.cmpi ne, %rem3A_3154, %ne3A_3156 : vector<1x512xi32>
    %and3A_3158 = arith.andi %ne3A_3152, %ne3A_3157 : vector<1x512xi1>
    %sub3A_3159 = arith.constant 1 : i32
    %sub3A_3160 = vector.broadcast %sub3A_3159 : i32 to vector<1x512xi32>
    %sub3A_3161 = arith.subi %div3A_3134, %sub3A_3160 : vector<1x512xi32>
    %select_n3A_3162 = arith.select %and3A_3158, %sub3A_3161, %div3A_3134 : vector<1x512xi1>, vector<1x512xi32>
    %broadcast_in_dim3A_3163 = vector.shape_cast %select_n3A_3162 : vector<1x512xi32> to vector<1x512xi32>
    %broadcast_in_dim3A_3164 = vector.broadcast %broadcast_in_dim3A_3163 : vector<1x512xi32> to vector<8x512xi32>
    %sub3A_3165 = arith.subi %broadcast_in_dim3A_3164, %iota3A : vector<8x512xi32>
    %eq3A_3166 = arith.constant 0 : i32
    %eq3A_3167 = vector.broadcast %eq3A_3166 : i32 to vector<8x512xi32>
    %eq3A_3168 = arith.cmpi eq, %sub3A_3126, %eq3A_3167 : vector<8x512xi32>
    %jit3A_3169 = arith.constant 0.000000e+00 : f32
    %broadcast_in_dim3A_3170 = vector.broadcast %jit3A_3169 : f32 to vector<8x512xf32>
    %select_n3A_3171 = arith.select %eq3A_3168, %broadcast_in_dim3A_3118, %broadcast_in_dim3A_3170 : vector<8x512xi1>, vector<8x512xf32>
    %swap3A_3172 = arith.constant 0 : index
    %swap3A_3173 = arith.constant 0 : index
    %swap3A_3174 = arith.constant 3584 : index
    %swap3A_3175 = vector.load %arg12[%swap3A_3172, %swap3A_3173, %swap3A_3174] : memref<1x128x4096xf32, #tpu.memory_space<vmem>>, vector<1x8x512xf32>
    %swap3A_3176 = vector.shape_cast %swap3A_3175 : vector<1x8x512xf32> to vector<8x512xf32>
    %swap3A_3177 = vector.shape_cast %select_n3A_3171 : vector<8x512xf32> to vector<1x8x512xf32>
    tpu.vector_store %arg12[%swap3A_3172, %swap3A_3173, %swap3A_3174], %swap3A_3177 {strides = array<i32>} : memref<1x128x4096xf32, #tpu.memory_space<vmem>>, vector<1x8x512xf32>,
    %eq3A_3178 = arith.constant 8 : i32
    %eq3A_3179 = vector.broadcast %eq3A_3178 : i32 to vector<8x512xi32>
    %eq3A_3180 = arith.cmpi eq, %sub3A_3126, %eq3A_3179 : vector<8x512xi32>
    %jit3A_3181 = arith.constant 0.000000e+00 : f32
    %broadcast_in_dim3A_3182 = vector.broadcast %jit3A_3181 : f32 to vector<8x512xf32>
    %select_n3A_3183 = arith.select %eq3A_3180, %broadcast_in_dim3A_3118, %broadcast_in_dim3A_3182 : vector<8x512xi1>, vector<8x512xf32>
    %swap3A_3184 = arith.constant 0 : index
    %swap3A_3185 = arith.constant 8 : index
    %swap3A_3186 = arith.constant 3584 : index
    %swap3A_3187 = vector.load %arg12[%swap3A_3184, %swap3A_3185, %swap3A_3186] : memref<1x128x4096xf32, #tpu.memory_space<vmem>>, vector<1x8x512xf32>
    %swap3A_3188 = vector.shape_cast %swap3A_3187 : vector<1x8x512xf32> to vector<8x512xf32>
    %swap3A_3189 = vector.shape_cast %select_n3A_3183 : vector<8x512xf32> to vector<1x8x512xf32>
    tpu.vector_store %arg12[%swap3A_3184, %swap3A_3185, %swap3A_3186], %swap3A_3189 {strides = array<i32>} : memref<1x128x4096xf32, #tpu.memory_space<vmem>>, vector<1x8x512xf32>,
    %eq3A_3190 = arith.constant 16 : i32
    %eq3A_3191 = vector.broadcast %eq3A_3190 : i32 to vector<8x512xi32>
    %eq3A_3192 = arith.cmpi eq, %sub3A_3126, %eq3A_3191 : vector<8x512xi32>
    %jit3A_3193 = arith.constant 0.000000e+00 : f32
    %broadcast_in_dim3A_3194 = vector.broadcast %jit3A_3193 : f32 to vector<8x512xf32>
    %select_n3A_3195 = arith.select %eq3A_3192, %broadcast_in_dim3A_3118, %broadcast_in_dim3A_3194 : vector<8x512xi1>, vector<8x512xf32>
    %swap3A_3196 = arith.constant 0 : index
    %swap3A_3197 = arith.constant 16 : index
    %swap3A_3198 = arith.constant 3584 : index
    %swap3A_3199 = vector.load %arg12[%swap3A_3196, %swap3A_3197, %swap3A_3198] : memref<1x128x4096xf32, #tpu.memory_space<vmem>>, vector<1x8x512xf32>
    %swap3A_3200 = vector.shape_cast %swap3A_3199 : vector<1x8x512xf32> to vector<8x512xf32>
    %swap3A_3201 = vector.shape_cast %select_n3A_3195 : vector<8x512xf32> to vector<1x8x512xf32>
    tpu.vector_store %arg12[%swap3A_3196, %swap3A_3197, %swap3A_3198], %swap3A_3201 {strides = array<i32>} : memref<1x128x4096xf32, #tpu.memory_space<vmem>>, vector<1x8x512xf32>,
    %eq3A_3202 = arith.constant 24 : i32
    %eq3A_3203 = vector.broadcast %eq3A_3202 : i32 to vector<8x512xi32>
    %eq3A_3204 = arith.cmpi eq, %sub3A_3126, %eq3A_3203 : vector<8x512xi32>
    %jit3A_3205 = arith.constant 0.000000e+00 : f32
    %broadcast_in_dim3A_3206 = vector.broadcast %jit3A_3205 : f32 to vector<8x512xf32>
    %select_n3A_3207 = arith.select %eq3A_3204, %broadcast_in_dim3A_3118, %broadcast_in_dim3A_3206 : vector<8x512xi1>, vector<8x512xf32>
    %swap3A_3208 = arith.constant 0 : index
    %swap3A_3209 = arith.constant 24 : index
    %swap3A_3210 = arith.constant 3584 : index
    %swap3A_3211 = vector.load %arg12[%swap3A_3208, %swap3A_3209, %swap3A_3210] : memref<1x128x4096xf32, #tpu.memory_space<vmem>>, vector<1x8x512xf32>
    %swap3A_3212 = vector.shape_cast %swap3A_3211 : vector<1x8x512xf32> to vector<8x512xf32>
    %swap3A_3213 = vector.shape_cast %select_n3A_3207 : vector<8x512xf32> to vector<1x8x512xf32>
    tpu.vector_store %arg12[%swap3A_3208, %swap3A_3209, %swap3A_3210], %swap3A_3213 {strides = array<i32>} : memref<1x128x4096xf32, #tpu.memory_space<vmem>>, vector<1x8x512xf32>,
    %eq3A_3214 = arith.constant 32 : i32
    %eq3A_3215 = vector.broadcast %eq3A_3214 : i32 to vector<8x512xi32>
    %eq3A_3216 = arith.cmpi eq, %sub3A_3126, %eq3A_3215 : vector<8x512xi32>
    %jit3A_3217 = arith.constant 0.000000e+00 : f32
    %broadcast_in_dim3A_3218 = vector.broadcast %jit3A_3217 : f32 to vector<8x512xf32>
    %select_n3A_3219 = arith.select %eq3A_3216, %broadcast_in_dim3A_3118, %broadcast_in_dim3A_3218 : vector<8x512xi1>, vector<8x512xf32>
    %swap3A_3220 = arith.constant 0 : index
    %swap3A_3221 = arith.constant 32 : index
    %swap3A_3222 = arith.constant 3584 : index
    %swap3A_3223 = vector.load %arg12[%swap3A_3220, %swap3A_3221, %swap3A_3222] : memref<1x128x4096xf32, #tpu.memory_space<vmem>>, vector<1x8x512xf32>
    %swap3A_3224 = vector.shape_cast %swap3A_3223 : vector<1x8x512xf32> to vector<8x512xf32>
    %swap3A_3225 = vector.shape_cast %select_n3A_3219 : vector<8x512xf32> to vector<1x8x512xf32>
    tpu.vector_store %arg12[%swap3A_3220, %swap3A_3221, %swap3A_3222], %swap3A_3225 {strides = array<i32>} : memref<1x128x4096xf32, #tpu.memory_space<vmem>>, vector<1x8x512xf32>,
    %eq3A_3226 = arith.constant 40 : i32
    %eq3A_3227 = vector.broadcast %eq3A_3226 : i32 to vector<8x512xi32>
    %eq3A_3228 = arith.cmpi eq, %sub3A_3126, %eq3A_3227 : vector<8x512xi32>
    %jit3A_3229 = arith.constant 0.000000e+00 : f32
    %broadcast_in_dim3A_3230 = vector.broadcast %jit3A_3229 : f32 to vector<8x512xf32>
    %select_n3A_3231 = arith.select %eq3A_3228, %broadcast_in_dim3A_3118, %broadcast_in_dim3A_3230 : vector<8x512xi1>, vector<8x512xf32>
    %swap3A_3232 = arith.constant 0 : index
    %swap3A_3233 = arith.constant 40 : index
    %swap3A_3234 = arith.constant 3584 : index
    %swap3A_3235 = vector.load %arg12[%swap3A_3232, %swap3A_3233, %swap3A_3234] : memref<1x128x4096xf32, #tpu.memory_space<vmem>>, vector<1x8x512xf32>
    %swap3A_3236 = vector.shape_cast %swap3A_3235 : vector<1x8x512xf32> to vector<8x512xf32>
    %swap3A_3237 = vector.shape_cast %select_n3A_3231 : vector<8x512xf32> to vector<1x8x512xf32>
    tpu.vector_store %arg12[%swap3A_3232, %swap3A_3233, %swap3A_3234], %swap3A_3237 {strides = array<i32>} : memref<1x128x4096xf32, #tpu.memory_space<vmem>>, vector<1x8x512xf32>,
    %eq3A_3238 = arith.constant 48 : i32
    %eq3A_3239 = vector.broadcast %eq3A_3238 : i32 to vector<8x512xi32>
    %eq3A_3240 = arith.cmpi eq, %sub3A_3126, %eq3A_3239 : vector<8x512xi32>
    %jit3A_3241 = arith.constant 0.000000e+00 : f32
    %broadcast_in_dim3A_3242 = vector.broadcast %jit3A_3241 : f32 to vector<8x512xf32>
    %select_n3A_3243 = arith.select %eq3A_3240, %broadcast_in_dim3A_3118, %broadcast_in_dim3A_3242 : vector<8x512xi1>, vector<8x512xf32>
    %swap3A_3244 = arith.constant 0 : index
    %swap3A_3245 = arith.constant 48 : index
    %swap3A_3246 = arith.constant 3584 : index
    %swap3A_3247 = vector.load %arg12[%swap3A_3244, %swap3A_3245, %swap3A_3246] : memref<1x128x4096xf32, #tpu.memory_space<vmem>>, vector<1x8x512xf32>
    %swap3A_3248 = vector.shape_cast %swap3A_3247 : vector<1x8x512xf32> to vector<8x512xf32>
    %swap3A_3249 = vector.shape_cast %select_n3A_3243 : vector<8x512xf32> to vector<1x8x512xf32>
    tpu.vector_store %arg12[%swap3A_3244, %swap3A_3245, %swap3A_3246], %swap3A_3249 {strides = array<i32>} : memref<1x128x4096xf32, #tpu.memory_space<vmem>>, vector<1x8x512xf32>,
    %eq3A_3250 = arith.constant 56 : i32
    %eq3A_3251 = vector.broadcast %eq3A_3250 : i32 to vector<8x512xi32>
    %eq3A_3252 = arith.cmpi eq, %sub3A_3126, %eq3A_3251 : vector<8x512xi32>
    %jit3A_3253 = arith.constant 0.000000e+00 : f32
    %broadcast_in_dim3A_3254 = vector.broadcast %jit3A_3253 : f32 to vector<8x512xf32>
    %select_n3A_3255 = arith.select %eq3A_3252, %broadcast_in_dim3A_3118, %broadcast_in_dim3A_3254 : vector<8x512xi1>, vector<8x512xf32>
    %swap3A_3256 = arith.constant 0 : index
    %swap3A_3257 = arith.constant 56 : index
    %swap3A_3258 = arith.constant 3584 : index
    %swap3A_3259 = vector.load %arg12[%swap3A_3256, %swap3A_3257, %swap3A_3258] : memref<1x128x4096xf32, #tpu.memory_space<vmem>>, vector<1x8x512xf32>
    %swap3A_3260 = vector.shape_cast %swap3A_3259 : vector<1x8x512xf32> to vector<8x512xf32>
    %swap3A_3261 = vector.shape_cast %select_n3A_3255 : vector<8x512xf32> to vector<1x8x512xf32>
    tpu.vector_store %arg12[%swap3A_3256, %swap3A_3257, %swap3A_3258], %swap3A_3261 {strides = array<i32>} : memref<1x128x4096xf32, #tpu.memory_space<vmem>>, vector<1x8x512xf32>,
    %eq3A_3262 = arith.constant 64 : i32
    %eq3A_3263 = vector.broadcast %eq3A_3262 : i32 to vector<8x512xi32>
    %eq3A_3264 = arith.cmpi eq, %sub3A_3126, %eq3A_3263 : vector<8x512xi32>
    %jit3A_3265 = arith.constant 0.000000e+00 : f32
    %broadcast_in_dim3A_3266 = vector.broadcast %jit3A_3265 : f32 to vector<8x512xf32>
    %select_n3A_3267 = arith.select %eq3A_3264, %broadcast_in_dim3A_3118, %broadcast_in_dim3A_3266 : vector<8x512xi1>, vector<8x512xf32>
    %swap3A_3268 = arith.constant 0 : index
    %swap3A_3269 = arith.constant 64 : index
    %swap3A_3270 = arith.constant 3584 : index
    %swap3A_3271 = vector.load %arg12[%swap3A_3268, %swap3A_3269, %swap3A_3270] : memref<1x128x4096xf32, #tpu.memory_space<vmem>>, vector<1x8x512xf32>
    %swap3A_3272 = vector.shape_cast %swap3A_3271 : vector<1x8x512xf32> to vector<8x512xf32>
    %swap3A_3273 = vector.shape_cast %select_n3A_3267 : vector<8x512xf32> to vector<1x8x512xf32>
    tpu.vector_store %arg12[%swap3A_3268, %swap3A_3269, %swap3A_3270], %swap3A_3273 {strides = array<i32>} : memref<1x128x4096xf32, #tpu.memory_space<vmem>>, vector<1x8x512xf32>,
    %eq3A_3274 = arith.constant 72 : i32
    %eq3A_3275 = vector.broadcast %eq3A_3274 : i32 to vector<8x512xi32>
    %eq3A_3276 = arith.cmpi eq, %sub3A_3126, %eq3A_3275 : vector<8x512xi32>
    %jit3A_3277 = arith.constant 0.000000e+00 : f32
    %broadcast_in_dim3A_3278 = vector.broadcast %jit3A_3277 : f32 to vector<8x512xf32>
    %select_n3A_3279 = arith.select %eq3A_3276, %broadcast_in_dim3A_3118, %broadcast_in_dim3A_3278 : vector<8x512xi1>, vector<8x512xf32>
    %swap3A_3280 = arith.constant 0 : index
    %swap3A_3281 = arith.constant 72 : index
    %swap3A_3282 = arith.constant 3584 : index
    %swap3A_3283 = vector.load %arg12[%swap3A_3280, %swap3A_3281, %swap3A_3282] : memref<1x128x4096xf32, #tpu.memory_space<vmem>>, vector<1x8x512xf32>
    %swap3A_3284 = vector.shape_cast %swap3A_3283 : vector<1x8x512xf32> to vector<8x512xf32>
    %swap3A_3285 = vector.shape_cast %select_n3A_3279 : vector<8x512xf32> to vector<1x8x512xf32>
    tpu.vector_store %arg12[%swap3A_3280, %swap3A_3281, %swap3A_3282], %swap3A_3285 {strides = array<i32>} : memref<1x128x4096xf32, #tpu.memory_space<vmem>>, vector<1x8x512xf32>,
    %eq3A_3286 = arith.constant 80 : i32
    %eq3A_3287 = vector.broadcast %eq3A_3286 : i32 to vector<8x512xi32>
    %eq3A_3288 = arith.cmpi eq, %sub3A_3126, %eq3A_3287 : vector<8x512xi32>
    %jit3A_3289 = arith.constant 0.000000e+00 : f32
    %broadcast_in_dim3A_3290 = vector.broadcast %jit3A_3289 : f32 to vector<8x512xf32>
    %select_n3A_3291 = arith.select %eq3A_3288, %broadcast_in_dim3A_3118, %broadcast_in_dim3A_3290 : vector<8x512xi1>, vector<8x512xf32>
    %swap3A_3292 = arith.constant 0 : index
    %swap3A_3293 = arith.constant 80 : index
    %swap3A_3294 = arith.constant 3584 : index
    %swap3A_3295 = vector.load %arg12[%swap3A_3292, %swap3A_3293, %swap3A_3294] : memref<1x128x4096xf32, #tpu.memory_space<vmem>>, vector<1x8x512xf32>
    %swap3A_3296 = vector.shape_cast %swap3A_3295 : vector<1x8x512xf32> to vector<8x512xf32>
    %swap3A_3297 = vector.shape_cast %select_n3A_3291 : vector<8x512xf32> to vector<1x8x512xf32>
    tpu.vector_store %arg12[%swap3A_3292, %swap3A_3293, %swap3A_3294], %swap3A_3297 {strides = array<i32>} : memref<1x128x4096xf32, #tpu.memory_space<vmem>>, vector<1x8x512xf32>,
    %eq3A_3298 = arith.constant 88 : i32
    %eq3A_3299 = vector.broadcast %eq3A_3298 : i32 to vector<8x512xi32>
    %eq3A_3300 = arith.cmpi eq, %sub3A_3126, %eq3A_3299 : vector<8x512xi32>
    %jit3A_3301 = arith.constant 0.000000e+00 : f32
    %broadcast_in_dim3A_3302 = vector.broadcast %jit3A_3301 : f32 to vector<8x512xf32>
    %select_n3A_3303 = arith.select %eq3A_3300, %broadcast_in_dim3A_3118, %broadcast_in_dim3A_3302 : vector<8x512xi1>, vector<8x512xf32>
    %swap3A_3304 = arith.constant 0 : index
    %swap3A_3305 = arith.constant 88 : index
    %swap3A_3306 = arith.constant 3584 : index
    %swap3A_3307 = vector.load %arg12[%swap3A_3304, %swap3A_3305, %swap3A_3306] : memref<1x128x4096xf32, #tpu.memory_space<vmem>>, vector<1x8x512xf32>
    %swap3A_3308 = vector.shape_cast %swap3A_3307 : vector<1x8x512xf32> to vector<8x512xf32>
    %swap3A_3309 = vector.shape_cast %select_n3A_3303 : vector<8x512xf32> to vector<1x8x512xf32>
    tpu.vector_store %arg12[%swap3A_3304, %swap3A_3305, %swap3A_3306], %swap3A_3309 {strides = array<i32>} : memref<1x128x4096xf32, #tpu.memory_space<vmem>>, vector<1x8x512xf32>,
    %eq3A_3310 = arith.constant 96 : i32
    %eq3A_3311 = vector.broadcast %eq3A_3310 : i32 to vector<8x512xi32>
    %eq3A_3312 = arith.cmpi eq, %sub3A_3126, %eq3A_3311 : vector<8x512xi32>
    %jit3A_3313 = arith.constant 0.000000e+00 : f32
    %broadcast_in_dim3A_3314 = vector.broadcast %jit3A_3313 : f32 to vector<8x512xf32>
    %select_n3A_3315 = arith.select %eq3A_3312, %broadcast_in_dim3A_3118, %broadcast_in_dim3A_3314 : vector<8x512xi1>, vector<8x512xf32>
    %swap3A_3316 = arith.constant 0 : index
    %swap3A_3317 = arith.constant 96 : index
    %swap3A_3318 = arith.constant 3584 : index
    %swap3A_3319 = vector.load %arg12[%swap3A_3316, %swap3A_3317, %swap3A_3318] : memref<1x128x4096xf32, #tpu.memory_space<vmem>>, vector<1x8x512xf32>
    %swap3A_3320 = vector.shape_cast %swap3A_3319 : vector<1x8x512xf32> to vector<8x512xf32>
    %swap3A_3321 = vector.shape_cast %select_n3A_3315 : vector<8x512xf32> to vector<1x8x512xf32>
    tpu.vector_store %arg12[%swap3A_3316, %swap3A_3317, %swap3A_3318], %swap3A_3321 {strides = array<i32>} : memref<1x128x4096xf32, #tpu.memory_space<vmem>>, vector<1x8x512xf32>,
    %eq3A_3322 = arith.constant 104 : i32
    %eq3A_3323 = vector.broadcast %eq3A_3322 : i32 to vector<8x512xi32>
    %eq3A_3324 = arith.cmpi eq, %sub3A_3126, %eq3A_3323 : vector<8x512xi32>
    %jit3A_3325 = arith.constant 0.000000e+00 : f32
    %broadcast_in_dim3A_3326 = vector.broadcast %jit3A_3325 : f32 to vector<8x512xf32>
    %select_n3A_3327 = arith.select %eq3A_3324, %broadcast_in_dim3A_3118, %broadcast_in_dim3A_3326 : vector<8x512xi1>, vector<8x512xf32>
    %swap3A_3328 = arith.constant 0 : index
    %swap3A_3329 = arith.constant 104 : index
    %swap3A_3330 = arith.constant 3584 : index
    %swap3A_3331 = vector.load %arg12[%swap3A_3328, %swap3A_3329, %swap3A_3330] : memref<1x128x4096xf32, #tpu.memory_space<vmem>>, vector<1x8x512xf32>
    %swap3A_3332 = vector.shape_cast %swap3A_3331 : vector<1x8x512xf32> to vector<8x512xf32>
    %swap3A_3333 = vector.shape_cast %select_n3A_3327 : vector<8x512xf32> to vector<1x8x512xf32>
    tpu.vector_store %arg12[%swap3A_3328, %swap3A_3329, %swap3A_3330], %swap3A_3333 {strides = array<i32>} : memref<1x128x4096xf32, #tpu.memory_space<vmem>>, vector<1x8x512xf32>,
    %eq3A_3334 = arith.constant 112 : i32
    %eq3A_3335 = vector.broadcast %eq3A_3334 : i32 to vector<8x512xi32>
    %eq3A_3336 = arith.cmpi eq, %sub3A_3126, %eq3A_3335 : vector<8x512xi32>
    %jit3A_3337 = arith.constant 0.000000e+00 : f32
    %broadcast_in_dim3A_3338 = vector.broadcast %jit3A_3337 : f32 to vector<8x512xf32>
    %select_n3A_3339 = arith.select %eq3A_3336, %broadcast_in_dim3A_3118, %broadcast_in_dim3A_3338 : vector<8x512xi1>, vector<8x512xf32>
    %swap3A_3340 = arith.constant 0 : index
    %swap3A_3341 = arith.constant 112 : index
    %swap3A_3342 = arith.constant 3584 : index
    %swap3A_3343 = vector.load %arg12[%swap3A_3340, %swap3A_3341, %swap3A_3342] : memref<1x128x4096xf32, #tpu.memory_space<vmem>>, vector<1x8x512xf32>
    %swap3A_3344 = vector.shape_cast %swap3A_3343 : vector<1x8x512xf32> to vector<8x512xf32>
    %swap3A_3345 = vector.shape_cast %select_n3A_3339 : vector<8x512xf32> to vector<1x8x512xf32>
    tpu.vector_store %arg12[%swap3A_3340, %swap3A_3341, %swap3A_3342], %swap3A_3345 {strides = array<i32>} : memref<1x128x4096xf32, #tpu.memory_space<vmem>>, vector<1x8x512xf32>,
    %eq3A_3346 = arith.constant 120 : i32
    %eq3A_3347 = vector.broadcast %eq3A_3346 : i32 to vector<8x512xi32>
    %eq3A_3348 = arith.cmpi eq, %sub3A_3126, %eq3A_3347 : vector<8x512xi32>
    %jit3A_3349 = arith.constant 0.000000e+00 : f32
    %broadcast_in_dim3A_3350 = vector.broadcast %jit3A_3349 : f32 to vector<8x512xf32>
    %select_n3A_3351 = arith.select %eq3A_3348, %broadcast_in_dim3A_3118, %broadcast_in_dim3A_3350 : vector<8x512xi1>, vector<8x512xf32>
    %swap3A_3352 = arith.constant 0 : index
    %swap3A_3353 = arith.constant 120 : index
    %swap3A_3354 = arith.constant 3584 : index
    %swap3A_3355 = vector.load %arg12[%swap3A_3352, %swap3A_3353, %swap3A_3354] : memref<1x128x4096xf32, #tpu.memory_space<vmem>>, vector<1x8x512xf32>
    %swap3A_3356 = vector.shape_cast %swap3A_3355 : vector<1x8x512xf32> to vector<8x512xf32>
    %swap3A_3357 = vector.shape_cast %select_n3A_3351 : vector<8x512xf32> to vector<1x8x512xf32>
    tpu.vector_store %arg12[%swap3A_3352, %swap3A_3353, %swap3A_3354], %swap3A_3357 {strides = array<i32>} : memref<1x128x4096xf32, #tpu.memory_space<vmem>>, vector<1x8x512xf32>,
    %eq3A_3358 = arith.constant 0 : i32
    %eq3A_3359 = vector.broadcast %eq3A_3358 : i32 to vector<8x512xi32>
    %eq3A_3360 = arith.cmpi eq, %sub3A_3165, %eq3A_3359 : vector<8x512xi32>
    %jit3A_3361 = arith.constant 0.000000e+00 : f32
    %broadcast_in_dim3A_3362 = vector.broadcast %jit3A_3361 : f32 to vector<8x512xf32>
    %select_n3A_3363 = arith.select %eq3A_3360, %broadcast_in_dim3A_3118, %broadcast_in_dim3A_3362 : vector<8x512xi1>, vector<8x512xf32>
    %swap3A_3364 = arith.constant 0 : index
    %swap3A_3365 = arith.constant 0 : index
    %swap3A_3366 = arith.constant 3584 : index
    %swap3A_3367 = vector.load %arg11[%swap3A_3364, %swap3A_3365, %swap3A_3366] : memref<1x32x4096xf32, #tpu.memory_space<vmem>>, vector<1x8x512xf32>
    %swap3A_3368 = vector.shape_cast %swap3A_3367 : vector<1x8x512xf32> to vector<8x512xf32>
    %swap3A_3369 = vector.shape_cast %select_n3A_3363 : vector<8x512xf32> to vector<1x8x512xf32>
    tpu.vector_store %arg11[%swap3A_3364, %swap3A_3365, %swap3A_3366], %swap3A_3369 {strides = array<i32>} : memref<1x32x4096xf32, #tpu.memory_space<vmem>>, vector<1x8x512xf32>,
    %eq3A_3370 = arith.constant 8 : i32
    %eq3A_3371 = vector.broadcast %eq3A_3370 : i32 to vector<8x512xi32>
    %eq3A_3372 = arith.cmpi eq, %sub3A_3165, %eq3A_3371 : vector<8x512xi32>
    %jit3A_3373 = arith.constant 0.000000e+00 : f32
    %broadcast_in_dim3A_3374 = vector.broadcast %jit3A_3373 : f32 to vector<8x512xf32>
    %select_n3A_3375 = arith.select %eq3A_3372, %broadcast_in_dim3A_3118, %broadcast_in_dim3A_3374 : vector<8x512xi1>, vector<8x512xf32>
    %swap3A_3376 = arith.constant 0 : index
    %swap3A_3377 = arith.constant 8 : index
    %swap3A_3378 = arith.constant 3584 : index
    %swap3A_3379 = vector.load %arg11[%swap3A_3376, %swap3A_3377, %swap3A_3378] : memref<1x32x4096xf32, #tpu.memory_space<vmem>>, vector<1x8x512xf32>
    %swap3A_3380 = vector.shape_cast %swap3A_3379 : vector<1x8x512xf32> to vector<8x512xf32>
    %swap3A_3381 = vector.shape_cast %select_n3A_3375 : vector<8x512xf32> to vector<1x8x512xf32>
    tpu.vector_store %arg11[%swap3A_3376, %swap3A_3377, %swap3A_3378], %swap3A_3381 {strides = array<i32>} : memref<1x32x4096xf32, #tpu.memory_space<vmem>>, vector<1x8x512xf32>,
    %eq3A_3382 = arith.constant 16 : i32
    %eq3A_3383 = vector.broadcast %eq3A_3382 : i32 to vector<8x512xi32>
    %eq3A_3384 = arith.cmpi eq, %sub3A_3165, %eq3A_3383 : vector<8x512xi32>
    %jit3A_3385 = arith.constant 0.000000e+00 : f32
    %broadcast_in_dim3A_3386 = vector.broadcast %jit3A_3385 : f32 to vector<8x512xf32>
    %select_n3A_3387 = arith.select %eq3A_3384, %broadcast_in_dim3A_3118, %broadcast_in_dim3A_3386 : vector<8x512xi1>, vector<8x512xf32>
    %swap3A_3388 = arith.constant 0 : index
    %swap3A_3389 = arith.constant 16 : index
    %swap3A_3390 = arith.constant 3584 : index
    %swap3A_3391 = vector.load %arg11[%swap3A_3388, %swap3A_3389, %swap3A_3390] : memref<1x32x4096xf32, #tpu.memory_space<vmem>>, vector<1x8x512xf32>
    %swap3A_3392 = vector.shape_cast %swap3A_3391 : vector<1x8x512xf32> to vector<8x512xf32>
    %swap3A_3393 = vector.shape_cast %select_n3A_3387 : vector<8x512xf32> to vector<1x8x512xf32>
    tpu.vector_store %arg11[%swap3A_3388, %swap3A_3389, %swap3A_3390], %swap3A_3393 {strides = array<i32>} : memref<1x32x4096xf32, #tpu.memory_space<vmem>>, vector<1x8x512xf32>,
    %eq3A_3394 = arith.constant 24 : i32
    %eq3A_3395 = vector.broadcast %eq3A_3394 : i32 to vector<8x512xi32>
    %eq3A_3396 = arith.cmpi eq, %sub3A_3165, %eq3A_3395 : vector<8x512xi32>
    %jit3A_3397 = arith.constant 0.000000e+00 : f32
    %broadcast_in_dim3A_3398 = vector.broadcast %jit3A_3397 : f32 to vector<8x512xf32>
    %select_n3A_3399 = arith.select %eq3A_3396, %broadcast_in_dim3A_3118, %broadcast_in_dim3A_3398 : vector<8x512xi1>, vector<8x512xf32>
    %swap3A_3400 = arith.constant 0 : index
    %swap3A_3401 = arith.constant 24 : index
    %swap3A_3402 = arith.constant 3584 : index
    %swap3A_3403 = vector.load %arg11[%swap3A_3400, %swap3A_3401, %swap3A_3402] : memref<1x32x4096xf32, #tpu.memory_space<vmem>>, vector<1x8x512xf32>
    %swap3A_3404 = vector.shape_cast %swap3A_3403 : vector<1x8x512xf32> to vector<8x512xf32>
    %swap3A_3405 = vector.shape_cast %select_n3A_3399 : vector<8x512xf32> to vector<1x8x512xf32>
    tpu.vector_store %arg11[%swap3A_3400, %swap3A_3401, %swap3A_3402], %swap3A_3405 {strides = array<i32>} : memref<1x32x4096xf32, #tpu.memory_space<vmem>>, vector<1x8x512xf32>,
    return
  }
  func.func @transform_0(%arg0: i32, %arg1: i32) -> (i32, i32, i32) {
    %c0_i32 = arith.constant 0 : i32
    %c0_i32_0 = arith.constant 0 : i32
    return %arg0, %c0_i32, %arg1 : i32, i32, i32
  }
  func.func @transform_1(%arg0: i32, %arg1: i32) -> (i32, i32, i32) {
    %c0_i32 = arith.constant 0 : i32
    %c0_i32_0 = arith.constant 0 : i32
    return %arg0, %c0_i32, %arg1 : i32, i32, i32
  }
  func.func @transform_2(%arg0: i32, %arg1: i32) -> (i32, i32, i32) {
    %c0_i32 = arith.constant 0 : i32
    %c0_i32_0 = arith.constant 0 : i32
    return %arg0, %c0_i32, %arg1 : i32, i32, i32
  }
  func.func @transform_3(%arg0: i32, %arg1: i32) -> (i32, i32, i32) {
    %c0_i32 = arith.constant 0 : i32
    %c0_i32_0 = arith.constant 0 : i32
    return %arg0, %c0_i32, %arg1 : i32, i32, i32
  }
  func.func @transform_4(%arg0: i32, %arg1: i32) -> (i32, i32, i32) {
    %c0_i32 = arith.constant 0 : i32
    %c0_i32_0 = arith.constant 0 : i32
    return %arg0, %c0_i32, %arg1 : i32, i32, i32
  }
  func.func @transform_5(%arg0: i32, %arg1: i32) -> (i32, i32, i32) {
    %c0_i32 = arith.constant 0 : i32
    %c0_i32_0 = arith.constant 0 : i32
    return %arg0, %c0_i32, %arg1 : i32, i32, i32
  }
  func.func @transform_6(%arg0: i32, %arg1: i32) -> (i32, i32) {
    %c0_i32 = arith.constant 0 : i32
    %c0_i32_0 = arith.constant 0 : i32
    %c0_i32_1 = arith.constant 0 : i32
    return %c0_i32, %c0_i32_0 : i32, i32
  }
  func.func @transform_7(%arg0: i32, %arg1: i32) -> (i32, i32) {
    %c0_i32 = arith.constant 0 : i32
    %c0_i32_0 = arith.constant 0 : i32
    %c0_i32_1 = arith.constant 0 : i32
    return %c0_i32, %c0_i32_0 : i32, i32
  }
  func.func @transform_8(%arg0: i32, %arg1: i32) -> (i32, i32, i32) {
    %c0_i32 = arith.constant 0 : i32
    %c0_i32_0 = arith.constant 0 : i32
    return %arg0, %arg1, %c0_i32 : i32, i32, i32
  }
  func.func @transform_9(%arg0: i32, %arg1: i32) -> (i32, i32, i32) {
    %c0_i32 = arith.constant 0 : i32
    %c0_i32_0 = arith.constant 0 : i32
    return %arg0, %c0_i32, %arg1 : i32, i32, i32
  }
  func.func @transform_10(%arg0: i32, %arg1: i32) -> (i32, i32, i32) {
    %c0_i32 = arith.constant 0 : i32
    %c0_i32_0 = arith.constant 0 : i32
    return %arg0, %c0_i32, %arg1 : i32, i32, i32
  }
}

</mosaic_0001>

<sc_bundles>
// kernel: kernel.4.cloned.1.call-start
scs
__scs_entry_jumppad:
0x0: {  	(pc) =	sbr.rel $0x88, $3  }
0x1: {  	(tag) =	ssettag $0x0;
	lr =	simm.s32 $0x1  }
0x2: {  	[smem:$0x3F97] =	sst lr;
	_ =	strace $0xD0000000  }
0x3: {  	_ = 	snop  }
0x4: {  	_ = 	snop  }
0x5: {  	_ = 	snop  }
0x6: {  	_ = 	snop  }
0x7: {  	_ = 	snop  }
__scs_overlays_trampoline_lowered:
0x8: {  	[smem:$0x3FA6] =	sst s0  }
0x9: {  	[smem:$0x3FA7] =	sst s1  }
0xa: {  	[smem:$0x3FA8] =	sst s2  }
0xb: {  	[smem:$0x3FA9] =	sst s3  }
0xc: {  	[smem:$0x3FAA] =	sst s4  }
0xd: {  	[smem:$0x3FAB] =	sst s5  }
0xe: {  	[smem:$0x3FAC] =	sst s6  }
0xf: {  	[smem:$0x3FAD] =	sst s7  }
0x10: {  	[smem:$0x3FAE] =	sst s8  }
0x11: {  	[smem:$0x3FAF] =	sst s9;
	s0 =	simm.s32 @!p0 $0x0  }
0x12: {  	s1 =	sld [smem:$0x3F95];
	s0 =	simm.s32 @p0 $0x1  }
0x13: {  	[smem:$0x3FB0] =	sst s0;
	s0 =	simm.s32 @!p1 $0x0  }
0x14: {  	s2 =	sld [smem:$0x3F94];
	s0 =	simm.s32 @p1 $0x1  }
0x15: {  	[smem:$0x3FB1] =	sst s0;
	s0 =	simm.s32 @!p2 $0x0  }
0x16: {  	s3 =	sld [smem:$0x3FDB];
	s0 =	simm.s32 @p2 $0x1  }
0x17: {  	s4 =	simm.s32 $0x1BF5;
	[smem:$0x3FB3] =	sst s0  }
0x18: {  	s0 =	sld [smem:$0x3F96];
	_ =	swait.ge [sflag:s4], $0x0  }
0x19: {  	s7 =	sld [smem:$0x3F97]  }
0x1a: {  	s8 =	sadd.s32 $0xFFFFE003, lr  }
0x1b: {  	s9 =	sadd.s32 $0xFFFFFEF7, lr;
	s5 =	simm.s32 $0xFFFFFFFF;
	p2 =	slt.u32 s8, $0xFFFFF086  }
0x1c: {  	p1 =	slt.u32 s9, $0xF7A;
	s5 =	simm.s32 @!p2 $0x0  }
0x1d: {  	s5 =	simm.s32 @p1 $0x1;
	p0 =	seq.s32 s7, s2  }
0x1e: {  	s7 =	smul.u32 @!p0 $0xF7A, s2;
	p2 =	seq.s32 @!p0 s5, $0x0  }
0x1f: {  	s9 =	smul.u32 $0xF7A, s1;
	s8 =	simm.s32 @!p0 $0x1BF5;
	p2 =	por !p2, p0  }
0x20: {  	[sflag:s8] =	ssyncset.s32 @!p0 $0xFFFFF086;
	s6 =	sadd.s32 @!p0 s3, s7;
	s7 =	simm.s32 @!p0 $0x108  }
0x21: {  	s3 =	sadd.s32 s3, s9;
	s6 =	sadd.s32 @!p0 $0x88, s6;
	s7 =	simm.s32 @p2 $0x1082  }
0x22: {  	[simem:s7], [sflag:s8] =	dma.local @!p0 [hbm:s6], $0xF7A  }
0x23: {  	s9 =	sor.u32 $0xD0000000, s2;
	s6 =	simm.s32 $0x108;
	_ =	swait.ge @!p0 [sflag:s8], $0x0  }
0x24: {  	s3 =	sadd.s32 $0x88, s3;
	s6 =	simm.s32 @!p1 $0x1082;
	[sflag:s4] =	ssyncset.s32 $0xFFFFF086  }
0x25: {  	[simem:s6], [sflag:s4] =	dma.local [hbm:s3], $0xF7A  }
0x26: {  	[smem:$0x3F97] =	sst s1;
	(tag) =	ssettag s2;
	_ =	strace s9  }
0x27: {  	s1 =	sld [smem:$0x3FA7]  }
0x28: {  	s2 =	sld [smem:$0x3FA8]  }
0x29: {  	s4 =	sld [smem:$0x3FAA]  }
0x2a: {  	p0 =	seq.s32 s5, $0x0;
	s5 =	sld [smem:$0x3FAB]  }
0x2b: {  	s6 =	sld [smem:$0x3FAC]  }
0x2c: {  	s7 =	sld [smem:$0x3FAD]  }
0x2d: {  	s3 =	simm.s32 $0x108;
	s8 =	sld [smem:$0x3FAE]  }
0x2e: {  	s3 =	simm.s32 @!p0 $0x1082;
	s9 =	sld [smem:$0x3FAF]  }
0x2f: {  	lr =	sadd.s32 s0, s3;
	s0 =	sld [smem:$0x3FA6]  }
0x30: {  	s3 =	sld [smem:$0x3FA9]  }
0x31: {  	[smem:$0x3FB2] =	sst s10  }
0x32: {  	s10 =	sld [smem:$0x3FB0];
	_ =	sdelay $0x3  }
0x33: {  	p0 =	seq.s32 s10, $0x1;
	s10 =	sld [smem:$0x3FB2];
	_ =	sdelay $0x3  }
0x34: {  	[smem:$0x3FB2] =	sst s10  }
0x35: {  	s10 =	sld [smem:$0x3FB1];
	_ =	sdelay $0x3  }
0x36: {  	p1 =	seq.s32 s10, $0x1;
	s10 =	sld [smem:$0x3FB2];
	_ =	sdelay $0x3  }
0x37: {  	[smem:$0x3FB2] =	sst s10  }
0x38: {  	s10 =	sld [smem:$0x3FB3]  }
0x39: {  	_ = 	snop;
	(pc) =	sbr.ind lr, $3  }
0x3a: {  	_ = 	snop  }
0x3b: {  	_ = 	snop  }
0x3c: {  	p2 =	seq.s32 s10, $0x1;
	s10 =	sld [smem:$0x3FB2]  }
0x3d: {  	_ =	shalt  }
0x3e: {  	_ =	shalt  }
0x3f: {  	_ =	shalt  }
0x40: {  	_ =	shalt  }
0x41: {  	_ =	shalt  }
0x42: {  	_ =	shalt  }
0x43: {  	_ =	shalt  }
0x44: {  	_ =	shalt  }
0x45: {  	_ =	shalt  }
0x46: {  	_ =	shalt  }
0x47: {  	_ =	shalt  }
0x48: {  	_ =	shalt  }
0x49: {  	_ =	shalt  }
0x4a: {  	_ =	shalt  }
0x4b: {  	_ =	shalt  }
0x4c: {  	_ =	shalt  }
0x4d: {  	_ =	shalt  }
0x4e: {  	_ =	shalt  }
0x4f: {  	_ =	shalt  }
0x50: {  	_ =	shalt  }
0x51: {  	_ =	shalt  }
0x52: {  	_ =	shalt  }
0x53: {  	_ =	shalt  }
0x54: {  	_ =	shalt  }
0x55: {  	_ =	shalt  }
0x56: {  	_ =	shalt  }
0x57: {  	_ =	shalt  }
0x58: {  	_ =	shalt  }
0x59: {  	_ =	shalt  }
0x5a: {  	_ =	shalt  }
0x5b: {  	_ =	shalt  }
0x5c: {  	_ =	shalt  }
0x5d: {  	_ =	shalt  }
0x5e: {  	_ =	shalt  }
0x5f: {  	_ =	shalt  }
0x60: {  	_ =	shalt  }
0x61: {  	_ =	shalt  }
0x62: {  	_ =	shalt  }
0x63: {  	_ =	shalt  }
0x64: {  	_ =	shalt  }
0x65: {  	_ =	shalt  }
0x66: {  	_ =	shalt  }
0x67: {  	_ =	shalt  }
0x68: {  	_ =	shalt  }
0x69: {  	_ =	shalt  }
0x6a: {  	_ =	shalt  }
0x6b: {  	_ =	shalt  }
0x6c: {  	_ =	shalt  }
0x6d: {  	_ =	shalt  }
0x6e: {  	_ =	shalt  }
0x6f: {  	_ =	shalt  }
0x70: {  	_ =	shalt  }
0x71: {  	_ =	shalt  }
0x72: {  	_ =	shalt  }
0x73: {  	_ =	shalt  }
0x74: {  	_ =	shalt  }
0x75: {  	_ =	shalt  }
0x76: {  	_ =	shalt  }
0x77: {  	_ =	shalt  }
0x78: {  	_ =	shalt  }
0x79: {  	_ =	shalt  }
0x7a: {  	_ =	shalt  }
0x7b: {  	_ =	shalt  }
0x7c: {  	_ =	shalt  }
0x7d: {  	_ =	shalt  }
0x7e: {  	_ =	shalt  }
0x7f: {  	_ =	shalt  }
0x80: {  	_ =	shalt  }
0x81: {  	_ =	shalt  }
0x82: {  	_ =	shalt  }
0x83: {  	_ =	shalt  }
0x84: {  	_ =	shalt  }
0x85: {  	_ =	shalt  }
0x86: {  	_ =	shalt  }
0x87: {  	_ =	shalt  }
.Lfunc_end0:
.L_simem_size_0:
called_computation_lowered:
.L_overlay_start_0:
0x88: {  	s2 =	sld [smem:$0x3FD9]  }
0x89: {  	s3 =	sld [smem:$0x3FFE];
	_ =	sdelay $0x1  }
0x8a: {  	s1 =	srdreg.scid  }
0x8b: {  	s0 =	sand.u32 $0x1, s1  }
0x8c: {  	s29 =	sshll.u32 s0, $0xA;
	s2 =	sadd.s32 s3, s2  }
0x8d: {  	s2 =	sadd.s32 s2, s29  }
0x8e: {  	[smem:$0x3FBE] =	sst s2  }
0x8f: {  	_ = 	snop  }
0x90: {  	s2 =	sld [smem:$0x3FD0];
	_ =	sdelay $0x1  }
0x91: {  	s4 =	sld [smem:$0x3FC1]  }
0x92: {  	s6 =	simm.s32 $0xA;
	s5 =	simm.s32 $0x10;
	s3 =	sld [smem:$0x3FC0]  }
0x93: {  	[smem:s5], [sflag:s6] =	dma.local [hbm:s2], $0x1  }
0x94: {  	_ =	swait.eq [sflag:s6], $0x1  }
0x95: {  	[sflag:s6] =	ssyncset.done $0x0;
	s30 =	sld [smem:$0x11]  }
0x96: {  	s9 =	simm.s32 $0x0;
	s31 =	sld [smem:$0x12];
	[sflag:s6] =	ssyncadd.s32 $0xFFFFFFFF  }
0x97: {  	[smem:$0xF] =	sst s9  }
0x98: {  	(tm) =	ssettm $0x1  }
0x99: {  	s10 =	sld [smem:$0x3FFB];
	_ =	sdelay $0x3  }
0x9a: {  	_ =	strace s10  }
0x9b: {  	s2 =	sld [smem:$0x3FFC];
	_ =	sdelay $0x3  }
0x9c: {  	_ =	strace s2  }
0x9d: {  	s2 =	sld [smem:$0x3FFD];
	_ =	sdelay $0x3  }
0x9e: {  	_ =	strace s2  }
0x9f: {  	s11 =	simm.s32 $0x1B8B;
	_ =	strace $0x8FFFFFFF  }
0xa0: {  	_ =	swait.ge [sflag:s11], $0x1  }
0xa1: {  	s12 =	simm.s32 $0x1B8E;
	[sflag:s11] =	ssyncset.done $0x0  }
0xa2: {  	s14 =	simm.s32 $0x9;
	s13 =	sshll.u32 s0, $0xE;
	[sflag:s11] =	ssyncadd.s32 $0xFFFFFFFF  }
0xa3: {  	s15 =	sshll.u32 s0, $0xC;
	s8 =	sshll.u32 s0, $0x3;
	[smem:$0x3FD2] =	sst s12  }
0xa4: {  	s16 =	sor.u32 $0x1, s8;
	s7 =	sadd.s32 s13, s31;
	_ =	strace $0x80000046  }
0xa5: {  	[hbm:s7], [sflag:s14] =	dma.local [hbm:s4], $0x800  }
0xa6: {  	s9 =	sshll.u32 s16, $0xB;
	s7 =	sadd.s32 s15, s30  }
0xa7: {  	[hbm:s7], [sflag:s14] =	dma.local [hbm:s3], $0x200  }
0xa8: {  	s17 =	sor.u32 $0x2, s8;
	s9 =	sadd.s32 s9, s31;
	s7 =	sshll.u32 s16, $0x9  }
0xa9: {  	[hbm:s9], [sflag:s14] =	dma.local [hbm:s4], $0x800  }
0xaa: {  	s18 =	sshll.u32 s17, $0xB;
	s7 =	sadd.s32 s7, s30  }
0xab: {  	[hbm:s7], [sflag:s14] =	dma.local [hbm:s3], $0x200  }
0xac: {  	s19 =	sor.u32 $0x3, s8;
	s9 =	sadd.s32 s18, s31;
	s7 =	sshll.u32 s17, $0x9  }
0xad: {  	[hbm:s9], [sflag:s14] =	dma.local [hbm:s4], $0x800  }
0xae: {  	s20 =	sshll.u32 s19, $0xB;
	s7 =	sadd.s32 s7, s30  }
0xaf: {  	[hbm:s7], [sflag:s14] =	dma.local [hbm:s3], $0x200  }
0xb0: {  	s21 =	sor.u32 $0x4, s8;
	s9 =	sadd.s32 s20, s31;
	s7 =	sshll.u32 s19, $0x9  }
0xb1: {  	[hbm:s9], [sflag:s14] =	dma.local [hbm:s4], $0x800  }
0xb2: {  	s22 =	sshll.u32 s21, $0xB;
	s7 =	sadd.s32 s7, s30  }
0xb3: {  	[hbm:s7], [sflag:s14] =	dma.local [hbm:s3], $0x200  }
0xb4: {  	s23 =	sor.u32 $0x5, s8;
	s9 =	sadd.s32 s22, s31;
	s7 =	sshll.u32 s21, $0x9  }
0xb5: {  	[hbm:s9], [sflag:s14] =	dma.local [hbm:s4], $0x800  }
0xb6: {  	s24 =	sshll.u32 s23, $0xB;
	s7 =	sadd.s32 s7, s30  }
0xb7: {  	[hbm:s7], [sflag:s14] =	dma.local [hbm:s3], $0x200  }
0xb8: {  	s25 =	sor.u32 $0x6, s8;
	s9 =	sadd.s32 s24, s31;
	s7 =	sshll.u32 s23, $0x9  }
0xb9: {  	[hbm:s9], [sflag:s14] =	dma.local [hbm:s4], $0x800  }
0xba: {  	s26 =	sshllo.u32 s0, $0x3;
	s8 =	sshll.u32 s25, $0xB;
	s7 =	sadd.s32 s7, s30  }
0xbb: {  	[hbm:s7], [sflag:s14] =	dma.local [hbm:s3], $0x200  }
0xbc: {  	s28 =	sshll.u32 s26, $0xB;
	s8 =	sadd.s32 s8, s31;
	s7 =	sshll.u32 s25, $0x9  }
0xbd: {  	[hbm:s8], [sflag:s14] =	dma.local [hbm:s4], $0x800  }
0xbe: {  	s29 =	sshll.u32 s26, $0x9;
	s6 =	sadd.s32 s28, s31;
	s7 =	sadd.s32 s7, s30  }
0xbf: {  	[hbm:s7], [sflag:s14] =	dma.local [hbm:s3], $0x200  }
0xc0: {  	[hbm:s6], [sflag:s14] =	dma.local [hbm:s4], $0x800  }
0xc1: {  	s4 =	sadd.s32 s29, s30  }
0xc2: {  	[hbm:s4], [sflag:s14] =	dma.local [hbm:s3], $0x200  }
0xc3: {  	_ =	swait.ge [sflag:s14], $0x800  }
0xc4: {  	[sflag:s14] =	ssyncset.done $0x0  }
0xc5: {  	[sflag:s14] =	ssyncadd.s32 $0xFFFFF800;
	_ =	sdelay $0x2  }
0xc6: {  	_ =	swait.ge [sflag:s14], $0x200  }
0xc7: {  	[sflag:s14] =	ssyncset.done $0x0  }
0xc8: {  	[sflag:s14] =	ssyncadd.s32 $0xFFFFFE00;
	_ =	sdelay $0x2  }
0xc9: {  	_ =	swait.ge [sflag:s14], $0x800  }
0xca: {  	[sflag:s14] =	ssyncset.done $0x0  }
0xcb: {  	[sflag:s14] =	ssyncadd.s32 $0xFFFFF800;
	_ =	sdelay $0x2  }
0xcc: {  	_ =	swait.ge [sflag:s14], $0x200  }
0xcd: {  	[sflag:s14] =	ssyncset.done $0x0  }
0xce: {  	[sflag:s14] =	ssyncadd.s32 $0xFFFFFE00;
	_ =	sdelay $0x2  }
0xcf: {  	_ =	swait.ge [sflag:s14], $0x800  }
0xd0: {  	[sflag:s14] =	ssyncset.done $0x0  }
0xd1: {  	[sflag:s14] =	ssyncadd.s32 $0xFFFFF800;
	_ =	sdelay $0x2  }
0xd2: {  	_ =	swait.ge [sflag:s14], $0x200  }
0xd3: {  	[sflag:s14] =	ssyncset.done $0x0  }
0xd4: {  	[sflag:s14] =	ssyncadd.s32 $0xFFFFFE00;
	_ =	sdelay $0x2  }
0xd5: {  	_ =	swait.ge [sflag:s14], $0x800  }
0xd6: {  	[sflag:s14] =	ssyncset.done $0x0  }
0xd7: {  	[sflag:s14] =	ssyncadd.s32 $0xFFFFF800;
	_ =	sdelay $0x2  }
0xd8: {  	_ =	swait.ge [sflag:s14], $0x200  }
0xd9: {  	[sflag:s14] =	ssyncset.done $0x0  }
0xda: {  	[sflag:s14] =	ssyncadd.s32 $0xFFFFFE00;
	_ =	sdelay $0x2  }
0xdb: {  	_ =	swait.ge [sflag:s14], $0x800  }
0xdc: {  	[sflag:s14] =	ssyncset.done $0x0  }
0xdd: {  	[sflag:s14] =	ssyncadd.s32 $0xFFFFF800;
	_ =	sdelay $0x2  }
0xde: {  	_ =	swait.ge [sflag:s14], $0x200  }
0xdf: {  	[sflag:s14] =	ssyncset.done $0x0  }
0xe0: {  	[sflag:s14] =	ssyncadd.s32 $0xFFFFFE00;
	_ =	sdelay $0x2  }
0xe1: {  	_ =	swait.ge [sflag:s14], $0x800  }
0xe2: {  	[sflag:s14] =	ssyncset.done $0x0  }
0xe3: {  	[sflag:s14] =	ssyncadd.s32 $0xFFFFF800;
	_ =	sdelay $0x2  }
0xe4: {  	_ =	swait.ge [sflag:s14], $0x200  }
0xe5: {  	[sflag:s14] =	ssyncset.done $0x0  }
0xe6: {  	[sflag:s14] =	ssyncadd.s32 $0xFFFFFE00;
	_ =	sdelay $0x2  }
0xe7: {  	_ =	swait.ge [sflag:s14], $0x800  }
0xe8: {  	[sflag:s14] =	ssyncset.done $0x0  }
0xe9: {  	[sflag:s14] =	ssyncadd.s32 $0xFFFFF800;
	_ =	sdelay $0x2  }
0xea: {  	_ =	swait.ge [sflag:s14], $0x200  }
0xeb: {  	[sflag:s14] =	ssyncset.done $0x0  }
0xec: {  	[sflag:s14] =	ssyncadd.s32 $0xFFFFFE00;
	_ =	sdelay $0x2  }
0xed: {  	_ =	swait.ge [sflag:s14], $0x800  }
0xee: {  	[sflag:s14] =	ssyncset.done $0x0  }
0xef: {  	[sflag:s14] =	ssyncadd.s32 $0xFFFFF800;
	_ =	sdelay $0x2  }
0xf0: {  	_ =	swait.ge [sflag:s14], $0x200  }
0xf1: {  	[sflag:s14] =	ssyncset.done $0x0  }
0xf2: {  	[sflag:s14] =	ssyncadd.s32 $0xFFFFFE00  }
0xf3: {  	_ =	strace $0x90000046  }
0xf4: {  	_ =	sfence  }
0xf5: {  	s30 =	sld [smem:$0x0];
	_ =	sdelay $0x2  }
0xf6: {  	s31 =	sshll.u32 s1, $0xD;
	s1 =	sshrl.u32 s1, $0x2  }
0xf7: {  	s3 =	sand.u32 $0x4000, s31;
	s1 =	sadd.s32 s1, s30  }
0xf8: {  	s0 =	sor.u32 s3, s0;
	s1 =	sshll.u32 s1, $0x11  }
0xf9: {  	s0 =	sor.u32 s1, s0  }
0xfa: {  	s0 =	sadd.s32 $0x8F2B, s0;
	(pc) =	sbr.abs _section_cstart, $3  }
0xfb: {  	[sflag:s0] =	ssyncadd.remote.s32 $0x1  }
0xfc: {  	_ =	strace $0x9FFFFFFF  }
0xfd: {  	(tm) =	ssettm $0x7FFFFFFF  }

</sc_bundles>
